<compile_context>
chip_gen: v7x
topology: tpu7x:2x2x1
jax: 0.10.2.dev20260603
libtpu: 0.0.44.dev20260713+nightly
codegen_flags: <defaults>
</compile_context>

<pallas_src>
import jax
import jax.numpy as jnp
from jax import lax
from jax.experimental import pallas as pl
from jax.experimental.pallas import tpu as pltpu
from jax.experimental.pallas import tpu_sc as plsc

N_NODES = 10000
N_EDGES = 320000
DIM = 128
NEG = 0.3

NC = 2
NS = 16
NW = NC * NS
E_PER_W = N_EDGES // NW
K = 40
CHUNKS = E_PER_W // K
N_PAD = 10112
ROWS_PER_TILE = N_PAD // NS
ZROWS = 128



def _mm_body(x_ref, w_ref, b_ref, a_out, b_out):
    x = x_ref[...]
    w = w_ref[...]
    w1 = w[:, :DIM]
    w2 = w[:, DIM:]
    dn = (((1,), (1,)), ((), ()))
    a_out[...] = lax.dot_general(x, w1 - w2, dn,
                                 preferred_element_type=jnp.float32) + b_ref[...]
    b_out[...] = lax.dot_general(x, w2, dn,
                                 preferred_element_type=jnp.float32)


def _node_matmuls(feature, W, b2d):
    grid = 25
    rows = N_NODES // grid
    return pl.pallas_call(
        _mm_body,
        grid=(grid,),
        in_specs=[
            pl.BlockSpec((rows, DIM), lambda i: (i, 0)),
            pl.BlockSpec((DIM, 2 * DIM), lambda i: (0, 0)),
            pl.BlockSpec((1, DIM), lambda i: (0, 0)),
        ],
        out_specs=[
            pl.BlockSpec((rows, DIM), lambda i: (i, 0)),
            pl.BlockSpec((rows, DIM), lambda i: (i, 0)),
        ],
        out_shape=[
            jax.ShapeDtypeStruct((N_NODES, DIM), jnp.float32),
            jax.ShapeDtypeStruct((N_NODES, DIM), jnp.float32),
        ],
    )(feature, W, b2d)



def _sc_body(a_hbm, b_hbm, src_hbm, dst_hbm, out_hbm, cnt_hbm,
             sidx0, didx0, sidx1, didx1, sidx2, didx2, sidx3, didx3,
             abuf, bbuf, abuf1, bbuf1, mbuf, mbuf1,
             zbuf, ones, zc, accum, cnt_sp,
             ga0, gb0, ga1, gb1, ix0, ix1, ix2, ix3, ss0, ss1, cs0, cs1):
    c = lax.axis_index("c")
    s = lax.axis_index("s")
    ebase = (c * NS + s) * E_PER_W
    zero16 = jnp.zeros((16,), jnp.float32)
    one16 = jnp.ones((16,), jnp.float32)

    def zrow(r, _):
        for cc in range(DIM // 16):
            zbuf[r, pl.ds(cc * 16, 16)] = zero16
        return _
    lax.fori_loop(0, ZROWS, zrow, None)

    def fill1(r, _):
        ones[pl.ds(r * 16, 16)] = one16
        zc[pl.ds(r * 16, 16)] = zero16
        return _
    lax.fori_loop(0, 640 // 16, fill1, None)

    rbase = s * ROWS_PER_TILE
    for j in range(4):
        pltpu.sync_copy(zbuf, accum.at[pl.ds(rbase + j * ZROWS, ZROWS)])
    pltpu.sync_copy(zbuf.at[pl.ds(0, ROWS_PER_TILE - 4 * ZROWS)],
                    accum.at[pl.ds(rbase + 4 * ZROWS, ROWS_PER_TILE - 4 * ZROWS)])
    pltpu.sync_copy(zc.at[pl.ds(0, ROWS_PER_TILE)],
                    cnt_sp.at[pl.ds(rbase, ROWS_PER_TILE)])
    plsc.subcore_barrier()

    isets = ((sidx0, didx0, ix0), (sidx1, didx1, ix1),
             (sidx2, didx2, ix2), (sidx3, didx3, ix3))
    gsets = ((abuf, bbuf, ga0, gb0), (abuf1, bbuf1, ga1, gb1))
    msets = ((mbuf, ss0, cs0), (mbuf1, ss1, cs1))

    def start_idx(i, islot):
        sv, dv, sem = isets[islot]
        pltpu.async_copy(src_hbm.at[pl.ds(ebase + i * K, K)], sv, sem)
        pltpu.async_copy(dst_hbm.at[pl.ds(ebase + i * K, K)], dv, sem)

    def wait_idx(i, islot):
        sv, dv, sem = isets[islot]
        pltpu.make_async_copy(src_hbm.at[pl.ds(ebase + i * K, K)], sv, sem).wait()
        pltpu.make_async_copy(dst_hbm.at[pl.ds(ebase + i * K, K)], dv, sem).wait()

    def start_gather(islot, cur):
        ab, bb, ga, gb = gsets[cur]
        pltpu.async_copy(a_hbm.at[isets[islot][1]], ab, ga)
        pltpu.async_copy(b_hbm.at[isets[islot][0]], bb, gb)

    def wait_gather(islot, cur):
        ab, bb, ga, gb = gsets[cur]
        pltpu.make_async_copy(a_hbm.at[isets[islot][1]], ab, ga).wait()
        pltpu.make_async_copy(b_hbm.at[isets[islot][0]], bb, gb).wait()

    def start_scatter(islot, mcur):
        mb, ssem, csem = msets[mcur]
        dv = isets[islot][1]
        pltpu.async_copy(mb, accum.at[dv], ssem, add=True)
        pltpu.async_copy(ones.at[pl.ds(0, K)], cnt_sp.at[dv], csem, add=True)

    def wait_scatter(islot, mcur):
        mb, ssem, csem = msets[mcur]
        dv = isets[islot][1]
        pltpu.make_async_copy(mb, accum.at[dv], ssem).wait()
        pltpu.make_async_copy(ones.at[pl.ds(0, K)], cnt_sp.at[dv], csem).wait()

    def compute(cur, mcur):
        ab, bb, _, _ = gsets[cur]
        mb = msets[mcur][0]

        @plsc.parallel_loop(0, K, 1, unroll=8)
        def _row(r):
            for cc in range(DIM // 16):
                sl = pl.ds(cc * 16, 16)
                m = ab[r, sl] + bb[r, sl]
                mb[r, sl] = jnp.where(m >= 0.0, m, NEG * m)

    def step(i, sub):
        cur = sub % 2

        @pl.when(i < CHUNKS)
        def _():
            @pl.when(i + 1 < CHUNKS)
            def _():
                wait_idx(i + 1, (sub + 1) % 4)
                start_gather((sub + 1) % 4, 1 - cur)
            wait_gather(sub, cur)

            @pl.when(i >= 2)
            def _():
                wait_scatter((sub + 2) % 4, cur)
            compute(cur, cur)
            start_scatter(sub, cur)

            @pl.when(i + 2 < CHUNKS)
            def _():
                start_idx(i + 2, (sub + 2) % 4)

    start_idx(0, 0)
    wait_idx(0, 0)
    start_gather(0, 0)
    start_idx(1, 1)

    def group(g, _):
        i0 = 4 * g
        step(i0, 0)
        step(i0 + 1, 1)
        step(i0 + 2, 2)
        step(i0 + 3, 3)
        return _
    lax.fori_loop(0, (CHUNKS + 3) // 4, group, None)

    wait_scatter((CHUNKS - 2) % 4, (CHUNKS - 2) % 2)
    wait_scatter((CHUNKS - 1) % 4, (CHUNKS - 1) % 2)
    plsc.subcore_barrier()

    pltpu.sync_copy(accum.at[pl.ds(rbase, ROWS_PER_TILE)],
                    out_hbm.at[c, pl.ds(rbase, ROWS_PER_TILE)])
    pltpu.sync_copy(cnt_sp.at[pl.ds(rbase, ROWS_PER_TILE)],
                    zc.at[pl.ds(0, ROWS_PER_TILE)])
    pltpu.sync_copy(zc.at[pl.ds(0, ROWS_PER_TILE)],
                    cnt_hbm.at[pl.ds(c * N_PAD + rbase, ROWS_PER_TILE)])


def _sc_aggregate(A, B, src, dst):
    mesh = plsc.VectorSubcoreMesh(core_axis_name="c", subcore_axis_name="s",
                                  num_cores=NC, num_subcores=NS)
    f = pl.kernel(
        _sc_body,
        out_type=[
            jax.ShapeDtypeStruct((NC, N_PAD, DIM), jnp.float32),
            jax.ShapeDtypeStruct((NC * N_PAD,), jnp.float32),
        ],
        mesh=mesh,
        scratch_types=(
            [pltpu.VMEM((K,), jnp.int32)] * 8
            + [pltpu.VMEM((K, DIM), jnp.float32)] * 6
            + [pltpu.VMEM((ZROWS, DIM), jnp.float32),
               pltpu.VMEM((640,), jnp.float32),
               pltpu.VMEM((640,), jnp.float32),
               pltpu.VMEM_SHARED((N_PAD, DIM), jnp.float32),
               pltpu.VMEM_SHARED((N_PAD,), jnp.float32)]
            + [pltpu.SemaphoreType.DMA] * 12
        ),
    )
    return f(A, B, src, dst)



def _fin_body(p_ref, c_ref, o_ref):
    p = p_ref[...]
    t = p[0] + p[1]
    c = c_ref[...]
    cnt = c[0] + c[1]
    o_ref[...] = t / jnp.maximum(cnt, 1.0)


def _finalize(partial, counts3):
    grid = 79
    rows = N_PAD // grid
    return pl.pallas_call(
        _fin_body,
        grid=(grid,),
        in_specs=[
            pl.BlockSpec((NC, rows, DIM), lambda i: (0, i, 0)),
            pl.BlockSpec((NC, rows, 1), lambda i: (0, i, 0)),
        ],
        out_specs=pl.BlockSpec((rows, DIM), lambda i: (i, 0)),
        out_shape=jax.ShapeDtypeStruct((N_PAD, DIM), jnp.float32),
    )(partial, counts3)


def kernel(feature, edge_index, W, b):
    src = edge_index[0]
    dst = edge_index[1]
    A, B = _node_matmuls(feature, W, b.reshape(1, DIM))
    partial, counts = _sc_aggregate(A, B, src, dst)
    out = _finalize(partial, counts.reshape(NC, N_PAD, 1))
    return out[:N_NODES]

# --- scband reference (transcript-rebuilt; emitter-appended) ---
"""Pipeline reference for scband-edge-conv-layer-45097156608062 (READ-ONLY COPY).

The authoritative reference and input builder live on the scoring server;
editing this copy changes nothing except your own understanding.
"""

import jax, jax.numpy as jnp
import numpy as np

N_NODES = 10000
N_EDGES = 320000
IN_DIM = 128
OUT_DIM = 128
NEG_SLOPE = 0.3


def setup_inputs(seed: int = 0) -> dict:
    key = jax.random.key(seed)
    k1, k2, k3, k4 = jax.random.split(key, 4)
    feature = jax.random.normal(k1, (N_NODES, IN_DIM), dtype=jnp.float32)
    edge_index = jax.random.randint(k2, (2, N_EDGES), 0, N_NODES, dtype=jnp.int32)
    # Linear(2*in_dim, out_dim): weight [out_dim, 2*in_dim], bias [out_dim]
    W = jax.random.normal(k3, (OUT_DIM, 2 * IN_DIM), dtype=jnp.float32) * 0.05
    b = jax.random.normal(k4, (OUT_DIM,), dtype=jnp.float32) * 0.05
    return {"feature": feature, "edge_index": edge_index, "W": W, "b": b}


def reference(feature, edge_index, W, b):
    # EdgeConv (PyG): message = nn(cat([x_i, x_j - x_i])), aggr='mean' over dst i
    src = edge_index[0]  # j (source)
    dst = edge_index[1]  # i (target)
    x_i = jnp.take(feature, dst, axis=0)
    x_j = jnp.take(feature, src, axis=0)
    m = jnp.concatenate([x_i, x_j - x_i], axis=-1)  # [E, 2*in_dim]
    m = m @ W.T + b                                  # Linear
    m = jnp.where(m >= 0, m, NEG_SLOPE * m)          # LeakyReLU(0.3); dropout p=0 is identity
    # mean aggregation: scatter-add then divide by per-node counts (clamped to 1)
    s = jax.ops.segment_sum(m, dst, num_segments=N_NODES)
    cnt = jax.ops.segment_sum(jnp.ones((N_EDGES, 1), dtype=m.dtype), dst, num_segments=N_NODES)
    out = s / jnp.clip(cnt, 1.0, None)
    return out

if __name__ == "__main__":
    import jax
    _d = setup_inputs()
    print(jax.jit(kernel)(*tuple(_d.values())))

</pallas_src>

<mosaic_0001>
#map = affine_map<(d0, d1) -> (0, 0)>
#map1 = affine_map<(d0, d1) -> (0)>
#map2 = affine_map<(d0, d1) -> (0, 0, 0)>
module attributes {stable_mosaic.version = 14 : i64} {
  func.func @_sc_body(%arg0: i32, %arg1: i32, %arg2: memref<10000x128xf32, #tpu.memory_space<hbm>>, %arg3: memref<10000x128xf32, #tpu.memory_space<hbm>>, %arg4: memref<320000xi32, #tpu.memory_space<hbm>>, %arg5: memref<320000xi32, #tpu.memory_space<hbm>>, %arg6: memref<2x10112x128xf32, #tpu.memory_space<hbm>>, %arg7: memref<20224xf32, #tpu.memory_space<hbm>>, %arg8: memref<40xi32, #tpu.memory_space<vmem>>, %arg9: memref<40xi32, #tpu.memory_space<vmem>>, %arg10: memref<40xi32, #tpu.memory_space<vmem>>, %arg11: memref<40xi32, #tpu.memory_space<vmem>>, %arg12: memref<40xi32, #tpu.memory_space<vmem>>, %arg13: memref<40xi32, #tpu.memory_space<vmem>>, %arg14: memref<40xi32, #tpu.memory_space<vmem>>, %arg15: memref<40xi32, #tpu.memory_space<vmem>>, %arg16: memref<40x128xf32, #tpu.memory_space<vmem>>, %arg17: memref<40x128xf32, #tpu.memory_space<vmem>>, %arg18: memref<40x128xf32, #tpu.memory_space<vmem>>, %arg19: memref<40x128xf32, #tpu.memory_space<vmem>>, %arg20: memref<40x128xf32, #tpu.memory_space<vmem>>, %arg21: memref<40x128xf32, #tpu.memory_space<vmem>>, %arg22: memref<128x128xf32, #tpu.memory_space<vmem>>, %arg23: memref<640xf32, #tpu.memory_space<vmem>>, %arg24: memref<640xf32, #tpu.memory_space<vmem>>, %arg25: memref<10112x128xf32, #tpu.memory_space<vmem_shared>>, %arg26: memref<10112xf32, #tpu.memory_space<vmem_shared>>, %arg27: memref<!tpu.dma_semaphore, #tpu.memory_space<semaphore_mem>>, %arg28: memref<!tpu.dma_semaphore, #tpu.memory_space<semaphore_mem>>, %arg29: memref<!tpu.dma_semaphore, #tpu.memory_space<semaphore_mem>>, %arg30: memref<!tpu.dma_semaphore, #tpu.memory_space<semaphore_mem>>, %arg31: memref<!tpu.dma_semaphore, #tpu.memory_space<semaphore_mem>>, %arg32: memref<!tpu.dma_semaphore, #tpu.memory_space<semaphore_mem>>, %arg33: memref<!tpu.dma_semaphore, #tpu.memory_space<semaphore_mem>>, %arg34: memref<!tpu.dma_semaphore, #tpu.memory_space<semaphore_mem>>, %arg35: memref<!tpu.dma_semaphore, #tpu.memory_space<semaphore_mem>>, %arg36: memref<!tpu.dma_semaphore, #tpu.memory_space<semaphore_mem>>, %arg37: memref<!tpu.dma_semaphore, #tpu.memory_space<semaphore_mem>>, %arg38: memref<!tpu.dma_semaphore, #tpu.memory_space<semaphore_mem>>) attributes {dimension_semantics = [#tpu.dimension_semantics<core_parallel>, #tpu.dimension_semantics<subcore_parallel>], iteration_bounds = array<i64: 2, 16>, scalar_prefetch = 0 : i64, scratch_operands = 31 : i64, tpu.core_type = #tpu.core_type<sc_vector_subcore>, window_params = [{transform_indices = #map}, {transform_indices = #map}, {transform_indices = #map1}, {transform_indices = #map1}, {transform_indices = #map2}, {transform_indices = #map1}]} {
    %mul3A = arith.constant 16 : i32
    %mul3A_0 = arith.muli %arg0, %mul3A : i32
    %add3A = arith.addi %mul3A_0, %arg1 : i32
    %mul3A_1 = arith.constant 10000 : i32
    %mul3A_2 = arith.muli %add3A, %mul3A_1 : i32
    %broadcast_in_dim3A = arith.constant 0.000000e+00 : f32
    %broadcast_in_dim3A_3 = vector.broadcast %broadcast_in_dim3A : f32 to vector<16xf32>
    %broadcast_in_dim3A_4 = arith.constant 1.000000e+00 : f32
    %broadcast_in_dim3A_5 = vector.broadcast %broadcast_in_dim3A_4 : f32 to vector<16xf32>
    %scan3A = arith.constant 0 : i32
    %scan3A_6 = arith.constant 128 : i32
    %scan3A_7 = arith.addi %scan3A, %scan3A_6 : i32
    %scan3A_8 = arith.constant 1 : i32
    scf.for %scan3A_78 = %scan3A to %scan3A_7 step %scan3A_8  : i32 {
      %swap3A = arith.index_cast %scan3A_78 : i32 to index
      %swap3A_79 = arith.constant 0 : index
      %swap3A_80 = tpu.vector_load %arg22[%swap3A, %swap3A_79] {strides = array<i32>} : memref<128x128xf32, #tpu.memory_space<vmem>>, vector<1x16xf32>,
      %swap3A_81 = vector.shape_cast %swap3A_80 : vector<1x16xf32> to vector<16xf32>
      %swap3A_82 = vector.shape_cast %broadcast_in_dim3A_3 : vector<16xf32> to vector<1x16xf32>
      tpu.vector_store %arg22[%swap3A, %swap3A_79], %swap3A_82 {strides = array<i32>} : memref<128x128xf32, #tpu.memory_space<vmem>>, vector<1x16xf32>,
      %swap3A_83 = arith.index_cast %scan3A_78 : i32 to index
      %swap3A_84 = arith.constant 16 : index
      %swap3A_85 = tpu.vector_load %arg22[%swap3A_83, %swap3A_84] {strides = array<i32>} : memref<128x128xf32, #tpu.memory_space<vmem>>, vector<1x16xf32>,
      %swap3A_86 = vector.shape_cast %swap3A_85 : vector<1x16xf32> to vector<16xf32>
      %swap3A_87 = vector.shape_cast %broadcast_in_dim3A_3 : vector<16xf32> to vector<1x16xf32>
      tpu.vector_store %arg22[%swap3A_83, %swap3A_84], %swap3A_87 {strides = array<i32>} : memref<128x128xf32, #tpu.memory_space<vmem>>, vector<1x16xf32>,
      %swap3A_88 = arith.index_cast %scan3A_78 : i32 to index
      %swap3A_89 = arith.constant 32 : index
      %swap3A_90 = tpu.vector_load %arg22[%swap3A_88, %swap3A_89] {strides = array<i32>} : memref<128x128xf32, #tpu.memory_space<vmem>>, vector<1x16xf32>,
      %swap3A_91 = vector.shape_cast %swap3A_90 : vector<1x16xf32> to vector<16xf32>
      %swap3A_92 = vector.shape_cast %broadcast_in_dim3A_3 : vector<16xf32> to vector<1x16xf32>
      tpu.vector_store %arg22[%swap3A_88, %swap3A_89], %swap3A_92 {strides = array<i32>} : memref<128x128xf32, #tpu.memory_space<vmem>>, vector<1x16xf32>,
      %swap3A_93 = arith.index_cast %scan3A_78 : i32 to index
      %swap3A_94 = arith.constant 48 : index
      %swap3A_95 = tpu.vector_load %arg22[%swap3A_93, %swap3A_94] {strides = array<i32>} : memref<128x128xf32, #tpu.memory_space<vmem>>, vector<1x16xf32>,
      %swap3A_96 = vector.shape_cast %swap3A_95 : vector<1x16xf32> to vector<16xf32>
      %swap3A_97 = vector.shape_cast %broadcast_in_dim3A_3 : vector<16xf32> to vector<1x16xf32>
      tpu.vector_store %arg22[%swap3A_93, %swap3A_94], %swap3A_97 {strides = array<i32>} : memref<128x128xf32, #tpu.memory_space<vmem>>, vector<1x16xf32>,
      %swap3A_98 = arith.index_cast %scan3A_78 : i32 to index
      %swap3A_99 = arith.constant 64 : index
      %swap3A_100 = tpu.vector_load %arg22[%swap3A_98, %swap3A_99] {strides = array<i32>} : memref<128x128xf32, #tpu.memory_space<vmem>>, vector<1x16xf32>,
      %swap3A_101 = vector.shape_cast %swap3A_100 : vector<1x16xf32> to vector<16xf32>
      %swap3A_102 = vector.shape_cast %broadcast_in_dim3A_3 : vector<16xf32> to vector<1x16xf32>
      tpu.vector_store %arg22[%swap3A_98, %swap3A_99], %swap3A_102 {strides = array<i32>} : memref<128x128xf32, #tpu.memory_space<vmem>>, vector<1x16xf32>,
      %swap3A_103 = arith.index_cast %scan3A_78 : i32 to index
      %swap3A_104 = arith.constant 80 : index
      %swap3A_105 = tpu.vector_load %arg22[%swap3A_103, %swap3A_104] {strides = array<i32>} : memref<128x128xf32, #tpu.memory_space<vmem>>, vector<1x16xf32>,
      %swap3A_106 = vector.shape_cast %swap3A_105 : vector<1x16xf32> to vector<16xf32>
      %swap3A_107 = vector.shape_cast %broadcast_in_dim3A_3 : vector<16xf32> to vector<1x16xf32>
      tpu.vector_store %arg22[%swap3A_103, %swap3A_104], %swap3A_107 {strides = array<i32>} : memref<128x128xf32, #tpu.memory_space<vmem>>, vector<1x16xf32>,
      %swap3A_108 = arith.index_cast %scan3A_78 : i32 to index
      %swap3A_109 = arith.constant 96 : index
      %swap3A_110 = tpu.vector_load %arg22[%swap3A_108, %swap3A_109] {strides = array<i32>} : memref<128x128xf32, #tpu.memory_space<vmem>>, vector<1x16xf32>,
      %swap3A_111 = vector.shape_cast %swap3A_110 : vector<1x16xf32> to vector<16xf32>
      %swap3A_112 = vector.shape_cast %broadcast_in_dim3A_3 : vector<16xf32> to vector<1x16xf32>
      tpu.vector_store %arg22[%swap3A_108, %swap3A_109], %swap3A_112 {strides = array<i32>} : memref<128x128xf32, #tpu.memory_space<vmem>>, vector<1x16xf32>,
      %swap3A_113 = arith.index_cast %scan3A_78 : i32 to index
      %swap3A_114 = arith.constant 112 : index
      %swap3A_115 = tpu.vector_load %arg22[%swap3A_113, %swap3A_114] {strides = array<i32>} : memref<128x128xf32, #tpu.memory_space<vmem>>, vector<1x16xf32>,
      %swap3A_116 = vector.shape_cast %swap3A_115 : vector<1x16xf32> to vector<16xf32>
      %swap3A_117 = vector.shape_cast %broadcast_in_dim3A_3 : vector<16xf32> to vector<1x16xf32>
      tpu.vector_store %arg22[%swap3A_113, %swap3A_114], %swap3A_117 {strides = array<i32>} : memref<128x128xf32, #tpu.memory_space<vmem>>, vector<1x16xf32>,
    }
    %scan3A_9 = arith.constant 128 : i32
    %scan3A_10 = arith.constant 0 : i32
    %scan3A_11 = arith.constant 40 : i32
    %scan3A_12 = arith.addi %scan3A_10, %scan3A_11 : i32
    %scan3A_13 = arith.constant 1 : i32
    scf.for %scan3A_78 = %scan3A_10 to %scan3A_12 step %scan3A_13  : i32 {
      %mul3A_79 = arith.constant 16 : i32
      %mul3A_80 = arith.muli %scan3A_78, %mul3A_79 : i32
      %swap3A = arith.index_cast %mul3A_80 : i32 to index
      %swap3A_81 = tpu.vector_load %arg23[%swap3A] {strides = array<i32>} : memref<640xf32, #tpu.memory_space<vmem>>, vector<16xf32>,
      %swap3A_82 = vector.shape_cast %swap3A_81 : vector<16xf32> to vector<16xf32>
      %swap3A_83 = vector.shape_cast %broadcast_in_dim3A_5 : vector<16xf32> to vector<16xf32>
      tpu.vector_store %arg23[%swap3A], %swap3A_83 {strides = array<i32>} : memref<640xf32, #tpu.memory_space<vmem>>, vector<16xf32>,
      %mul3A_84 = arith.constant 16 : i32
      %mul3A_85 = arith.muli %scan3A_78, %mul3A_84 : i32
      %swap3A_86 = arith.index_cast %mul3A_85 : i32 to index
      %swap3A_87 = tpu.vector_load %arg24[%swap3A_86] {strides = array<i32>} : memref<640xf32, #tpu.memory_space<vmem>>, vector<16xf32>,
      %swap3A_88 = vector.shape_cast %swap3A_87 : vector<16xf32> to vector<16xf32>
      %swap3A_89 = vector.shape_cast %broadcast_in_dim3A_3 : vector<16xf32> to vector<16xf32>
      tpu.vector_store %arg24[%swap3A_86], %swap3A_89 {strides = array<i32>} : memref<640xf32, #tpu.memory_space<vmem>>, vector<16xf32>,
    }
    %scan3A_14 = arith.constant 40 : i32
    %mul3A_15 = arith.constant 632 : i32
    %mul3A_16 = arith.muli %arg1, %mul3A_15 : i32
    %add3A_17 = arith.constant 0 : i32
    %add3A_18 = arith.addi %mul3A_16, %add3A_17 : i32
    "tpu.region"() ({
      %run_scoped3A = tpu.sem_alloc : memref<!tpu.dma_semaphore, #tpu.memory_space<semaphore_mem>>
      %dma_start3A_78 = arith.constant 0 : i32
      %dma_start3A_79 = tpu.memref_slice %arg25[%add3A_18, %dma_start3A_78] : memref<10112x128xf32, #tpu.memory_space<vmem_shared>> -> memref<128x128xf32, #tpu.memory_space<vmem_shared>>
      %dma_start3A_80 = arith.constant 0 : i32
      %dma_start3A_81 = tpu.memref_slice %arg25[%add3A_18, %dma_start3A_80] : memref<10112x128xf32, #tpu.memory_space<vmem_shared>> -> memref<128x128xf32, #tpu.memory_space<vmem_shared>>
      tpu.enqueue_dma source(%arg22 : memref<128x128xf32, #tpu.memory_space<vmem>>) target(%dma_start3A_81 : memref<128x128xf32, #tpu.memory_space<vmem_shared>>) target_semaphore(%run_scoped3A : memref<!tpu.dma_semaphore, #tpu.memory_space<semaphore_mem>>)
      %dma_wait3A_82 = arith.constant 0 : i32
      %dma_wait3A_83 = tpu.memref_slice %arg25[%add3A_18, %dma_wait3A_82] : memref<10112x128xf32, #tpu.memory_space<vmem_shared>> -> memref<128x128xf32, #tpu.memory_space<vmem_shared>>
      %dma_wait3A_84 = arith.constant 0 : i32
      %dma_wait3A_85 = tpu.memref_slice %arg25[%add3A_18, %dma_wait3A_84] : memref<10112x128xf32, #tpu.memory_space<vmem_shared>> -> memref<128x128xf32, #tpu.memory_space<vmem_shared>>
      tpu.wait_dma2 semaphore(%run_scoped3A : memref<!tpu.dma_semaphore, #tpu.memory_space<semaphore_mem>>) src(%arg22 : memref<128x128xf32, #tpu.memory_space<vmem>>) dst(%dma_wait3A_85 : memref<128x128xf32, #tpu.memory_space<vmem_shared>>)
      tpu.yield
    }) : () -> ()
    %add3A_19 = arith.constant 128 : i32
    %add3A_20 = arith.addi %mul3A_16, %add3A_19 : i32
    "tpu.region"() ({
      %run_scoped3A = tpu.sem_alloc : memref<!tpu.dma_semaphore, #tpu.memory_space<semaphore_mem>>
      %dma_start3A_78 = arith.constant 0 : i32
      %dma_start3A_79 = tpu.memref_slice %arg25[%add3A_20, %dma_start3A_78] : memref<10112x128xf32, #tpu.memory_space<vmem_shared>> -> memref<128x128xf32, #tpu.memory_space<vmem_shared>>
      %dma_start3A_80 = arith.constant 0 : i32
      %dma_start3A_81 = tpu.memref_slice %arg25[%add3A_20, %dma_start3A_80] : memref<10112x128xf32, #tpu.memory_space<vmem_shared>> -> memref<128x128xf32, #tpu.memory_space<vmem_shared>>
      tpu.enqueue_dma source(%arg22 : memref<128x128xf32, #tpu.memory_space<vmem>>) target(%dma_start3A_81 : memref<128x128xf32, #tpu.memory_space<vmem_shared>>) target_semaphore(%run_scoped3A : memref<!tpu.dma_semaphore, #tpu.memory_space<semaphore_mem>>)
      %dma_wait3A_82 = arith.constant 0 : i32
      %dma_wait3A_83 = tpu.memref_slice %arg25[%add3A_20, %dma_wait3A_82] : memref<10112x128xf32, #tpu.memory_space<vmem_shared>> -> memref<128x128xf32, #tpu.memory_space<vmem_shared>>
      %dma_wait3A_84 = arith.constant 0 : i32
      %dma_wait3A_85 = tpu.memref_slice %arg25[%add3A_20, %dma_wait3A_84] : memref<10112x128xf32, #tpu.memory_space<vmem_shared>> -> memref<128x128xf32, #tpu.memory_space<vmem_shared>>
      tpu.wait_dma2 semaphore(%run_scoped3A : memref<!tpu.dma_semaphore, #tpu.memory_space<semaphore_mem>>) src(%arg22 : memref<128x128xf32, #tpu.memory_space<vmem>>) dst(%dma_wait3A_85 : memref<128x128xf32, #tpu.memory_space<vmem_shared>>)
      tpu.yield
    }) : () -> ()
    %add3A_21 = arith.constant 256 : i32
    %add3A_22 = arith.addi %mul3A_16, %add3A_21 : i32
    "tpu.region"() ({
      %run_scoped3A = tpu.sem_alloc : memref<!tpu.dma_semaphore, #tpu.memory_space<semaphore_mem>>
      %dma_start3A_78 = arith.constant 0 : i32
      %dma_start3A_79 = tpu.memref_slice %arg25[%add3A_22, %dma_start3A_78] : memref<10112x128xf32, #tpu.memory_space<vmem_shared>> -> memref<128x128xf32, #tpu.memory_space<vmem_shared>>
      %dma_start3A_80 = arith.constant 0 : i32
      %dma_start3A_81 = tpu.memref_slice %arg25[%add3A_22, %dma_start3A_80] : memref<10112x128xf32, #tpu.memory_space<vmem_shared>> -> memref<128x128xf32, #tpu.memory_space<vmem_shared>>
      tpu.enqueue_dma source(%arg22 : memref<128x128xf32, #tpu.memory_space<vmem>>) target(%dma_start3A_81 : memref<128x128xf32, #tpu.memory_space<vmem_shared>>) target_semaphore(%run_scoped3A : memref<!tpu.dma_semaphore, #tpu.memory_space<semaphore_mem>>)
      %dma_wait3A_82 = arith.constant 0 : i32
      %dma_wait3A_83 = tpu.memref_slice %arg25[%add3A_22, %dma_wait3A_82] : memref<10112x128xf32, #tpu.memory_space<vmem_shared>> -> memref<128x128xf32, #tpu.memory_space<vmem_shared>>
      %dma_wait3A_84 = arith.constant 0 : i32
      %dma_wait3A_85 = tpu.memref_slice %arg25[%add3A_22, %dma_wait3A_84] : memref<10112x128xf32, #tpu.memory_space<vmem_shared>> -> memref<128x128xf32, #tpu.memory_space<vmem_shared>>
      tpu.wait_dma2 semaphore(%run_scoped3A : memref<!tpu.dma_semaphore, #tpu.memory_space<semaphore_mem>>) src(%arg22 : memref<128x128xf32, #tpu.memory_space<vmem>>) dst(%dma_wait3A_85 : memref<128x128xf32, #tpu.memory_space<vmem_shared>>)
      tpu.yield
    }) : () -> ()
    %add3A_23 = arith.constant 384 : i32
    %add3A_24 = arith.addi %mul3A_16, %add3A_23 : i32
    "tpu.region"() ({
      %run_scoped3A = tpu.sem_alloc : memref<!tpu.dma_semaphore, #tpu.memory_space<semaphore_mem>>
      %dma_start3A_78 = arith.constant 0 : i32
      %dma_start3A_79 = tpu.memref_slice %arg25[%add3A_24, %dma_start3A_78] : memref<10112x128xf32, #tpu.memory_space<vmem_shared>> -> memref<128x128xf32, #tpu.memory_space<vmem_shared>>
      %dma_start3A_80 = arith.constant 0 : i32
      %dma_start3A_81 = tpu.memref_slice %arg25[%add3A_24, %dma_start3A_80] : memref<10112x128xf32, #tpu.memory_space<vmem_shared>> -> memref<128x128xf32, #tpu.memory_space<vmem_shared>>
      tpu.enqueue_dma source(%arg22 : memref<128x128xf32, #tpu.memory_space<vmem>>) target(%dma_start3A_81 : memref<128x128xf32, #tpu.memory_space<vmem_shared>>) target_semaphore(%run_scoped3A : memref<!tpu.dma_semaphore, #tpu.memory_space<semaphore_mem>>)
      %dma_wait3A_82 = arith.constant 0 : i32
      %dma_wait3A_83 = tpu.memref_slice %arg25[%add3A_24, %dma_wait3A_82] : memref<10112x128xf32, #tpu.memory_space<vmem_shared>> -> memref<128x128xf32, #tpu.memory_space<vmem_shared>>
      %dma_wait3A_84 = arith.constant 0 : i32
      %dma_wait3A_85 = tpu.memref_slice %arg25[%add3A_24, %dma_wait3A_84] : memref<10112x128xf32, #tpu.memory_space<vmem_shared>> -> memref<128x128xf32, #tpu.memory_space<vmem_shared>>
      tpu.wait_dma2 semaphore(%run_scoped3A : memref<!tpu.dma_semaphore, #tpu.memory_space<semaphore_mem>>) src(%arg22 : memref<128x128xf32, #tpu.memory_space<vmem>>) dst(%dma_wait3A_85 : memref<128x128xf32, #tpu.memory_space<vmem_shared>>)
      tpu.yield
    }) : () -> ()
    %add3A_25 = arith.constant 512 : i32
    %add3A_26 = arith.addi %mul3A_16, %add3A_25 : i32
    "tpu.region"() ({
      %run_scoped3A = tpu.sem_alloc : memref<!tpu.dma_semaphore, #tpu.memory_space<semaphore_mem>>
      %dma_start3A_78 = arith.constant 0 : i32
      %dma_start3A_79 = arith.constant 0 : i32
      %dma_start3A_80 = tpu.memref_slice %arg22[%dma_start3A_78, %dma_start3A_79] : memref<128x128xf32, #tpu.memory_space<vmem>> -> memref<120x128xf32, #tpu.memory_space<vmem>>
      %dma_start3A_81 = arith.constant 0 : i32
      %dma_start3A_82 = tpu.memref_slice %arg25[%add3A_26, %dma_start3A_81] : memref<10112x128xf32, #tpu.memory_space<vmem_shared>> -> memref<120x128xf32, #tpu.memory_space<vmem_shared>>
      %dma_start3A_83 = arith.constant 0 : i32
      %dma_start3A_84 = tpu.memref_slice %arg25[%add3A_26, %dma_start3A_83] : memref<10112x128xf32, #tpu.memory_space<vmem_shared>> -> memref<120x128xf32, #tpu.memory_space<vmem_shared>>
      %dma_start3A_85 = arith.constant 0 : i32
      %dma_start3A_86 = arith.constant 0 : i32
      %dma_start3A_87 = tpu.memref_slice %arg22[%dma_start3A_85, %dma_start3A_86] : memref<128x128xf32, #tpu.memory_space<vmem>> -> memref<120x128xf32, #tpu.memory_space<vmem>>
      tpu.enqueue_dma source(%dma_start3A_87 : memref<120x128xf32, #tpu.memory_space<vmem>>) target(%dma_start3A_84 : memref<120x128xf32, #tpu.memory_space<vmem_shared>>) target_semaphore(%run_scoped3A : memref<!tpu.dma_semaphore, #tpu.memory_space<semaphore_mem>>)
      %dma_wait3A_88 = arith.constant 0 : i32
      %dma_wait3A_89 = arith.constant 0 : i32
      %dma_wait3A_90 = tpu.memref_slice %arg22[%dma_wait3A_88, %dma_wait3A_89] : memref<128x128xf32, #tpu.memory_space<vmem>> -> memref<120x128xf32, #tpu.memory_space<vmem>>
      %dma_wait3A_91 = arith.constant 0 : i32
      %dma_wait3A_92 = tpu.memref_slice %arg25[%add3A_26, %dma_wait3A_91] : memref<10112x128xf32, #tpu.memory_space<vmem_shared>> -> memref<120x128xf32, #tpu.memory_space<vmem_shared>>
      %dma_wait3A_93 = arith.constant 0 : i32
      %dma_wait3A_94 = tpu.memref_slice %arg25[%add3A_26, %dma_wait3A_93] : memref<10112x128xf32, #tpu.memory_space<vmem_shared>> -> memref<120x128xf32, #tpu.memory_space<vmem_shared>>
      %dma_wait3A_95 = arith.constant 0 : i32
      %dma_wait3A_96 = arith.constant 0 : i32
      %dma_wait3A_97 = tpu.memref_slice %arg22[%dma_wait3A_95, %dma_wait3A_96] : memref<128x128xf32, #tpu.memory_space<vmem>> -> memref<120x128xf32, #tpu.memory_space<vmem>>
      tpu.wait_dma2 semaphore(%run_scoped3A : memref<!tpu.dma_semaphore, #tpu.memory_space<semaphore_mem>>) src(%dma_wait3A_97 : memref<120x128xf32, #tpu.memory_space<vmem>>) dst(%dma_wait3A_94 : memref<120x128xf32, #tpu.memory_space<vmem_shared>>)
      tpu.yield
    }) : () -> ()
    "tpu.region"() ({
      %run_scoped3A = tpu.sem_alloc : memref<!tpu.dma_semaphore, #tpu.memory_space<semaphore_mem>>
      %dma_start3A_78 = arith.constant 0 : i32
      %dma_start3A_79 = tpu.memref_slice %arg24[%dma_start3A_78] : memref<640xf32, #tpu.memory_space<vmem>> -> memref<632xf32, #tpu.memory_space<vmem>>
      %dma_start3A_80 = tpu.memref_slice %arg26[%mul3A_16] : memref<10112xf32, #tpu.memory_space<vmem_shared>> -> memref<632xf32, #tpu.memory_space<vmem_shared>>
      %dma_start3A_81 = tpu.memref_slice %arg26[%mul3A_16] : memref<10112xf32, #tpu.memory_space<vmem_shared>> -> memref<632xf32, #tpu.memory_space<vmem_shared>>
      %dma_start3A_82 = arith.constant 0 : i32
      %dma_start3A_83 = tpu.memref_slice %arg24[%dma_start3A_82] : memref<640xf32, #tpu.memory_space<vmem>> -> memref<632xf32, #tpu.memory_space<vmem>>
      tpu.enqueue_dma source(%dma_start3A_83 : memref<632xf32, #tpu.memory_space<vmem>>) target(%dma_start3A_81 : memref<632xf32, #tpu.memory_space<vmem_shared>>) target_semaphore(%run_scoped3A : memref<!tpu.dma_semaphore, #tpu.memory_space<semaphore_mem>>)
      %dma_wait3A_84 = arith.constant 0 : i32
      %dma_wait3A_85 = tpu.memref_slice %arg24[%dma_wait3A_84] : memref<640xf32, #tpu.memory_space<vmem>> -> memref<632xf32, #tpu.memory_space<vmem>>
      %dma_wait3A_86 = tpu.memref_slice %arg26[%mul3A_16] : memref<10112xf32, #tpu.memory_space<vmem_shared>> -> memref<632xf32, #tpu.memory_space<vmem_shared>>
      %dma_wait3A_87 = tpu.memref_slice %arg26[%mul3A_16] : memref<10112xf32, #tpu.memory_space<vmem_shared>> -> memref<632xf32, #tpu.memory_space<vmem_shared>>
      %dma_wait3A_88 = arith.constant 0 : i32
      %dma_wait3A_89 = tpu.memref_slice %arg24[%dma_wait3A_88] : memref<640xf32, #tpu.memory_space<vmem>> -> memref<632xf32, #tpu.memory_space<vmem>>
      tpu.wait_dma2 semaphore(%run_scoped3A : memref<!tpu.dma_semaphore, #tpu.memory_space<semaphore_mem>>) src(%dma_wait3A_89 : memref<632xf32, #tpu.memory_space<vmem>>) dst(%dma_wait3A_87 : memref<632xf32, #tpu.memory_space<vmem_shared>>)
      tpu.yield
    }) : () -> ()
    %barrier3A = arith.constant 0 : index
    tpu.barrier barrier_id(%barrier3A)
    %add3A_27 = arith.constant 0 : i32
    %add3A_28 = arith.addi %mul3A_2, %add3A_27 : i32
    %dma_start3A = tpu.memref_slice %arg4[%add3A_28] : memref<320000xi32, #tpu.memory_space<hbm>> -> memref<40xi32, #tpu.memory_space<hbm>>
    %dma_start3A_29 = tpu.memref_slice %arg4[%add3A_28] : memref<320000xi32, #tpu.memory_space<hbm>> -> memref<40xi32, #tpu.memory_space<hbm>>
    tpu.enqueue_dma source(%dma_start3A_29 : memref<40xi32, #tpu.memory_space<hbm>>) target(%arg8 : memref<40xi32, #tpu.memory_space<vmem>>) target_semaphore(%arg31 : memref<!tpu.dma_semaphore, #tpu.memory_space<semaphore_mem>>)
    %add3A_30 = arith.constant 0 : i32
    %add3A_31 = arith.addi %mul3A_2, %add3A_30 : i32
    %dma_start3A_32 = tpu.memref_slice %arg5[%add3A_31] : memref<320000xi32, #tpu.memory_space<hbm>> -> memref<40xi32, #tpu.memory_space<hbm>>
    %dma_start3A_33 = tpu.memref_slice %arg5[%add3A_31] : memref<320000xi32, #tpu.memory_space<hbm>> -> memref<40xi32, #tpu.memory_space<hbm>>
    tpu.enqueue_dma source(%dma_start3A_33 : memref<40xi32, #tpu.memory_space<hbm>>) target(%arg9 : memref<40xi32, #tpu.memory_space<vmem>>) target_semaphore(%arg31 : memref<!tpu.dma_semaphore, #tpu.memory_space<semaphore_mem>>)
    %add3A_34 = arith.constant 0 : i32
    %add3A_35 = arith.addi %mul3A_2, %add3A_34 : i32
    %dma_wait3A = tpu.memref_slice %arg4[%add3A_35] : memref<320000xi32, #tpu.memory_space<hbm>> -> memref<40xi32, #tpu.memory_space<hbm>>
    %dma_wait3A_36 = tpu.memref_slice %arg4[%add3A_35] : memref<320000xi32, #tpu.memory_space<hbm>> -> memref<40xi32, #tpu.memory_space<hbm>>
    tpu.wait_dma2 semaphore(%arg31 : memref<!tpu.dma_semaphore, #tpu.memory_space<semaphore_mem>>) src(%dma_wait3A_36 : memref<40xi32, #tpu.memory_space<hbm>>) dst(%arg8 : memref<40xi32, #tpu.memory_space<vmem>>)
    %add3A_37 = arith.constant 0 : i32
    %add3A_38 = arith.addi %mul3A_2, %add3A_37 : i32
    %dma_wait3A_39 = tpu.memref_slice %arg5[%add3A_38] : memref<320000xi32, #tpu.memory_space<hbm>> -> memref<40xi32, #tpu.memory_space<hbm>>
    %dma_wait3A_40 = tpu.memref_slice %arg5[%add3A_38] : memref<320000xi32, #tpu.memory_space<hbm>> -> memref<40xi32, #tpu.memory_space<hbm>>
    tpu.wait_dma2 semaphore(%arg31 : memref<!tpu.dma_semaphore, #tpu.memory_space<semaphore_mem>>) src(%dma_wait3A_40 : memref<40xi32, #tpu.memory_space<hbm>>) dst(%arg9 : memref<40xi32, #tpu.memory_space<vmem>>)
    %dma_start3A_41 = arith.constant 0 : i32
    %dma_start3A_42 = arith.constant 0 : i32
    %dma_start3A_43 = tpu.memref_slice %arg2[%dma_start3A_41, %dma_start3A_42] : memref<10000x128xf32, #tpu.memory_space<hbm>> -> memref<10000x128xf32, #tpu.memory_space<hbm>>
    tpu.enqueue_indirect_dma source(%dma_start3A_43 : memref<10000x128xf32, #tpu.memory_space<hbm>>) target(%arg16 : memref<40x128xf32, #tpu.memory_space<vmem>>) offsets(%arg9 : memref<40xi32, #tpu.memory_space<vmem>>) semaphore(%arg27 : memref<!tpu.dma_semaphore, #tpu.memory_space<semaphore_mem>>)
    %dma_start3A_44 = arith.constant 0 : i32
    %dma_start3A_45 = arith.constant 0 : i32
    %dma_start3A_46 = tpu.memref_slice %arg3[%dma_start3A_44, %dma_start3A_45] : memref<10000x128xf32, #tpu.memory_space<hbm>> -> memref<10000x128xf32, #tpu.memory_space<hbm>>
    tpu.enqueue_indirect_dma source(%dma_start3A_46 : memref<10000x128xf32, #tpu.memory_space<hbm>>) target(%arg17 : memref<40x128xf32, #tpu.memory_space<vmem>>) offsets(%arg8 : memref<40xi32, #tpu.memory_space<vmem>>) semaphore(%arg28 : memref<!tpu.dma_semaphore, #tpu.memory_space<semaphore_mem>>)
    %add3A_47 = arith.constant 40 : i32
    %add3A_48 = arith.addi %mul3A_2, %add3A_47 : i32
    %dma_start3A_49 = tpu.memref_slice %arg4[%add3A_48] : memref<320000xi32, #tpu.memory_space<hbm>> -> memref<40xi32, #tpu.memory_space<hbm>>
    %dma_start3A_50 = tpu.memref_slice %arg4[%add3A_48] : memref<320000xi32, #tpu.memory_space<hbm>> -> memref<40xi32, #tpu.memory_space<hbm>>
    tpu.enqueue_dma source(%dma_start3A_50 : memref<40xi32, #tpu.memory_space<hbm>>) target(%arg10 : memref<40xi32, #tpu.memory_space<vmem>>) target_semaphore(%arg32 : memref<!tpu.dma_semaphore, #tpu.memory_space<semaphore_mem>>)
    %add3A_51 = arith.constant 40 : i32
    %add3A_52 = arith.addi %mul3A_2, %add3A_51 : i32
    %dma_start3A_53 = tpu.memref_slice %arg5[%add3A_52] : memref<320000xi32, #tpu.memory_space<hbm>> -> memref<40xi32, #tpu.memory_space<hbm>>
    %dma_start3A_54 = tpu.memref_slice %arg5[%add3A_52] : memref<320000xi32, #tpu.memory_space<hbm>> -> memref<40xi32, #tpu.memory_space<hbm>>
    tpu.enqueue_dma source(%dma_start3A_54 : memref<40xi32, #tpu.memory_space<hbm>>) target(%arg11 : memref<40xi32, #tpu.memory_space<vmem>>) target_semaphore(%arg32 : memref<!tpu.dma_semaphore, #tpu.memory_space<semaphore_mem>>)
    %scan3A_55 = arith.constant 0 : i32
    %scan3A_56 = arith.constant 63 : i32
    %scan3A_57 = arith.addi %scan3A_55, %scan3A_56 : i32
    %scan3A_58 = arith.constant 1 : i32
    scf.for %scan3A_78 = %scan3A_55 to %scan3A_57 step %scan3A_58  : i32 {
      %mul3A_79 = arith.constant 4 : i32
      %mul3A_80 = arith.muli %mul3A_79, %scan3A_78 : i32
      %lt3A = arith.constant 250 : i32
      %lt3A_81 = arith.cmpi slt, %mul3A_80, %lt3A : i32
      %convert_element_type3A = arith.extui %lt3A_81 : i1 to i32
      %cond3A = arith.constant 0 : i32
      %cond3A_82 = arith.cmpi ne, %convert_element_type3A, %cond3A : i32
      scf.if %cond3A_82 {
        %add3A_104 = arith.constant 1 : i32
        %add3A_105 = arith.addi %mul3A_80, %add3A_104 : i32
        %lt3A_106 = arith.constant 250 : i32
        %lt3A_107 = arith.cmpi slt, %add3A_105, %lt3A_106 : i32
        %convert_element_type3A_108 = arith.extui %lt3A_107 : i1 to i32
        %cond3A_109 = arith.constant 0 : i32
        %cond3A_110 = arith.cmpi ne, %convert_element_type3A_108, %cond3A_109 : i32
        scf.if %cond3A_110 {
          %add3A_137 = arith.constant 1 : i32
          %add3A_138 = arith.addi %mul3A_80, %add3A_137 : i32
          %mul3A_139 = arith.constant 40 : i32
          %mul3A_140 = arith.muli %add3A_138, %mul3A_139 : i32
          %add3A_141 = arith.addi %mul3A_2, %mul3A_140 : i32
          %dma_wait3A_142 = tpu.memref_slice %arg4[%add3A_141] : memref<320000xi32, #tpu.memory_space<hbm>> -> memref<40xi32, #tpu.memory_space<hbm>>
          %dma_wait3A_143 = tpu.memref_slice %arg4[%add3A_141] : memref<320000xi32, #tpu.memory_space<hbm>> -> memref<40xi32, #tpu.memory_space<hbm>>
          tpu.wait_dma2 semaphore(%arg32 : memref<!tpu.dma_semaphore, #tpu.memory_space<semaphore_mem>>) src(%dma_wait3A_143 : memref<40xi32, #tpu.memory_space<hbm>>) dst(%arg10 : memref<40xi32, #tpu.memory_space<vmem>>)
          %mul3A_144 = arith.constant 40 : i32
          %mul3A_145 = arith.muli %add3A_138, %mul3A_144 : i32
          %add3A_146 = arith.addi %mul3A_2, %mul3A_145 : i32
          %dma_wait3A_147 = tpu.memref_slice %arg5[%add3A_146] : memref<320000xi32, #tpu.memory_space<hbm>> -> memref<40xi32, #tpu.memory_space<hbm>>
          %dma_wait3A_148 = tpu.memref_slice %arg5[%add3A_146] : memref<320000xi32, #tpu.memory_space<hbm>> -> memref<40xi32, #tpu.memory_space<hbm>>
          tpu.wait_dma2 semaphore(%arg32 : memref<!tpu.dma_semaphore, #tpu.memory_space<semaphore_mem>>) src(%dma_wait3A_148 : memref<40xi32, #tpu.memory_space<hbm>>) dst(%arg11 : memref<40xi32, #tpu.memory_space<vmem>>)
          %dma_start3A_149 = arith.constant 0 : i32
          %dma_start3A_150 = arith.constant 0 : i32
          %dma_start3A_151 = tpu.memref_slice %arg2[%dma_start3A_149, %dma_start3A_150] : memref<10000x128xf32, #tpu.memory_space<hbm>> -> memref<10000x128xf32, #tpu.memory_space<hbm>>
          tpu.enqueue_indirect_dma source(%dma_start3A_151 : memref<10000x128xf32, #tpu.memory_space<hbm>>) target(%arg18 : memref<40x128xf32, #tpu.memory_space<vmem>>) offsets(%arg11 : memref<40xi32, #tpu.memory_space<vmem>>) semaphore(%arg29 : memref<!tpu.dma_semaphore, #tpu.memory_space<semaphore_mem>>)
          %dma_start3A_152 = arith.constant 0 : i32
          %dma_start3A_153 = arith.constant 0 : i32
          %dma_start3A_154 = tpu.memref_slice %arg3[%dma_start3A_152, %dma_start3A_153] : memref<10000x128xf32, #tpu.memory_space<hbm>> -> memref<10000x128xf32, #tpu.memory_space<hbm>>
          tpu.enqueue_indirect_dma source(%dma_start3A_154 : memref<10000x128xf32, #tpu.memory_space<hbm>>) target(%arg19 : memref<40x128xf32, #tpu.memory_space<vmem>>) offsets(%arg10 : memref<40xi32, #tpu.memory_space<vmem>>) semaphore(%arg30 : memref<!tpu.dma_semaphore, #tpu.memory_space<semaphore_mem>>)
        } else {
        }
        %dma_wait3A_111 = arith.constant 0 : i32
        %dma_wait3A_112 = arith.constant 0 : i32
        %dma_wait3A_113 = tpu.memref_slice %arg2[%dma_wait3A_111, %dma_wait3A_112] : memref<10000x128xf32, #tpu.memory_space<hbm>> -> memref<10000x128xf32, #tpu.memory_space<hbm>>
        tpu.wait_indirect_dma semaphore(%arg27 : memref<!tpu.dma_semaphore, #tpu.memory_space<semaphore_mem>>) src(%dma_wait3A_113 : memref<10000x128xf32, #tpu.memory_space<hbm>>) dst(%arg16 : memref<40x128xf32, #tpu.memory_space<vmem>>)
        %dma_wait3A_114 = arith.constant 0 : i32
        %dma_wait3A_115 = arith.constant 0 : i32
        %dma_wait3A_116 = tpu.memref_slice %arg3[%dma_wait3A_114, %dma_wait3A_115] : memref<10000x128xf32, #tpu.memory_space<hbm>> -> memref<10000x128xf32, #tpu.memory_space<hbm>>
        tpu.wait_indirect_dma semaphore(%arg28 : memref<!tpu.dma_semaphore, #tpu.memory_space<semaphore_mem>>) src(%dma_wait3A_116 : memref<10000x128xf32, #tpu.memory_space<hbm>>) dst(%arg17 : memref<40x128xf32, #tpu.memory_space<vmem>>)
        %ge3A = arith.constant 2 : i32
        %ge3A_117 = arith.cmpi sge, %mul3A_80, %ge3A : i32
        %convert_element_type3A_118 = arith.extui %ge3A_117 : i1 to i32
        %cond3A_119 = arith.constant 0 : i32
        %cond3A_120 = arith.cmpi ne, %convert_element_type3A_118, %cond3A_119 : i32
        scf.if %cond3A_120 {
          %dma_wait3A_137 = arith.constant 0 : i32
          %dma_wait3A_138 = arith.constant 0 : i32
          %dma_wait3A_139 = tpu.memref_slice %arg25[%dma_wait3A_137, %dma_wait3A_138] : memref<10112x128xf32, #tpu.memory_space<vmem_shared>> -> memref<10112x128xf32, #tpu.memory_space<vmem_shared>>
          tpu.wait_indirect_dma semaphore(%arg35 : memref<!tpu.dma_semaphore, #tpu.memory_space<semaphore_mem>>) src(%arg20 : memref<40x128xf32, #tpu.memory_space<vmem>>) dst(%dma_wait3A_139 : memref<10112x128xf32, #tpu.memory_space<vmem_shared>>)
          %dma_wait3A_140 = arith.constant 0 : i32
          %dma_wait3A_141 = tpu.memref_slice %arg23[%dma_wait3A_140] : memref<640xf32, #tpu.memory_space<vmem>> -> memref<40xf32, #tpu.memory_space<vmem>>
          %dma_wait3A_142 = arith.constant 0 : i32
          %dma_wait3A_143 = tpu.memref_slice %arg26[%dma_wait3A_142] : memref<10112xf32, #tpu.memory_space<vmem_shared>> -> memref<10112xf32, #tpu.memory_space<vmem_shared>>
          tpu.wait_indirect_dma semaphore(%arg37 : memref<!tpu.dma_semaphore, #tpu.memory_space<semaphore_mem>>) src(%dma_wait3A_141 : memref<40xf32, #tpu.memory_space<vmem>>) dst(%dma_wait3A_143 : memref<10112xf32, #tpu.memory_space<vmem_shared>>)
        } else {
        }
        %parallel_loop3A = arith.constant 0 : i32
        %parallel_loop3A_121 = arith.constant 40 : i32
        %parallel_loop3A_122 = arith.constant 1 : i32
        scf.for %parallel_loop3A_137 = %parallel_loop3A to %parallel_loop3A_121 step %parallel_loop3A_122  : i32 {
          %parallel_loop3A_138 = arith.index_cast %parallel_loop3A_137 : i32 to index
          %parallel_loop3A_139 = arith.constant 0 : index
          %parallel_loop3A_140 = tpu.vector_load %arg16[%parallel_loop3A_138, %parallel_loop3A_139] {strides = array<i32>} : memref<40x128xf32, #tpu.memory_space<vmem>>, vector<1x16xf32>,
          %parallel_loop3A_141 = vector.shape_cast %parallel_loop3A_140 : vector<1x16xf32> to vector<16xf32>
          %parallel_loop3A_142 = arith.index_cast %parallel_loop3A_137 : i32 to index
          %parallel_loop3A_143 = arith.constant 0 : index
          %parallel_loop3A_144 = tpu.vector_load %arg17[%parallel_loop3A_142, %parallel_loop3A_143] {strides = array<i32>} : memref<40x128xf32, #tpu.memory_space<vmem>>, vector<1x16xf32>,
          %parallel_loop3A_145 = vector.shape_cast %parallel_loop3A_144 : vector<1x16xf32> to vector<16xf32>
          %parallel_loop3A_146 = arith.addf %parallel_loop3A_141, %parallel_loop3A_145 : vector<16xf32>
          %parallel_loop3A_147 = arith.constant 0.000000e+00 : f32
          %parallel_loop3A_148 = vector.broadcast %parallel_loop3A_147 : f32 to vector<16xf32>
          %parallel_loop3A_149 = arith.cmpf oge, %parallel_loop3A_146, %parallel_loop3A_148 : vector<16xf32>
          %parallel_loop3A_150 = arith.constant 3.000000e-01 : f32
          %parallel_loop3A_151 = vector.broadcast %parallel_loop3A_150 : f32 to vector<16xf32>
          %parallel_loop3A_152 = arith.mulf %parallel_loop3A_151, %parallel_loop3A_146 : vector<16xf32>
          %parallel_loop3A_153 = arith.select %parallel_loop3A_149, %parallel_loop3A_146, %parallel_loop3A_152 : vector<16xi1>, vector<16xf32>
          %parallel_loop3A_154 = arith.index_cast %parallel_loop3A_137 : i32 to index
          %parallel_loop3A_155 = arith.constant 0 : index
          %parallel_loop3A_156 = tpu.vector_load %arg20[%parallel_loop3A_154, %parallel_loop3A_155] {strides = array<i32>} : memref<40x128xf32, #tpu.memory_space<vmem>>, vector<1x16xf32>,
          %parallel_loop3A_157 = vector.shape_cast %parallel_loop3A_156 : vector<1x16xf32> to vector<16xf32>
          %parallel_loop3A_158 = vector.shape_cast %parallel_loop3A_153 : vector<16xf32> to vector<1x16xf32>
          tpu.vector_store %arg20[%parallel_loop3A_154, %parallel_loop3A_155], %parallel_loop3A_158 {strides = array<i32>} : memref<40x128xf32, #tpu.memory_space<vmem>>, vector<1x16xf32>,
          %parallel_loop3A_159 = arith.index_cast %parallel_loop3A_137 : i32 to index
          %parallel_loop3A_160 = arith.constant 16 : index
          %parallel_loop3A_161 = tpu.vector_load %arg16[%parallel_loop3A_159, %parallel_loop3A_160] {strides = array<i32>} : memref<40x128xf32, #tpu.memory_space<vmem>>, vector<1x16xf32>,
          %parallel_loop3A_162 = vector.shape_cast %parallel_loop3A_161 : vector<1x16xf32> to vector<16xf32>
          %parallel_loop3A_163 = arith.index_cast %parallel_loop3A_137 : i32 to index
          %parallel_loop3A_164 = arith.constant 16 : index
          %parallel_loop3A_165 = tpu.vector_load %arg17[%parallel_loop3A_163, %parallel_loop3A_164] {strides = array<i32>} : memref<40x128xf32, #tpu.memory_space<vmem>>, vector<1x16xf32>,
          %parallel_loop3A_166 = vector.shape_cast %parallel_loop3A_165 : vector<1x16xf32> to vector<16xf32>
          %parallel_loop3A_167 = arith.addf %parallel_loop3A_162, %parallel_loop3A_166 : vector<16xf32>
          %parallel_loop3A_168 = arith.constant 0.000000e+00 : f32
          %parallel_loop3A_169 = vector.broadcast %parallel_loop3A_168 : f32 to vector<16xf32>
          %parallel_loop3A_170 = arith.cmpf oge, %parallel_loop3A_167, %parallel_loop3A_169 : vector<16xf32>
          %parallel_loop3A_171 = arith.constant 3.000000e-01 : f32
          %parallel_loop3A_172 = vector.broadcast %parallel_loop3A_171 : f32 to vector<16xf32>
          %parallel_loop3A_173 = arith.mulf %parallel_loop3A_172, %parallel_loop3A_167 : vector<16xf32>
          %parallel_loop3A_174 = arith.select %parallel_loop3A_170, %parallel_loop3A_167, %parallel_loop3A_173 : vector<16xi1>, vector<16xf32>
          %parallel_loop3A_175 = arith.index_cast %parallel_loop3A_137 : i32 to index
          %parallel_loop3A_176 = arith.constant 16 : index
          %parallel_loop3A_177 = tpu.vector_load %arg20[%parallel_loop3A_175, %parallel_loop3A_176] {strides = array<i32>} : memref<40x128xf32, #tpu.memory_space<vmem>>, vector<1x16xf32>,
          %parallel_loop3A_178 = vector.shape_cast %parallel_loop3A_177 : vector<1x16xf32> to vector<16xf32>
          %parallel_loop3A_179 = vector.shape_cast %parallel_loop3A_174 : vector<16xf32> to vector<1x16xf32>
          tpu.vector_store %arg20[%parallel_loop3A_175, %parallel_loop3A_176], %parallel_loop3A_179 {strides = array<i32>} : memref<40x128xf32, #tpu.memory_space<vmem>>, vector<1x16xf32>,
          %parallel_loop3A_180 = arith.index_cast %parallel_loop3A_137 : i32 to index
          %parallel_loop3A_181 = arith.constant 32 : index
          %parallel_loop3A_182 = tpu.vector_load %arg16[%parallel_loop3A_180, %parallel_loop3A_181] {strides = array<i32>} : memref<40x128xf32, #tpu.memory_space<vmem>>, vector<1x16xf32>,
          %parallel_loop3A_183 = vector.shape_cast %parallel_loop3A_182 : vector<1x16xf32> to vector<16xf32>
          %parallel_loop3A_184 = arith.index_cast %parallel_loop3A_137 : i32 to index
          %parallel_loop3A_185 = arith.constant 32 : index
          %parallel_loop3A_186 = tpu.vector_load %arg17[%parallel_loop3A_184, %parallel_loop3A_185] {strides = array<i32>} : memref<40x128xf32, #tpu.memory_space<vmem>>, vector<1x16xf32>,
          %parallel_loop3A_187 = vector.shape_cast %parallel_loop3A_186 : vector<1x16xf32> to vector<16xf32>
          %parallel_loop3A_188 = arith.addf %parallel_loop3A_183, %parallel_loop3A_187 : vector<16xf32>
          %parallel_loop3A_189 = arith.constant 0.000000e+00 : f32
          %parallel_loop3A_190 = vector.broadcast %parallel_loop3A_189 : f32 to vector<16xf32>
          %parallel_loop3A_191 = arith.cmpf oge, %parallel_loop3A_188, %parallel_loop3A_190 : vector<16xf32>
          %parallel_loop3A_192 = arith.constant 3.000000e-01 : f32
          %parallel_loop3A_193 = vector.broadcast %parallel_loop3A_192 : f32 to vector<16xf32>
          %parallel_loop3A_194 = arith.mulf %parallel_loop3A_193, %parallel_loop3A_188 : vector<16xf32>
          %parallel_loop3A_195 = arith.select %parallel_loop3A_191, %parallel_loop3A_188, %parallel_loop3A_194 : vector<16xi1>, vector<16xf32>
          %parallel_loop3A_196 = arith.index_cast %parallel_loop3A_137 : i32 to index
          %parallel_loop3A_197 = arith.constant 32 : index
          %parallel_loop3A_198 = tpu.vector_load %arg20[%parallel_loop3A_196, %parallel_loop3A_197] {strides = array<i32>} : memref<40x128xf32, #tpu.memory_space<vmem>>, vector<1x16xf32>,
          %parallel_loop3A_199 = vector.shape_cast %parallel_loop3A_198 : vector<1x16xf32> to vector<16xf32>
          %parallel_loop3A_200 = vector.shape_cast %parallel_loop3A_195 : vector<16xf32> to vector<1x16xf32>
          tpu.vector_store %arg20[%parallel_loop3A_196, %parallel_loop3A_197], %parallel_loop3A_200 {strides = array<i32>} : memref<40x128xf32, #tpu.memory_space<vmem>>, vector<1x16xf32>,
          %parallel_loop3A_201 = arith.index_cast %parallel_loop3A_137 : i32 to index
          %parallel_loop3A_202 = arith.constant 48 : index
          %parallel_loop3A_203 = tpu.vector_load %arg16[%parallel_loop3A_201, %parallel_loop3A_202] {strides = array<i32>} : memref<40x128xf32, #tpu.memory_space<vmem>>, vector<1x16xf32>,
          %parallel_loop3A_204 = vector.shape_cast %parallel_loop3A_203 : vector<1x16xf32> to vector<16xf32>
          %parallel_loop3A_205 = arith.index_cast %parallel_loop3A_137 : i32 to index
          %parallel_loop3A_206 = arith.constant 48 : index
          %parallel_loop3A_207 = tpu.vector_load %arg17[%parallel_loop3A_205, %parallel_loop3A_206] {strides = array<i32>} : memref<40x128xf32, #tpu.memory_space<vmem>>, vector<1x16xf32>,
          %parallel_loop3A_208 = vector.shape_cast %parallel_loop3A_207 : vector<1x16xf32> to vector<16xf32>
          %parallel_loop3A_209 = arith.addf %parallel_loop3A_204, %parallel_loop3A_208 : vector<16xf32>
          %parallel_loop3A_210 = arith.constant 0.000000e+00 : f32
          %parallel_loop3A_211 = vector.broadcast %parallel_loop3A_210 : f32 to vector<16xf32>
          %parallel_loop3A_212 = arith.cmpf oge, %parallel_loop3A_209, %parallel_loop3A_211 : vector<16xf32>
          %parallel_loop3A_213 = arith.constant 3.000000e-01 : f32
          %parallel_loop3A_214 = vector.broadcast %parallel_loop3A_213 : f32 to vector<16xf32>
          %parallel_loop3A_215 = arith.mulf %parallel_loop3A_214, %parallel_loop3A_209 : vector<16xf32>
          %parallel_loop3A_216 = arith.select %parallel_loop3A_212, %parallel_loop3A_209, %parallel_loop3A_215 : vector<16xi1>, vector<16xf32>
          %parallel_loop3A_217 = arith.index_cast %parallel_loop3A_137 : i32 to index
          %parallel_loop3A_218 = arith.constant 48 : index
          %parallel_loop3A_219 = tpu.vector_load %arg20[%parallel_loop3A_217, %parallel_loop3A_218] {strides = array<i32>} : memref<40x128xf32, #tpu.memory_space<vmem>>, vector<1x16xf32>,
          %parallel_loop3A_220 = vector.shape_cast %parallel_loop3A_219 : vector<1x16xf32> to vector<16xf32>
          %parallel_loop3A_221 = vector.shape_cast %parallel_loop3A_216 : vector<16xf32> to vector<1x16xf32>
          tpu.vector_store %arg20[%parallel_loop3A_217, %parallel_loop3A_218], %parallel_loop3A_221 {strides = array<i32>} : memref<40x128xf32, #tpu.memory_space<vmem>>, vector<1x16xf32>,
          %parallel_loop3A_222 = arith.index_cast %parallel_loop3A_137 : i32 to index
          %parallel_loop3A_223 = arith.constant 64 : index
          %parallel_loop3A_224 = tpu.vector_load %arg16[%parallel_loop3A_222, %parallel_loop3A_223] {strides = array<i32>} : memref<40x128xf32, #tpu.memory_space<vmem>>, vector<1x16xf32>,
          %parallel_loop3A_225 = vector.shape_cast %parallel_loop3A_224 : vector<1x16xf32> to vector<16xf32>
          %parallel_loop3A_226 = arith.index_cast %parallel_loop3A_137 : i32 to index
          %parallel_loop3A_227 = arith.constant 64 : index
          %parallel_loop3A_228 = tpu.vector_load %arg17[%parallel_loop3A_226, %parallel_loop3A_227] {strides = array<i32>} : memref<40x128xf32, #tpu.memory_space<vmem>>, vector<1x16xf32>,
          %parallel_loop3A_229 = vector.shape_cast %parallel_loop3A_228 : vector<1x16xf32> to vector<16xf32>
          %parallel_loop3A_230 = arith.addf %parallel_loop3A_225, %parallel_loop3A_229 : vector<16xf32>
          %parallel_loop3A_231 = arith.constant 0.000000e+00 : f32
          %parallel_loop3A_232 = vector.broadcast %parallel_loop3A_231 : f32 to vector<16xf32>
          %parallel_loop3A_233 = arith.cmpf oge, %parallel_loop3A_230, %parallel_loop3A_232 : vector<16xf32>
          %parallel_loop3A_234 = arith.constant 3.000000e-01 : f32
          %parallel_loop3A_235 = vector.broadcast %parallel_loop3A_234 : f32 to vector<16xf32>
          %parallel_loop3A_236 = arith.mulf %parallel_loop3A_235, %parallel_loop3A_230 : vector<16xf32>
          %parallel_loop3A_237 = arith.select %parallel_loop3A_233, %parallel_loop3A_230, %parallel_loop3A_236 : vector<16xi1>, vector<16xf32>
          %parallel_loop3A_238 = arith.index_cast %parallel_loop3A_137 : i32 to index
          %parallel_loop3A_239 = arith.constant 64 : index
          %parallel_loop3A_240 = tpu.vector_load %arg20[%parallel_loop3A_238, %parallel_loop3A_239] {strides = array<i32>} : memref<40x128xf32, #tpu.memory_space<vmem>>, vector<1x16xf32>,
          %parallel_loop3A_241 = vector.shape_cast %parallel_loop3A_240 : vector<1x16xf32> to vector<16xf32>
          %parallel_loop3A_242 = vector.shape_cast %parallel_loop3A_237 : vector<16xf32> to vector<1x16xf32>
          tpu.vector_store %arg20[%parallel_loop3A_238, %parallel_loop3A_239], %parallel_loop3A_242 {strides = array<i32>} : memref<40x128xf32, #tpu.memory_space<vmem>>, vector<1x16xf32>,
          %parallel_loop3A_243 = arith.index_cast %parallel_loop3A_137 : i32 to index
          %parallel_loop3A_244 = arith.constant 80 : index
          %parallel_loop3A_245 = tpu.vector_load %arg16[%parallel_loop3A_243, %parallel_loop3A_244] {strides = array<i32>} : memref<40x128xf32, #tpu.memory_space<vmem>>, vector<1x16xf32>,
          %parallel_loop3A_246 = vector.shape_cast %parallel_loop3A_245 : vector<1x16xf32> to vector<16xf32>
          %parallel_loop3A_247 = arith.index_cast %parallel_loop3A_137 : i32 to index
          %parallel_loop3A_248 = arith.constant 80 : index
          %parallel_loop3A_249 = tpu.vector_load %arg17[%parallel_loop3A_247, %parallel_loop3A_248] {strides = array<i32>} : memref<40x128xf32, #tpu.memory_space<vmem>>, vector<1x16xf32>,
          %parallel_loop3A_250 = vector.shape_cast %parallel_loop3A_249 : vector<1x16xf32> to vector<16xf32>
          %parallel_loop3A_251 = arith.addf %parallel_loop3A_246, %parallel_loop3A_250 : vector<16xf32>
          %parallel_loop3A_252 = arith.constant 0.000000e+00 : f32
          %parallel_loop3A_253 = vector.broadcast %parallel_loop3A_252 : f32 to vector<16xf32>
          %parallel_loop3A_254 = arith.cmpf oge, %parallel_loop3A_251, %parallel_loop3A_253 : vector<16xf32>
          %parallel_loop3A_255 = arith.constant 3.000000e-01 : f32
          %parallel_loop3A_256 = vector.broadcast %parallel_loop3A_255 : f32 to vector<16xf32>
          %parallel_loop3A_257 = arith.mulf %parallel_loop3A_256, %parallel_loop3A_251 : vector<16xf32>
          %parallel_loop3A_258 = arith.select %parallel_loop3A_254, %parallel_loop3A_251, %parallel_loop3A_257 : vector<16xi1>, vector<16xf32>
          %parallel_loop3A_259 = arith.index_cast %parallel_loop3A_137 : i32 to index
          %parallel_loop3A_260 = arith.constant 80 : index
          %parallel_loop3A_261 = tpu.vector_load %arg20[%parallel_loop3A_259, %parallel_loop3A_260] {strides = array<i32>} : memref<40x128xf32, #tpu.memory_space<vmem>>, vector<1x16xf32>,
          %parallel_loop3A_262 = vector.shape_cast %parallel_loop3A_261 : vector<1x16xf32> to vector<16xf32>
          %parallel_loop3A_263 = vector.shape_cast %parallel_loop3A_258 : vector<16xf32> to vector<1x16xf32>
          tpu.vector_store %arg20[%parallel_loop3A_259, %parallel_loop3A_260], %parallel_loop3A_263 {strides = array<i32>} : memref<40x128xf32, #tpu.memory_space<vmem>>, vector<1x16xf32>,
          %parallel_loop3A_264 = arith.index_cast %parallel_loop3A_137 : i32 to index
          %parallel_loop3A_265 = arith.constant 96 : index
          %parallel_loop3A_266 = tpu.vector_load %arg16[%parallel_loop3A_264, %parallel_loop3A_265] {strides = array<i32>} : memref<40x128xf32, #tpu.memory_space<vmem>>, vector<1x16xf32>,
          %parallel_loop3A_267 = vector.shape_cast %parallel_loop3A_266 : vector<1x16xf32> to vector<16xf32>
          %parallel_loop3A_268 = arith.index_cast %parallel_loop3A_137 : i32 to index
          %parallel_loop3A_269 = arith.constant 96 : index
          %parallel_loop3A_270 = tpu.vector_load %arg17[%parallel_loop3A_268, %parallel_loop3A_269] {strides = array<i32>} : memref<40x128xf32, #tpu.memory_space<vmem>>, vector<1x16xf32>,
          %parallel_loop3A_271 = vector.shape_cast %parallel_loop3A_270 : vector<1x16xf32> to vector<16xf32>
          %parallel_loop3A_272 = arith.addf %parallel_loop3A_267, %parallel_loop3A_271 : vector<16xf32>
          %parallel_loop3A_273 = arith.constant 0.000000e+00 : f32
          %parallel_loop3A_274 = vector.broadcast %parallel_loop3A_273 : f32 to vector<16xf32>
          %parallel_loop3A_275 = arith.cmpf oge, %parallel_loop3A_272, %parallel_loop3A_274 : vector<16xf32>
          %parallel_loop3A_276 = arith.constant 3.000000e-01 : f32
          %parallel_loop3A_277 = vector.broadcast %parallel_loop3A_276 : f32 to vector<16xf32>
          %parallel_loop3A_278 = arith.mulf %parallel_loop3A_277, %parallel_loop3A_272 : vector<16xf32>
          %parallel_loop3A_279 = arith.select %parallel_loop3A_275, %parallel_loop3A_272, %parallel_loop3A_278 : vector<16xi1>, vector<16xf32>
          %parallel_loop3A_280 = arith.index_cast %parallel_loop3A_137 : i32 to index
          %parallel_loop3A_281 = arith.constant 96 : index
          %parallel_loop3A_282 = tpu.vector_load %arg20[%parallel_loop3A_280, %parallel_loop3A_281] {strides = array<i32>} : memref<40x128xf32, #tpu.memory_space<vmem>>, vector<1x16xf32>,
          %parallel_loop3A_283 = vector.shape_cast %parallel_loop3A_282 : vector<1x16xf32> to vector<16xf32>
          %parallel_loop3A_284 = vector.shape_cast %parallel_loop3A_279 : vector<16xf32> to vector<1x16xf32>
          tpu.vector_store %arg20[%parallel_loop3A_280, %parallel_loop3A_281], %parallel_loop3A_284 {strides = array<i32>} : memref<40x128xf32, #tpu.memory_space<vmem>>, vector<1x16xf32>,
          %parallel_loop3A_285 = arith.index_cast %parallel_loop3A_137 : i32 to index
          %parallel_loop3A_286 = arith.constant 112 : index
          %parallel_loop3A_287 = tpu.vector_load %arg16[%parallel_loop3A_285, %parallel_loop3A_286] {strides = array<i32>} : memref<40x128xf32, #tpu.memory_space<vmem>>, vector<1x16xf32>,
          %parallel_loop3A_288 = vector.shape_cast %parallel_loop3A_287 : vector<1x16xf32> to vector<16xf32>
          %parallel_loop3A_289 = arith.index_cast %parallel_loop3A_137 : i32 to index
          %parallel_loop3A_290 = arith.constant 112 : index
          %parallel_loop3A_291 = tpu.vector_load %arg17[%parallel_loop3A_289, %parallel_loop3A_290] {strides = array<i32>} : memref<40x128xf32, #tpu.memory_space<vmem>>, vector<1x16xf32>,
          %parallel_loop3A_292 = vector.shape_cast %parallel_loop3A_291 : vector<1x16xf32> to vector<16xf32>
          %parallel_loop3A_293 = arith.addf %parallel_loop3A_288, %parallel_loop3A_292 : vector<16xf32>
          %parallel_loop3A_294 = arith.constant 0.000000e+00 : f32
          %parallel_loop3A_295 = vector.broadcast %parallel_loop3A_294 : f32 to vector<16xf32>
          %parallel_loop3A_296 = arith.cmpf oge, %parallel_loop3A_293, %parallel_loop3A_295 : vector<16xf32>
          %parallel_loop3A_297 = arith.constant 3.000000e-01 : f32
          %parallel_loop3A_298 = vector.broadcast %parallel_loop3A_297 : f32 to vector<16xf32>
          %parallel_loop3A_299 = arith.mulf %parallel_loop3A_298, %parallel_loop3A_293 : vector<16xf32>
          %parallel_loop3A_300 = arith.select %parallel_loop3A_296, %parallel_loop3A_293, %parallel_loop3A_299 : vector<16xi1>, vector<16xf32>
          %parallel_loop3A_301 = arith.index_cast %parallel_loop3A_137 : i32 to index
          %parallel_loop3A_302 = arith.constant 112 : index
          %parallel_loop3A_303 = tpu.vector_load %arg20[%parallel_loop3A_301, %parallel_loop3A_302] {strides = array<i32>} : memref<40x128xf32, #tpu.memory_space<vmem>>, vector<1x16xf32>,
          %parallel_loop3A_304 = vector.shape_cast %parallel_loop3A_303 : vector<1x16xf32> to vector<16xf32>
          %parallel_loop3A_305 = vector.shape_cast %parallel_loop3A_300 : vector<16xf32> to vector<1x16xf32>
          tpu.vector_store %arg20[%parallel_loop3A_301, %parallel_loop3A_302], %parallel_loop3A_305 {strides = array<i32>} : memref<40x128xf32, #tpu.memory_space<vmem>>, vector<1x16xf32>,
        } {sc.loop_unroll_factor = 8 : i64, sc.parallel_access}
        %dma_start3A_123 = arith.constant 0 : i32
        %dma_start3A_124 = arith.constant 0 : i32
        %dma_start3A_125 = tpu.memref_slice %arg25[%dma_start3A_123, %dma_start3A_124] : memref<10112x128xf32, #tpu.memory_space<vmem_shared>> -> memref<10112x128xf32, #tpu.memory_space<vmem_shared>>
        tpu.enqueue_indirect_dma source(%arg20 : memref<40x128xf32, #tpu.memory_space<vmem>>) target(%dma_start3A_125 : memref<10112x128xf32, #tpu.memory_space<vmem_shared>>) offsets(%arg9 : memref<40xi32, #tpu.memory_space<vmem>>) semaphore(%arg35 : memref<!tpu.dma_semaphore, #tpu.memory_space<semaphore_mem>>) {add = true}
        %dma_start3A_126 = arith.constant 0 : i32
        %dma_start3A_127 = tpu.memref_slice %arg23[%dma_start3A_126] : memref<640xf32, #tpu.memory_space<vmem>> -> memref<40xf32, #tpu.memory_space<vmem>>
        %dma_start3A_128 = arith.constant 0 : i32
        %dma_start3A_129 = tpu.memref_slice %arg26[%dma_start3A_128] : memref<10112xf32, #tpu.memory_space<vmem_shared>> -> memref<10112xf32, #tpu.memory_space<vmem_shared>>
        tpu.enqueue_indirect_dma source(%dma_start3A_127 : memref<40xf32, #tpu.memory_space<vmem>>) target(%dma_start3A_129 : memref<10112xf32, #tpu.memory_space<vmem_shared>>) offsets(%arg9 : memref<40xi32, #tpu.memory_space<vmem>>) semaphore(%arg37 : memref<!tpu.dma_semaphore, #tpu.memory_space<semaphore_mem>>) {add = true}
        %add3A_130 = arith.constant 2 : i32
        %add3A_131 = arith.addi %mul3A_80, %add3A_130 : i32
        %lt3A_132 = arith.constant 250 : i32
        %lt3A_133 = arith.cmpi slt, %add3A_131, %lt3A_132 : i32
        %convert_element_type3A_134 = arith.extui %lt3A_133 : i1 to i32
        %cond3A_135 = arith.constant 0 : i32
        %cond3A_136 = arith.cmpi ne, %convert_element_type3A_134, %cond3A_135 : i32
        scf.if %cond3A_136 {
          %add3A_137 = arith.constant 2 : i32
          %add3A_138 = arith.addi %mul3A_80, %add3A_137 : i32
          %mul3A_139 = arith.constant 40 : i32
          %mul3A_140 = arith.muli %add3A_138, %mul3A_139 : i32
          %add3A_141 = arith.addi %mul3A_2, %mul3A_140 : i32
          %dma_start3A_142 = tpu.memref_slice %arg4[%add3A_141] : memref<320000xi32, #tpu.memory_space<hbm>> -> memref<40xi32, #tpu.memory_space<hbm>>
          %dma_start3A_143 = tpu.memref_slice %arg4[%add3A_141] : memref<320000xi32, #tpu.memory_space<hbm>> -> memref<40xi32, #tpu.memory_space<hbm>>
          tpu.enqueue_dma source(%dma_start3A_143 : memref<40xi32, #tpu.memory_space<hbm>>) target(%arg12 : memref<40xi32, #tpu.memory_space<vmem>>) target_semaphore(%arg33 : memref<!tpu.dma_semaphore, #tpu.memory_space<semaphore_mem>>)
          %mul3A_144 = arith.constant 40 : i32
          %mul3A_145 = arith.muli %add3A_138, %mul3A_144 : i32
          %add3A_146 = arith.addi %mul3A_2, %mul3A_145 : i32
          %dma_start3A_147 = tpu.memref_slice %arg5[%add3A_146] : memref<320000xi32, #tpu.memory_space<hbm>> -> memref<40xi32, #tpu.memory_space<hbm>>
          %dma_start3A_148 = tpu.memref_slice %arg5[%add3A_146] : memref<320000xi32, #tpu.memory_space<hbm>> -> memref<40xi32, #tpu.memory_space<hbm>>
          tpu.enqueue_dma source(%dma_start3A_148 : memref<40xi32, #tpu.memory_space<hbm>>) target(%arg13 : memref<40xi32, #tpu.memory_space<vmem>>) target_semaphore(%arg33 : memref<!tpu.dma_semaphore, #tpu.memory_space<semaphore_mem>>)
        } else {
        }
      } else {
      }
      %add3A_83 = arith.constant 1 : i32
      %add3A_84 = arith.addi %mul3A_80, %add3A_83 : i32
      %lt3A_85 = arith.constant 250 : i32
      %lt3A_86 = arith.cmpi slt, %add3A_84, %lt3A_85 : i32
      %convert_element_type3A_87 = arith.extui %lt3A_86 : i1 to i32
      %cond3A_88 = arith.constant 0 : i32
      %cond3A_89 = arith.cmpi ne, %convert_element_type3A_87, %cond3A_88 : i32
      scf.if %cond3A_89 {
        %add3A_104 = arith.constant 1 : i32
        %add3A_105 = arith.addi %add3A_84, %add3A_104 : i32
        %lt3A_106 = arith.constant 250 : i32
        %lt3A_107 = arith.cmpi slt, %add3A_105, %lt3A_106 : i32
        %convert_element_type3A_108 = arith.extui %lt3A_107 : i1 to i32
        %cond3A_109 = arith.constant 0 : i32
        %cond3A_110 = arith.cmpi ne, %convert_element_type3A_108, %cond3A_109 : i32
        scf.if %cond3A_110 {
          %add3A_137 = arith.constant 1 : i32
          %add3A_138 = arith.addi %add3A_84, %add3A_137 : i32
          %mul3A_139 = arith.constant 40 : i32
          %mul3A_140 = arith.muli %add3A_138, %mul3A_139 : i32
          %add3A_141 = arith.addi %mul3A_2, %mul3A_140 : i32
          %dma_wait3A_142 = tpu.memref_slice %arg4[%add3A_141] : memref<320000xi32, #tpu.memory_space<hbm>> -> memref<40xi32, #tpu.memory_space<hbm>>
          %dma_wait3A_143 = tpu.memref_slice %arg4[%add3A_141] : memref<320000xi32, #tpu.memory_space<hbm>> -> memref<40xi32, #tpu.memory_space<hbm>>
          tpu.wait_dma2 semaphore(%arg33 : memref<!tpu.dma_semaphore, #tpu.memory_space<semaphore_mem>>) src(%dma_wait3A_143 : memref<40xi32, #tpu.memory_space<hbm>>) dst(%arg12 : memref<40xi32, #tpu.memory_space<vmem>>)
          %mul3A_144 = arith.constant 40 : i32
          %mul3A_145 = arith.muli %add3A_138, %mul3A_144 : i32
          %add3A_146 = arith.addi %mul3A_2, %mul3A_145 : i32
          %dma_wait3A_147 = tpu.memref_slice %arg5[%add3A_146] : memref<320000xi32, #tpu.memory_space<hbm>> -> memref<40xi32, #tpu.memory_space<hbm>>
          %dma_wait3A_148 = tpu.memref_slice %arg5[%add3A_146] : memref<320000xi32, #tpu.memory_space<hbm>> -> memref<40xi32, #tpu.memory_space<hbm>>
          tpu.wait_dma2 semaphore(%arg33 : memref<!tpu.dma_semaphore, #tpu.memory_space<semaphore_mem>>) src(%dma_wait3A_148 : memref<40xi32, #tpu.memory_space<hbm>>) dst(%arg13 : memref<40xi32, #tpu.memory_space<vmem>>)
          %dma_start3A_149 = arith.constant 0 : i32
          %dma_start3A_150 = arith.constant 0 : i32
          %dma_start3A_151 = tpu.memref_slice %arg2[%dma_start3A_149, %dma_start3A_150] : memref<10000x128xf32, #tpu.memory_space<hbm>> -> memref<10000x128xf32, #tpu.memory_space<hbm>>
          tpu.enqueue_indirect_dma source(%dma_start3A_151 : memref<10000x128xf32, #tpu.memory_space<hbm>>) target(%arg16 : memref<40x128xf32, #tpu.memory_space<vmem>>) offsets(%arg13 : memref<40xi32, #tpu.memory_space<vmem>>) semaphore(%arg27 : memref<!tpu.dma_semaphore, #tpu.memory_space<semaphore_mem>>)
          %dma_start3A_152 = arith.constant 0 : i32
          %dma_start3A_153 = arith.constant 0 : i32
          %dma_start3A_154 = tpu.memref_slice %arg3[%dma_start3A_152, %dma_start3A_153] : memref<10000x128xf32, #tpu.memory_space<hbm>> -> memref<10000x128xf32, #tpu.memory_space<hbm>>
          tpu.enqueue_indirect_dma source(%dma_start3A_154 : memref<10000x128xf32, #tpu.memory_space<hbm>>) target(%arg17 : memref<40x128xf32, #tpu.memory_space<vmem>>) offsets(%arg12 : memref<40xi32, #tpu.memory_space<vmem>>) semaphore(%arg28 : memref<!tpu.dma_semaphore, #tpu.memory_space<semaphore_mem>>)
        } else {
        }
        %dma_wait3A_111 = arith.constant 0 : i32
        %dma_wait3A_112 = arith.constant 0 : i32
        %dma_wait3A_113 = tpu.memref_slice %arg2[%dma_wait3A_111, %dma_wait3A_112] : memref<10000x128xf32, #tpu.memory_space<hbm>> -> memref<10000x128xf32, #tpu.memory_space<hbm>>
        tpu.wait_indirect_dma semaphore(%arg29 : memref<!tpu.dma_semaphore, #tpu.memory_space<semaphore_mem>>) src(%dma_wait3A_113 : memref<10000x128xf32, #tpu.memory_space<hbm>>) dst(%arg18 : memref<40x128xf32, #tpu.memory_space<vmem>>)
        %dma_wait3A_114 = arith.constant 0 : i32
        %dma_wait3A_115 = arith.constant 0 : i32
        %dma_wait3A_116 = tpu.memref_slice %arg3[%dma_wait3A_114, %dma_wait3A_115] : memref<10000x128xf32, #tpu.memory_space<hbm>> -> memref<10000x128xf32, #tpu.memory_space<hbm>>
        tpu.wait_indirect_dma semaphore(%arg30 : memref<!tpu.dma_semaphore, #tpu.memory_space<semaphore_mem>>) src(%dma_wait3A_116 : memref<10000x128xf32, #tpu.memory_space<hbm>>) dst(%arg19 : memref<40x128xf32, #tpu.memory_space<vmem>>)
        %ge3A = arith.constant 2 : i32
        %ge3A_117 = arith.cmpi sge, %add3A_84, %ge3A : i32
        %convert_element_type3A_118 = arith.extui %ge3A_117 : i1 to i32
        %cond3A_119 = arith.constant 0 : i32
        %cond3A_120 = arith.cmpi ne, %convert_element_type3A_118, %cond3A_119 : i32
        scf.if %cond3A_120 {
          %dma_wait3A_137 = arith.constant 0 : i32
          %dma_wait3A_138 = arith.constant 0 : i32
          %dma_wait3A_139 = tpu.memref_slice %arg25[%dma_wait3A_137, %dma_wait3A_138] : memref<10112x128xf32, #tpu.memory_space<vmem_shared>> -> memref<10112x128xf32, #tpu.memory_space<vmem_shared>>
          tpu.wait_indirect_dma semaphore(%arg36 : memref<!tpu.dma_semaphore, #tpu.memory_space<semaphore_mem>>) src(%arg21 : memref<40x128xf32, #tpu.memory_space<vmem>>) dst(%dma_wait3A_139 : memref<10112x128xf32, #tpu.memory_space<vmem_shared>>)
          %dma_wait3A_140 = arith.constant 0 : i32
          %dma_wait3A_141 = tpu.memref_slice %arg23[%dma_wait3A_140] : memref<640xf32, #tpu.memory_space<vmem>> -> memref<40xf32, #tpu.memory_space<vmem>>
          %dma_wait3A_142 = arith.constant 0 : i32
          %dma_wait3A_143 = tpu.memref_slice %arg26[%dma_wait3A_142] : memref<10112xf32, #tpu.memory_space<vmem_shared>> -> memref<10112xf32, #tpu.memory_space<vmem_shared>>
          tpu.wait_indirect_dma semaphore(%arg38 : memref<!tpu.dma_semaphore, #tpu.memory_space<semaphore_mem>>) src(%dma_wait3A_141 : memref<40xf32, #tpu.memory_space<vmem>>) dst(%dma_wait3A_143 : memref<10112xf32, #tpu.memory_space<vmem_shared>>)
        } else {
        }
        %parallel_loop3A = arith.constant 0 : i32
        %parallel_loop3A_121 = arith.constant 40 : i32
        %parallel_loop3A_122 = arith.constant 1 : i32
        scf.for %parallel_loop3A_137 = %parallel_loop3A to %parallel_loop3A_121 step %parallel_loop3A_122  : i32 {
          %parallel_loop3A_138 = arith.index_cast %parallel_loop3A_137 : i32 to index
          %parallel_loop3A_139 = arith.constant 0 : index
          %parallel_loop3A_140 = tpu.vector_load %arg18[%parallel_loop3A_138, %parallel_loop3A_139] {strides = array<i32>} : memref<40x128xf32, #tpu.memory_space<vmem>>, vector<1x16xf32>,
          %parallel_loop3A_141 = vector.shape_cast %parallel_loop3A_140 : vector<1x16xf32> to vector<16xf32>
          %parallel_loop3A_142 = arith.index_cast %parallel_loop3A_137 : i32 to index
          %parallel_loop3A_143 = arith.constant 0 : index
          %parallel_loop3A_144 = tpu.vector_load %arg19[%parallel_loop3A_142, %parallel_loop3A_143] {strides = array<i32>} : memref<40x128xf32, #tpu.memory_space<vmem>>, vector<1x16xf32>,
          %parallel_loop3A_145 = vector.shape_cast %parallel_loop3A_144 : vector<1x16xf32> to vector<16xf32>
          %parallel_loop3A_146 = arith.addf %parallel_loop3A_141, %parallel_loop3A_145 : vector<16xf32>
          %parallel_loop3A_147 = arith.constant 0.000000e+00 : f32
          %parallel_loop3A_148 = vector.broadcast %parallel_loop3A_147 : f32 to vector<16xf32>
          %parallel_loop3A_149 = arith.cmpf oge, %parallel_loop3A_146, %parallel_loop3A_148 : vector<16xf32>
          %parallel_loop3A_150 = arith.constant 3.000000e-01 : f32
          %parallel_loop3A_151 = vector.broadcast %parallel_loop3A_150 : f32 to vector<16xf32>
          %parallel_loop3A_152 = arith.mulf %parallel_loop3A_151, %parallel_loop3A_146 : vector<16xf32>
          %parallel_loop3A_153 = arith.select %parallel_loop3A_149, %parallel_loop3A_146, %parallel_loop3A_152 : vector<16xi1>, vector<16xf32>
          %parallel_loop3A_154 = arith.index_cast %parallel_loop3A_137 : i32 to index
          %parallel_loop3A_155 = arith.constant 0 : index
          %parallel_loop3A_156 = tpu.vector_load %arg21[%parallel_loop3A_154, %parallel_loop3A_155] {strides = array<i32>} : memref<40x128xf32, #tpu.memory_space<vmem>>, vector<1x16xf32>,
          %parallel_loop3A_157 = vector.shape_cast %parallel_loop3A_156 : vector<1x16xf32> to vector<16xf32>
          %parallel_loop3A_158 = vector.shape_cast %parallel_loop3A_153 : vector<16xf32> to vector<1x16xf32>
          tpu.vector_store %arg21[%parallel_loop3A_154, %parallel_loop3A_155], %parallel_loop3A_158 {strides = array<i32>} : memref<40x128xf32, #tpu.memory_space<vmem>>, vector<1x16xf32>,
          %parallel_loop3A_159 = arith.index_cast %parallel_loop3A_137 : i32 to index
          %parallel_loop3A_160 = arith.constant 16 : index
          %parallel_loop3A_161 = tpu.vector_load %arg18[%parallel_loop3A_159, %parallel_loop3A_160] {strides = array<i32>} : memref<40x128xf32, #tpu.memory_space<vmem>>, vector<1x16xf32>,
          %parallel_loop3A_162 = vector.shape_cast %parallel_loop3A_161 : vector<1x16xf32> to vector<16xf32>
          %parallel_loop3A_163 = arith.index_cast %parallel_loop3A_137 : i32 to index
          %parallel_loop3A_164 = arith.constant 16 : index
          %parallel_loop3A_165 = tpu.vector_load %arg19[%parallel_loop3A_163, %parallel_loop3A_164] {strides = array<i32>} : memref<40x128xf32, #tpu.memory_space<vmem>>, vector<1x16xf32>,
          %parallel_loop3A_166 = vector.shape_cast %parallel_loop3A_165 : vector<1x16xf32> to vector<16xf32>
          %parallel_loop3A_167 = arith.addf %parallel_loop3A_162, %parallel_loop3A_166 : vector<16xf32>
          %parallel_loop3A_168 = arith.constant 0.000000e+00 : f32
          %parallel_loop3A_169 = vector.broadcast %parallel_loop3A_168 : f32 to vector<16xf32>
          %parallel_loop3A_170 = arith.cmpf oge, %parallel_loop3A_167, %parallel_loop3A_169 : vector<16xf32>
          %parallel_loop3A_171 = arith.constant 3.000000e-01 : f32
          %parallel_loop3A_172 = vector.broadcast %parallel_loop3A_171 : f32 to vector<16xf32>
          %parallel_loop3A_173 = arith.mulf %parallel_loop3A_172, %parallel_loop3A_167 : vector<16xf32>
          %parallel_loop3A_174 = arith.select %parallel_loop3A_170, %parallel_loop3A_167, %parallel_loop3A_173 : vector<16xi1>, vector<16xf32>
          %parallel_loop3A_175 = arith.index_cast %parallel_loop3A_137 : i32 to index
          %parallel_loop3A_176 = arith.constant 16 : index
          %parallel_loop3A_177 = tpu.vector_load %arg21[%parallel_loop3A_175, %parallel_loop3A_176] {strides = array<i32>} : memref<40x128xf32, #tpu.memory_space<vmem>>, vector<1x16xf32>,
          %parallel_loop3A_178 = vector.shape_cast %parallel_loop3A_177 : vector<1x16xf32> to vector<16xf32>
          %parallel_loop3A_179 = vector.shape_cast %parallel_loop3A_174 : vector<16xf32> to vector<1x16xf32>
          tpu.vector_store %arg21[%parallel_loop3A_175, %parallel_loop3A_176], %parallel_loop3A_179 {strides = array<i32>} : memref<40x128xf32, #tpu.memory_space<vmem>>, vector<1x16xf32>,
          %parallel_loop3A_180 = arith.index_cast %parallel_loop3A_137 : i32 to index
          %parallel_loop3A_181 = arith.constant 32 : index
          %parallel_loop3A_182 = tpu.vector_load %arg18[%parallel_loop3A_180, %parallel_loop3A_181] {strides = array<i32>} : memref<40x128xf32, #tpu.memory_space<vmem>>, vector<1x16xf32>,
          %parallel_loop3A_183 = vector.shape_cast %parallel_loop3A_182 : vector<1x16xf32> to vector<16xf32>
          %parallel_loop3A_184 = arith.index_cast %parallel_loop3A_137 : i32 to index
          %parallel_loop3A_185 = arith.constant 32 : index
          %parallel_loop3A_186 = tpu.vector_load %arg19[%parallel_loop3A_184, %parallel_loop3A_185] {strides = array<i32>} : memref<40x128xf32, #tpu.memory_space<vmem>>, vector<1x16xf32>,
          %parallel_loop3A_187 = vector.shape_cast %parallel_loop3A_186 : vector<1x16xf32> to vector<16xf32>
          %parallel_loop3A_188 = arith.addf %parallel_loop3A_183, %parallel_loop3A_187 : vector<16xf32>
          %parallel_loop3A_189 = arith.constant 0.000000e+00 : f32
          %parallel_loop3A_190 = vector.broadcast %parallel_loop3A_189 : f32 to vector<16xf32>
          %parallel_loop3A_191 = arith.cmpf oge, %parallel_loop3A_188, %parallel_loop3A_190 : vector<16xf32>
          %parallel_loop3A_192 = arith.constant 3.000000e-01 : f32
          %parallel_loop3A_193 = vector.broadcast %parallel_loop3A_192 : f32 to vector<16xf32>
          %parallel_loop3A_194 = arith.mulf %parallel_loop3A_193, %parallel_loop3A_188 : vector<16xf32>
          %parallel_loop3A_195 = arith.select %parallel_loop3A_191, %parallel_loop3A_188, %parallel_loop3A_194 : vector<16xi1>, vector<16xf32>
          %parallel_loop3A_196 = arith.index_cast %parallel_loop3A_137 : i32 to index
          %parallel_loop3A_197 = arith.constant 32 : index
          %parallel_loop3A_198 = tpu.vector_load %arg21[%parallel_loop3A_196, %parallel_loop3A_197] {strides = array<i32>} : memref<40x128xf32, #tpu.memory_space<vmem>>, vector<1x16xf32>,
          %parallel_loop3A_199 = vector.shape_cast %parallel_loop3A_198 : vector<1x16xf32> to vector<16xf32>
          %parallel_loop3A_200 = vector.shape_cast %parallel_loop3A_195 : vector<16xf32> to vector<1x16xf32>
          tpu.vector_store %arg21[%parallel_loop3A_196, %parallel_loop3A_197], %parallel_loop3A_200 {strides = array<i32>} : memref<40x128xf32, #tpu.memory_space<vmem>>, vector<1x16xf32>,
          %parallel_loop3A_201 = arith.index_cast %parallel_loop3A_137 : i32 to index
          %parallel_loop3A_202 = arith.constant 48 : index
          %parallel_loop3A_203 = tpu.vector_load %arg18[%parallel_loop3A_201, %parallel_loop3A_202] {strides = array<i32>} : memref<40x128xf32, #tpu.memory_space<vmem>>, vector<1x16xf32>,
          %parallel_loop3A_204 = vector.shape_cast %parallel_loop3A_203 : vector<1x16xf32> to vector<16xf32>
          %parallel_loop3A_205 = arith.index_cast %parallel_loop3A_137 : i32 to index
          %parallel_loop3A_206 = arith.constant 48 : index
          %parallel_loop3A_207 = tpu.vector_load %arg19[%parallel_loop3A_205, %parallel_loop3A_206] {strides = array<i32>} : memref<40x128xf32, #tpu.memory_space<vmem>>, vector<1x16xf32>,
          %parallel_loop3A_208 = vector.shape_cast %parallel_loop3A_207 : vector<1x16xf32> to vector<16xf32>
          %parallel_loop3A_209 = arith.addf %parallel_loop3A_204, %parallel_loop3A_208 : vector<16xf32>
          %parallel_loop3A_210 = arith.constant 0.000000e+00 : f32
          %parallel_loop3A_211 = vector.broadcast %parallel_loop3A_210 : f32 to vector<16xf32>
          %parallel_loop3A_212 = arith.cmpf oge, %parallel_loop3A_209, %parallel_loop3A_211 : vector<16xf32>
          %parallel_loop3A_213 = arith.constant 3.000000e-01 : f32
          %parallel_loop3A_214 = vector.broadcast %parallel_loop3A_213 : f32 to vector<16xf32>
          %parallel_loop3A_215 = arith.mulf %parallel_loop3A_214, %parallel_loop3A_209 : vector<16xf32>
          %parallel_loop3A_216 = arith.select %parallel_loop3A_212, %parallel_loop3A_209, %parallel_loop3A_215 : vector<16xi1>, vector<16xf32>
          %parallel_loop3A_217 = arith.index_cast %parallel_loop3A_137 : i32 to index
          %parallel_loop3A_218 = arith.constant 48 : index
          %parallel_loop3A_219 = tpu.vector_load %arg21[%parallel_loop3A_217, %parallel_loop3A_218] {strides = array<i32>} : memref<40x128xf32, #tpu.memory_space<vmem>>, vector<1x16xf32>,
          %parallel_loop3A_220 = vector.shape_cast %parallel_loop3A_219 : vector<1x16xf32> to vector<16xf32>
          %parallel_loop3A_221 = vector.shape_cast %parallel_loop3A_216 : vector<16xf32> to vector<1x16xf32>
          tpu.vector_store %arg21[%parallel_loop3A_217, %parallel_loop3A_218], %parallel_loop3A_221 {strides = array<i32>} : memref<40x128xf32, #tpu.memory_space<vmem>>, vector<1x16xf32>,
          %parallel_loop3A_222 = arith.index_cast %parallel_loop3A_137 : i32 to index
          %parallel_loop3A_223 = arith.constant 64 : index
          %parallel_loop3A_224 = tpu.vector_load %arg18[%parallel_loop3A_222, %parallel_loop3A_223] {strides = array<i32>} : memref<40x128xf32, #tpu.memory_space<vmem>>, vector<1x16xf32>,
          %parallel_loop3A_225 = vector.shape_cast %parallel_loop3A_224 : vector<1x16xf32> to vector<16xf32>
          %parallel_loop3A_226 = arith.index_cast %parallel_loop3A_137 : i32 to index
          %parallel_loop3A_227 = arith.constant 64 : index
          %parallel_loop3A_228 = tpu.vector_load %arg19[%parallel_loop3A_226, %parallel_loop3A_227] {strides = array<i32>} : memref<40x128xf32, #tpu.memory_space<vmem>>, vector<1x16xf32>,
          %parallel_loop3A_229 = vector.shape_cast %parallel_loop3A_228 : vector<1x16xf32> to vector<16xf32>
          %parallel_loop3A_230 = arith.addf %parallel_loop3A_225, %parallel_loop3A_229 : vector<16xf32>
          %parallel_loop3A_231 = arith.constant 0.000000e+00 : f32
          %parallel_loop3A_232 = vector.broadcast %parallel_loop3A_231 : f32 to vector<16xf32>
          %parallel_loop3A_233 = arith.cmpf oge, %parallel_loop3A_230, %parallel_loop3A_232 : vector<16xf32>
          %parallel_loop3A_234 = arith.constant 3.000000e-01 : f32
          %parallel_loop3A_235 = vector.broadcast %parallel_loop3A_234 : f32 to vector<16xf32>
          %parallel_loop3A_236 = arith.mulf %parallel_loop3A_235, %parallel_loop3A_230 : vector<16xf32>
          %parallel_loop3A_237 = arith.select %parallel_loop3A_233, %parallel_loop3A_230, %parallel_loop3A_236 : vector<16xi1>, vector<16xf32>
          %parallel_loop3A_238 = arith.index_cast %parallel_loop3A_137 : i32 to index
          %parallel_loop3A_239 = arith.constant 64 : index
          %parallel_loop3A_240 = tpu.vector_load %arg21[%parallel_loop3A_238, %parallel_loop3A_239] {strides = array<i32>} : memref<40x128xf32, #tpu.memory_space<vmem>>, vector<1x16xf32>,
          %parallel_loop3A_241 = vector.shape_cast %parallel_loop3A_240 : vector<1x16xf32> to vector<16xf32>
          %parallel_loop3A_242 = vector.shape_cast %parallel_loop3A_237 : vector<16xf32> to vector<1x16xf32>
          tpu.vector_store %arg21[%parallel_loop3A_238, %parallel_loop3A_239], %parallel_loop3A_242 {strides = array<i32>} : memref<40x128xf32, #tpu.memory_space<vmem>>, vector<1x16xf32>,
          %parallel_loop3A_243 = arith.index_cast %parallel_loop3A_137 : i32 to index
          %parallel_loop3A_244 = arith.constant 80 : index
          %parallel_loop3A_245 = tpu.vector_load %arg18[%parallel_loop3A_243, %parallel_loop3A_244] {strides = array<i32>} : memref<40x128xf32, #tpu.memory_space<vmem>>, vector<1x16xf32>,
          %parallel_loop3A_246 = vector.shape_cast %parallel_loop3A_245 : vector<1x16xf32> to vector<16xf32>
          %parallel_loop3A_247 = arith.index_cast %parallel_loop3A_137 : i32 to index
          %parallel_loop3A_248 = arith.constant 80 : index
          %parallel_loop3A_249 = tpu.vector_load %arg19[%parallel_loop3A_247, %parallel_loop3A_248] {strides = array<i32>} : memref<40x128xf32, #tpu.memory_space<vmem>>, vector<1x16xf32>,
          %parallel_loop3A_250 = vector.shape_cast %parallel_loop3A_249 : vector<1x16xf32> to vector<16xf32>
          %parallel_loop3A_251 = arith.addf %parallel_loop3A_246, %parallel_loop3A_250 : vector<16xf32>
          %parallel_loop3A_252 = arith.constant 0.000000e+00 : f32
          %parallel_loop3A_253 = vector.broadcast %parallel_loop3A_252 : f32 to vector<16xf32>
          %parallel_loop3A_254 = arith.cmpf oge, %parallel_loop3A_251, %parallel_loop3A_253 : vector<16xf32>
          %parallel_loop3A_255 = arith.constant 3.000000e-01 : f32
          %parallel_loop3A_256 = vector.broadcast %parallel_loop3A_255 : f32 to vector<16xf32>
          %parallel_loop3A_257 = arith.mulf %parallel_loop3A_256, %parallel_loop3A_251 : vector<16xf32>
          %parallel_loop3A_258 = arith.select %parallel_loop3A_254, %parallel_loop3A_251, %parallel_loop3A_257 : vector<16xi1>, vector<16xf32>
          %parallel_loop3A_259 = arith.index_cast %parallel_loop3A_137 : i32 to index
          %parallel_loop3A_260 = arith.constant 80 : index
          %parallel_loop3A_261 = tpu.vector_load %arg21[%parallel_loop3A_259, %parallel_loop3A_260] {strides = array<i32>} : memref<40x128xf32, #tpu.memory_space<vmem>>, vector<1x16xf32>,
          %parallel_loop3A_262 = vector.shape_cast %parallel_loop3A_261 : vector<1x16xf32> to vector<16xf32>
          %parallel_loop3A_263 = vector.shape_cast %parallel_loop3A_258 : vector<16xf32> to vector<1x16xf32>
          tpu.vector_store %arg21[%parallel_loop3A_259, %parallel_loop3A_260], %parallel_loop3A_263 {strides = array<i32>} : memref<40x128xf32, #tpu.memory_space<vmem>>, vector<1x16xf32>,
          %parallel_loop3A_264 = arith.index_cast %parallel_loop3A_137 : i32 to index
          %parallel_loop3A_265 = arith.constant 96 : index
          %parallel_loop3A_266 = tpu.vector_load %arg18[%parallel_loop3A_264, %parallel_loop3A_265] {strides = array<i32>} : memref<40x128xf32, #tpu.memory_space<vmem>>, vector<1x16xf32>,
          %parallel_loop3A_267 = vector.shape_cast %parallel_loop3A_266 : vector<1x16xf32> to vector<16xf32>
          %parallel_loop3A_268 = arith.index_cast %parallel_loop3A_137 : i32 to index
          %parallel_loop3A_269 = arith.constant 96 : index
          %parallel_loop3A_270 = tpu.vector_load %arg19[%parallel_loop3A_268, %parallel_loop3A_269] {strides = array<i32>} : memref<40x128xf32, #tpu.memory_space<vmem>>, vector<1x16xf32>,
          %parallel_loop3A_271 = vector.shape_cast %parallel_loop3A_270 : vector<1x16xf32> to vector<16xf32>
          %parallel_loop3A_272 = arith.addf %parallel_loop3A_267, %parallel_loop3A_271 : vector<16xf32>
          %parallel_loop3A_273 = arith.constant 0.000000e+00 : f32
          %parallel_loop3A_274 = vector.broadcast %parallel_loop3A_273 : f32 to vector<16xf32>
          %parallel_loop3A_275 = arith.cmpf oge, %parallel_loop3A_272, %parallel_loop3A_274 : vector<16xf32>
          %parallel_loop3A_276 = arith.constant 3.000000e-01 : f32
          %parallel_loop3A_277 = vector.broadcast %parallel_loop3A_276 : f32 to vector<16xf32>
          %parallel_loop3A_278 = arith.mulf %parallel_loop3A_277, %parallel_loop3A_272 : vector<16xf32>
          %parallel_loop3A_279 = arith.select %parallel_loop3A_275, %parallel_loop3A_272, %parallel_loop3A_278 : vector<16xi1>, vector<16xf32>
          %parallel_loop3A_280 = arith.index_cast %parallel_loop3A_137 : i32 to index
          %parallel_loop3A_281 = arith.constant 96 : index
          %parallel_loop3A_282 = tpu.vector_load %arg21[%parallel_loop3A_280, %parallel_loop3A_281] {strides = array<i32>} : memref<40x128xf32, #tpu.memory_space<vmem>>, vector<1x16xf32>,
          %parallel_loop3A_283 = vector.shape_cast %parallel_loop3A_282 : vector<1x16xf32> to vector<16xf32>
          %parallel_loop3A_284 = vector.shape_cast %parallel_loop3A_279 : vector<16xf32> to vector<1x16xf32>
          tpu.vector_store %arg21[%parallel_loop3A_280, %parallel_loop3A_281], %parallel_loop3A_284 {strides = array<i32>} : memref<40x128xf32, #tpu.memory_space<vmem>>, vector<1x16xf32>,
          %parallel_loop3A_285 = arith.index_cast %parallel_loop3A_137 : i32 to index
          %parallel_loop3A_286 = arith.constant 112 : index
          %parallel_loop3A_287 = tpu.vector_load %arg18[%parallel_loop3A_285, %parallel_loop3A_286] {strides = array<i32>} : memref<40x128xf32, #tpu.memory_space<vmem>>, vector<1x16xf32>,
          %parallel_loop3A_288 = vector.shape_cast %parallel_loop3A_287 : vector<1x16xf32> to vector<16xf32>
          %parallel_loop3A_289 = arith.index_cast %parallel_loop3A_137 : i32 to index
          %parallel_loop3A_290 = arith.constant 112 : index
          %parallel_loop3A_291 = tpu.vector_load %arg19[%parallel_loop3A_289, %parallel_loop3A_290] {strides = array<i32>} : memref<40x128xf32, #tpu.memory_space<vmem>>, vector<1x16xf32>,
          %parallel_loop3A_292 = vector.shape_cast %parallel_loop3A_291 : vector<1x16xf32> to vector<16xf32>
          %parallel_loop3A_293 = arith.addf %parallel_loop3A_288, %parallel_loop3A_292 : vector<16xf32>
          %parallel_loop3A_294 = arith.constant 0.000000e+00 : f32
          %parallel_loop3A_295 = vector.broadcast %parallel_loop3A_294 : f32 to vector<16xf32>
          %parallel_loop3A_296 = arith.cmpf oge, %parallel_loop3A_293, %parallel_loop3A_295 : vector<16xf32>
          %parallel_loop3A_297 = arith.constant 3.000000e-01 : f32
          %parallel_loop3A_298 = vector.broadcast %parallel_loop3A_297 : f32 to vector<16xf32>
          %parallel_loop3A_299 = arith.mulf %parallel_loop3A_298, %parallel_loop3A_293 : vector<16xf32>
          %parallel_loop3A_300 = arith.select %parallel_loop3A_296, %parallel_loop3A_293, %parallel_loop3A_299 : vector<16xi1>, vector<16xf32>
          %parallel_loop3A_301 = arith.index_cast %parallel_loop3A_137 : i32 to index
          %parallel_loop3A_302 = arith.constant 112 : index
          %parallel_loop3A_303 = tpu.vector_load %arg21[%parallel_loop3A_301, %parallel_loop3A_302] {strides = array<i32>} : memref<40x128xf32, #tpu.memory_space<vmem>>, vector<1x16xf32>,
          %parallel_loop3A_304 = vector.shape_cast %parallel_loop3A_303 : vector<1x16xf32> to vector<16xf32>
          %parallel_loop3A_305 = vector.shape_cast %parallel_loop3A_300 : vector<16xf32> to vector<1x16xf32>
          tpu.vector_store %arg21[%parallel_loop3A_301, %parallel_loop3A_302], %parallel_loop3A_305 {strides = array<i32>} : memref<40x128xf32, #tpu.memory_space<vmem>>, vector<1x16xf32>,
        } {sc.loop_unroll_factor = 8 : i64, sc.parallel_access}
        %dma_start3A_123 = arith.constant 0 : i32
        %dma_start3A_124 = arith.constant 0 : i32
        %dma_start3A_125 = tpu.memref_slice %arg25[%dma_start3A_123, %dma_start3A_124] : memref<10112x128xf32, #tpu.memory_space<vmem_shared>> -> memref<10112x128xf32, #tpu.memory_space<vmem_shared>>
        tpu.enqueue_indirect_dma source(%arg21 : memref<40x128xf32, #tpu.memory_space<vmem>>) target(%dma_start3A_125 : memref<10112x128xf32, #tpu.memory_space<vmem_shared>>) offsets(%arg11 : memref<40xi32, #tpu.memory_space<vmem>>) semaphore(%arg36 : memref<!tpu.dma_semaphore, #tpu.memory_space<semaphore_mem>>) {add = true}
        %dma_start3A_126 = arith.constant 0 : i32
        %dma_start3A_127 = tpu.memref_slice %arg23[%dma_start3A_126] : memref<640xf32, #tpu.memory_space<vmem>> -> memref<40xf32, #tpu.memory_space<vmem>>
        %dma_start3A_128 = arith.constant 0 : i32
        %dma_start3A_129 = tpu.memref_slice %arg26[%dma_start3A_128] : memref<10112xf32, #tpu.memory_space<vmem_shared>> -> memref<10112xf32, #tpu.memory_space<vmem_shared>>
        tpu.enqueue_indirect_dma source(%dma_start3A_127 : memref<40xf32, #tpu.memory_space<vmem>>) target(%dma_start3A_129 : memref<10112xf32, #tpu.memory_space<vmem_shared>>) offsets(%arg11 : memref<40xi32, #tpu.memory_space<vmem>>) semaphore(%arg38 : memref<!tpu.dma_semaphore, #tpu.memory_space<semaphore_mem>>) {add = true}
        %add3A_130 = arith.constant 2 : i32
        %add3A_131 = arith.addi %add3A_84, %add3A_130 : i32
        %lt3A_132 = arith.constant 250 : i32
        %lt3A_133 = arith.cmpi slt, %add3A_131, %lt3A_132 : i32
        %convert_element_type3A_134 = arith.extui %lt3A_133 : i1 to i32
        %cond3A_135 = arith.constant 0 : i32
        %cond3A_136 = arith.cmpi ne, %convert_element_type3A_134, %cond3A_135 : i32
        scf.if %cond3A_136 {
          %add3A_137 = arith.constant 2 : i32
          %add3A_138 = arith.addi %add3A_84, %add3A_137 : i32
          %mul3A_139 = arith.constant 40 : i32
          %mul3A_140 = arith.muli %add3A_138, %mul3A_139 : i32
          %add3A_141 = arith.addi %mul3A_2, %mul3A_140 : i32
          %dma_start3A_142 = tpu.memref_slice %arg4[%add3A_141] : memref<320000xi32, #tpu.memory_space<hbm>> -> memref<40xi32, #tpu.memory_space<hbm>>
          %dma_start3A_143 = tpu.memref_slice %arg4[%add3A_141] : memref<320000xi32, #tpu.memory_space<hbm>> -> memref<40xi32, #tpu.memory_space<hbm>>
          tpu.enqueue_dma source(%dma_start3A_143 : memref<40xi32, #tpu.memory_space<hbm>>) target(%arg14 : memref<40xi32, #tpu.memory_space<vmem>>) target_semaphore(%arg34 : memref<!tpu.dma_semaphore, #tpu.memory_space<semaphore_mem>>)
          %mul3A_144 = arith.constant 40 : i32
          %mul3A_145 = arith.muli %add3A_138, %mul3A_144 : i32
          %add3A_146 = arith.addi %mul3A_2, %mul3A_145 : i32
          %dma_start3A_147 = tpu.memref_slice %arg5[%add3A_146] : memref<320000xi32, #tpu.memory_space<hbm>> -> memref<40xi32, #tpu.memory_space<hbm>>
          %dma_start3A_148 = tpu.memref_slice %arg5[%add3A_146] : memref<320000xi32, #tpu.memory_space<hbm>> -> memref<40xi32, #tpu.memory_space<hbm>>
          tpu.enqueue_dma source(%dma_start3A_148 : memref<40xi32, #tpu.memory_space<hbm>>) target(%arg15 : memref<40xi32, #tpu.memory_space<vmem>>) target_semaphore(%arg34 : memref<!tpu.dma_semaphore, #tpu.memory_space<semaphore_mem>>)
        } else {
        }
      } else {
      }
      %add3A_90 = arith.constant 2 : i32
      %add3A_91 = arith.addi %mul3A_80, %add3A_90 : i32
      %lt3A_92 = arith.constant 250 : i32
      %lt3A_93 = arith.cmpi slt, %add3A_91, %lt3A_92 : i32
      %convert_element_type3A_94 = arith.extui %lt3A_93 : i1 to i32
      %cond3A_95 = arith.constant 0 : i32
      %cond3A_96 = arith.cmpi ne, %convert_element_type3A_94, %cond3A_95 : i32
      scf.if %cond3A_96 {
        %add3A_104 = arith.constant 1 : i32
        %add3A_105 = arith.addi %add3A_91, %add3A_104 : i32
        %lt3A_106 = arith.constant 250 : i32
        %lt3A_107 = arith.cmpi slt, %add3A_105, %lt3A_106 : i32
        %convert_element_type3A_108 = arith.extui %lt3A_107 : i1 to i32
        %cond3A_109 = arith.constant 0 : i32
        %cond3A_110 = arith.cmpi ne, %convert_element_type3A_108, %cond3A_109 : i32
        scf.if %cond3A_110 {
          %add3A_137 = arith.constant 1 : i32
          %add3A_138 = arith.addi %add3A_91, %add3A_137 : i32
          %mul3A_139 = arith.constant 40 : i32
          %mul3A_140 = arith.muli %add3A_138, %mul3A_139 : i32
          %add3A_141 = arith.addi %mul3A_2, %mul3A_140 : i32
          %dma_wait3A_142 = tpu.memref_slice %arg4[%add3A_141] : memref<320000xi32, #tpu.memory_space<hbm>> -> memref<40xi32, #tpu.memory_space<hbm>>
          %dma_wait3A_143 = tpu.memref_slice %arg4[%add3A_141] : memref<320000xi32, #tpu.memory_space<hbm>> -> memref<40xi32, #tpu.memory_space<hbm>>
          tpu.wait_dma2 semaphore(%arg34 : memref<!tpu.dma_semaphore, #tpu.memory_space<semaphore_mem>>) src(%dma_wait3A_143 : memref<40xi32, #tpu.memory_space<hbm>>) dst(%arg14 : memref<40xi32, #tpu.memory_space<vmem>>)
          %mul3A_144 = arith.constant 40 : i32
          %mul3A_145 = arith.muli %add3A_138, %mul3A_144 : i32
          %add3A_146 = arith.addi %mul3A_2, %mul3A_145 : i32
          %dma_wait3A_147 = tpu.memref_slice %arg5[%add3A_146] : memref<320000xi32, #tpu.memory_space<hbm>> -> memref<40xi32, #tpu.memory_space<hbm>>
          %dma_wait3A_148 = tpu.memref_slice %arg5[%add3A_146] : memref<320000xi32, #tpu.memory_space<hbm>> -> memref<40xi32, #tpu.memory_space<hbm>>
          tpu.wait_dma2 semaphore(%arg34 : memref<!tpu.dma_semaphore, #tpu.memory_space<semaphore_mem>>) src(%dma_wait3A_148 : memref<40xi32, #tpu.memory_space<hbm>>) dst(%arg15 : memref<40xi32, #tpu.memory_space<vmem>>)
          %dma_start3A_149 = arith.constant 0 : i32
          %dma_start3A_150 = arith.constant 0 : i32
          %dma_start3A_151 = tpu.memref_slice %arg2[%dma_start3A_149, %dma_start3A_150] : memref<10000x128xf32, #tpu.memory_space<hbm>> -> memref<10000x128xf32, #tpu.memory_space<hbm>>
          tpu.enqueue_indirect_dma source(%dma_start3A_151 : memref<10000x128xf32, #tpu.memory_space<hbm>>) target(%arg18 : memref<40x128xf32, #tpu.memory_space<vmem>>) offsets(%arg15 : memref<40xi32, #tpu.memory_space<vmem>>) semaphore(%arg29 : memref<!tpu.dma_semaphore, #tpu.memory_space<semaphore_mem>>)
          %dma_start3A_152 = arith.constant 0 : i32
          %dma_start3A_153 = arith.constant 0 : i32
          %dma_start3A_154 = tpu.memref_slice %arg3[%dma_start3A_152, %dma_start3A_153] : memref<10000x128xf32, #tpu.memory_space<hbm>> -> memref<10000x128xf32, #tpu.memory_space<hbm>>
          tpu.enqueue_indirect_dma source(%dma_start3A_154 : memref<10000x128xf32, #tpu.memory_space<hbm>>) target(%arg19 : memref<40x128xf32, #tpu.memory_space<vmem>>) offsets(%arg14 : memref<40xi32, #tpu.memory_space<vmem>>) semaphore(%arg30 : memref<!tpu.dma_semaphore, #tpu.memory_space<semaphore_mem>>)
        } else {
        }
        %dma_wait3A_111 = arith.constant 0 : i32
        %dma_wait3A_112 = arith.constant 0 : i32
        %dma_wait3A_113 = tpu.memref_slice %arg2[%dma_wait3A_111, %dma_wait3A_112] : memref<10000x128xf32, #tpu.memory_space<hbm>> -> memref<10000x128xf32, #tpu.memory_space<hbm>>
        tpu.wait_indirect_dma semaphore(%arg27 : memref<!tpu.dma_semaphore, #tpu.memory_space<semaphore_mem>>) src(%dma_wait3A_113 : memref<10000x128xf32, #tpu.memory_space<hbm>>) dst(%arg16 : memref<40x128xf32, #tpu.memory_space<vmem>>)
        %dma_wait3A_114 = arith.constant 0 : i32
        %dma_wait3A_115 = arith.constant 0 : i32
        %dma_wait3A_116 = tpu.memref_slice %arg3[%dma_wait3A_114, %dma_wait3A_115] : memref<10000x128xf32, #tpu.memory_space<hbm>> -> memref<10000x128xf32, #tpu.memory_space<hbm>>
        tpu.wait_indirect_dma semaphore(%arg28 : memref<!tpu.dma_semaphore, #tpu.memory_space<semaphore_mem>>) src(%dma_wait3A_116 : memref<10000x128xf32, #tpu.memory_space<hbm>>) dst(%arg17 : memref<40x128xf32, #tpu.memory_space<vmem>>)
        %ge3A = arith.constant 2 : i32
        %ge3A_117 = arith.cmpi sge, %add3A_91, %ge3A : i32
        %convert_element_type3A_118 = arith.extui %ge3A_117 : i1 to i32
        %cond3A_119 = arith.constant 0 : i32
        %cond3A_120 = arith.cmpi ne, %convert_element_type3A_118, %cond3A_119 : i32
        scf.if %cond3A_120 {
          %dma_wait3A_137 = arith.constant 0 : i32
          %dma_wait3A_138 = arith.constant 0 : i32
          %dma_wait3A_139 = tpu.memref_slice %arg25[%dma_wait3A_137, %dma_wait3A_138] : memref<10112x128xf32, #tpu.memory_space<vmem_shared>> -> memref<10112x128xf32, #tpu.memory_space<vmem_shared>>
          tpu.wait_indirect_dma semaphore(%arg35 : memref<!tpu.dma_semaphore, #tpu.memory_space<semaphore_mem>>) src(%arg20 : memref<40x128xf32, #tpu.memory_space<vmem>>) dst(%dma_wait3A_139 : memref<10112x128xf32, #tpu.memory_space<vmem_shared>>)
          %dma_wait3A_140 = arith.constant 0 : i32
          %dma_wait3A_141 = tpu.memref_slice %arg23[%dma_wait3A_140] : memref<640xf32, #tpu.memory_space<vmem>> -> memref<40xf32, #tpu.memory_space<vmem>>
          %dma_wait3A_142 = arith.constant 0 : i32
          %dma_wait3A_143 = tpu.memref_slice %arg26[%dma_wait3A_142] : memref<10112xf32, #tpu.memory_space<vmem_shared>> -> memref<10112xf32, #tpu.memory_space<vmem_shared>>
          tpu.wait_indirect_dma semaphore(%arg37 : memref<!tpu.dma_semaphore, #tpu.memory_space<semaphore_mem>>) src(%dma_wait3A_141 : memref<40xf32, #tpu.memory_space<vmem>>) dst(%dma_wait3A_143 : memref<10112xf32, #tpu.memory_space<vmem_shared>>)
        } else {
        }
        %parallel_loop3A = arith.constant 0 : i32
        %parallel_loop3A_121 = arith.constant 40 : i32
        %parallel_loop3A_122 = arith.constant 1 : i32
        scf.for %parallel_loop3A_137 = %parallel_loop3A to %parallel_loop3A_121 step %parallel_loop3A_122  : i32 {
          %parallel_loop3A_138 = arith.index_cast %parallel_loop3A_137 : i32 to index
          %parallel_loop3A_139 = arith.constant 0 : index
          %parallel_loop3A_140 = tpu.vector_load %arg16[%parallel_loop3A_138, %parallel_loop3A_139] {strides = array<i32>} : memref<40x128xf32, #tpu.memory_space<vmem>>, vector<1x16xf32>,
          %parallel_loop3A_141 = vector.shape_cast %parallel_loop3A_140 : vector<1x16xf32> to vector<16xf32>
          %parallel_loop3A_142 = arith.index_cast %parallel_loop3A_137 : i32 to index
          %parallel_loop3A_143 = arith.constant 0 : index
          %parallel_loop3A_144 = tpu.vector_load %arg17[%parallel_loop3A_142, %parallel_loop3A_143] {strides = array<i32>} : memref<40x128xf32, #tpu.memory_space<vmem>>, vector<1x16xf32>,
          %parallel_loop3A_145 = vector.shape_cast %parallel_loop3A_144 : vector<1x16xf32> to vector<16xf32>
          %parallel_loop3A_146 = arith.addf %parallel_loop3A_141, %parallel_loop3A_145 : vector<16xf32>
          %parallel_loop3A_147 = arith.constant 0.000000e+00 : f32
          %parallel_loop3A_148 = vector.broadcast %parallel_loop3A_147 : f32 to vector<16xf32>
          %parallel_loop3A_149 = arith.cmpf oge, %parallel_loop3A_146, %parallel_loop3A_148 : vector<16xf32>
          %parallel_loop3A_150 = arith.constant 3.000000e-01 : f32
          %parallel_loop3A_151 = vector.broadcast %parallel_loop3A_150 : f32 to vector<16xf32>
          %parallel_loop3A_152 = arith.mulf %parallel_loop3A_151, %parallel_loop3A_146 : vector<16xf32>
          %parallel_loop3A_153 = arith.select %parallel_loop3A_149, %parallel_loop3A_146, %parallel_loop3A_152 : vector<16xi1>, vector<16xf32>
          %parallel_loop3A_154 = arith.index_cast %parallel_loop3A_137 : i32 to index
          %parallel_loop3A_155 = arith.constant 0 : index
          %parallel_loop3A_156 = tpu.vector_load %arg20[%parallel_loop3A_154, %parallel_loop3A_155] {strides = array<i32>} : memref<40x128xf32, #tpu.memory_space<vmem>>, vector<1x16xf32>,
          %parallel_loop3A_157 = vector.shape_cast %parallel_loop3A_156 : vector<1x16xf32> to vector<16xf32>
          %parallel_loop3A_158 = vector.shape_cast %parallel_loop3A_153 : vector<16xf32> to vector<1x16xf32>
          tpu.vector_store %arg20[%parallel_loop3A_154, %parallel_loop3A_155], %parallel_loop3A_158 {strides = array<i32>} : memref<40x128xf32, #tpu.memory_space<vmem>>, vector<1x16xf32>,
          %parallel_loop3A_159 = arith.index_cast %parallel_loop3A_137 : i32 to index
          %parallel_loop3A_160 = arith.constant 16 : index
          %parallel_loop3A_161 = tpu.vector_load %arg16[%parallel_loop3A_159, %parallel_loop3A_160] {strides = array<i32>} : memref<40x128xf32, #tpu.memory_space<vmem>>, vector<1x16xf32>,
          %parallel_loop3A_162 = vector.shape_cast %parallel_loop3A_161 : vector<1x16xf32> to vector<16xf32>
          %parallel_loop3A_163 = arith.index_cast %parallel_loop3A_137 : i32 to index
          %parallel_loop3A_164 = arith.constant 16 : index
          %parallel_loop3A_165 = tpu.vector_load %arg17[%parallel_loop3A_163, %parallel_loop3A_164] {strides = array<i32>} : memref<40x128xf32, #tpu.memory_space<vmem>>, vector<1x16xf32>,
          %parallel_loop3A_166 = vector.shape_cast %parallel_loop3A_165 : vector<1x16xf32> to vector<16xf32>
          %parallel_loop3A_167 = arith.addf %parallel_loop3A_162, %parallel_loop3A_166 : vector<16xf32>
          %parallel_loop3A_168 = arith.constant 0.000000e+00 : f32
          %parallel_loop3A_169 = vector.broadcast %parallel_loop3A_168 : f32 to vector<16xf32>
          %parallel_loop3A_170 = arith.cmpf oge, %parallel_loop3A_167, %parallel_loop3A_169 : vector<16xf32>
          %parallel_loop3A_171 = arith.constant 3.000000e-01 : f32
          %parallel_loop3A_172 = vector.broadcast %parallel_loop3A_171 : f32 to vector<16xf32>
          %parallel_loop3A_173 = arith.mulf %parallel_loop3A_172, %parallel_loop3A_167 : vector<16xf32>
          %parallel_loop3A_174 = arith.select %parallel_loop3A_170, %parallel_loop3A_167, %parallel_loop3A_173 : vector<16xi1>, vector<16xf32>
          %parallel_loop3A_175 = arith.index_cast %parallel_loop3A_137 : i32 to index
          %parallel_loop3A_176 = arith.constant 16 : index
          %parallel_loop3A_177 = tpu.vector_load %arg20[%parallel_loop3A_175, %parallel_loop3A_176] {strides = array<i32>} : memref<40x128xf32, #tpu.memory_space<vmem>>, vector<1x16xf32>,
          %parallel_loop3A_178 = vector.shape_cast %parallel_loop3A_177 : vector<1x16xf32> to vector<16xf32>
          %parallel_loop3A_179 = vector.shape_cast %parallel_loop3A_174 : vector<16xf32> to vector<1x16xf32>
          tpu.vector_store %arg20[%parallel_loop3A_175, %parallel_loop3A_176], %parallel_loop3A_179 {strides = array<i32>} : memref<40x128xf32, #tpu.memory_space<vmem>>, vector<1x16xf32>,
          %parallel_loop3A_180 = arith.index_cast %parallel_loop3A_137 : i32 to index
          %parallel_loop3A_181 = arith.constant 32 : index
          %parallel_loop3A_182 = tpu.vector_load %arg16[%parallel_loop3A_180, %parallel_loop3A_181] {strides = array<i32>} : memref<40x128xf32, #tpu.memory_space<vmem>>, vector<1x16xf32>,
          %parallel_loop3A_183 = vector.shape_cast %parallel_loop3A_182 : vector<1x16xf32> to vector<16xf32>
          %parallel_loop3A_184 = arith.index_cast %parallel_loop3A_137 : i32 to index
          %parallel_loop3A_185 = arith.constant 32 : index
          %parallel_loop3A_186 = tpu.vector_load %arg17[%parallel_loop3A_184, %parallel_loop3A_185] {strides = array<i32>} : memref<40x128xf32, #tpu.memory_space<vmem>>, vector<1x16xf32>,
          %parallel_loop3A_187 = vector.shape_cast %parallel_loop3A_186 : vector<1x16xf32> to vector<16xf32>
          %parallel_loop3A_188 = arith.addf %parallel_loop3A_183, %parallel_loop3A_187 : vector<16xf32>
          %parallel_loop3A_189 = arith.constant 0.000000e+00 : f32
          %parallel_loop3A_190 = vector.broadcast %parallel_loop3A_189 : f32 to vector<16xf32>
          %parallel_loop3A_191 = arith.cmpf oge, %parallel_loop3A_188, %parallel_loop3A_190 : vector<16xf32>
          %parallel_loop3A_192 = arith.constant 3.000000e-01 : f32
          %parallel_loop3A_193 = vector.broadcast %parallel_loop3A_192 : f32 to vector<16xf32>
          %parallel_loop3A_194 = arith.mulf %parallel_loop3A_193, %parallel_loop3A_188 : vector<16xf32>
          %parallel_loop3A_195 = arith.select %parallel_loop3A_191, %parallel_loop3A_188, %parallel_loop3A_194 : vector<16xi1>, vector<16xf32>
          %parallel_loop3A_196 = arith.index_cast %parallel_loop3A_137 : i32 to index
          %parallel_loop3A_197 = arith.constant 32 : index
          %parallel_loop3A_198 = tpu.vector_load %arg20[%parallel_loop3A_196, %parallel_loop3A_197] {strides = array<i32>} : memref<40x128xf32, #tpu.memory_space<vmem>>, vector<1x16xf32>,
          %parallel_loop3A_199 = vector.shape_cast %parallel_loop3A_198 : vector<1x16xf32> to vector<16xf32>
          %parallel_loop3A_200 = vector.shape_cast %parallel_loop3A_195 : vector<16xf32> to vector<1x16xf32>
          tpu.vector_store %arg20[%parallel_loop3A_196, %parallel_loop3A_197], %parallel_loop3A_200 {strides = array<i32>} : memref<40x128xf32, #tpu.memory_space<vmem>>, vector<1x16xf32>,
          %parallel_loop3A_201 = arith.index_cast %parallel_loop3A_137 : i32 to index
          %parallel_loop3A_202 = arith.constant 48 : index
          %parallel_loop3A_203 = tpu.vector_load %arg16[%parallel_loop3A_201, %parallel_loop3A_202] {strides = array<i32>} : memref<40x128xf32, #tpu.memory_space<vmem>>, vector<1x16xf32>,
          %parallel_loop3A_204 = vector.shape_cast %parallel_loop3A_203 : vector<1x16xf32> to vector<16xf32>
          %parallel_loop3A_205 = arith.index_cast %parallel_loop3A_137 : i32 to index
          %parallel_loop3A_206 = arith.constant 48 : index
          %parallel_loop3A_207 = tpu.vector_load %arg17[%parallel_loop3A_205, %parallel_loop3A_206] {strides = array<i32>} : memref<40x128xf32, #tpu.memory_space<vmem>>, vector<1x16xf32>,
          %parallel_loop3A_208 = vector.shape_cast %parallel_loop3A_207 : vector<1x16xf32> to vector<16xf32>
          %parallel_loop3A_209 = arith.addf %parallel_loop3A_204, %parallel_loop3A_208 : vector<16xf32>
          %parallel_loop3A_210 = arith.constant 0.000000e+00 : f32
          %parallel_loop3A_211 = vector.broadcast %parallel_loop3A_210 : f32 to vector<16xf32>
          %parallel_loop3A_212 = arith.cmpf oge, %parallel_loop3A_209, %parallel_loop3A_211 : vector<16xf32>
          %parallel_loop3A_213 = arith.constant 3.000000e-01 : f32
          %parallel_loop3A_214 = vector.broadcast %parallel_loop3A_213 : f32 to vector<16xf32>
          %parallel_loop3A_215 = arith.mulf %parallel_loop3A_214, %parallel_loop3A_209 : vector<16xf32>
          %parallel_loop3A_216 = arith.select %parallel_loop3A_212, %parallel_loop3A_209, %parallel_loop3A_215 : vector<16xi1>, vector<16xf32>
          %parallel_loop3A_217 = arith.index_cast %parallel_loop3A_137 : i32 to index
          %parallel_loop3A_218 = arith.constant 48 : index
          %parallel_loop3A_219 = tpu.vector_load %arg20[%parallel_loop3A_217, %parallel_loop3A_218] {strides = array<i32>} : memref<40x128xf32, #tpu.memory_space<vmem>>, vector<1x16xf32>,
          %parallel_loop3A_220 = vector.shape_cast %parallel_loop3A_219 : vector<1x16xf32> to vector<16xf32>
          %parallel_loop3A_221 = vector.shape_cast %parallel_loop3A_216 : vector<16xf32> to vector<1x16xf32>
          tpu.vector_store %arg20[%parallel_loop3A_217, %parallel_loop3A_218], %parallel_loop3A_221 {strides = array<i32>} : memref<40x128xf32, #tpu.memory_space<vmem>>, vector<1x16xf32>,
          %parallel_loop3A_222 = arith.index_cast %parallel_loop3A_137 : i32 to index
          %parallel_loop3A_223 = arith.constant 64 : index
          %parallel_loop3A_224 = tpu.vector_load %arg16[%parallel_loop3A_222, %parallel_loop3A_223] {strides = array<i32>} : memref<40x128xf32, #tpu.memory_space<vmem>>, vector<1x16xf32>,
          %parallel_loop3A_225 = vector.shape_cast %parallel_loop3A_224 : vector<1x16xf32> to vector<16xf32>
          %parallel_loop3A_226 = arith.index_cast %parallel_loop3A_137 : i32 to index
          %parallel_loop3A_227 = arith.constant 64 : index
          %parallel_loop3A_228 = tpu.vector_load %arg17[%parallel_loop3A_226, %parallel_loop3A_227] {strides = array<i32>} : memref<40x128xf32, #tpu.memory_space<vmem>>, vector<1x16xf32>,
          %parallel_loop3A_229 = vector.shape_cast %parallel_loop3A_228 : vector<1x16xf32> to vector<16xf32>
          %parallel_loop3A_230 = arith.addf %parallel_loop3A_225, %parallel_loop3A_229 : vector<16xf32>
          %parallel_loop3A_231 = arith.constant 0.000000e+00 : f32
          %parallel_loop3A_232 = vector.broadcast %parallel_loop3A_231 : f32 to vector<16xf32>
          %parallel_loop3A_233 = arith.cmpf oge, %parallel_loop3A_230, %parallel_loop3A_232 : vector<16xf32>
          %parallel_loop3A_234 = arith.constant 3.000000e-01 : f32
          %parallel_loop3A_235 = vector.broadcast %parallel_loop3A_234 : f32 to vector<16xf32>
          %parallel_loop3A_236 = arith.mulf %parallel_loop3A_235, %parallel_loop3A_230 : vector<16xf32>
          %parallel_loop3A_237 = arith.select %parallel_loop3A_233, %parallel_loop3A_230, %parallel_loop3A_236 : vector<16xi1>, vector<16xf32>
          %parallel_loop3A_238 = arith.index_cast %parallel_loop3A_137 : i32 to index
          %parallel_loop3A_239 = arith.constant 64 : index
          %parallel_loop3A_240 = tpu.vector_load %arg20[%parallel_loop3A_238, %parallel_loop3A_239] {strides = array<i32>} : memref<40x128xf32, #tpu.memory_space<vmem>>, vector<1x16xf32>,
          %parallel_loop3A_241 = vector.shape_cast %parallel_loop3A_240 : vector<1x16xf32> to vector<16xf32>
          %parallel_loop3A_242 = vector.shape_cast %parallel_loop3A_237 : vector<16xf32> to vector<1x16xf32>
          tpu.vector_store %arg20[%parallel_loop3A_238, %parallel_loop3A_239], %parallel_loop3A_242 {strides = array<i32>} : memref<40x128xf32, #tpu.memory_space<vmem>>, vector<1x16xf32>,
          %parallel_loop3A_243 = arith.index_cast %parallel_loop3A_137 : i32 to index
          %parallel_loop3A_244 = arith.constant 80 : index
          %parallel_loop3A_245 = tpu.vector_load %arg16[%parallel_loop3A_243, %parallel_loop3A_244] {strides = array<i32>} : memref<40x128xf32, #tpu.memory_space<vmem>>, vector<1x16xf32>,
          %parallel_loop3A_246 = vector.shape_cast %parallel_loop3A_245 : vector<1x16xf32> to vector<16xf32>
          %parallel_loop3A_247 = arith.index_cast %parallel_loop3A_137 : i32 to index
          %parallel_loop3A_248 = arith.constant 80 : index
          %parallel_loop3A_249 = tpu.vector_load %arg17[%parallel_loop3A_247, %parallel_loop3A_248] {strides = array<i32>} : memref<40x128xf32, #tpu.memory_space<vmem>>, vector<1x16xf32>,
          %parallel_loop3A_250 = vector.shape_cast %parallel_loop3A_249 : vector<1x16xf32> to vector<16xf32>
          %parallel_loop3A_251 = arith.addf %parallel_loop3A_246, %parallel_loop3A_250 : vector<16xf32>
          %parallel_loop3A_252 = arith.constant 0.000000e+00 : f32
          %parallel_loop3A_253 = vector.broadcast %parallel_loop3A_252 : f32 to vector<16xf32>
          %parallel_loop3A_254 = arith.cmpf oge, %parallel_loop3A_251, %parallel_loop3A_253 : vector<16xf32>
          %parallel_loop3A_255 = arith.constant 3.000000e-01 : f32
          %parallel_loop3A_256 = vector.broadcast %parallel_loop3A_255 : f32 to vector<16xf32>
          %parallel_loop3A_257 = arith.mulf %parallel_loop3A_256, %parallel_loop3A_251 : vector<16xf32>
          %parallel_loop3A_258 = arith.select %parallel_loop3A_254, %parallel_loop3A_251, %parallel_loop3A_257 : vector<16xi1>, vector<16xf32>
          %parallel_loop3A_259 = arith.index_cast %parallel_loop3A_137 : i32 to index
          %parallel_loop3A_260 = arith.constant 80 : index
          %parallel_loop3A_261 = tpu.vector_load %arg20[%parallel_loop3A_259, %parallel_loop3A_260] {strides = array<i32>} : memref<40x128xf32, #tpu.memory_space<vmem>>, vector<1x16xf32>,
          %parallel_loop3A_262 = vector.shape_cast %parallel_loop3A_261 : vector<1x16xf32> to vector<16xf32>
          %parallel_loop3A_263 = vector.shape_cast %parallel_loop3A_258 : vector<16xf32> to vector<1x16xf32>
          tpu.vector_store %arg20[%parallel_loop3A_259, %parallel_loop3A_260], %parallel_loop3A_263 {strides = array<i32>} : memref<40x128xf32, #tpu.memory_space<vmem>>, vector<1x16xf32>,
          %parallel_loop3A_264 = arith.index_cast %parallel_loop3A_137 : i32 to index
          %parallel_loop3A_265 = arith.constant 96 : index
          %parallel_loop3A_266 = tpu.vector_load %arg16[%parallel_loop3A_264, %parallel_loop3A_265] {strides = array<i32>} : memref<40x128xf32, #tpu.memory_space<vmem>>, vector<1x16xf32>,
          %parallel_loop3A_267 = vector.shape_cast %parallel_loop3A_266 : vector<1x16xf32> to vector<16xf32>
          %parallel_loop3A_268 = arith.index_cast %parallel_loop3A_137 : i32 to index
          %parallel_loop3A_269 = arith.constant 96 : index
          %parallel_loop3A_270 = tpu.vector_load %arg17[%parallel_loop3A_268, %parallel_loop3A_269] {strides = array<i32>} : memref<40x128xf32, #tpu.memory_space<vmem>>, vector<1x16xf32>,
          %parallel_loop3A_271 = vector.shape_cast %parallel_loop3A_270 : vector<1x16xf32> to vector<16xf32>
          %parallel_loop3A_272 = arith.addf %parallel_loop3A_267, %parallel_loop3A_271 : vector<16xf32>
          %parallel_loop3A_273 = arith.constant 0.000000e+00 : f32
          %parallel_loop3A_274 = vector.broadcast %parallel_loop3A_273 : f32 to vector<16xf32>
          %parallel_loop3A_275 = arith.cmpf oge, %parallel_loop3A_272, %parallel_loop3A_274 : vector<16xf32>
          %parallel_loop3A_276 = arith.constant 3.000000e-01 : f32
          %parallel_loop3A_277 = vector.broadcast %parallel_loop3A_276 : f32 to vector<16xf32>
          %parallel_loop3A_278 = arith.mulf %parallel_loop3A_277, %parallel_loop3A_272 : vector<16xf32>
          %parallel_loop3A_279 = arith.select %parallel_loop3A_275, %parallel_loop3A_272, %parallel_loop3A_278 : vector<16xi1>, vector<16xf32>
          %parallel_loop3A_280 = arith.index_cast %parallel_loop3A_137 : i32 to index
          %parallel_loop3A_281 = arith.constant 96 : index
          %parallel_loop3A_282 = tpu.vector_load %arg20[%parallel_loop3A_280, %parallel_loop3A_281] {strides = array<i32>} : memref<40x128xf32, #tpu.memory_space<vmem>>, vector<1x16xf32>,
          %parallel_loop3A_283 = vector.shape_cast %parallel_loop3A_282 : vector<1x16xf32> to vector<16xf32>
          %parallel_loop3A_284 = vector.shape_cast %parallel_loop3A_279 : vector<16xf32> to vector<1x16xf32>
          tpu.vector_store %arg20[%parallel_loop3A_280, %parallel_loop3A_281], %parallel_loop3A_284 {strides = array<i32>} : memref<40x128xf32, #tpu.memory_space<vmem>>, vector<1x16xf32>,
          %parallel_loop3A_285 = arith.index_cast %parallel_loop3A_137 : i32 to index
          %parallel_loop3A_286 = arith.constant 112 : index
          %parallel_loop3A_287 = tpu.vector_load %arg16[%parallel_loop3A_285, %parallel_loop3A_286] {strides = array<i32>} : memref<40x128xf32, #tpu.memory_space<vmem>>, vector<1x16xf32>,
          %parallel_loop3A_288 = vector.shape_cast %parallel_loop3A_287 : vector<1x16xf32> to vector<16xf32>
          %parallel_loop3A_289 = arith.index_cast %parallel_loop3A_137 : i32 to index
          %parallel_loop3A_290 = arith.constant 112 : index
          %parallel_loop3A_291 = tpu.vector_load %arg17[%parallel_loop3A_289, %parallel_loop3A_290] {strides = array<i32>} : memref<40x128xf32, #tpu.memory_space<vmem>>, vector<1x16xf32>,
          %parallel_loop3A_292 = vector.shape_cast %parallel_loop3A_291 : vector<1x16xf32> to vector<16xf32>
          %parallel_loop3A_293 = arith.addf %parallel_loop3A_288, %parallel_loop3A_292 : vector<16xf32>
          %parallel_loop3A_294 = arith.constant 0.000000e+00 : f32
          %parallel_loop3A_295 = vector.broadcast %parallel_loop3A_294 : f32 to vector<16xf32>
          %parallel_loop3A_296 = arith.cmpf oge, %parallel_loop3A_293, %parallel_loop3A_295 : vector<16xf32>
          %parallel_loop3A_297 = arith.constant 3.000000e-01 : f32
          %parallel_loop3A_298 = vector.broadcast %parallel_loop3A_297 : f32 to vector<16xf32>
          %parallel_loop3A_299 = arith.mulf %parallel_loop3A_298, %parallel_loop3A_293 : vector<16xf32>
          %parallel_loop3A_300 = arith.select %parallel_loop3A_296, %parallel_loop3A_293, %parallel_loop3A_299 : vector<16xi1>, vector<16xf32>
          %parallel_loop3A_301 = arith.index_cast %parallel_loop3A_137 : i32 to index
          %parallel_loop3A_302 = arith.constant 112 : index
          %parallel_loop3A_303 = tpu.vector_load %arg20[%parallel_loop3A_301, %parallel_loop3A_302] {strides = array<i32>} : memref<40x128xf32, #tpu.memory_space<vmem>>, vector<1x16xf32>,
          %parallel_loop3A_304 = vector.shape_cast %parallel_loop3A_303 : vector<1x16xf32> to vector<16xf32>
          %parallel_loop3A_305 = vector.shape_cast %parallel_loop3A_300 : vector<16xf32> to vector<1x16xf32>
          tpu.vector_store %arg20[%parallel_loop3A_301, %parallel_loop3A_302], %parallel_loop3A_305 {strides = array<i32>} : memref<40x128xf32, #tpu.memory_space<vmem>>, vector<1x16xf32>,
        } {sc.loop_unroll_factor = 8 : i64, sc.parallel_access}
        %dma_start3A_123 = arith.constant 0 : i32
        %dma_start3A_124 = arith.constant 0 : i32
        %dma_start3A_125 = tpu.memref_slice %arg25[%dma_start3A_123, %dma_start3A_124] : memref<10112x128xf32, #tpu.memory_space<vmem_shared>> -> memref<10112x128xf32, #tpu.memory_space<vmem_shared>>
        tpu.enqueue_indirect_dma source(%arg20 : memref<40x128xf32, #tpu.memory_space<vmem>>) target(%dma_start3A_125 : memref<10112x128xf32, #tpu.memory_space<vmem_shared>>) offsets(%arg13 : memref<40xi32, #tpu.memory_space<vmem>>) semaphore(%arg35 : memref<!tpu.dma_semaphore, #tpu.memory_space<semaphore_mem>>) {add = true}
        %dma_start3A_126 = arith.constant 0 : i32
        %dma_start3A_127 = tpu.memref_slice %arg23[%dma_start3A_126] : memref<640xf32, #tpu.memory_space<vmem>> -> memref<40xf32, #tpu.memory_space<vmem>>
        %dma_start3A_128 = arith.constant 0 : i32
        %dma_start3A_129 = tpu.memref_slice %arg26[%dma_start3A_128] : memref<10112xf32, #tpu.memory_space<vmem_shared>> -> memref<10112xf32, #tpu.memory_space<vmem_shared>>
        tpu.enqueue_indirect_dma source(%dma_start3A_127 : memref<40xf32, #tpu.memory_space<vmem>>) target(%dma_start3A_129 : memref<10112xf32, #tpu.memory_space<vmem_shared>>) offsets(%arg13 : memref<40xi32, #tpu.memory_space<vmem>>) semaphore(%arg37 : memref<!tpu.dma_semaphore, #tpu.memory_space<semaphore_mem>>) {add = true}
        %add3A_130 = arith.constant 2 : i32
        %add3A_131 = arith.addi %add3A_91, %add3A_130 : i32
        %lt3A_132 = arith.constant 250 : i32
        %lt3A_133 = arith.cmpi slt, %add3A_131, %lt3A_132 : i32
        %convert_element_type3A_134 = arith.extui %lt3A_133 : i1 to i32
        %cond3A_135 = arith.constant 0 : i32
        %cond3A_136 = arith.cmpi ne, %convert_element_type3A_134, %cond3A_135 : i32
        scf.if %cond3A_136 {
          %add3A_137 = arith.constant 2 : i32
          %add3A_138 = arith.addi %add3A_91, %add3A_137 : i32
          %mul3A_139 = arith.constant 40 : i32
          %mul3A_140 = arith.muli %add3A_138, %mul3A_139 : i32
          %add3A_141 = arith.addi %mul3A_2, %mul3A_140 : i32
          %dma_start3A_142 = tpu.memref_slice %arg4[%add3A_141] : memref<320000xi32, #tpu.memory_space<hbm>> -> memref<40xi32, #tpu.memory_space<hbm>>
          %dma_start3A_143 = tpu.memref_slice %arg4[%add3A_141] : memref<320000xi32, #tpu.memory_space<hbm>> -> memref<40xi32, #tpu.memory_space<hbm>>
          tpu.enqueue_dma source(%dma_start3A_143 : memref<40xi32, #tpu.memory_space<hbm>>) target(%arg8 : memref<40xi32, #tpu.memory_space<vmem>>) target_semaphore(%arg31 : memref<!tpu.dma_semaphore, #tpu.memory_space<semaphore_mem>>)
          %mul3A_144 = arith.constant 40 : i32
          %mul3A_145 = arith.muli %add3A_138, %mul3A_144 : i32
          %add3A_146 = arith.addi %mul3A_2, %mul3A_145 : i32
          %dma_start3A_147 = tpu.memref_slice %arg5[%add3A_146] : memref<320000xi32, #tpu.memory_space<hbm>> -> memref<40xi32, #tpu.memory_space<hbm>>
          %dma_start3A_148 = tpu.memref_slice %arg5[%add3A_146] : memref<320000xi32, #tpu.memory_space<hbm>> -> memref<40xi32, #tpu.memory_space<hbm>>
          tpu.enqueue_dma source(%dma_start3A_148 : memref<40xi32, #tpu.memory_space<hbm>>) target(%arg9 : memref<40xi32, #tpu.memory_space<vmem>>) target_semaphore(%arg31 : memref<!tpu.dma_semaphore, #tpu.memory_space<semaphore_mem>>)
        } else {
        }
      } else {
      }
      %add3A_97 = arith.constant 3 : i32
      %add3A_98 = arith.addi %mul3A_80, %add3A_97 : i32
      %lt3A_99 = arith.constant 250 : i32
      %lt3A_100 = arith.cmpi slt, %add3A_98, %lt3A_99 : i32
      %convert_element_type3A_101 = arith.extui %lt3A_100 : i1 to i32
      %cond3A_102 = arith.constant 0 : i32
      %cond3A_103 = arith.cmpi ne, %convert_element_type3A_101, %cond3A_102 : i32
      scf.if %cond3A_103 {
        %add3A_104 = arith.constant 1 : i32
        %add3A_105 = arith.addi %add3A_98, %add3A_104 : i32
        %lt3A_106 = arith.constant 250 : i32
        %lt3A_107 = arith.cmpi slt, %add3A_105, %lt3A_106 : i32
        %convert_element_type3A_108 = arith.extui %lt3A_107 : i1 to i32
        %cond3A_109 = arith.constant 0 : i32
        %cond3A_110 = arith.cmpi ne, %convert_element_type3A_108, %cond3A_109 : i32
        scf.if %cond3A_110 {
          %add3A_137 = arith.constant 1 : i32
          %add3A_138 = arith.addi %add3A_98, %add3A_137 : i32
          %mul3A_139 = arith.constant 40 : i32
          %mul3A_140 = arith.muli %add3A_138, %mul3A_139 : i32
          %add3A_141 = arith.addi %mul3A_2, %mul3A_140 : i32
          %dma_wait3A_142 = tpu.memref_slice %arg4[%add3A_141] : memref<320000xi32, #tpu.memory_space<hbm>> -> memref<40xi32, #tpu.memory_space<hbm>>
          %dma_wait3A_143 = tpu.memref_slice %arg4[%add3A_141] : memref<320000xi32, #tpu.memory_space<hbm>> -> memref<40xi32, #tpu.memory_space<hbm>>
          tpu.wait_dma2 semaphore(%arg31 : memref<!tpu.dma_semaphore, #tpu.memory_space<semaphore_mem>>) src(%dma_wait3A_143 : memref<40xi32, #tpu.memory_space<hbm>>) dst(%arg8 : memref<40xi32, #tpu.memory_space<vmem>>)
          %mul3A_144 = arith.constant 40 : i32
          %mul3A_145 = arith.muli %add3A_138, %mul3A_144 : i32
          %add3A_146 = arith.addi %mul3A_2, %mul3A_145 : i32
          %dma_wait3A_147 = tpu.memref_slice %arg5[%add3A_146] : memref<320000xi32, #tpu.memory_space<hbm>> -> memref<40xi32, #tpu.memory_space<hbm>>
          %dma_wait3A_148 = tpu.memref_slice %arg5[%add3A_146] : memref<320000xi32, #tpu.memory_space<hbm>> -> memref<40xi32, #tpu.memory_space<hbm>>
          tpu.wait_dma2 semaphore(%arg31 : memref<!tpu.dma_semaphore, #tpu.memory_space<semaphore_mem>>) src(%dma_wait3A_148 : memref<40xi32, #tpu.memory_space<hbm>>) dst(%arg9 : memref<40xi32, #tpu.memory_space<vmem>>)
          %dma_start3A_149 = arith.constant 0 : i32
          %dma_start3A_150 = arith.constant 0 : i32
          %dma_start3A_151 = tpu.memref_slice %arg2[%dma_start3A_149, %dma_start3A_150] : memref<10000x128xf32, #tpu.memory_space<hbm>> -> memref<10000x128xf32, #tpu.memory_space<hbm>>
          tpu.enqueue_indirect_dma source(%dma_start3A_151 : memref<10000x128xf32, #tpu.memory_space<hbm>>) target(%arg16 : memref<40x128xf32, #tpu.memory_space<vmem>>) offsets(%arg9 : memref<40xi32, #tpu.memory_space<vmem>>) semaphore(%arg27 : memref<!tpu.dma_semaphore, #tpu.memory_space<semaphore_mem>>)
          %dma_start3A_152 = arith.constant 0 : i32
          %dma_start3A_153 = arith.constant 0 : i32
          %dma_start3A_154 = tpu.memref_slice %arg3[%dma_start3A_152, %dma_start3A_153] : memref<10000x128xf32, #tpu.memory_space<hbm>> -> memref<10000x128xf32, #tpu.memory_space<hbm>>
          tpu.enqueue_indirect_dma source(%dma_start3A_154 : memref<10000x128xf32, #tpu.memory_space<hbm>>) target(%arg17 : memref<40x128xf32, #tpu.memory_space<vmem>>) offsets(%arg8 : memref<40xi32, #tpu.memory_space<vmem>>) semaphore(%arg28 : memref<!tpu.dma_semaphore, #tpu.memory_space<semaphore_mem>>)
        } else {
        }
        %dma_wait3A_111 = arith.constant 0 : i32
        %dma_wait3A_112 = arith.constant 0 : i32
        %dma_wait3A_113 = tpu.memref_slice %arg2[%dma_wait3A_111, %dma_wait3A_112] : memref<10000x128xf32, #tpu.memory_space<hbm>> -> memref<10000x128xf32, #tpu.memory_space<hbm>>
        tpu.wait_indirect_dma semaphore(%arg29 : memref<!tpu.dma_semaphore, #tpu.memory_space<semaphore_mem>>) src(%dma_wait3A_113 : memref<10000x128xf32, #tpu.memory_space<hbm>>) dst(%arg18 : memref<40x128xf32, #tpu.memory_space<vmem>>)
        %dma_wait3A_114 = arith.constant 0 : i32
        %dma_wait3A_115 = arith.constant 0 : i32
        %dma_wait3A_116 = tpu.memref_slice %arg3[%dma_wait3A_114, %dma_wait3A_115] : memref<10000x128xf32, #tpu.memory_space<hbm>> -> memref<10000x128xf32, #tpu.memory_space<hbm>>
        tpu.wait_indirect_dma semaphore(%arg30 : memref<!tpu.dma_semaphore, #tpu.memory_space<semaphore_mem>>) src(%dma_wait3A_116 : memref<10000x128xf32, #tpu.memory_space<hbm>>) dst(%arg19 : memref<40x128xf32, #tpu.memory_space<vmem>>)
        %ge3A = arith.constant 2 : i32
        %ge3A_117 = arith.cmpi sge, %add3A_98, %ge3A : i32
        %convert_element_type3A_118 = arith.extui %ge3A_117 : i1 to i32
        %cond3A_119 = arith.constant 0 : i32
        %cond3A_120 = arith.cmpi ne, %convert_element_type3A_118, %cond3A_119 : i32
        scf.if %cond3A_120 {
          %dma_wait3A_137 = arith.constant 0 : i32
          %dma_wait3A_138 = arith.constant 0 : i32
          %dma_wait3A_139 = tpu.memref_slice %arg25[%dma_wait3A_137, %dma_wait3A_138] : memref<10112x128xf32, #tpu.memory_space<vmem_shared>> -> memref<10112x128xf32, #tpu.memory_space<vmem_shared>>
          tpu.wait_indirect_dma semaphore(%arg36 : memref<!tpu.dma_semaphore, #tpu.memory_space<semaphore_mem>>) src(%arg21 : memref<40x128xf32, #tpu.memory_space<vmem>>) dst(%dma_wait3A_139 : memref<10112x128xf32, #tpu.memory_space<vmem_shared>>)
          %dma_wait3A_140 = arith.constant 0 : i32
          %dma_wait3A_141 = tpu.memref_slice %arg23[%dma_wait3A_140] : memref<640xf32, #tpu.memory_space<vmem>> -> memref<40xf32, #tpu.memory_space<vmem>>
          %dma_wait3A_142 = arith.constant 0 : i32
          %dma_wait3A_143 = tpu.memref_slice %arg26[%dma_wait3A_142] : memref<10112xf32, #tpu.memory_space<vmem_shared>> -> memref<10112xf32, #tpu.memory_space<vmem_shared>>
          tpu.wait_indirect_dma semaphore(%arg38 : memref<!tpu.dma_semaphore, #tpu.memory_space<semaphore_mem>>) src(%dma_wait3A_141 : memref<40xf32, #tpu.memory_space<vmem>>) dst(%dma_wait3A_143 : memref<10112xf32, #tpu.memory_space<vmem_shared>>)
        } else {
        }
        %parallel_loop3A = arith.constant 0 : i32
        %parallel_loop3A_121 = arith.constant 40 : i32
        %parallel_loop3A_122 = arith.constant 1 : i32
        scf.for %parallel_loop3A_137 = %parallel_loop3A to %parallel_loop3A_121 step %parallel_loop3A_122  : i32 {
          %parallel_loop3A_138 = arith.index_cast %parallel_loop3A_137 : i32 to index
          %parallel_loop3A_139 = arith.constant 0 : index
          %parallel_loop3A_140 = tpu.vector_load %arg18[%parallel_loop3A_138, %parallel_loop3A_139] {strides = array<i32>} : memref<40x128xf32, #tpu.memory_space<vmem>>, vector<1x16xf32>,
          %parallel_loop3A_141 = vector.shape_cast %parallel_loop3A_140 : vector<1x16xf32> to vector<16xf32>
          %parallel_loop3A_142 = arith.index_cast %parallel_loop3A_137 : i32 to index
          %parallel_loop3A_143 = arith.constant 0 : index
          %parallel_loop3A_144 = tpu.vector_load %arg19[%parallel_loop3A_142, %parallel_loop3A_143] {strides = array<i32>} : memref<40x128xf32, #tpu.memory_space<vmem>>, vector<1x16xf32>,
          %parallel_loop3A_145 = vector.shape_cast %parallel_loop3A_144 : vector<1x16xf32> to vector<16xf32>
          %parallel_loop3A_146 = arith.addf %parallel_loop3A_141, %parallel_loop3A_145 : vector<16xf32>
          %parallel_loop3A_147 = arith.constant 0.000000e+00 : f32
          %parallel_loop3A_148 = vector.broadcast %parallel_loop3A_147 : f32 to vector<16xf32>
          %parallel_loop3A_149 = arith.cmpf oge, %parallel_loop3A_146, %parallel_loop3A_148 : vector<16xf32>
          %parallel_loop3A_150 = arith.constant 3.000000e-01 : f32
          %parallel_loop3A_151 = vector.broadcast %parallel_loop3A_150 : f32 to vector<16xf32>
          %parallel_loop3A_152 = arith.mulf %parallel_loop3A_151, %parallel_loop3A_146 : vector<16xf32>
          %parallel_loop3A_153 = arith.select %parallel_loop3A_149, %parallel_loop3A_146, %parallel_loop3A_152 : vector<16xi1>, vector<16xf32>
          %parallel_loop3A_154 = arith.index_cast %parallel_loop3A_137 : i32 to index
          %parallel_loop3A_155 = arith.constant 0 : index
          %parallel_loop3A_156 = tpu.vector_load %arg21[%parallel_loop3A_154, %parallel_loop3A_155] {strides = array<i32>} : memref<40x128xf32, #tpu.memory_space<vmem>>, vector<1x16xf32>,
          %parallel_loop3A_157 = vector.shape_cast %parallel_loop3A_156 : vector<1x16xf32> to vector<16xf32>
          %parallel_loop3A_158 = vector.shape_cast %parallel_loop3A_153 : vector<16xf32> to vector<1x16xf32>
          tpu.vector_store %arg21[%parallel_loop3A_154, %parallel_loop3A_155], %parallel_loop3A_158 {strides = array<i32>} : memref<40x128xf32, #tpu.memory_space<vmem>>, vector<1x16xf32>,
          %parallel_loop3A_159 = arith.index_cast %parallel_loop3A_137 : i32 to index
          %parallel_loop3A_160 = arith.constant 16 : index
          %parallel_loop3A_161 = tpu.vector_load %arg18[%parallel_loop3A_159, %parallel_loop3A_160] {strides = array<i32>} : memref<40x128xf32, #tpu.memory_space<vmem>>, vector<1x16xf32>,
          %parallel_loop3A_162 = vector.shape_cast %parallel_loop3A_161 : vector<1x16xf32> to vector<16xf32>
          %parallel_loop3A_163 = arith.index_cast %parallel_loop3A_137 : i32 to index
          %parallel_loop3A_164 = arith.constant 16 : index
          %parallel_loop3A_165 = tpu.vector_load %arg19[%parallel_loop3A_163, %parallel_loop3A_164] {strides = array<i32>} : memref<40x128xf32, #tpu.memory_space<vmem>>, vector<1x16xf32>,
          %parallel_loop3A_166 = vector.shape_cast %parallel_loop3A_165 : vector<1x16xf32> to vector<16xf32>
          %parallel_loop3A_167 = arith.addf %parallel_loop3A_162, %parallel_loop3A_166 : vector<16xf32>
          %parallel_loop3A_168 = arith.constant 0.000000e+00 : f32
          %parallel_loop3A_169 = vector.broadcast %parallel_loop3A_168 : f32 to vector<16xf32>
          %parallel_loop3A_170 = arith.cmpf oge, %parallel_loop3A_167, %parallel_loop3A_169 : vector<16xf32>
          %parallel_loop3A_171 = arith.constant 3.000000e-01 : f32
          %parallel_loop3A_172 = vector.broadcast %parallel_loop3A_171 : f32 to vector<16xf32>
          %parallel_loop3A_173 = arith.mulf %parallel_loop3A_172, %parallel_loop3A_167 : vector<16xf32>
          %parallel_loop3A_174 = arith.select %parallel_loop3A_170, %parallel_loop3A_167, %parallel_loop3A_173 : vector<16xi1>, vector<16xf32>
          %parallel_loop3A_175 = arith.index_cast %parallel_loop3A_137 : i32 to index
          %parallel_loop3A_176 = arith.constant 16 : index
          %parallel_loop3A_177 = tpu.vector_load %arg21[%parallel_loop3A_175, %parallel_loop3A_176] {strides = array<i32>} : memref<40x128xf32, #tpu.memory_space<vmem>>, vector<1x16xf32>,
          %parallel_loop3A_178 = vector.shape_cast %parallel_loop3A_177 : vector<1x16xf32> to vector<16xf32>
          %parallel_loop3A_179 = vector.shape_cast %parallel_loop3A_174 : vector<16xf32> to vector<1x16xf32>
          tpu.vector_store %arg21[%parallel_loop3A_175, %parallel_loop3A_176], %parallel_loop3A_179 {strides = array<i32>} : memref<40x128xf32, #tpu.memory_space<vmem>>, vector<1x16xf32>,
          %parallel_loop3A_180 = arith.index_cast %parallel_loop3A_137 : i32 to index
          %parallel_loop3A_181 = arith.constant 32 : index
          %parallel_loop3A_182 = tpu.vector_load %arg18[%parallel_loop3A_180, %parallel_loop3A_181] {strides = array<i32>} : memref<40x128xf32, #tpu.memory_space<vmem>>, vector<1x16xf32>,
          %parallel_loop3A_183 = vector.shape_cast %parallel_loop3A_182 : vector<1x16xf32> to vector<16xf32>
          %parallel_loop3A_184 = arith.index_cast %parallel_loop3A_137 : i32 to index
          %parallel_loop3A_185 = arith.constant 32 : index
          %parallel_loop3A_186 = tpu.vector_load %arg19[%parallel_loop3A_184, %parallel_loop3A_185] {strides = array<i32>} : memref<40x128xf32, #tpu.memory_space<vmem>>, vector<1x16xf32>,
          %parallel_loop3A_187 = vector.shape_cast %parallel_loop3A_186 : vector<1x16xf32> to vector<16xf32>
          %parallel_loop3A_188 = arith.addf %parallel_loop3A_183, %parallel_loop3A_187 : vector<16xf32>
          %parallel_loop3A_189 = arith.constant 0.000000e+00 : f32
          %parallel_loop3A_190 = vector.broadcast %parallel_loop3A_189 : f32 to vector<16xf32>
          %parallel_loop3A_191 = arith.cmpf oge, %parallel_loop3A_188, %parallel_loop3A_190 : vector<16xf32>
          %parallel_loop3A_192 = arith.constant 3.000000e-01 : f32
          %parallel_loop3A_193 = vector.broadcast %parallel_loop3A_192 : f32 to vector<16xf32>
          %parallel_loop3A_194 = arith.mulf %parallel_loop3A_193, %parallel_loop3A_188 : vector<16xf32>
          %parallel_loop3A_195 = arith.select %parallel_loop3A_191, %parallel_loop3A_188, %parallel_loop3A_194 : vector<16xi1>, vector<16xf32>
          %parallel_loop3A_196 = arith.index_cast %parallel_loop3A_137 : i32 to index
          %parallel_loop3A_197 = arith.constant 32 : index
          %parallel_loop3A_198 = tpu.vector_load %arg21[%parallel_loop3A_196, %parallel_loop3A_197] {strides = array<i32>} : memref<40x128xf32, #tpu.memory_space<vmem>>, vector<1x16xf32>,
          %parallel_loop3A_199 = vector.shape_cast %parallel_loop3A_198 : vector<1x16xf32> to vector<16xf32>
          %parallel_loop3A_200 = vector.shape_cast %parallel_loop3A_195 : vector<16xf32> to vector<1x16xf32>
          tpu.vector_store %arg21[%parallel_loop3A_196, %parallel_loop3A_197], %parallel_loop3A_200 {strides = array<i32>} : memref<40x128xf32, #tpu.memory_space<vmem>>, vector<1x16xf32>,
          %parallel_loop3A_201 = arith.index_cast %parallel_loop3A_137 : i32 to index
          %parallel_loop3A_202 = arith.constant 48 : index
          %parallel_loop3A_203 = tpu.vector_load %arg18[%parallel_loop3A_201, %parallel_loop3A_202] {strides = array<i32>} : memref<40x128xf32, #tpu.memory_space<vmem>>, vector<1x16xf32>,
          %parallel_loop3A_204 = vector.shape_cast %parallel_loop3A_203 : vector<1x16xf32> to vector<16xf32>
          %parallel_loop3A_205 = arith.index_cast %parallel_loop3A_137 : i32 to index
          %parallel_loop3A_206 = arith.constant 48 : index
          %parallel_loop3A_207 = tpu.vector_load %arg19[%parallel_loop3A_205, %parallel_loop3A_206] {strides = array<i32>} : memref<40x128xf32, #tpu.memory_space<vmem>>, vector<1x16xf32>,
          %parallel_loop3A_208 = vector.shape_cast %parallel_loop3A_207 : vector<1x16xf32> to vector<16xf32>
          %parallel_loop3A_209 = arith.addf %parallel_loop3A_204, %parallel_loop3A_208 : vector<16xf32>
          %parallel_loop3A_210 = arith.constant 0.000000e+00 : f32
          %parallel_loop3A_211 = vector.broadcast %parallel_loop3A_210 : f32 to vector<16xf32>
          %parallel_loop3A_212 = arith.cmpf oge, %parallel_loop3A_209, %parallel_loop3A_211 : vector<16xf32>
          %parallel_loop3A_213 = arith.constant 3.000000e-01 : f32
          %parallel_loop3A_214 = vector.broadcast %parallel_loop3A_213 : f32 to vector<16xf32>
          %parallel_loop3A_215 = arith.mulf %parallel_loop3A_214, %parallel_loop3A_209 : vector<16xf32>
          %parallel_loop3A_216 = arith.select %parallel_loop3A_212, %parallel_loop3A_209, %parallel_loop3A_215 : vector<16xi1>, vector<16xf32>
          %parallel_loop3A_217 = arith.index_cast %parallel_loop3A_137 : i32 to index
          %parallel_loop3A_218 = arith.constant 48 : index
          %parallel_loop3A_219 = tpu.vector_load %arg21[%parallel_loop3A_217, %parallel_loop3A_218] {strides = array<i32>} : memref<40x128xf32, #tpu.memory_space<vmem>>, vector<1x16xf32>,
          %parallel_loop3A_220 = vector.shape_cast %parallel_loop3A_219 : vector<1x16xf32> to vector<16xf32>
          %parallel_loop3A_221 = vector.shape_cast %parallel_loop3A_216 : vector<16xf32> to vector<1x16xf32>
          tpu.vector_store %arg21[%parallel_loop3A_217, %parallel_loop3A_218], %parallel_loop3A_221 {strides = array<i32>} : memref<40x128xf32, #tpu.memory_space<vmem>>, vector<1x16xf32>,
          %parallel_loop3A_222 = arith.index_cast %parallel_loop3A_137 : i32 to index
          %parallel_loop3A_223 = arith.constant 64 : index
          %parallel_loop3A_224 = tpu.vector_load %arg18[%parallel_loop3A_222, %parallel_loop3A_223] {strides = array<i32>} : memref<40x128xf32, #tpu.memory_space<vmem>>, vector<1x16xf32>,
          %parallel_loop3A_225 = vector.shape_cast %parallel_loop3A_224 : vector<1x16xf32> to vector<16xf32>
          %parallel_loop3A_226 = arith.index_cast %parallel_loop3A_137 : i32 to index
          %parallel_loop3A_227 = arith.constant 64 : index
          %parallel_loop3A_228 = tpu.vector_load %arg19[%parallel_loop3A_226, %parallel_loop3A_227] {strides = array<i32>} : memref<40x128xf32, #tpu.memory_space<vmem>>, vector<1x16xf32>,
          %parallel_loop3A_229 = vector.shape_cast %parallel_loop3A_228 : vector<1x16xf32> to vector<16xf32>
          %parallel_loop3A_230 = arith.addf %parallel_loop3A_225, %parallel_loop3A_229 : vector<16xf32>
          %parallel_loop3A_231 = arith.constant 0.000000e+00 : f32
          %parallel_loop3A_232 = vector.broadcast %parallel_loop3A_231 : f32 to vector<16xf32>
          %parallel_loop3A_233 = arith.cmpf oge, %parallel_loop3A_230, %parallel_loop3A_232 : vector<16xf32>
          %parallel_loop3A_234 = arith.constant 3.000000e-01 : f32
          %parallel_loop3A_235 = vector.broadcast %parallel_loop3A_234 : f32 to vector<16xf32>
          %parallel_loop3A_236 = arith.mulf %parallel_loop3A_235, %parallel_loop3A_230 : vector<16xf32>
          %parallel_loop3A_237 = arith.select %parallel_loop3A_233, %parallel_loop3A_230, %parallel_loop3A_236 : vector<16xi1>, vector<16xf32>
          %parallel_loop3A_238 = arith.index_cast %parallel_loop3A_137 : i32 to index
          %parallel_loop3A_239 = arith.constant 64 : index
          %parallel_loop3A_240 = tpu.vector_load %arg21[%parallel_loop3A_238, %parallel_loop3A_239] {strides = array<i32>} : memref<40x128xf32, #tpu.memory_space<vmem>>, vector<1x16xf32>,
          %parallel_loop3A_241 = vector.shape_cast %parallel_loop3A_240 : vector<1x16xf32> to vector<16xf32>
          %parallel_loop3A_242 = vector.shape_cast %parallel_loop3A_237 : vector<16xf32> to vector<1x16xf32>
          tpu.vector_store %arg21[%parallel_loop3A_238, %parallel_loop3A_239], %parallel_loop3A_242 {strides = array<i32>} : memref<40x128xf32, #tpu.memory_space<vmem>>, vector<1x16xf32>,
          %parallel_loop3A_243 = arith.index_cast %parallel_loop3A_137 : i32 to index
          %parallel_loop3A_244 = arith.constant 80 : index
          %parallel_loop3A_245 = tpu.vector_load %arg18[%parallel_loop3A_243, %parallel_loop3A_244] {strides = array<i32>} : memref<40x128xf32, #tpu.memory_space<vmem>>, vector<1x16xf32>,
          %parallel_loop3A_246 = vector.shape_cast %parallel_loop3A_245 : vector<1x16xf32> to vector<16xf32>
          %parallel_loop3A_247 = arith.index_cast %parallel_loop3A_137 : i32 to index
          %parallel_loop3A_248 = arith.constant 80 : index
          %parallel_loop3A_249 = tpu.vector_load %arg19[%parallel_loop3A_247, %parallel_loop3A_248] {strides = array<i32>} : memref<40x128xf32, #tpu.memory_space<vmem>>, vector<1x16xf32>,
          %parallel_loop3A_250 = vector.shape_cast %parallel_loop3A_249 : vector<1x16xf32> to vector<16xf32>
          %parallel_loop3A_251 = arith.addf %parallel_loop3A_246, %parallel_loop3A_250 : vector<16xf32>
          %parallel_loop3A_252 = arith.constant 0.000000e+00 : f32
          %parallel_loop3A_253 = vector.broadcast %parallel_loop3A_252 : f32 to vector<16xf32>
          %parallel_loop3A_254 = arith.cmpf oge, %parallel_loop3A_251, %parallel_loop3A_253 : vector<16xf32>
          %parallel_loop3A_255 = arith.constant 3.000000e-01 : f32
          %parallel_loop3A_256 = vector.broadcast %parallel_loop3A_255 : f32 to vector<16xf32>
          %parallel_loop3A_257 = arith.mulf %parallel_loop3A_256, %parallel_loop3A_251 : vector<16xf32>
          %parallel_loop3A_258 = arith.select %parallel_loop3A_254, %parallel_loop3A_251, %parallel_loop3A_257 : vector<16xi1>, vector<16xf32>
          %parallel_loop3A_259 = arith.index_cast %parallel_loop3A_137 : i32 to index
          %parallel_loop3A_260 = arith.constant 80 : index
          %parallel_loop3A_261 = tpu.vector_load %arg21[%parallel_loop3A_259, %parallel_loop3A_260] {strides = array<i32>} : memref<40x128xf32, #tpu.memory_space<vmem>>, vector<1x16xf32>,
          %parallel_loop3A_262 = vector.shape_cast %parallel_loop3A_261 : vector<1x16xf32> to vector<16xf32>
          %parallel_loop3A_263 = vector.shape_cast %parallel_loop3A_258 : vector<16xf32> to vector<1x16xf32>
          tpu.vector_store %arg21[%parallel_loop3A_259, %parallel_loop3A_260], %parallel_loop3A_263 {strides = array<i32>} : memref<40x128xf32, #tpu.memory_space<vmem>>, vector<1x16xf32>,
          %parallel_loop3A_264 = arith.index_cast %parallel_loop3A_137 : i32 to index
          %parallel_loop3A_265 = arith.constant 96 : index
          %parallel_loop3A_266 = tpu.vector_load %arg18[%parallel_loop3A_264, %parallel_loop3A_265] {strides = array<i32>} : memref<40x128xf32, #tpu.memory_space<vmem>>, vector<1x16xf32>,
          %parallel_loop3A_267 = vector.shape_cast %parallel_loop3A_266 : vector<1x16xf32> to vector<16xf32>
          %parallel_loop3A_268 = arith.index_cast %parallel_loop3A_137 : i32 to index
          %parallel_loop3A_269 = arith.constant 96 : index
          %parallel_loop3A_270 = tpu.vector_load %arg19[%parallel_loop3A_268, %parallel_loop3A_269] {strides = array<i32>} : memref<40x128xf32, #tpu.memory_space<vmem>>, vector<1x16xf32>,
          %parallel_loop3A_271 = vector.shape_cast %parallel_loop3A_270 : vector<1x16xf32> to vector<16xf32>
          %parallel_loop3A_272 = arith.addf %parallel_loop3A_267, %parallel_loop3A_271 : vector<16xf32>
          %parallel_loop3A_273 = arith.constant 0.000000e+00 : f32
          %parallel_loop3A_274 = vector.broadcast %parallel_loop3A_273 : f32 to vector<16xf32>
          %parallel_loop3A_275 = arith.cmpf oge, %parallel_loop3A_272, %parallel_loop3A_274 : vector<16xf32>
          %parallel_loop3A_276 = arith.constant 3.000000e-01 : f32
          %parallel_loop3A_277 = vector.broadcast %parallel_loop3A_276 : f32 to vector<16xf32>
          %parallel_loop3A_278 = arith.mulf %parallel_loop3A_277, %parallel_loop3A_272 : vector<16xf32>
          %parallel_loop3A_279 = arith.select %parallel_loop3A_275, %parallel_loop3A_272, %parallel_loop3A_278 : vector<16xi1>, vector<16xf32>
          %parallel_loop3A_280 = arith.index_cast %parallel_loop3A_137 : i32 to index
          %parallel_loop3A_281 = arith.constant 96 : index
          %parallel_loop3A_282 = tpu.vector_load %arg21[%parallel_loop3A_280, %parallel_loop3A_281] {strides = array<i32>} : memref<40x128xf32, #tpu.memory_space<vmem>>, vector<1x16xf32>,
          %parallel_loop3A_283 = vector.shape_cast %parallel_loop3A_282 : vector<1x16xf32> to vector<16xf32>
          %parallel_loop3A_284 = vector.shape_cast %parallel_loop3A_279 : vector<16xf32> to vector<1x16xf32>
          tpu.vector_store %arg21[%parallel_loop3A_280, %parallel_loop3A_281], %parallel_loop3A_284 {strides = array<i32>} : memref<40x128xf32, #tpu.memory_space<vmem>>, vector<1x16xf32>,
          %parallel_loop3A_285 = arith.index_cast %parallel_loop3A_137 : i32 to index
          %parallel_loop3A_286 = arith.constant 112 : index
          %parallel_loop3A_287 = tpu.vector_load %arg18[%parallel_loop3A_285, %parallel_loop3A_286] {strides = array<i32>} : memref<40x128xf32, #tpu.memory_space<vmem>>, vector<1x16xf32>,
          %parallel_loop3A_288 = vector.shape_cast %parallel_loop3A_287 : vector<1x16xf32> to vector<16xf32>
          %parallel_loop3A_289 = arith.index_cast %parallel_loop3A_137 : i32 to index
          %parallel_loop3A_290 = arith.constant 112 : index
          %parallel_loop3A_291 = tpu.vector_load %arg19[%parallel_loop3A_289, %parallel_loop3A_290] {strides = array<i32>} : memref<40x128xf32, #tpu.memory_space<vmem>>, vector<1x16xf32>,
          %parallel_loop3A_292 = vector.shape_cast %parallel_loop3A_291 : vector<1x16xf32> to vector<16xf32>
          %parallel_loop3A_293 = arith.addf %parallel_loop3A_288, %parallel_loop3A_292 : vector<16xf32>
          %parallel_loop3A_294 = arith.constant 0.000000e+00 : f32
          %parallel_loop3A_295 = vector.broadcast %parallel_loop3A_294 : f32 to vector<16xf32>
          %parallel_loop3A_296 = arith.cmpf oge, %parallel_loop3A_293, %parallel_loop3A_295 : vector<16xf32>
          %parallel_loop3A_297 = arith.constant 3.000000e-01 : f32
          %parallel_loop3A_298 = vector.broadcast %parallel_loop3A_297 : f32 to vector<16xf32>
          %parallel_loop3A_299 = arith.mulf %parallel_loop3A_298, %parallel_loop3A_293 : vector<16xf32>
          %parallel_loop3A_300 = arith.select %parallel_loop3A_296, %parallel_loop3A_293, %parallel_loop3A_299 : vector<16xi1>, vector<16xf32>
          %parallel_loop3A_301 = arith.index_cast %parallel_loop3A_137 : i32 to index
          %parallel_loop3A_302 = arith.constant 112 : index
          %parallel_loop3A_303 = tpu.vector_load %arg21[%parallel_loop3A_301, %parallel_loop3A_302] {strides = array<i32>} : memref<40x128xf32, #tpu.memory_space<vmem>>, vector<1x16xf32>,
          %parallel_loop3A_304 = vector.shape_cast %parallel_loop3A_303 : vector<1x16xf32> to vector<16xf32>
          %parallel_loop3A_305 = vector.shape_cast %parallel_loop3A_300 : vector<16xf32> to vector<1x16xf32>
          tpu.vector_store %arg21[%parallel_loop3A_301, %parallel_loop3A_302], %parallel_loop3A_305 {strides = array<i32>} : memref<40x128xf32, #tpu.memory_space<vmem>>, vector<1x16xf32>,
        } {sc.loop_unroll_factor = 8 : i64, sc.parallel_access}
        %dma_start3A_123 = arith.constant 0 : i32
        %dma_start3A_124 = arith.constant 0 : i32
        %dma_start3A_125 = tpu.memref_slice %arg25[%dma_start3A_123, %dma_start3A_124] : memref<10112x128xf32, #tpu.memory_space<vmem_shared>> -> memref<10112x128xf32, #tpu.memory_space<vmem_shared>>
        tpu.enqueue_indirect_dma source(%arg21 : memref<40x128xf32, #tpu.memory_space<vmem>>) target(%dma_start3A_125 : memref<10112x128xf32, #tpu.memory_space<vmem_shared>>) offsets(%arg15 : memref<40xi32, #tpu.memory_space<vmem>>) semaphore(%arg36 : memref<!tpu.dma_semaphore, #tpu.memory_space<semaphore_mem>>) {add = true}
        %dma_start3A_126 = arith.constant 0 : i32
        %dma_start3A_127 = tpu.memref_slice %arg23[%dma_start3A_126] : memref<640xf32, #tpu.memory_space<vmem>> -> memref<40xf32, #tpu.memory_space<vmem>>
        %dma_start3A_128 = arith.constant 0 : i32
        %dma_start3A_129 = tpu.memref_slice %arg26[%dma_start3A_128] : memref<10112xf32, #tpu.memory_space<vmem_shared>> -> memref<10112xf32, #tpu.memory_space<vmem_shared>>
        tpu.enqueue_indirect_dma source(%dma_start3A_127 : memref<40xf32, #tpu.memory_space<vmem>>) target(%dma_start3A_129 : memref<10112xf32, #tpu.memory_space<vmem_shared>>) offsets(%arg15 : memref<40xi32, #tpu.memory_space<vmem>>) semaphore(%arg38 : memref<!tpu.dma_semaphore, #tpu.memory_space<semaphore_mem>>) {add = true}
        %add3A_130 = arith.constant 2 : i32
        %add3A_131 = arith.addi %add3A_98, %add3A_130 : i32
        %lt3A_132 = arith.constant 250 : i32
        %lt3A_133 = arith.cmpi slt, %add3A_131, %lt3A_132 : i32
        %convert_element_type3A_134 = arith.extui %lt3A_133 : i1 to i32
        %cond3A_135 = arith.constant 0 : i32
        %cond3A_136 = arith.cmpi ne, %convert_element_type3A_134, %cond3A_135 : i32
        scf.if %cond3A_136 {
          %add3A_137 = arith.constant 2 : i32
          %add3A_138 = arith.addi %add3A_98, %add3A_137 : i32
          %mul3A_139 = arith.constant 40 : i32
          %mul3A_140 = arith.muli %add3A_138, %mul3A_139 : i32
          %add3A_141 = arith.addi %mul3A_2, %mul3A_140 : i32
          %dma_start3A_142 = tpu.memref_slice %arg4[%add3A_141] : memref<320000xi32, #tpu.memory_space<hbm>> -> memref<40xi32, #tpu.memory_space<hbm>>
          %dma_start3A_143 = tpu.memref_slice %arg4[%add3A_141] : memref<320000xi32, #tpu.memory_space<hbm>> -> memref<40xi32, #tpu.memory_space<hbm>>
          tpu.enqueue_dma source(%dma_start3A_143 : memref<40xi32, #tpu.memory_space<hbm>>) target(%arg10 : memref<40xi32, #tpu.memory_space<vmem>>) target_semaphore(%arg32 : memref<!tpu.dma_semaphore, #tpu.memory_space<semaphore_mem>>)
          %mul3A_144 = arith.constant 40 : i32
          %mul3A_145 = arith.muli %add3A_138, %mul3A_144 : i32
          %add3A_146 = arith.addi %mul3A_2, %mul3A_145 : i32
          %dma_start3A_147 = tpu.memref_slice %arg5[%add3A_146] : memref<320000xi32, #tpu.memory_space<hbm>> -> memref<40xi32, #tpu.memory_space<hbm>>
          %dma_start3A_148 = tpu.memref_slice %arg5[%add3A_146] : memref<320000xi32, #tpu.memory_space<hbm>> -> memref<40xi32, #tpu.memory_space<hbm>>
          tpu.enqueue_dma source(%dma_start3A_148 : memref<40xi32, #tpu.memory_space<hbm>>) target(%arg11 : memref<40xi32, #tpu.memory_space<vmem>>) target_semaphore(%arg32 : memref<!tpu.dma_semaphore, #tpu.memory_space<semaphore_mem>>)
        } else {
        }
      } else {
      }
    }
    %scan3A_59 = arith.constant 63 : i32
    %dma_wait3A_60 = arith.constant 0 : i32
    %dma_wait3A_61 = arith.constant 0 : i32
    %dma_wait3A_62 = tpu.memref_slice %arg25[%dma_wait3A_60, %dma_wait3A_61] : memref<10112x128xf32, #tpu.memory_space<vmem_shared>> -> memref<10112x128xf32, #tpu.memory_space<vmem_shared>>
    tpu.wait_indirect_dma semaphore(%arg35 : memref<!tpu.dma_semaphore, #tpu.memory_space<semaphore_mem>>) src(%arg20 : memref<40x128xf32, #tpu.memory_space<vmem>>) dst(%dma_wait3A_62 : memref<10112x128xf32, #tpu.memory_space<vmem_shared>>)
    %dma_wait3A_63 = arith.constant 0 : i32
    %dma_wait3A_64 = tpu.memref_slice %arg23[%dma_wait3A_63] : memref<640xf32, #tpu.memory_space<vmem>> -> memref<40xf32, #tpu.memory_space<vmem>>
    %dma_wait3A_65 = arith.constant 0 : i32
    %dma_wait3A_66 = tpu.memref_slice %arg26[%dma_wait3A_65] : memref<10112xf32, #tpu.memory_space<vmem_shared>> -> memref<10112xf32, #tpu.memory_space<vmem_shared>>
    tpu.wait_indirect_dma semaphore(%arg37 : memref<!tpu.dma_semaphore, #tpu.memory_space<semaphore_mem>>) src(%dma_wait3A_64 : memref<40xf32, #tpu.memory_space<vmem>>) dst(%dma_wait3A_66 : memref<10112xf32, #tpu.memory_space<vmem_shared>>)
    %dma_wait3A_67 = arith.constant 0 : i32
    %dma_wait3A_68 = arith.constant 0 : i32
    %dma_wait3A_69 = tpu.memref_slice %arg25[%dma_wait3A_67, %dma_wait3A_68] : memref<10112x128xf32, #tpu.memory_space<vmem_shared>> -> memref<10112x128xf32, #tpu.memory_space<vmem_shared>>
    tpu.wait_indirect_dma semaphore(%arg36 : memref<!tpu.dma_semaphore, #tpu.memory_space<semaphore_mem>>) src(%arg21 : memref<40x128xf32, #tpu.memory_space<vmem>>) dst(%dma_wait3A_69 : memref<10112x128xf32, #tpu.memory_space<vmem_shared>>)
    %dma_wait3A_70 = arith.constant 0 : i32
    %dma_wait3A_71 = tpu.memref_slice %arg23[%dma_wait3A_70] : memref<640xf32, #tpu.memory_space<vmem>> -> memref<40xf32, #tpu.memory_space<vmem>>
    %dma_wait3A_72 = arith.constant 0 : i32
    %dma_wait3A_73 = tpu.memref_slice %arg26[%dma_wait3A_72] : memref<10112xf32, #tpu.memory_space<vmem_shared>> -> memref<10112xf32, #tpu.memory_space<vmem_shared>>
    tpu.wait_indirect_dma semaphore(%arg38 : memref<!tpu.dma_semaphore, #tpu.memory_space<semaphore_mem>>) src(%dma_wait3A_71 : memref<40xf32, #tpu.memory_space<vmem>>) dst(%dma_wait3A_73 : memref<10112xf32, #tpu.memory_space<vmem_shared>>)
    %barrier3A_74 = arith.constant 0 : index
    tpu.barrier barrier_id(%barrier3A_74)
    "tpu.region"() ({
      %run_scoped3A = tpu.sem_alloc : memref<!tpu.dma_semaphore, #tpu.memory_space<semaphore_mem>>
      %dma_start3A_78 = arith.constant 0 : i32
      %dma_start3A_79 = tpu.memref_slice %arg6[%arg0, %mul3A_16, %dma_start3A_78] : memref<2x10112x128xf32, #tpu.memory_space<hbm>> -> memref<1x632x128xf32, #tpu.memory_space<hbm>>
      %dma_start3A_80 = tpu.memref_squeeze %dma_start3A_79 : memref<1x632x128xf32, #tpu.memory_space<hbm>> -> memref<632x128xf32, #tpu.memory_space<hbm>>
      %dma_start3A_81 = arith.constant 0 : i32
      %dma_start3A_82 = tpu.memref_slice %arg25[%mul3A_16, %dma_start3A_81] : memref<10112x128xf32, #tpu.memory_space<vmem_shared>> -> memref<632x128xf32, #tpu.memory_space<vmem_shared>>
      tpu.enqueue_dma source(%dma_start3A_82 : memref<632x128xf32, #tpu.memory_space<vmem_shared>>) target(%dma_start3A_80 : memref<632x128xf32, #tpu.memory_space<hbm>>) target_semaphore(%run_scoped3A : memref<!tpu.dma_semaphore, #tpu.memory_space<semaphore_mem>>)
      %dma_wait3A_83 = arith.constant 0 : i32
      %dma_wait3A_84 = tpu.memref_slice %arg6[%arg0, %mul3A_16, %dma_wait3A_83] : memref<2x10112x128xf32, #tpu.memory_space<hbm>> -> memref<1x632x128xf32, #tpu.memory_space<hbm>>
      %dma_wait3A_85 = tpu.memref_squeeze %dma_wait3A_84 : memref<1x632x128xf32, #tpu.memory_space<hbm>> -> memref<632x128xf32, #tpu.memory_space<hbm>>
      %dma_wait3A_86 = arith.constant 0 : i32
      %dma_wait3A_87 = tpu.memref_slice %arg25[%mul3A_16, %dma_wait3A_86] : memref<10112x128xf32, #tpu.memory_space<vmem_shared>> -> memref<632x128xf32, #tpu.memory_space<vmem_shared>>
      tpu.wait_dma2 semaphore(%run_scoped3A : memref<!tpu.dma_semaphore, #tpu.memory_space<semaphore_mem>>) src(%dma_wait3A_87 : memref<632x128xf32, #tpu.memory_space<vmem_shared>>) dst(%dma_wait3A_85 : memref<632x128xf32, #tpu.memory_space<hbm>>)
      tpu.yield
    }) : () -> ()
    "tpu.region"() ({
      %run_scoped3A = tpu.sem_alloc : memref<!tpu.dma_semaphore, #tpu.memory_space<semaphore_mem>>
      %dma_start3A_78 = arith.constant 0 : i32
      %dma_start3A_79 = tpu.memref_slice %arg24[%dma_start3A_78] : memref<640xf32, #tpu.memory_space<vmem>> -> memref<632xf32, #tpu.memory_space<vmem>>
      %dma_start3A_80 = tpu.memref_slice %arg26[%mul3A_16] : memref<10112xf32, #tpu.memory_space<vmem_shared>> -> memref<632xf32, #tpu.memory_space<vmem_shared>>
      %dma_start3A_81 = arith.constant 0 : i32
      %dma_start3A_82 = tpu.memref_slice %arg24[%dma_start3A_81] : memref<640xf32, #tpu.memory_space<vmem>> -> memref<632xf32, #tpu.memory_space<vmem>>
      %dma_start3A_83 = tpu.memref_slice %arg26[%mul3A_16] : memref<10112xf32, #tpu.memory_space<vmem_shared>> -> memref<632xf32, #tpu.memory_space<vmem_shared>>
      tpu.enqueue_dma source(%dma_start3A_83 : memref<632xf32, #tpu.memory_space<vmem_shared>>) target(%dma_start3A_82 : memref<632xf32, #tpu.memory_space<vmem>>) target_semaphore(%run_scoped3A : memref<!tpu.dma_semaphore, #tpu.memory_space<semaphore_mem>>)
      %dma_wait3A_84 = arith.constant 0 : i32
      %dma_wait3A_85 = tpu.memref_slice %arg24[%dma_wait3A_84] : memref<640xf32, #tpu.memory_space<vmem>> -> memref<632xf32, #tpu.memory_space<vmem>>
      %dma_wait3A_86 = tpu.memref_slice %arg26[%mul3A_16] : memref<10112xf32, #tpu.memory_space<vmem_shared>> -> memref<632xf32, #tpu.memory_space<vmem_shared>>
      %dma_wait3A_87 = arith.constant 0 : i32
      %dma_wait3A_88 = tpu.memref_slice %arg24[%dma_wait3A_87] : memref<640xf32, #tpu.memory_space<vmem>> -> memref<632xf32, #tpu.memory_space<vmem>>
      %dma_wait3A_89 = tpu.memref_slice %arg26[%mul3A_16] : memref<10112xf32, #tpu.memory_space<vmem_shared>> -> memref<632xf32, #tpu.memory_space<vmem_shared>>
      tpu.wait_dma2 semaphore(%run_scoped3A : memref<!tpu.dma_semaphore, #tpu.memory_space<semaphore_mem>>) src(%dma_wait3A_89 : memref<632xf32, #tpu.memory_space<vmem_shared>>) dst(%dma_wait3A_88 : memref<632xf32, #tpu.memory_space<vmem>>)
      tpu.yield
    }) : () -> ()
    %mul3A_75 = arith.constant 10112 : i32
    %mul3A_76 = arith.muli %arg0, %mul3A_75 : i32
    %add3A_77 = arith.addi %mul3A_76, %mul3A_16 : i32
    "tpu.region"() ({
      %run_scoped3A = tpu.sem_alloc : memref<!tpu.dma_semaphore, #tpu.memory_space<semaphore_mem>>
      %dma_start3A_78 = arith.constant 0 : i32
      %dma_start3A_79 = tpu.memref_slice %arg24[%dma_start3A_78] : memref<640xf32, #tpu.memory_space<vmem>> -> memref<632xf32, #tpu.memory_space<vmem>>
      %dma_start3A_80 = tpu.memref_slice %arg7[%add3A_77] : memref<20224xf32, #tpu.memory_space<hbm>> -> memref<632xf32, #tpu.memory_space<hbm>>
      %dma_start3A_81 = tpu.memref_slice %arg7[%add3A_77] : memref<20224xf32, #tpu.memory_space<hbm>> -> memref<632xf32, #tpu.memory_space<hbm>>
      %dma_start3A_82 = arith.constant 0 : i32
      %dma_start3A_83 = tpu.memref_slice %arg24[%dma_start3A_82] : memref<640xf32, #tpu.memory_space<vmem>> -> memref<632xf32, #tpu.memory_space<vmem>>
      tpu.enqueue_dma source(%dma_start3A_83 : memref<632xf32, #tpu.memory_space<vmem>>) target(%dma_start3A_81 : memref<632xf32, #tpu.memory_space<hbm>>) target_semaphore(%run_scoped3A : memref<!tpu.dma_semaphore, #tpu.memory_space<semaphore_mem>>)
      %dma_wait3A_84 = arith.constant 0 : i32
      %dma_wait3A_85 = tpu.memref_slice %arg24[%dma_wait3A_84] : memref<640xf32, #tpu.memory_space<vmem>> -> memref<632xf32, #tpu.memory_space<vmem>>
      %dma_wait3A_86 = tpu.memref_slice %arg7[%add3A_77] : memref<20224xf32, #tpu.memory_space<hbm>> -> memref<632xf32, #tpu.memory_space<hbm>>
      %dma_wait3A_87 = tpu.memref_slice %arg7[%add3A_77] : memref<20224xf32, #tpu.memory_space<hbm>> -> memref<632xf32, #tpu.memory_space<hbm>>
      %dma_wait3A_88 = arith.constant 0 : i32
      %dma_wait3A_89 = tpu.memref_slice %arg24[%dma_wait3A_88] : memref<640xf32, #tpu.memory_space<vmem>> -> memref<632xf32, #tpu.memory_space<vmem>>
      tpu.wait_dma2 semaphore(%run_scoped3A : memref<!tpu.dma_semaphore, #tpu.memory_space<semaphore_mem>>) src(%dma_wait3A_89 : memref<632xf32, #tpu.memory_space<vmem>>) dst(%dma_wait3A_87 : memref<632xf32, #tpu.memory_space<hbm>>)
      tpu.yield
    }) : () -> ()
    return
  }
}

module attributes {stable_mosaic.version = 14 : i64} {
  func.func @_mm_body(%arg0: i32, %arg1: memref<400x128xf32, #tpu.memory_space<vmem>>, %arg2: memref<128x256xf32, #tpu.memory_space<vmem>>, %arg3: memref<1x128xf32, #tpu.memory_space<vmem>>, %arg4: memref<400x128xf32, #tpu.memory_space<vmem>>, %arg5: memref<400x128xf32, #tpu.memory_space<vmem>>) attributes {dimension_semantics = [#tpu.dimension_semantics<arbitrary>], iteration_bounds = array<i64: 25>, scalar_prefetch = 0 : i64, scratch_operands = 0 : i64, tpu.core_type = #tpu.core_type<tc>, window_params = [{transform_indices = @transform_0, window_bounds = array<i64: 400, 128>}, {pipeline_mode = #tpu.pipeline_mode<synchronous>, transform_indices = @transform_1, window_bounds = array<i64: 128, 256>}, {pipeline_mode = #tpu.pipeline_mode<synchronous>, transform_indices = @transform_2, window_bounds = array<i64: 1, 128>}, {transform_indices = @transform_3, window_bounds = array<i64: 400, 128>}, {transform_indices = @transform_4, window_bounds = array<i64: 400, 128>}]} {
    %get3A = arith.constant 0 : index
    %get3A_0 = arith.constant 0 : index
    %get3A_1 = vector.load %arg1[%get3A, %get3A_0] : memref<400x128xf32, #tpu.memory_space<vmem>>, vector<400x128xf32>
    %get3A_2 = arith.constant 0 : index
    %get3A_3 = arith.constant 0 : index
    %get3A_4 = vector.load %arg2[%get3A_2, %get3A_3] : memref<128x256xf32, #tpu.memory_space<vmem>>, vector<128x256xf32>
    %slice3A = vector.extract_strided_slice %get3A_4 {offsets = [0, 0], sizes = [128, 128], strides = [1, 1]} : vector<128x256xf32> to vector<128x128xf32>
    %slice3A_5 = vector.extract_strided_slice %get3A_4 {offsets = [0, 128], sizes = [128, 128], strides = [1, 1]} : vector<128x256xf32> to vector<128x128xf32>
    %sub3A = arith.subf %slice3A, %slice3A_5 : vector<128x128xf32>
    %dot_general3A = arith.constant dense<0.000000e+00> : vector<400x128xf32>
    %dot_general3A_6 = tpu.matmul %get3A_1, %sub3A, %dot_general3A {dimension_numbers = #tpu.dot_dimension_numbers<[1], [1], [0], [0], [0, 0, 1, 0], [], []>, transpose_lhs_hint = false} : vector<400x128xf32>, vector<128x128xf32>, vector<400x128xf32> -> vector<400x128xf32>
    %get3A_7 = arith.constant 0 : index
    %get3A_8 = arith.constant 0 : index
    %get3A_9 = vector.load %arg3[%get3A_7, %get3A_8] : memref<1x128xf32, #tpu.memory_space<vmem>>, vector<1x128xf32>
    %add3A = vector.broadcast %get3A_9 : vector<1x128xf32> to vector<400x128xf32>
    %add3A_10 = arith.addf %dot_general3A_6, %add3A : vector<400x128xf32>
    %swap3A = arith.constant 0 : index
    %swap3A_11 = arith.constant 0 : index
    %swap3A_12 = vector.load %arg4[%swap3A, %swap3A_11] : memref<400x128xf32, #tpu.memory_space<vmem>>, vector<400x128xf32>
    tpu.vector_store %arg4[%swap3A, %swap3A_11], %add3A_10 {strides = array<i32>} : memref<400x128xf32, #tpu.memory_space<vmem>>, vector<400x128xf32>,
    %dot_general3A_13 = arith.constant dense<0.000000e+00> : vector<400x128xf32>
    %dot_general3A_14 = tpu.matmul %get3A_1, %slice3A_5, %dot_general3A_13 {dimension_numbers = #tpu.dot_dimension_numbers<[1], [1], [0], [0], [0, 0, 1, 0], [], []>, transpose_lhs_hint = false} : vector<400x128xf32>, vector<128x128xf32>, vector<400x128xf32> -> vector<400x128xf32>
    %swap3A_15 = arith.constant 0 : index
    %swap3A_16 = arith.constant 0 : index
    %swap3A_17 = vector.load %arg5[%swap3A_15, %swap3A_16] : memref<400x128xf32, #tpu.memory_space<vmem>>, vector<400x128xf32>
    tpu.vector_store %arg5[%swap3A_15, %swap3A_16], %dot_general3A_14 {strides = array<i32>} : memref<400x128xf32, #tpu.memory_space<vmem>>, vector<400x128xf32>,
    return
  }
  func.func @transform_0(%arg0: i32) -> (i32, i32) {
    %c0_i32 = arith.constant 0 : i32
    %c0_i32_0 = arith.constant 0 : i32
    return %arg0, %c0_i32 : i32, i32
  }
  func.func @transform_1(%arg0: i32) -> (i32, i32) {
    %c0_i32 = arith.constant 0 : i32
    %c0_i32_0 = arith.constant 0 : i32
    %c0_i32_1 = arith.constant 0 : i32
    return %c0_i32, %c0_i32_0 : i32, i32
  }
  func.func @transform_2(%arg0: i32) -> (i32, i32) {
    %c0_i32 = arith.constant 0 : i32
    %c0_i32_0 = arith.constant 0 : i32
    %c0_i32_1 = arith.constant 0 : i32
    return %c0_i32, %c0_i32_0 : i32, i32
  }
  func.func @transform_3(%arg0: i32) -> (i32, i32) {
    %c0_i32 = arith.constant 0 : i32
    %c0_i32_0 = arith.constant 0 : i32
    return %arg0, %c0_i32 : i32, i32
  }
  func.func @transform_4(%arg0: i32) -> (i32, i32) {
    %c0_i32 = arith.constant 0 : i32
    %c0_i32_0 = arith.constant 0 : i32
    return %arg0, %c0_i32 : i32, i32
  }
}

module attributes {stable_mosaic.version = 14 : i64} {
  func.func @_fin_body(%arg0: i32, %arg1: memref<2x128x128xf32, #tpu.memory_space<vmem>>, %arg2: memref<2x128x1xf32, #tpu.memory_space<vmem>>, %arg3: memref<128x128xf32, #tpu.memory_space<vmem>>) attributes {dimension_semantics = [#tpu.dimension_semantics<arbitrary>], iteration_bounds = array<i64: 79>, scalar_prefetch = 0 : i64, scratch_operands = 0 : i64, tpu.core_type = #tpu.core_type<tc>, window_params = [{transform_indices = @transform_0, window_bounds = array<i64: 2, 128, 128>}, {transform_indices = @transform_1, window_bounds = array<i64: 2, 128, 1>}, {transform_indices = @transform_2, window_bounds = array<i64: 128, 128>}]} {
    %get3A = arith.constant 0 : index
    %get3A_0 = arith.constant 0 : index
    %get3A_1 = arith.constant 0 : index
    %get3A_2 = vector.load %arg1[%get3A, %get3A_0, %get3A_1] : memref<2x128x128xf32, #tpu.memory_space<vmem>>, vector<2x128x128xf32>
    %slice3A = vector.extract_strided_slice %get3A_2 {offsets = [0, 0, 0], sizes = [1, 128, 128], strides = [1, 1, 1]} : vector<2x128x128xf32> to vector<1x128x128xf32>
    %squeeze3A = vector.shape_cast %slice3A : vector<1x128x128xf32> to vector<128x128xf32>
    %slice3A_3 = vector.extract_strided_slice %get3A_2 {offsets = [1, 0, 0], sizes = [1, 128, 128], strides = [1, 1, 1]} : vector<2x128x128xf32> to vector<1x128x128xf32>
    %squeeze3A_4 = vector.shape_cast %slice3A_3 : vector<1x128x128xf32> to vector<128x128xf32>
    %add3A = arith.addf %squeeze3A, %squeeze3A_4 : vector<128x128xf32>
    %get3A_5 = arith.constant 0 : index
    %get3A_6 = arith.constant 0 : index
    %get3A_7 = arith.constant 0 : index
    %get3A_8 = vector.load %arg2[%get3A_5, %get3A_6, %get3A_7] : memref<2x128x1xf32, #tpu.memory_space<vmem>>, vector<2x128x1xf32>
    %slice3A_9 = vector.extract_strided_slice %get3A_8 {offsets = [0, 0, 0], sizes = [1, 128, 1], strides = [1, 1, 1]} : vector<2x128x1xf32> to vector<1x128x1xf32>
    %squeeze3A_10 = vector.shape_cast %slice3A_9 : vector<1x128x1xf32> to vector<128x1xf32>
    %slice3A_11 = vector.extract_strided_slice %get3A_8 {offsets = [1, 0, 0], sizes = [1, 128, 1], strides = [1, 1, 1]} : vector<2x128x1xf32> to vector<1x128x1xf32>
    %squeeze3A_12 = vector.shape_cast %slice3A_11 : vector<1x128x1xf32> to vector<128x1xf32>
    %add3A_13 = arith.addf %squeeze3A_10, %squeeze3A_12 : vector<128x1xf32>
    %max3A = arith.constant 1.000000e+00 : f32
    %max3A_14 = vector.broadcast %max3A : f32 to vector<128x1xf32>
    %max3A_15 = arith.maximumf %add3A_13, %max3A_14 : vector<128x1xf32>
    %div3A = vector.broadcast %max3A_15 : vector<128x1xf32> to vector<128x128xf32>
    %div3A_16 = arith.divf %add3A, %div3A : vector<128x128xf32>
    %swap3A = arith.constant 0 : index
    %swap3A_17 = arith.constant 0 : index
    %swap3A_18 = vector.load %arg3[%swap3A, %swap3A_17] : memref<128x128xf32, #tpu.memory_space<vmem>>, vector<128x128xf32>
    tpu.vector_store %arg3[%swap3A, %swap3A_17], %div3A_16 {strides = array<i32>} : memref<128x128xf32, #tpu.memory_space<vmem>>, vector<128x128xf32>,
    return
  }
  func.func @transform_0(%arg0: i32) -> (i32, i32, i32) {
    %c0_i32 = arith.constant 0 : i32
    %c0_i32_0 = arith.constant 0 : i32
    %c0_i32_1 = arith.constant 0 : i32
    return %c0_i32, %arg0, %c0_i32_0 : i32, i32, i32
  }
  func.func @transform_1(%arg0: i32) -> (i32, i32, i32) {
    %c0_i32 = arith.constant 0 : i32
    %c0_i32_0 = arith.constant 0 : i32
    %c0_i32_1 = arith.constant 0 : i32
    return %c0_i32, %arg0, %c0_i32_0 : i32, i32, i32
  }
  func.func @transform_2(%arg0: i32) -> (i32, i32) {
    %c0_i32 = arith.constant 0 : i32
    %c0_i32_0 = arith.constant 0 : i32
    return %arg0, %c0_i32 : i32, i32
  }
}

</mosaic_0001>

<sc_bundles>
// kernel: kernel.5.cloned.1.call-start
scs
__scs_entry_jumppad:
0x0: {  	(pc) =	sbr.rel $0x88, $3  }
0x1: {  	(tag) =	ssettag $0x0;
	lr =	simm.s32 $0x1  }
0x2: {  	[smem:$0x3F9D] =	sst lr;
	_ =	strace $0xD0000000  }
0x3: {  	_ = 	snop  }
0x4: {  	_ = 	snop  }
0x5: {  	_ = 	snop  }
0x6: {  	_ = 	snop  }
0x7: {  	_ = 	snop  }
__scs_overlays_trampoline_lowered:
0x8: {  	[smem:$0x3FAC] =	sst s0  }
0x9: {  	[smem:$0x3FAD] =	sst s1  }
0xa: {  	[smem:$0x3FAE] =	sst s2  }
0xb: {  	[smem:$0x3FAF] =	sst s3  }
0xc: {  	[smem:$0x3FB0] =	sst s4  }
0xd: {  	[smem:$0x3FB1] =	sst s5  }
0xe: {  	[smem:$0x3FB2] =	sst s6  }
0xf: {  	[smem:$0x3FB3] =	sst s7  }
0x10: {  	[smem:$0x3FB4] =	sst s8  }
0x11: {  	[smem:$0x3FB5] =	sst s9;
	s0 =	simm.s32 @!p0 $0x0  }
0x12: {  	s1 =	sld [smem:$0x3F9B];
	s0 =	simm.s32 @p0 $0x1  }
0x13: {  	[smem:$0x3FB6] =	sst s0;
	s0 =	simm.s32 @!p1 $0x0  }
0x14: {  	s2 =	sld [smem:$0x3F9A];
	s0 =	simm.s32 @p1 $0x1  }
0x15: {  	[smem:$0x3FB7] =	sst s0;
	s0 =	simm.s32 @!p2 $0x0  }
0x16: {  	s3 =	sld [smem:$0x3FDB];
	s0 =	simm.s32 @p2 $0x1  }
0x17: {  	s4 =	simm.s32 $0x1BF5;
	[smem:$0x3FB9] =	sst s0  }
0x18: {  	s0 =	sld [smem:$0x3F9C];
	_ =	swait.ge [sflag:s4], $0x0  }
0x19: {  	s7 =	sld [smem:$0x3F9D]  }
0x1a: {  	s8 =	sadd.s32 $0xFFFFE003, lr  }
0x1b: {  	s9 =	sadd.s32 $0xFFFFFEF7, lr;
	s5 =	simm.s32 $0xFFFFFFFF;
	p2 =	slt.u32 s8, $0xFFFFF086  }
0x1c: {  	p1 =	slt.u32 s9, $0xF7A;
	s5 =	simm.s32 @!p2 $0x0  }
0x1d: {  	s5 =	simm.s32 @p1 $0x1;
	p0 =	seq.s32 s7, s2  }
0x1e: {  	s7 =	smul.u32 @!p0 $0xF7A, s2;
	p2 =	seq.s32 @!p0 s5, $0x0  }
0x1f: {  	s9 =	smul.u32 $0xF7A, s1;
	s8 =	simm.s32 @!p0 $0x1BF5;
	p2 =	por !p2, p0  }
0x20: {  	[sflag:s8] =	ssyncset.s32 @!p0 $0xFFFFF086;
	s6 =	sadd.s32 @!p0 s3, s7;
	s7 =	simm.s32 @!p0 $0x108  }
0x21: {  	s3 =	sadd.s32 s3, s9;
	s6 =	sadd.s32 @!p0 $0x88, s6;
	s7 =	simm.s32 @p2 $0x1082  }
0x22: {  	[simem:s7], [sflag:s8] =	dma.local @!p0 [hbm:s6], $0xF7A  }
0x23: {  	s9 =	sor.u32 $0xD0000000, s2;
	s6 =	simm.s32 $0x108;
	_ =	swait.ge @!p0 [sflag:s8], $0x0  }
0x24: {  	s3 =	sadd.s32 $0x88, s3;
	s6 =	simm.s32 @!p1 $0x1082;
	[sflag:s4] =	ssyncset.s32 $0xFFFFF086  }
0x25: {  	[simem:s6], [sflag:s4] =	dma.local [hbm:s3], $0xF7A  }
0x26: {  	[smem:$0x3F9D] =	sst s1;
	(tag) =	ssettag s2;
	_ =	strace s9  }
0x27: {  	s1 =	sld [smem:$0x3FAD]  }
0x28: {  	s2 =	sld [smem:$0x3FAE]  }
0x29: {  	s4 =	sld [smem:$0x3FB0]  }
0x2a: {  	p0 =	seq.s32 s5, $0x0;
	s5 =	sld [smem:$0x3FB1]  }
0x2b: {  	s6 =	sld [smem:$0x3FB2]  }
0x2c: {  	s7 =	sld [smem:$0x3FB3]  }
0x2d: {  	s3 =	simm.s32 $0x108;
	s8 =	sld [smem:$0x3FB4]  }
0x2e: {  	s3 =	simm.s32 @!p0 $0x1082;
	s9 =	sld [smem:$0x3FB5]  }
0x2f: {  	lr =	sadd.s32 s0, s3;
	s0 =	sld [smem:$0x3FAC]  }
0x30: {  	s3 =	sld [smem:$0x3FAF]  }
0x31: {  	[smem:$0x3FB8] =	sst s10  }
0x32: {  	s10 =	sld [smem:$0x3FB6];
	_ =	sdelay $0x3  }
0x33: {  	p0 =	seq.s32 s10, $0x1;
	s10 =	sld [smem:$0x3FB8];
	_ =	sdelay $0x3  }
0x34: {  	[smem:$0x3FB8] =	sst s10  }
0x35: {  	s10 =	sld [smem:$0x3FB7];
	_ =	sdelay $0x3  }
0x36: {  	p1 =	seq.s32 s10, $0x1;
	s10 =	sld [smem:$0x3FB8];
	_ =	sdelay $0x3  }
0x37: {  	[smem:$0x3FB8] =	sst s10  }
0x38: {  	s10 =	sld [smem:$0x3FB9]  }
0x39: {  	_ = 	snop;
	(pc) =	sbr.ind lr, $3  }
0x3a: {  	_ = 	snop  }
0x3b: {  	_ = 	snop  }
0x3c: {  	p2 =	seq.s32 s10, $0x1;
	s10 =	sld [smem:$0x3FB8]  }
0x3d: {  	_ =	shalt  }
0x3e: {  	_ =	shalt  }
0x3f: {  	_ =	shalt  }
0x40: {  	_ =	shalt  }
0x41: {  	_ =	shalt  }
0x42: {  	_ =	shalt  }
0x43: {  	_ =	shalt  }
0x44: {  	_ =	shalt  }
0x45: {  	_ =	shalt  }
0x46: {  	_ =	shalt  }
0x47: {  	_ =	shalt  }
0x48: {  	_ =	shalt  }
0x49: {  	_ =	shalt  }
0x4a: {  	_ =	shalt  }
0x4b: {  	_ =	shalt  }
0x4c: {  	_ =	shalt  }
0x4d: {  	_ =	shalt  }
0x4e: {  	_ =	shalt  }
0x4f: {  	_ =	shalt  }
0x50: {  	_ =	shalt  }
0x51: {  	_ =	shalt  }
0x52: {  	_ =	shalt  }
0x53: {  	_ =	shalt  }
0x54: {  	_ =	shalt  }
0x55: {  	_ =	shalt  }
0x56: {  	_ =	shalt  }
0x57: {  	_ =	shalt  }
0x58: {  	_ =	shalt  }
0x59: {  	_ =	shalt  }
0x5a: {  	_ =	shalt  }
0x5b: {  	_ =	shalt  }
0x5c: {  	_ =	shalt  }
0x5d: {  	_ =	shalt  }
0x5e: {  	_ =	shalt  }
0x5f: {  	_ =	shalt  }
0x60: {  	_ =	shalt  }
0x61: {  	_ =	shalt  }
0x62: {  	_ =	shalt  }
0x63: {  	_ =	shalt  }
0x64: {  	_ =	shalt  }
0x65: {  	_ =	shalt  }
0x66: {  	_ =	shalt  }
0x67: {  	_ =	shalt  }
0x68: {  	_ =	shalt  }
0x69: {  	_ =	shalt  }
0x6a: {  	_ =	shalt  }
0x6b: {  	_ =	shalt  }
0x6c: {  	_ =	shalt  }
0x6d: {  	_ =	shalt  }
0x6e: {  	_ =	shalt  }
0x6f: {  	_ =	shalt  }
0x70: {  	_ =	shalt  }
0x71: {  	_ =	shalt  }
0x72: {  	_ =	shalt  }
0x73: {  	_ =	shalt  }
0x74: {  	_ =	shalt  }
0x75: {  	_ =	shalt  }
0x76: {  	_ =	shalt  }
0x77: {  	_ =	shalt  }
0x78: {  	_ =	shalt  }
0x79: {  	_ =	shalt  }
0x7a: {  	_ =	shalt  }
0x7b: {  	_ =	shalt  }
0x7c: {  	_ =	shalt  }
0x7d: {  	_ =	shalt  }
0x7e: {  	_ =	shalt  }
0x7f: {  	_ =	shalt  }
0x80: {  	_ =	shalt  }
0x81: {  	_ =	shalt  }
0x82: {  	_ =	shalt  }
0x83: {  	_ =	shalt  }
0x84: {  	_ =	shalt  }
0x85: {  	_ =	shalt  }
0x86: {  	_ =	shalt  }
0x87: {  	_ =	shalt  }
.Lfunc_end0:
.L_simem_size_0:
called_computation_lowered:
.L_overlay_start_0:
0x88: {  	s2 =	sld [smem:$0x3FD9]  }
0x89: {  	s3 =	sld [smem:$0x3FFE];
	_ =	sdelay $0x1  }
0x8a: {  	s1 =	srdreg.scid  }
0x8b: {  	s0 =	sand.u32 $0x1, s1  }
0x8c: {  	s17 =	sshll.u32 s0, $0xA;
	s2 =	sadd.s32 s3, s2  }
0x8d: {  	s2 =	sadd.s32 s2, s17  }
0x8e: {  	[smem:$0x3FC4] =	sst s2  }
0x8f: {  	_ = 	snop  }
0x90: {  	s2 =	sld [smem:$0x3FD0];
	(tm) =	ssettm $0x1  }
0x91: {  	s18 =	sld [smem:$0x3FFB];
	_ =	sdelay $0x3  }
0x92: {  	_ =	strace s18  }
0x93: {  	s3 =	sld [smem:$0x3FFC];
	_ =	sdelay $0x3  }
0x94: {  	_ =	strace s3  }
0x95: {  	s3 =	sld [smem:$0x3FFD];
	_ =	sdelay $0x3  }
0x96: {  	_ =	strace s3  }
0x97: {  	_ =	strace $0x8FFFFFFF  }
0x98: {  	s19 =	sld [smem:$0x3FDB];
	_ =	sdelay $0x1  }
0x99: {  	s4 =	simm.s32 $_scs_section_size  }
0x9a: {  	s5 =	simm.s32 $_size__tile_overlayer_lowered;
	s6 =	simm.s32 $_tile_overlayer_lowered  }
0x9b: {  	s22 =	simm.s32 $0x1BFF;
	s21 =	sshll.u32 s6, $0x1;
	s3 =	sadd.s32 s4, s19  }
0x9c: {  	s7 =	simm.s32 $0x0;
	s20 =	sshll.u32 s5, $0x1;
	s5 =	sadd.s32 s21, s3  }
0x9d: {  	[timem:s7], [sflag:s22] =	dma.local [hbm:s5], s20  }
0x9e: {  	_ =	swait.ge [sflag:s22], s20  }
0x9f: {  	s4 =	ssub.s32 $0x0, s20;
	[sflag:s22] =	ssyncset.done $0x0  }
0xa0: {  	[sflag:s22] =	ssyncadd.s32 s4;
	_ =	sdelay $0x1  }
0xa1: {  	s23 =	simm.s32 $0x1B8B  }
0xa2: {  	_ =	swait.ge [sflag:s23], $0x1  }
0xa3: {  	[sflag:s23] =	ssyncset.done $0x0  }
0xa4: {  	s25 =	simm.s32 $0x1B8E;
	s24 =	sld [smem:$0x3FFE];
	[sflag:s23] =	ssyncadd.s32 $0xFFFFFFFF  }
0xa5: {  	s26 =	simm.s32 $execute0_lowered;
	[smem:$0x3FD2] =	sst s25  }
0xa6: {  	s5 =	sshll.u32 s26, $0x1;
	_ =	strace $0x80000046;
	[dreg:$0x1] =	wrdreg $0xFFFFFFFF  }
0xa7: {  	s28 =	simm.s32 $_size_execute0_lowered;
	s3 =	sadd.s32 s3, s5;
	[dreg:$0x0] =	wrdreg $0x0  }
0xa8: {  	s5 =	sshll.u32 s28, $0x1;
	[dreg:$0x2] =	wrdreg s3  }
0xa9: {  	[dreg:$0x3] =	wrdreg s5  }
0xaa: {  	[dreg:$0x4] =	wrdreg $0xC0  }
0xab: {  	_ =	task [dreg:s7], $0x5FFFF  }
0xac: {  	[dreg:$0x1] =	wrdreg $0xFFFFFFFF  }
0xad: {  	[dreg:$0x0] =	wrdreg $0x60  }
0xae: {  	[dreg:$0x2] =	wrdreg s2  }
0xaf: {  	[dreg:$0x3] =	wrdreg s24  }
0xb0: {  	[dreg:$0x4] =	wrdreg $0xC1000  }
0xb1: {  	[dreg:$0x5] =	wrdreg $0x1FD000  }
0xb2: {  	[dreg:$0x6] =	wrdreg $0x9  }
0xb3: {  	_ =	task.clear_ibuf [dreg:s7], $0x7FFFF;
	_ =	strace $0x90000046  }
0xb4: {  	s29 =	simm.s32 $0x9;
	_ =	strace $0x80000048  }
0xb5: {  	_ =	swait.ge [sflag:s29], $0x1  }
0xb6: {  	[sflag:s29] =	ssyncadd.s32 $0xFFFFFFFF  }
0xb7: {  	_ =	strace $0x90000048  }
0xb8: {  	_ =	sfence  }
0xb9: {  	s30 =	sld [smem:$0x0];
	_ =	sdelay $0x2  }
0xba: {  	s31 =	sshll.u32 s1, $0xD;
	s1 =	sshrl.u32 s1, $0x2  }
0xbb: {  	s3 =	sand.u32 $0x4000, s31;
	s1 =	sadd.s32 s1, s30  }
0xbc: {  	s0 =	sor.u32 s3, s0;
	s1 =	sshll.u32 s1, $0x11  }
0xbd: {  	s0 =	sor.u32 s1, s0  }
0xbe: {  	s0 =	sadd.s32 $0x8F2B, s0  }
0xbf: {  	[sflag:s0] =	ssyncadd.remote.s32 $0x1  }
0xc0: {  	_ =	sfence.sel $0xFFFF  }
0xc1: {  	[dreg:$0x0] =	wrdreg $0xFFFFFFFF;
	(pc) =	sbr.abs _section_cstart, $3  }
0xc2: {  	[dreg:$0x1] =	wrdreg $0xFFFFFFFF  }
0xc3: {  	_ =	task.clear_ibuf [dreg:s7], $0x2FFFF;
	_ =	strace $0x9FFFFFFF  }
0xc4: {  	(tm) =	ssettm $0x7FFFFFFF  }
0xc5: {  	_ =	shalt  }
tec
execute0_lowered:
.L_overlay_start_1:
0x0: {  	(tag) =	ssettag $0x1  }
0x1: {  	s0 =	rddreg [dreg:$0x0]  }
0x2: {  	s1 =	rddreg [dreg:$0x1]  }
0x3: {  	s2 =	srdreg.scid;
	s3 =	rddreg [dreg:$0x2]  }
0x4: {  	s14 =	stileid.u32;
	s4 =	rddreg [dreg:$0x3]  }
0x5: {  	s5 =	simm.s32 $0x0;
	s28 =	simm.s32 $0xD;
	s9 =	smul.u32 $0x13C00, s14  }
0x6: {  	s29 =	simm.s32 $0x80;
	s30 =	simm.s32 $0x5;
	s11 =	smul.u32 $0x278, s14  }
0x7: {  	s31 =	simm.s32 $0x28;
	s2 =	sand.u32 $0x1, s2;
	s12 =	smul.u32 $0x4F000, s14  }
0x8: {  	[smem:$0x7FF] =	sst s5;
	s6 =	sadd.s32 $0x14A00, s1;
	s8 =	smul.u32 $0x13C000, s2  }
0x9: {  	s7 =	sadd.s32 $0xAC00, s1;
	s10 =	smul.u32 $0x2780, s2;
	_ =	strace $0x80000047  }
0xa: {  	s24 =	ssub.s32 $0x2, s2;
	s2 =	sshll.u32 s2, $0x4;
	s25 =	sshrl.u32 s12, $0x2  }
0xb: {  	s26 =	sshrl.u32 s24, $0x1;
	s2 =	sor.u32 s14, s2;
	s21 =	sadd.s32 s11, s4  }
0xc: {  	s8 =	sadd.s32 s9, s8;
	s22 =	sadd.s32 s11, s10;
	s19 =	sadd.s32 s25, s3  }
0xd: {  	s10 =	smul.u32 $0x2710, s2;
	[dreg:$0xa] =	wrdreg s21;
	s23 =	sshrl.u32 s8, $0x3  }
0xe: {  	s9 =	sshrl.u32 s22, $0x3;
	s12 =	sadd.s32 $0x4000, s19;
	[dreg:$0x5] =	wrdreg s19  }
0xf: {  	s8 =	sadd.s32 $0xE00, s1;
	s14 =	sadd.s32 $0x8000, s19;
	[dreg:$0x6] =	wrdreg s12  }
0x10: {  	s15 =	sadd.s32 $0xC000, s19;
	s16 =	sadd.s32 $0x10000, s19;
	[dreg:$0x7] =	wrdreg s14  }
0x11: {  	s13 =	sadd.s32 s23, s1;
	s1 =	sadd.s32 s9, s1;
	[dreg:$0x8] =	wrdreg s15  }
0x12: {  	s9 =	ssub.s32 s24, s26;
	[dreg:$0x9] =	wrdreg s16;
	s17 =	sshrl.u32 s10, $0x3  }
0x13: {  	s18 =	sadd.s32 $0x28, s10;
	s23 =	sadd.s32 $0xA0, s10;
	s24 =	sadd.s32 $0xC8, s10  }
0x14: {  	s12 =	simm.s32 $0x180;
	s15 =	simm.s32 $0x8;
	s14 =	simm.s32 $0x0  }
0x15: {  	s20 =	sadd.s32 s7, s17;
	s2 =	sadd.s32 s8, s17;
	[dreg:$0xf] =	wrdreg s23  }
0x16: {  	s22 =	sshrl.u32 s18, $0x3;
	[dreg:$0x10] =	wrdreg s24;
	s25 =	sadd.s32 $0x3C600, s13  }
0x17: {  	s1 =	sadd.s32 $0x3BC00, s1;
	s26 =	smax.u32 s9, $0x1;
	s9 =	simm.s32 $0xBE80  }
0x18: {  	s13 =	simm.s32 $0x6;
	s17 =	simm.s32 $0x1;
	[dreg:$0xb] =	wrdreg s20  }
0x19: {  	s18 =	simm.s32 $0x2;
	s23 =	simm.s32 $0x3;
	[dreg:$0xc] =	wrdreg s2  }
.Ltmp0:
0x1a: {  	s24 =	simm.s32 $0x4;
	[dreg:$0x11] =	wrdreg s25;
	(pc) =	sbr.rel .LBB2_1-.Ltmp0, $4  }
0x1b: {  	s11 =	sadd.s32 s7, s22;
	s2 =	sadd.s32 s8, s22;
	[dreg:$0x12] =	wrdreg s1  }
0x1c: {  	[dreg:$0x13] =	wrdreg s26;
	s22 =	simm.s32 $0xBC00;
	s25 =	simm.s32 $0x9  }
0x1d: {  	s26 =	simm.s32 $0xA;
	s20 =	simm.s32 $0xC;
	[dreg:$0xd] =	wrdreg s11  }
0x1e: {  	v0 =	vimm.f32 $0.0e+00;
	v1 =	vimm.f32 $1.000000000e+00;
	[dreg:$0xe] =	wrdreg s2;
	s11 =	simm.s32 $0x380;
	s2 =	simm.s32 $0xB  }
.LBB2_17:
0x1f: {  	_ =	swait.ge [sflag:s25], $0x1400  }
0x20: {  	[sflag:s25] =	ssyncset.done $0x0  }
0x21: {  	[sflag:s25] =	ssyncadd.s32 $0xFFFFEC00  }
0x22: {  	_ =	swait.ge [sflag:s2], $0x28  }
0x23: {  	[sflag:s2] =	ssyncset.done $0x0  }
0x24: {  	[sflag:s2] =	ssyncadd.s32 $0xFFFFFFD8  }
0x25: {  	_ =	swait.ge [sflag:s26], $0x1400  }
0x26: {  	[sflag:s26] =	ssyncset.done $0x0  }
0x27: {  	[sflag:s26] =	ssyncadd.s32 $0xFFFFEC00  }
0x28: {  	_ =	swait.ge [sflag:s20], $0x28  }
0x29: {  	[sflag:s20] =	ssyncset.done $0x0  }
0x2a: {  	[sflag:s20] =	ssyncadd.s32 $0xFFFFFFD8  }
0x2b: {  	s1 =	stileid.u32;
	[bflag:$0x0] =	sbarrier.arrive $0xFFFF  }
0x2c: {  	s28 =	simm.s32 $0xD;
	s1 =	sshll.u32 s1, $0x6;
	s19 =	rddreg [dreg:$0x5]  }
0x2d: {  	s1 =	sor.u32 $0x1C0D, s1;
	s16 =	rddreg [dreg:$0x11];
	s14 =	sshrl.u32 s19, $0x3  }
0x2e: {  	[hbm:s16], [sflag:s1] =	dma.local [spmem:s14], $0x2780  }
0x2f: {  	_ =	swait.ge [sflag:s28], $0x2780  }
0x30: {  	[sflag:s28] =	ssyncset.done $0x0  }
0x31: {  	s1 =	simm.s32 $0xBE80;
	s21 =	rddreg [dreg:$0xa];
	[sflag:s28] =	ssyncadd.s32 $0xFFFFD880  }
0x32: {  	[tilespmem:s1], [sflag:$0xD] =	stream.linear.gather [spmem:s21], $0x278, $0x38;
	[tilespmem:$0x1FF78] =	vst v63  }
0x33: {  	_ =	swait.ge [sflag:s28], $0x278  }
0x34: {  	[sflag:s28] =	ssyncset.done $0x0  }
0x35: {  	s16 =	rddreg [dreg:$0x12];
	[sflag:s28] =	ssyncadd.s32 $0xFFFFFD88  }
0x36: {  	[hbm4b:s16+s5] =	stream.linear.scatter [tilespmem:s1], [sflag:$0xD], $0x278, $0x38;
	[tilespmem:$0x1FF78] =	vst v63  }
0x37: {  	_ =	swait.ge [sflag:s28], $0x278  }
0x38: {  	s1 =	rddreg [dreg:$0x14]  }
0x39: {  	s16 =	rddreg [dreg:$0x13];
	s14 =	sadd.s32 $0x1, s1  }
0x3a: {  	p0 =	sne.s32 s14, s16  }
.Ltmp1:
0x3b: {  	_ = 	snop;
	(pc) =	sbr.rel @!p0 .LBB2_18-.Ltmp1, $3  }
0x3c: {  	_ =	sdelay $0x1  }
0x3d: {  	[sflag:s28] =	ssyncset.done $0x0  }
0x3e: {  	s9 =	simm.s32 $0xBE80;
	[sflag:s28] =	ssyncadd.s32 $0xFFFFFD88  }
.LBB2_1:
0x3f: {  	[dreg:$0x14] =	wrdreg s14;
	s1 =	simm.s32 $0x0;
	s14 =	simm.s32 $0x200  }
.LBB2_2:
0x40: {  	p0 =	sne.s32 s14, $0xFE00;
	[tilespmem:s1+$0x7C70] =	vst v0  }
0x41: {  	[tilespmem:s1+$0x7C00] =	vst v0  }
0x42: {  	[tilespmem:s1+$0x7C10] =	vst v0  }
.Ltmp2:
0x43: {  	[tilespmem:s1+$0x7C20] =	vst v0;
	(pc) =	sbr.rel @p0 .LBB2_2-.Ltmp2, $4  }
0x44: {  	[tilespmem:s1+$0x7C30] =	vst v0  }
0x45: {  	[tilespmem:s1+$0x7C40] =	vst v0  }
0x46: {  	[tilespmem:s1+$0x7C50] =	vst v0  }
0x47: {  	[tilespmem:s1+$0x7C60] =	vst v0;
	s1 =	sshra.s32 s14, $0x2;
	s14 =	sadd.s32 $0x200, s14  }
0x48: {  	[tilespmem:s1+$0x7C70] =	vst v0  }
0x49: {  	[tilespmem:s1+$0x7C00] =	vst v0  }
0x4a: {  	[tilespmem:s1+$0x7C10] =	vst v0  }
0x4b: {  	[tilespmem:s1+$0x7C20] =	vst v0  }
0x4c: {  	[tilespmem:s1+$0x7C30] =	vst v0  }
0x4d: {  	[tilespmem:s1+$0x7C40] =	vst v0  }
0x4e: {  	[tilespmem:s1+$0x7C50] =	vst v0  }
0x4f: {  	[tilespmem:s1+$0x7C60] =	vst v0;
	s1 =	simm.s32 $0x40;
	s14 =	simm.s32 $0x0  }
.LBB2_4:
0x50: {  	p0 =	sne.s32 s1, $0x9C0;
	[tilespmem:s14+$0xBC00] =	vst v1;
	s16 =	smov.u32 s1;
	s1 =	sadd.s32 $0x40, s1  }
.Ltmp3:
0x51: {  	[tilespmem:s14+$0xBE80] =	vst v0;
	(pc) =	sbr.rel @p0 .LBB2_4-.Ltmp3, $2  }
0x52: {  	_ =	sdelay $0x2  }
0x53: {  	s14 =	sshra.s32 s16, $0x2  }
0x54: {  	[tilespmem:s14+$0xBC00] =	vst v1  }
0x55: {  	[tilespmem:s14+$0xBE80] =	vst v0;
	s14 =	simm.s32 $0x7C00  }
0x56: {  	[spmem:s19] =	stream.linear.scatter [tilespmem:s14], [sflag:$0xD], $0x4000, $0x38;
	[tilespmem:$0x1FF78] =	vst v63  }
0x57: {  	_ =	swait.ge [sflag:s28], $0x4000  }
0x58: {  	[sflag:s28] =	ssyncset.done $0x0  }
0x59: {  	s1 =	rddreg [dreg:$0x6];
	[sflag:s28] =	ssyncadd.s32 $0xFFFFC000  }
0x5a: {  	[spmem:s1] =	stream.linear.scatter [tilespmem:s14], [sflag:$0xD], $0x4000, $0x38;
	[tilespmem:$0x1FF78] =	vst v63  }
0x5b: {  	_ =	swait.ge [sflag:s28], $0x4000  }
0x5c: {  	[sflag:s28] =	ssyncset.done $0x0  }
0x5d: {  	s19 =	rddreg [dreg:$0x7];
	[sflag:s28] =	ssyncadd.s32 $0xFFFFC000  }
0x5e: {  	[spmem:s19] =	stream.linear.scatter [tilespmem:s14], [sflag:$0xD], $0x4000, $0x38;
	[tilespmem:$0x1FF78] =	vst v63  }
0x5f: {  	_ =	swait.ge [sflag:s28], $0x4000  }
0x60: {  	[sflag:s28] =	ssyncset.done $0x0  }
0x61: {  	s16 =	rddreg [dreg:$0x8];
	[sflag:s28] =	ssyncadd.s32 $0xFFFFC000  }
0x62: {  	[spmem:s16] =	stream.linear.scatter [tilespmem:s14], [sflag:$0xD], $0x4000, $0x38;
	[tilespmem:$0x1FF78] =	vst v63  }
0x63: {  	_ =	swait.ge [sflag:s28], $0x4000  }
0x64: {  	[sflag:s28] =	ssyncset.done $0x0  }
0x65: {  	s19 =	rddreg [dreg:$0x9];
	[sflag:s28] =	ssyncadd.s32 $0xFFFFC000  }
0x66: {  	[spmem:s19] =	stream.linear.scatter [tilespmem:s14], [sflag:$0xD], $0x3C00, $0x38;
	[tilespmem:$0x1FF78] =	vst v63  }
0x67: {  	_ =	swait.ge [sflag:s28], $0x3C00  }
0x68: {  	[sflag:s28] =	ssyncset.done $0x0  }
0x69: {  	[sflag:s28] =	ssyncadd.s32 $0xFFFFC400  }
0x6a: {  	[spmem:s21] =	stream.linear.scatter [tilespmem:s9], [sflag:$0xD], $0x278, $0x38;
	[tilespmem:$0x1FF78] =	vst v63  }
0x6b: {  	_ =	swait.ge [sflag:s28], $0x278  }
0x6c: {  	[sflag:s28] =	ssyncset.done $0x0  }
0x6d: {  	[sflag:s28] =	ssyncadd.s32 $0xFFFFFD88  }
0x6e: {  	[bflag:$0x0] =	sbarrier.arrive $0xFFFF  }
0x6f: {  	s21 =	simm.s32 $0x0;
	s28 =	rddreg [dreg:$0xb]  }
0x70: {  	[tilespmem:s21], [sflag:$0x5] =	stream.linear.gather [hbm4b:s28+s21], $0x28, $0x38;
	[tilespmem:$0x1FF78] =	vst v63  }
0x71: {  	s9 =	rddreg [dreg:$0xc]  }
0x72: {  	[tilespmem:s29], [sflag:$0x5] =	stream.linear.gather [hbm4b:s9+s21], $0x28, $0x38;
	[tilespmem:$0x1FF78] =	vst v63  }
0x73: {  	_ =	swait.ge [sflag:s30], $0x28  }
0x74: {  	[sflag:s30] =	ssyncset.done $0x0  }
0x75: {  	[sflag:s30] =	ssyncadd.s32 $0xFFFFFFD8  }
0x76: {  	_ =	swait.ge [sflag:s30], $0x28  }
0x77: {  	[sflag:s30] =	ssyncset.done $0x0  }
0x78: {  	s9 =	simm.s32 $0x400;
	[sflag:s30] =	ssyncadd.s32 $0xFFFFFFD8  }
0x79: {  	[tilespmem:s9], [sflag:$0x1] =	stream.indirect.gather [hbm4b:s0+s31], $0x80, s29, s31, $0xb8;
	[tilespmem:$0x1FF78] =	vst v63  }
0x7a: {  	s14 =	simm.s32 $0x1800  }
0x7b: {  	[tilespmem:s14], [sflag:$0x2] =	stream.indirect.gather [hbm4b:s6+s31], $0x80, s21, s31, $0xb8;
	[tilespmem:$0x1FF78] =	vst v63  }
.Ltmp4:
0x7c: {  	_ = 	snop;
	(pc) =	sbr.rel .LBB2_6-.Ltmp4, $4  }
0x7d: {  	s19 =	simm.s32 $0x100;
	s16 =	rddreg [dreg:$0xd]  }
0x7e: {  	[tilespmem:s19], [sflag:$0x6] =	stream.linear.gather [hbm4b:s16+s21], $0x28, $0x38;
	[tilespmem:$0x1FF78] =	vst v63  }
0x7f: {  	s28 =	rddreg [dreg:$0xe]  }
0x80: {  	[tilespmem:s12], [sflag:$0x6] =	stream.linear.gather [hbm4b:s28+s21], $0x28, $0x38;
	[tilespmem:$0x1FF78] =	vst v63  }
.LBB2_16:
0x81: {  	s21 =	sadd.s32 $0x1, s21  }
0x82: {  	p0 =	sne.s32 s21, $0x3F  }
.Ltmp5:
0x83: {  	_ = 	snop;
	(pc) =	sbr.rel @!p0 .LBB2_17-.Ltmp5, $1  }
0x84: {  	_ =	sdelay $0x3  }
.LBB2_6:
0x85: {  	_ =	swait.ge [sflag:s13], $0x28  }
0x86: {  	[sflag:s13] =	ssyncset.done $0x0  }
0x87: {  	[sflag:s13] =	ssyncadd.s32 $0xFFFFFFD8  }
0x88: {  	_ =	swait.ge [sflag:s13], $0x28  }
0x89: {  	[sflag:s13] =	ssyncset.done $0x0  }
0x8a: {  	s1 =	simm.s32 $0x2C00;
	[sflag:s13] =	ssyncadd.s32 $0xFFFFFFD8  }
0x8b: {  	[tilespmem:s1], [sflag:$0x3] =	stream.indirect.gather [hbm4b:s0+s31], $0x80, s12, s31, $0xb8;
	[tilespmem:$0x1FF78] =	vst v63  }
0x8c: {  	s16 =	simm.s32 $0x4000;
	s14 =	simm.s32 $0x100  }
0x8d: {  	[tilespmem:s16], [sflag:$0x4] =	stream.indirect.gather [hbm4b:s6+s31], $0x80, s14, s31, $0xb8;
	[tilespmem:$0x1FF78] =	vst v63  }
0x8e: {  	_ =	swait.ge [sflag:s17], $0x1400  }
0x8f: {  	[sflag:s17] =	ssyncset.done $0x0  }
0x90: {  	[sflag:s17] =	ssyncadd.s32 $0xFFFFEC00  }
0x91: {  	_ =	swait.ge [sflag:s18], $0x1400  }
0x92: {  	p1 =	seq.s32 s21, $0x0;
	[sflag:s18] =	ssyncset.done $0x0  }
0x93: {  	s1 =	simm.s32 @!p1 $0x9;
	[sflag:s18] =	ssyncadd.s32 $0xFFFFEC00  }
0x94: {  	_ =	swait.ge @!p1 [sflag:s1], $0x1400  }
0x95: {  	[sflag:s1] =	ssyncset.done @!p1 $0x0  }
0x96: {  	[sflag:s1] =	ssyncadd.s32 @!p1 $0xFFFFEC00;
	s1 =	simm.s32 @!p1 $0xB  }
0x97: {  	_ =	swait.ge @!p1 [sflag:s1], $0x28  }
0x98: {  	[sflag:s1] =	ssyncset.done @!p1 $0x0  }
0x99: {  	s19 =	simm.s32 $0x600;
	[sflag:s1] =	ssyncadd.s32 @!p1 $0xFFFFFFD8  }
0x9a: {  	s16 =	simm.s32 $0x1A00;
	v2 =	vld [tilespmem:s19+$0x180]  }
0x9b: {  	v3 =	vld [tilespmem:s16+$0x180]  }
0x9c: {  	v4 =	vld [tilespmem:s16+$0xFFFFFE00]  }
0x9d: {  	v5 =	vld [tilespmem:s19+$0xFFFFFE80]  }
0x9e: {  	v6 =	vld [tilespmem:s16+$0xFFFFFE80]  }
0x9f: {  	v7 =	vld [tilespmem:s19+$0xFFFFFF00]  }
0xa0: {  	v8 =	vld [tilespmem:s16+$0xFFFFFF00];
	v2 =	vadd.f32 v3, v2  }
0xa1: {  	v9 =	vld [tilespmem:s16+$0xFFFFFF80]  }
0xa2: {  	v11 =	vld [tilespmem:s19+$0x0];
	v10 =	vmul.f32 $3.000000120e-01, v2  }
0xa3: {  	v12 =	vld [tilespmem:s16+$0x0];
	vm0 =	vge.f32 v2, $0.0e+00  }
0xa4: {  	s14 =	simm.s32 $0x5600;
	v14 =	vld [tilespmem:s19+$0x100];
	v2 =	vsel vm0, v2, v10  }
0xa5: {  	v3 =	vld [tilespmem:s19+$0xFFFFFF80];
	[tilespmem:s14+$0x180] =	vst v2  }
0xa6: {  	v2 =	vadd.f32 v6, v5;
	v5 =	vld [tilespmem:s19+$0x190]  }
0xa7: {  	v6 =	vld [tilespmem:s16+$0x190]  }
0xa8: {  	v7 =	vadd.f32 v8, v7;
	v8 =	vld [tilespmem:s16+$0x80];
	v13 =	vmul.f32 $3.000000120e-01, v2  }
0xa9: {  	v10 =	vld [tilespmem:s19+$0x80];
	vm0 =	vge.f32 v2, $0.0e+00  }
0xaa: {  	v15 =	vmul.f32 $3.000000120e-01, v7;
	v3 =	vadd.f32 v9, v3;
	v9 =	vld [tilespmem:s16+$0x100];
	v2 =	vsel vm0, v2, v13  }
0xab: {  	vm0 =	vge.f32 v7, $0.0e+00;
	[tilespmem:s14+$0xFFFFFE80] =	vst v2;
	v2 =	vld [tilespmem:s19+$0xFFFFFE00]  }
0xac: {  	v63 =	vmul.f32 $3.000000120e-01, v3;
	v7 =	vsel vm0, v7, v15;
	v18 =	vld [tilespmem:s19+$0xFFFFFE90];
	v5 =	vadd.f32 v6, v5  }
0xad: {  	vm0 =	vge.f32 v3, $0.0e+00;
	[tilespmem:s14+$0xFFFFFF00] =	vst v7;
	v6 =	vld [tilespmem:s16+$0xFFFFFE90]  }
0xae: {  	v7 =	vadd.f32 v12, v11;
	v3 =	vsel vm0, v3, v63;
	v11 =	vld [tilespmem:s19+$0xFFFFFF10];
	v19 =	vmul.f32 $3.000000120e-01, v5  }
0xaf: {  	[tilespmem:s14+$0xFFFFFF80] =	vst v3;
	v3 =	vld [tilespmem:s16+$0xFFFFFF10];
	vm0 =	vge.f32 v5, $0.0e+00  }
0xb0: {  	v20 =	vmul.f32 $3.000000120e-01, v7;
	v21 =	vld [tilespmem:s16+$0xFFFFFF90];
	v2 =	vadd.f32 v4, v2;
	v5 =	vsel vm0, v5, v19  }
0xb1: {  	v4 =	vld [tilespmem:s19+$0xFFFFFF90];
	vm0 =	vge.f32 v7, $0.0e+00;
	[tilespmem:s14+$0x190] =	vst v5  }
0xb2: {  	v5 =	vsel vm0, v7, v20;
	v7 =	vadd.f32 v8, v10;
	v8 =	vmul.f32 $3.000000120e-01, v2;
	v10 =	vld [tilespmem:s19+$0x1A0]  }
0xb3: {  	[tilespmem:s14+$0x0] =	vst v5;
	vm0 =	vge.f32 v2, $0.0e+00;
	v5 =	vld [tilespmem:s16+$0x1A0]  }
0xb4: {  	v9 =	vadd.f32 v9, v14;
	v22 =	vmul.f32 $3.000000120e-01, v7;
	v2 =	vsel vm0, v2, v8;
	v8 =	vld [tilespmem:s19+$0x10]  }
0xb5: {  	vm0 =	vge.f32 v7, $0.0e+00;
	[tilespmem:s14+$0xFFFFFE00] =	vst v2;
	v2 =	vld [tilespmem:s16+$0x10]  }
0xb6: {  	v23 =	vmul.f32 $3.000000120e-01, v9;
	v6 =	vadd.f32 v6, v18;
	v7 =	vsel vm0, v7, v22;
	v24 =	vld [tilespmem:s19+$0xFFFFFE10]  }
0xb7: {  	vm0 =	vge.f32 v9, $0.0e+00;
	[tilespmem:s14+$0x80] =	vst v7;
	v7 =	vld [tilespmem:s16+$0xFFFFFE10]  }
0xb8: {  	v25 =	vmul.f32 $3.000000120e-01, v6;
	v9 =	vsel vm0, v9, v23;
	v26 =	vld [tilespmem:s19+$0x90];
	v5 =	vadd.f32 v5, v10  }
0xb9: {  	vm0 =	vge.f32 v6, $0.0e+00;
	[tilespmem:s14+$0x100] =	vst v9;
	v9 =	vld [tilespmem:s16+$0x90]  }
0xba: {  	v3 =	vadd.f32 v3, v11;
	v6 =	vsel vm0, v6, v25;
	v10 =	vld [tilespmem:s19+$0x110];
	v11 =	vmul.f32 $3.000000120e-01, v5  }
0xbb: {  	[tilespmem:s14+$0xFFFFFE90] =	vst v6;
	v6 =	vld [tilespmem:s16+$0x110];
	vm0 =	vge.f32 v5, $0.0e+00  }
0xbc: {  	v27 =	vmul.f32 $3.000000120e-01, v3;
	v4 =	vadd.f32 v21, v4;
	v28 =	vld [tilespmem:s19+$0xFFFFFEA0];
	v5 =	vsel vm0, v5, v11  }
0xbd: {  	vm0 =	vge.f32 v3, $0.0e+00;
	v7 =	vadd.f32 v7, v24;
	v11 =	vld [tilespmem:s16+$0xFFFFFEA0];
	[tilespmem:s14+$0x1A0] =	vst v5  }
0xbe: {  	v5 =	vmul.f32 $3.000000120e-01, v4;
	v3 =	vsel vm0, v3, v27;
	v29 =	vld [tilespmem:s19+$0x1B0]  }
0xbf: {  	vm0 =	vge.f32 v4, $0.0e+00;
	[tilespmem:s14+$0xFFFFFF10] =	vst v3;
	v3 =	vmul.f32 $3.000000120e-01, v7;
	v30 =	vld [tilespmem:s16+$0x1B0]  }
0xc0: {  	v2 =	vadd.f32 v2, v8;
	v4 =	vsel vm0, v4, v5;
	vm0 =	vge.f32 v7, $0.0e+00;
	v5 =	vld [tilespmem:s19+$0xFFFFFF20]  }
0xc1: {  	[tilespmem:s14+$0xFFFFFF90] =	vst v4;
	v3 =	vsel vm0, v7, v3;
	v4 =	vld [tilespmem:s16+$0xFFFFFF20]  }
0xc2: {  	v8 =	vadd.f32 v9, v26;
	v7 =	vmul.f32 $3.000000120e-01, v2;
	[tilespmem:s14+$0xFFFFFE10] =	vst v3;
	v3 =	vld [tilespmem:s19+$0xFFFFFFA0]  }
0xc3: {  	vm0 =	vge.f32 v2, $0.0e+00;
	v9 =	vld [tilespmem:s19+$0xFFFFFE20]  }
0xc4: {  	v2 =	vsel vm0, v2, v7;
	v7 =	vmul.f32 $3.000000120e-01, v8;
	v31 =	vld [tilespmem:s16+$0xFFFFFE20];
	v13 =	vadd.f32 v30, v29  }
0xc5: {  	vm0 =	vge.f32 v8, $0.0e+00;
	[tilespmem:s14+$0x10] =	vst v2;
	v2 =	vld [tilespmem:s16+$0xFFFFFFA0]  }
0xc6: {  	v6 =	vadd.f32 v6, v10;
	v7 =	vsel vm0, v8, v7;
	v8 =	vld [tilespmem:s19+$0x20];
	v10 =	vmul.f32 $3.000000120e-01, v13  }
0xc7: {  	[tilespmem:s14+$0x90] =	vst v7;
	v7 =	vld [tilespmem:s16+$0x20];
	vm0 =	vge.f32 v13, $0.0e+00  }
0xc8: {  	v32 =	vmul.f32 $3.000000120e-01, v6;
	v11 =	vadd.f32 v11, v28;
	v33 =	vld [tilespmem:s19+$0xA0];
	v10 =	vsel vm0, v13, v10  }
0xc9: {  	v34 =	vld [tilespmem:s16+$0xA0];
	vm0 =	vge.f32 v6, $0.0e+00;
	v9 =	vadd.f32 v31, v9;
	[tilespmem:s14+$0x1B0] =	vst v10  }
0xca: {  	v6 =	vsel vm0, v6, v32;
	v10 =	vmul.f32 $3.000000120e-01, v11;
	v35 =	vld [tilespmem:s19+$0x1C0]  }
0xcb: {  	vm0 =	vge.f32 v11, $0.0e+00;
	[tilespmem:s14+$0x110] =	vst v6;
	v6 =	vmul.f32 $3.000000120e-01, v9;
	v36 =	vld [tilespmem:s16+$0x1C0]  }
0xcc: {  	v4 =	vadd.f32 v4, v5;
	v5 =	vsel vm0, v11, v10;
	vm0 =	vge.f32 v9, $0.0e+00;
	v10 =	vld [tilespmem:s19+$0x120]  }
0xcd: {  	[tilespmem:s14+$0xFFFFFEA0] =	vst v5;
	v5 =	vsel vm0, v9, v6;
	v6 =	vld [tilespmem:s16+$0x120]  }
0xce: {  	v2 =	vadd.f32 v2, v3;
	v9 =	vmul.f32 $3.000000120e-01, v4;
	[tilespmem:s14+$0xFFFFFE20] =	vst v5;
	v3 =	vld [tilespmem:s19+$0xFFFFFEB0]  }
0xcf: {  	vm0 =	vge.f32 v4, $0.0e+00;
	v5 =	vld [tilespmem:s19+$0xFFFFFE30]  }
0xd0: {  	v4 =	vsel vm0, v4, v9;
	v9 =	vmul.f32 $3.000000120e-01, v2;
	v37 =	vld [tilespmem:s16+$0xFFFFFE30];
	v11 =	vadd.f32 v36, v35  }
0xd1: {  	vm0 =	vge.f32 v2, $0.0e+00;
	[tilespmem:s14+$0xFFFFFF20] =	vst v4;
	v4 =	vld [tilespmem:s16+$0xFFFFFEB0]  }
0xd2: {  	v7 =	vadd.f32 v7, v8;
	v2 =	vsel vm0, v2, v9;
	v8 =	vld [tilespmem:s19+$0xFFFFFF30];
	v9 =	vmul.f32 $3.000000120e-01, v11  }
0xd3: {  	[tilespmem:s14+$0xFFFFFFA0] =	vst v2;
	v2 =	vld [tilespmem:s16+$0xFFFFFF30];
	vm0 =	vge.f32 v11, $0.0e+00  }
0xd4: {  	v12 =	vadd.f32 v34, v33;
	v38 =	vmul.f32 $3.000000120e-01, v7;
	v9 =	vsel vm0, v11, v9;
	v11 =	vld [tilespmem:s19+$0xFFFFFFB0]  }
0xd5: {  	v6 =	vadd.f32 v6, v10;
	vm0 =	vge.f32 v7, $0.0e+00;
	[tilespmem:s14+$0x1C0] =	vst v9;
	v9 =	vld [tilespmem:s16+$0xFFFFFFB0]  }
0xd6: {  	v39 =	vmul.f32 $3.000000120e-01, v12;
	v7 =	vsel vm0, v7, v38;
	v10 =	vld [tilespmem:s19+$0x1D0]  }
0xd7: {  	v40 =	vmul.f32 $3.000000120e-01, v6;
	v5 =	vadd.f32 v37, v5;
	vm0 =	vge.f32 v12, $0.0e+00;
	[tilespmem:s14+$0x20] =	vst v7;
	v7 =	vld [tilespmem:s16+$0x1D0]  }
0xd8: {  	v12 =	vsel vm0, v12, v39;
	vm0 =	vge.f32 v6, $0.0e+00;
	v41 =	vld [tilespmem:s19+$0x30]  }
0xd9: {  	v3 =	vadd.f32 v4, v3;
	[tilespmem:s14+$0xA0] =	vst v12;
	v42 =	vld [tilespmem:s16+$0x30];
	v4 =	vsel vm0, v6, v40;
	v6 =	vmul.f32 $3.000000120e-01, v5  }
0xda: {  	vm0 =	vge.f32 v5, $0.0e+00;
	v43 =	vld [tilespmem:s19+$0xB0]  }
0xdb: {  	[tilespmem:s14+$0x120] =	vst v4;
	v4 =	vld [tilespmem:s16+$0xB0];
	v5 =	vsel vm0, v5, v6  }
0xdc: {  	v6 =	vmul.f32 $3.000000120e-01, v3;
	[tilespmem:s14+$0xFFFFFE30] =	vst v5;
	v5 =	vld [tilespmem:s16+$0x130];
	v7 =	vadd.f32 v7, v10  }
0xdd: {  	vm0 =	vge.f32 v3, $0.0e+00;
	v10 =	vld [tilespmem:s19+$0x130]  }
0xde: {  	v2 =	vadd.f32 v2, v8;
	v3 =	vsel vm0, v3, v6;
	v6 =	vld [tilespmem:s19+$0xFFFFFE40];
	v8 =	vmul.f32 $3.000000120e-01, v7  }
0xdf: {  	[tilespmem:s14+$0xFFFFFEB0] =	vst v3;
	v3 =	vld [tilespmem:s16+$0xFFFFFE40];
	vm0 =	vge.f32 v7, $0.0e+00  }
0xe0: {  	v9 =	vadd.f32 v9, v11;
	v11 =	vmul.f32 $3.000000120e-01, v2;
	v7 =	vsel vm0, v7, v8;
	v8 =	vld [tilespmem:s19+$0xFFFFFEC0]  }
0xe1: {  	vm0 =	vge.f32 v2, $0.0e+00;
	[tilespmem:s14+$0x1D0] =	vst v7;
	v7 =	vld [tilespmem:s16+$0xFFFFFEC0]  }
0xe2: {  	v12 =	vadd.f32 v42, v41;
	v2 =	vsel vm0, v2, v11;
	v11 =	vmul.f32 $3.000000120e-01, v9;
	v44 =	vld [tilespmem:s19+$0x1E0]  }
0xe3: {  	vm0 =	vge.f32 v9, $0.0e+00;
	[tilespmem:s14+$0xFFFFFF30] =	vst v2;
	v2 =	vld [tilespmem:s16+$0x1E0]  }
0xe4: {  	v4 =	vadd.f32 v4, v43;
	v9 =	vsel vm0, v9, v11;
	v11 =	vmul.f32 $3.000000120e-01, v12;
	v45 =	vld [tilespmem:s19+$0xFFFFFF40]  }
0xe5: {  	vm0 =	vge.f32 v12, $0.0e+00;
	[tilespmem:s14+$0xFFFFFFB0] =	vst v9;
	v9 =	vld [tilespmem:s16+$0xFFFFFF40]  }
0xe6: {  	v5 =	vadd.f32 v5, v10;
	v10 =	vmul.f32 $3.000000120e-01, v4;
	v11 =	vsel vm0, v12, v11;
	v46 =	vld [tilespmem:s19+$0xFFFFFFC0]  }
0xe7: {  	vm0 =	vge.f32 v4, $0.0e+00;
	[tilespmem:s14+$0x30] =	vst v11;
	v11 =	vld [tilespmem:s16+$0xFFFFFFC0]  }
0xe8: {  	v4 =	vsel vm0, v4, v10;
	v10 =	vmul.f32 $3.000000120e-01, v5;
	v2 =	vadd.f32 v2, v44;
	v47 =	vld [tilespmem:s19+$0x40]  }
0xe9: {  	vm0 =	vge.f32 v5, $0.0e+00;
	[tilespmem:s14+$0xB0] =	vst v4;
	v4 =	vld [tilespmem:s16+$0x40]  }
0xea: {  	v3 =	vadd.f32 v3, v6;
	v5 =	vsel vm0, v5, v10;
	v6 =	vld [tilespmem:s19+$0xC0];
	v10 =	vmul.f32 $3.000000120e-01, v2  }
0xeb: {  	[tilespmem:s14+$0x130] =	vst v5;
	v5 =	vld [tilespmem:s16+$0xC0];
	vm0 =	vge.f32 v2, $0.0e+00  }
0xec: {  	v7 =	vadd.f32 v7, v8;
	v8 =	vmul.f32 $3.000000120e-01, v3;
	v2 =	vsel vm0, v2, v10;
	v10 =	vld [tilespmem:s19+$0x140]  }
0xed: {  	vm0 =	vge.f32 v3, $0.0e+00;
	[tilespmem:s14+$0x1E0] =	vst v2;
	v2 =	vld [tilespmem:s16+$0x140]  }
0xee: {  	v9 =	vadd.f32 v9, v45;
	v3 =	vsel vm0, v3, v8;
	v8 =	vmul.f32 $3.000000120e-01, v7;
	v48 =	vld [tilespmem:s19+$0x1F0]  }
0xef: {  	vm0 =	vge.f32 v7, $0.0e+00;
	[tilespmem:s14+$0xFFFFFE40] =	vst v3;
	v3 =	vld [tilespmem:s16+$0x1F0]  }
0xf0: {  	v11 =	vadd.f32 v11, v46;
	v7 =	vsel vm0, v7, v8;
	v8 =	vmul.f32 $3.000000120e-01, v9;
	v49 =	vld [tilespmem:s19+$0xFFFFFE50]  }
0xf1: {  	vm0 =	vge.f32 v9, $0.0e+00;
	[tilespmem:s14+$0xFFFFFEC0] =	vst v7;
	v7 =	vld [tilespmem:s16+$0xFFFFFE50]  }
0xf2: {  	v4 =	vadd.f32 v4, v47;
	v50 =	vmul.f32 $3.000000120e-01, v11;
	v8 =	vsel vm0, v9, v8;
	v9 =	vld [tilespmem:s19+$0xFFFFFED0]  }
0xf3: {  	vm0 =	vge.f32 v11, $0.0e+00;
	[tilespmem:s14+$0xFFFFFF40] =	vst v8;
	v8 =	vld [tilespmem:s16+$0xFFFFFED0]  }
0xf4: {  	v5 =	vadd.f32 v5, v6;
	v6 =	vmul.f32 $3.000000120e-01, v4;
	v11 =	vsel vm0, v11, v50;
	v51 =	vld [tilespmem:s19+$0xFFFFFF50]  }
0xf5: {  	vm0 =	vge.f32 v4, $0.0e+00;
	[tilespmem:s14+$0xFFFFFFC0] =	vst v11;
	v11 =	vld [tilespmem:s16+$0xFFFFFF50]  }
0xf6: {  	v2 =	vadd.f32 v2, v10;
	v10 =	vmul.f32 $3.000000120e-01, v5;
	v4 =	vsel vm0, v4, v6;
	v6 =	vld [tilespmem:s19+$0xFFFFFFD0]  }
0xf7: {  	vm0 =	vge.f32 v5, $0.0e+00;
	[tilespmem:s14+$0x40] =	vst v4;
	v4 =	vld [tilespmem:s16+$0xFFFFFFD0]  }
0xf8: {  	v5 =	vsel vm0, v5, v10;
	v10 =	vmul.f32 $3.000000120e-01, v2;
	v7 =	vadd.f32 v7, v49;
	v52 =	vld [tilespmem:s19+$0x50]  }
0xf9: {  	vm0 =	vge.f32 v2, $0.0e+00;
	[tilespmem:s14+$0xC0] =	vst v5;
	v5 =	vld [tilespmem:s16+$0x50]  }
0xfa: {  	v2 =	vsel vm0, v2, v10;
	v10 =	vmul.f32 $3.000000120e-01, v7;
	v8 =	vadd.f32 v8, v9;
	v9 =	vld [tilespmem:s19+$0xD0]  }
0xfb: {  	[tilespmem:s14+$0x140] =	vst v2;
	vm0 =	vge.f32 v7, $0.0e+00;
	v2 =	vld [tilespmem:s16+$0xD0]  }
0xfc: {  	v11 =	vadd.f32 v11, v51;
	v53 =	vmul.f32 $3.000000120e-01, v8;
	v7 =	vsel vm0, v7, v10;
	v10 =	vld [tilespmem:s19+$0x150]  }
0xfd: {  	vm0 =	vge.f32 v8, $0.0e+00;
	[tilespmem:s14+$0xFFFFFE50] =	vst v7;
	v7 =	vld [tilespmem:s16+$0x150]  }
0xfe: {  	v4 =	vadd.f32 v4, v6;
	v6 =	vmul.f32 $3.000000120e-01, v11;
	v8 =	vsel vm0, v8, v53;
	v54 =	vld [tilespmem:s19+$0xFFFFFE60]  }
0xff: {  	vm0 =	vge.f32 v11, $0.0e+00;
	[tilespmem:s14+$0xFFFFFED0] =	vst v8;
	v8 =	vld [tilespmem:s16+$0xFFFFFE60]  }
0x100: {  	v5 =	vadd.f32 v5, v52;
	v55 =	vmul.f32 $3.000000120e-01, v4;
	v6 =	vsel vm0, v11, v6;
	v11 =	vld [tilespmem:s19+$0xFFFFFEE0]  }
0x101: {  	vm0 =	vge.f32 v4, $0.0e+00;
	[tilespmem:s14+$0xFFFFFF50] =	vst v6;
	v6 =	vld [tilespmem:s16+$0xFFFFFEE0]  }
0x102: {  	v2 =	vadd.f32 v2, v9;
	v9 =	vmul.f32 $3.000000120e-01, v5;
	v4 =	vsel vm0, v4, v55;
	v56 =	vld [tilespmem:s19+$0xFFFFFF60]  }
0x103: {  	vm0 =	vge.f32 v5, $0.0e+00;
	[tilespmem:s14+$0xFFFFFFD0] =	vst v4;
	v4 =	vld [tilespmem:s16+$0xFFFFFF60]  }
0x104: {  	v5 =	vsel vm0, v5, v9;
	v7 =	vadd.f32 v7, v10;
	v10 =	vmul.f32 $3.000000120e-01, v2;
	v9 =	vld [tilespmem:s19+$0xFFFFFFE0]  }
0x105: {  	vm0 =	vge.f32 v2, $0.0e+00;
	[tilespmem:s14+$0x50] =	vst v5;
	v5 =	vld [tilespmem:s16+$0xFFFFFFE0]  }
0x106: {  	v57 =	vld [tilespmem:s19+$0x60];
	v2 =	vsel vm0, v2, v10;
	v10 =	vmul.f32 $3.000000120e-01, v7;
	v8 =	vadd.f32 v8, v54  }
0x107: {  	vm0 =	vge.f32 v7, $0.0e+00;
	[tilespmem:s14+$0xD0] =	vst v2;
	v2 =	vld [tilespmem:s16+$0x60]  }
0x108: {  	v6 =	vadd.f32 v6, v11;
	v7 =	vsel vm0, v7, v10;
	v10 =	vmul.f32 $3.000000120e-01, v8;
	v11 =	vld [tilespmem:s19+$0xE0]  }
0x109: {  	vm0 =	vge.f32 v8, $0.0e+00;
	[tilespmem:s14+$0x150] =	vst v7;
	v7 =	vld [tilespmem:s16+$0xE0]  }
0x10a: {  	v4 =	vadd.f32 v4, v56;
	v58 =	vmul.f32 $3.000000120e-01, v6;
	v8 =	vsel vm0, v8, v10;
	v10 =	vld [tilespmem:s19+$0x160]  }
0x10b: {  	vm0 =	vge.f32 v6, $0.0e+00;
	[tilespmem:s14+$0xFFFFFE60] =	vst v8;
	v8 =	vld [tilespmem:s16+$0x160]  }
0x10c: {  	v5 =	vadd.f32 v5, v9;
	v9 =	vmul.f32 $3.000000120e-01, v4;
	v6 =	vsel vm0, v6, v58;
	v59 =	vld [tilespmem:s19+$0xFFFFFE70]  }
0x10d: {  	vm0 =	vge.f32 v4, $0.0e+00;
	[tilespmem:s14+$0xFFFFFEE0] =	vst v6;
	v6 =	vld [tilespmem:s16+$0xFFFFFE70]  }
0x10e: {  	v60 =	vmul.f32 $3.000000120e-01, v5;
	v2 =	vadd.f32 v2, v57;
	v4 =	vsel vm0, v4, v9;
	v9 =	vld [tilespmem:s19+$0xFFFFFEF0]  }
0x10f: {  	vm0 =	vge.f32 v5, $0.0e+00;
	[tilespmem:s14+$0xFFFFFF60] =	vst v4;
	v4 =	vld [tilespmem:s16+$0xFFFFFEF0];
	v7 =	vadd.f32 v7, v11  }
0x110: {  	v5 =	vsel vm0, v5, v60;
	v11 =	vmul.f32 $3.000000120e-01, v2;
	v61 =	vld [tilespmem:s19+$0xFFFFFF70]  }
0x111: {  	vm0 =	vge.f32 v2, $0.0e+00;
	[tilespmem:s14+$0xFFFFFFE0] =	vst v5;
	v5 =	vadd.f32 v8, v10;
	v8 =	vld [tilespmem:s16+$0xFFFFFF70];
	v10 =	vmul.f32 $3.000000120e-01, v7  }
0x112: {  	v13 =	vadd.f32 v3, v48;
	v62 =	vld [tilespmem:s16+$0xFFFFFFF0];
	v2 =	vsel vm0, v2, v11;
	vm0 =	vge.f32 v7, $0.0e+00  }
0x113: {  	v11 =	vld [tilespmem:s19+$0xFFFFFFF0];
	[tilespmem:s14+$0x60] =	vst v2;
	v6 =	vadd.f32 v6, v59;
	v3 =	vmul.f32 $3.000000120e-01, v5;
	v7 =	vsel vm0, v7, v10  }
0x114: {  	vm0 =	vge.f32 v5, $0.0e+00;
	v2 =	vld [tilespmem:s19+$0x70];
	v9 =	vadd.f32 v4, v9;
	[tilespmem:s14+$0xE0] =	vst v7;
	v7 =	vmul.f32 $3.000000120e-01, v13  }
0x115: {  	v12 =	vmul.f32 $3.000000120e-01, v6;
	v10 =	vsel vm0, v5, v3;
	v5 =	vld [tilespmem:s16+$0x70];
	vm0 =	vge.f32 v13, $0.0e+00  }
0x116: {  	v3 =	vld [tilespmem:s19+$0xF0];
	v4 =	vadd.f32 v8, v61;
	v8 =	vsel vm0, v13, v7;
	vm0 =	vge.f32 v6, $0.0e+00;
	[tilespmem:s14+$0x160] =	vst v10  }
0x117: {  	v63 =	vmul.f32 $3.000000120e-01, v9;
	v7 =	vld [tilespmem:s16+$0xF0];
	[tilespmem:s14+$0x1F0] =	vst v8;
	v8 =	vsel vm0, v6, v12  }
0x118: {  	vm1 =	vge.f32 v9, $0.0e+00;
	v6 =	vld [tilespmem:s19+$0x170];
	[tilespmem:s14+$0xFFFFFE70] =	vst v8;
	v8 =	vadd.f32 v62, v11  }
0x119: {  	s28 =	simm.s32 $0xA00;
	s1 =	sshll.u32 s21, $0x2;
	s19 =	simm.s32 $0x0;
	vm0 =	vge.f32 v4, $0.0e+00;
	v10 =	vmul.f32 $3.000000120e-01, v4;
	v11 =	vsel vm1, v9, v63;
	v9 =	vld [tilespmem:s16+$0x170]  }
.LBB2_7:
0x11a: {  	v12 =	vld [tilespmem:s28+$0x180];
	[tilespmem:s14+$0xFFFFFEF0] =	vst v11;
	vm1 =	vge.f32 v8, $0.0e+00;
	v11 =	vmul.f32 $3.000000120e-01, v8;
	v2 =	vadd.f32 v5, v2;
	s16 =	sadd.s32 $0x400, s16  }
0x11b: {  	v4 =	vsel vm0, v4, v10;
	v5 =	vld [tilespmem:s16+$0x180]  }
0x11c: {  	v10 =	vld [tilespmem:s16+$0xFFFFFE00];
	[tilespmem:s14+$0xFFFFFF70] =	vst v4;
	vm0 =	vge.f32 v2, $0.0e+00;
	v4 =	vmul.f32 $3.000000120e-01, v2;
	v3 =	vadd.f32 v7, v3  }
0x11d: {  	v8 =	vsel vm1, v8, v11;
	v7 =	vld [tilespmem:s28+$0xFFFFFE80]  }
0x11e: {  	v11 =	vld [tilespmem:s16+$0xFFFFFE80];
	[tilespmem:s14+$0xFFFFFFF0] =	vst v8;
	vm1 =	vge.f32 v3, $0.0e+00;
	v8 =	vmul.f32 $3.000000120e-01, v3;
	v6 =	vadd.f32 v9, v6  }
0x11f: {  	v2 =	vsel vm0, v2, v4;
	v9 =	vld [tilespmem:s28+$0xFFFFFF00]  }
0x120: {  	v4 =	vld [tilespmem:s16+$0xFFFFFF00];
	v5 =	vadd.f32 v5, v12;
	[tilespmem:s14+$0x70] =	vst v2;
	vm0 =	vge.f32 v6, $0.0e+00;
	v2 =	vmul.f32 $3.000000120e-01, v6  }
0x121: {  	v3 =	vsel vm1, v3, v8;
	v12 =	vld [tilespmem:s28+$0xFFFFFF80]  }
0x122: {  	s19 =	sadd.s32 $0x8, s19;
	v8 =	vld [tilespmem:s16+$0xFFFFFF80];
	v13 =	vmul.f32 $3.000000120e-01, v5;
	[tilespmem:s14+$0xF0] =	vst v3;
	v2 =	vsel vm0, v6, v2  }
0x123: {  	p0 =	slt.u32 s19, $0x20;
	vm0 =	vge.f32 v5, $0.0e+00;
	v3 =	vadd.f32 v11, v7;
	v6 =	vld [tilespmem:s28+$0x0];
	[tilespmem:s14+$0x170] =	vst v2  }
0x124: {  	s14 =	sadd.s32 $0x400, s14;
	v2 =	vld [tilespmem:s16+$0x0];
	v5 =	vsel vm0, v5, v13  }
0x125: {  	vm0 =	vge.f32 v3, $0.0e+00;
	v7 =	vmul.f32 $3.000000120e-01, v3;
	v4 =	vadd.f32 v4, v9;
	v9 =	vld [tilespmem:s28+$0x80];
	[tilespmem:s14+$0x180] =	vst v5  }
0x126: {  	v5 =	vld [tilespmem:s28+$0x190]  }
0x127: {  	vm1 =	vge.f32 v4, $0.0e+00;
	v11 =	vmul.f32 $3.000000120e-01, v4;
	v8 =	vadd.f32 v8, v12;
	v12 =	vld [tilespmem:s16+$0x190]  }
0x128: {  	v3 =	vsel vm0, v3, v7;
	v7 =	vld [tilespmem:s16+$0x80]  }
0x129: {  	[tilespmem:s14+$0xFFFFFE80] =	vst v3;
	vm0 =	vge.f32 v8, $0.0e+00;
	v3 =	vmul.f32 $3.000000120e-01, v8;
	v2 =	vadd.f32 v2, v6;
	v6 =	vld [tilespmem:s28+$0x100]  }
0x12a: {  	v4 =	vsel vm1, v4, v11;
	v11 =	vld [tilespmem:s16+$0x100]  }
0x12b: {  	v13 =	vld [tilespmem:s28+$0xFFFFFE00];
	[tilespmem:s14+$0xFFFFFF00] =	vst v4;
	v3 =	vsel vm0, v8, v3;
	vm0 =	vge.f32 v2, $0.0e+00;
	v4 =	vmul.f32 $3.000000120e-01, v2  }
0x12c: {  	v8 =	vld [tilespmem:s28+$0xFFFFFE90];
	[tilespmem:s14+$0xFFFFFF80] =	vst v3;
	v3 =	vadd.f32 v12, v5  }
0x12d: {  	v5 =	vld [tilespmem:s16+$0xFFFFFE90];
	v2 =	vsel vm0, v2, v4;
	v4 =	vadd.f32 v7, v9  }
0x12e: {  	v7 =	vld [tilespmem:s28+$0xFFFFFF10];
	[tilespmem:s14+$0x0] =	vst v2;
	v2 =	vmul.f32 $3.000000120e-01, v3  }
0x12f: {  	vm0 =	vge.f32 v3, $0.0e+00;
	v9 =	vld [tilespmem:s16+$0xFFFFFF10];
	v12 =	vmul.f32 $3.000000120e-01, v4;
	v6 =	vadd.f32 v11, v6  }
0x130: {  	vm1 =	vge.f32 v4, $0.0e+00;
	v10 =	vadd.f32 v10, v13;
	v11 =	vld [tilespmem:s28+$0xFFFFFF90];
	v2 =	vsel vm0, v3, v2  }
0x131: {  	v3 =	vld [tilespmem:s16+$0xFFFFFF90];
	v4 =	vsel vm1, v4, v12;
	vm0 =	vge.f32 v6, $0.0e+00;
	v12 =	vmul.f32 $3.000000120e-01, v6;
	[tilespmem:s14+$0x190] =	vst v2  }
0x132: {  	vm1 =	vge.f32 v10, $0.0e+00;
	v2 =	vmul.f32 $3.000000120e-01, v10;
	v5 =	vadd.f32 v5, v8;
	[tilespmem:s14+$0x80] =	vst v4;
	v4 =	vld [tilespmem:s28+$0x1A0]  }
0x133: {  	v6 =	vsel vm0, v6, v12;
	v8 =	vld [tilespmem:s16+$0x1A0]  }
0x134: {  	v2 =	vsel vm1, v10, v2;
	v10 =	vmul.f32 $3.000000120e-01, v5;
	v7 =	vadd.f32 v9, v7;
	v9 =	vld [tilespmem:s28+$0x10];
	[tilespmem:s14+$0x100] =	vst v6  }
0x135: {  	vm0 =	vge.f32 v5, $0.0e+00;
	[tilespmem:s14+$0xFFFFFE00] =	vst v2;
	v2 =	vld [tilespmem:s16+$0x10]  }
0x136: {  	v6 =	vld [tilespmem:s28+$0xFFFFFE10];
	vm1 =	vge.f32 v7, $0.0e+00;
	v12 =	vmul.f32 $3.000000120e-01, v7;
	v3 =	vadd.f32 v3, v11  }
0x137: {  	v5 =	vsel vm0, v5, v10;
	v11 =	vld [tilespmem:s16+$0xFFFFFE10]  }
0x138: {  	[tilespmem:s14+$0xFFFFFE90] =	vst v5;
	vm0 =	vge.f32 v3, $0.0e+00;
	v5 =	vmul.f32 $3.000000120e-01, v3;
	v10 =	vld [tilespmem:s28+$0x90];
	v4 =	vadd.f32 v8, v4  }
0x139: {  	v7 =	vsel vm1, v7, v12;
	v8 =	vld [tilespmem:s16+$0x90]  }
0x13a: {  	[tilespmem:s14+$0xFFFFFF10] =	vst v7;
	v3 =	vsel vm0, v3, v5;
	v2 =	vadd.f32 v2, v9;
	v5 =	vld [tilespmem:s28+$0x110];
	v7 =	vmul.f32 $3.000000120e-01, v4  }
0x13b: {  	vm0 =	vge.f32 v4, $0.0e+00;
	[tilespmem:s14+$0xFFFFFF90] =	vst v3;
	v3 =	vld [tilespmem:s16+$0x110]  }
0x13c: {  	v6 =	vadd.f32 v11, v6;
	v9 =	vld [tilespmem:s28+$0xFFFFFEA0];
	v11 =	vmul.f32 $3.000000120e-01, v2;
	v4 =	vsel vm0, v4, v7  }
0x13d: {  	vm0 =	vge.f32 v2, $0.0e+00;
	v7 =	vld [tilespmem:s16+$0xFFFFFEA0];
	[tilespmem:s14+$0x1A0] =	vst v4  }
0x13e: {  	vm1 =	vge.f32 v6, $0.0e+00;
	v4 =	vmul.f32 $3.000000120e-01, v6;
	v8 =	vadd.f32 v8, v10;
	v10 =	vld [tilespmem:s28+$0x1B0]  }
0x13f: {  	v2 =	vsel vm0, v2, v11;
	v11 =	vld [tilespmem:s16+$0x1B0]  }
0x140: {  	v12 =	vld [tilespmem:s28+$0xFFFFFF20];
	[tilespmem:s14+$0x10] =	vst v2;
	vm0 =	vge.f32 v8, $0.0e+00;
	v2 =	vmul.f32 $3.000000120e-01, v8;
	v3 =	vadd.f32 v3, v5  }
0x141: {  	v4 =	vsel vm1, v6, v4;
	v5 =	vld [tilespmem:s16+$0xFFFFFF20]  }
0x142: {  	[tilespmem:s14+$0xFFFFFE10] =	vst v4;
	v4 =	vld [tilespmem:s28+$0xFFFFFFA0];
	v2 =	vsel vm0, v8, v2;
	vm0 =	vge.f32 v3, $0.0e+00;
	v6 =	vmul.f32 $3.000000120e-01, v3  }
0x143: {  	v7 =	vadd.f32 v7, v9;
	v8 =	vld [tilespmem:s28+$0xFFFFFE20];
	[tilespmem:s14+$0x90] =	vst v2  }
0x144: {  	v2 =	vld [tilespmem:s16+$0xFFFFFE20];
	v3 =	vsel vm0, v3, v6;
	v6 =	vadd.f32 v11, v10  }
0x145: {  	vm0 =	vge.f32 v7, $0.0e+00;
	v9 =	vmul.f32 $3.000000120e-01, v7;
	v10 =	vld [tilespmem:s16+$0xFFFFFFA0];
	[tilespmem:s14+$0x110] =	vst v3  }
0x146: {  	v3 =	vadd.f32 v5, v12;
	v5 =	vld [tilespmem:s28+$0x20];
	v11 =	vmul.f32 $3.000000120e-01, v6  }
0x147: {  	v7 =	vsel vm0, v7, v9;
	vm0 =	vge.f32 v6, $0.0e+00;
	v9 =	vld [tilespmem:s16+$0x20]  }
0x148: {  	[tilespmem:s14+$0xFFFFFEA0] =	vst v7;
	vm1 =	vge.f32 v3, $0.0e+00;
	v7 =	vmul.f32 $3.000000120e-01, v3;
	v12 =	vld [tilespmem:s28+$0xA0];
	v6 =	vsel vm0, v6, v11  }
0x149: {  	v2 =	vadd.f32 v2, v8;
	v8 =	vld [tilespmem:s16+$0xA0];
	[tilespmem:s14+$0x1B0] =	vst v6  }
0x14a: {  	v3 =	vsel vm1, v3, v7;
	v4 =	vadd.f32 v10, v4;
	v6 =	vld [tilespmem:s28+$0x1C0]  }
0x14b: {  	vm0 =	vge.f32 v2, $0.0e+00;
	v7 =	vmul.f32 $3.000000120e-01, v2;
	[tilespmem:s14+$0xFFFFFF20] =	vst v3;
	v3 =	vld [tilespmem:s16+$0x1C0]  }
0x14c: {  	vm1 =	vge.f32 v4, $0.0e+00;
	v10 =	vmul.f32 $3.000000120e-01, v4;
	v5 =	vadd.f32 v9, v5;
	v9 =	vld [tilespmem:s28+$0x120]  }
0x14d: {  	v2 =	vsel vm0, v2, v7;
	v7 =	vld [tilespmem:s16+$0x120]  }
0x14e: {  	[tilespmem:s14+$0xFFFFFE20] =	vst v2;
	v2 =	vld [tilespmem:s28+$0xFFFFFEB0];
	vm0 =	vge.f32 v5, $0.0e+00;
	v11 =	vmul.f32 $3.000000120e-01, v5;
	v8 =	vadd.f32 v8, v12  }
0x14f: {  	v4 =	vsel vm1, v4, v10;
	v12 =	vld [tilespmem:s28+$0xFFFFFE30]  }
0x150: {  	v10 =	vld [tilespmem:s16+$0xFFFFFE30];
	[tilespmem:s14+$0xFFFFFFA0] =	vst v4;
	vm1 =	vge.f32 v8, $0.0e+00;
	v4 =	vmul.f32 $3.000000120e-01, v8;
	v3 =	vadd.f32 v3, v6  }
0x151: {  	v5 =	vsel vm0, v5, v11;
	v6 =	vld [tilespmem:s16+$0xFFFFFEB0]  }
0x152: {  	v11 =	vld [tilespmem:s28+$0xFFFFFF30];
	[tilespmem:s14+$0x20] =	vst v5;
	v4 =	vsel vm1, v8, v4;
	v5 =	vadd.f32 v7, v9;
	v7 =	vmul.f32 $3.000000120e-01, v3  }
0x153: {  	vm0 =	vge.f32 v3, $0.0e+00;
	v8 =	vld [tilespmem:s16+$0xFFFFFF30];
	[tilespmem:s14+$0xA0] =	vst v4  }
0x154: {  	v4 =	vld [tilespmem:s28+$0xFFFFFFB0];
	vm1 =	vge.f32 v5, $0.0e+00;
	v9 =	vmul.f32 $3.000000120e-01, v5;
	v3 =	vsel vm0, v3, v7  }
0x155: {  	v7 =	vadd.f32 v10, v12;
	v10 =	vld [tilespmem:s16+$0xFFFFFFB0];
	[tilespmem:s14+$0x1C0] =	vst v3  }
0x156: {  	v2 =	vadd.f32 v6, v2;
	v3 =	vsel vm1, v5, v9;
	v5 =	vld [tilespmem:s28+$0x1D0]  }
0x157: {  	vm0 =	vge.f32 v7, $0.0e+00;
	v6 =	vmul.f32 $3.000000120e-01, v7;
	[tilespmem:s14+$0x120] =	vst v3;
	v3 =	vld [tilespmem:s16+$0x1D0]  }
0x158: {  	vm1 =	vge.f32 v2, $0.0e+00;
	v9 =	vmul.f32 $3.000000120e-01, v2;
	v8 =	vadd.f32 v8, v11;
	v11 =	vld [tilespmem:s28+$0x30]  }
0x159: {  	v6 =	vsel vm0, v7, v6;
	v7 =	vld [tilespmem:s16+$0x30]  }
0x15a: {  	[tilespmem:s14+$0xFFFFFE30] =	vst v6;
	vm0 =	vge.f32 v8, $0.0e+00;
	v6 =	vmul.f32 $3.000000120e-01, v8;
	v4 =	vadd.f32 v10, v4;
	v10 =	vld [tilespmem:s28+$0xB0]  }
0x15b: {  	v2 =	vsel vm1, v2, v9;
	v9 =	vld [tilespmem:s16+$0xB0]  }
0x15c: {  	[tilespmem:s14+$0xFFFFFEB0] =	vst v2;
	vm1 =	vge.f32 v4, $0.0e+00;
	v2 =	vmul.f32 $3.000000120e-01, v4;
	v12 =	vld [tilespmem:s28+$0x130];
	v3 =	vadd.f32 v3, v5  }
0x15d: {  	v5 =	vsel vm0, v8, v6;
	v6 =	vld [tilespmem:s16+$0x130]  }
0x15e: {  	v8 =	vld [tilespmem:s28+$0xFFFFFE40];
	[tilespmem:s14+$0xFFFFFF30] =	vst v5;
	v2 =	vsel vm1, v4, v2;
	v4 =	vadd.f32 v7, v11;
	v5 =	vmul.f32 $3.000000120e-01, v3  }
0x15f: {  	vm0 =	vge.f32 v3, $0.0e+00;
	v7 =	vld [tilespmem:s16+$0xFFFFFE40];
	[tilespmem:s14+$0xFFFFFFB0] =	vst v2  }
0x160: {  	v2 =	vld [tilespmem:s28+$0xFFFFFEC0];
	v11 =	vmul.f32 $3.000000120e-01, v4;
	v9 =	vadd.f32 v9, v10;
	v3 =	vsel vm0, v3, v5  }
0x161: {  	vm0 =	vge.f32 v4, $0.0e+00;
	v5 =	vld [tilespmem:s16+$0xFFFFFEC0];
	[tilespmem:s14+$0x1D0] =	vst v3  }
0x162: {  	vm1 =	vge.f32 v9, $0.0e+00;
	v3 =	vmul.f32 $3.000000120e-01, v9;
	v6 =	vadd.f32 v6, v12;
	v10 =	vld [tilespmem:s28+$0x1E0]  }
0x163: {  	v4 =	vsel vm0, v4, v11;
	v11 =	vld [tilespmem:s16+$0x1E0]  }
0x164: {  	v12 =	vld [tilespmem:s28+$0xFFFFFF40];
	[tilespmem:s14+$0x30] =	vst v4;
	v3 =	vsel vm1, v9, v3;
	vm0 =	vge.f32 v6, $0.0e+00;
	v4 =	vmul.f32 $3.000000120e-01, v6  }
0x165: {  	v7 =	vadd.f32 v7, v8;
	v8 =	vld [tilespmem:s16+$0xFFFFFF40];
	[tilespmem:s14+$0xB0] =	vst v3  }
0x166: {  	v2 =	vadd.f32 v5, v2;
	v3 =	vld [tilespmem:s28+$0xFFFFFFC0];
	v4 =	vsel vm0, v6, v4  }
0x167: {  	vm0 =	vge.f32 v7, $0.0e+00;
	v5 =	vmul.f32 $3.000000120e-01, v7;
	v6 =	vld [tilespmem:s16+$0xFFFFFFC0];
	[tilespmem:s14+$0x130] =	vst v4  }
0x168: {  	vm1 =	vge.f32 v2, $0.0e+00;
	v4 =	vmul.f32 $3.000000120e-01, v2;
	v9 =	vld [tilespmem:s28+$0x40];
	v10 =	vadd.f32 v11, v10  }
0x169: {  	v5 =	vsel vm0, v7, v5;
	v7 =	vld [tilespmem:s16+$0x40]  }
0x16a: {  	[tilespmem:s14+$0xFFFFFE40] =	vst v5;
	v2 =	vsel vm1, v2, v4;
	v4 =	vadd.f32 v8, v12;
	v5 =	vld [tilespmem:s28+$0xC0];
	v8 =	vmul.f32 $3.000000120e-01, v10  }
0x16b: {  	vm0 =	vge.f32 v10, $0.0e+00;
	[tilespmem:s14+$0xFFFFFEC0] =	vst v2;
	v2 =	vld [tilespmem:s16+$0xC0]  }
0x16c: {  	v11 =	vmul.f32 $3.000000120e-01, v4;
	v3 =	vadd.f32 v6, v3;
	v6 =	vld [tilespmem:s28+$0x140];
	v8 =	vsel vm0, v10, v8  }
0x16d: {  	vm0 =	vge.f32 v4, $0.0e+00;
	v10 =	vld [tilespmem:s16+$0x140];
	[tilespmem:s14+$0x1E0] =	vst v8  }
0x16e: {  	vm1 =	vge.f32 v3, $0.0e+00;
	v8 =	vmul.f32 $3.000000120e-01, v3;
	v7 =	vadd.f32 v7, v9;
	v9 =	vld [tilespmem:s28+$0x1F0]  }
0x16f: {  	v4 =	vsel vm0, v4, v11;
	v11 =	vld [tilespmem:s16+$0x1F0]  }
0x170: {  	v12 =	vld [tilespmem:s28+$0xFFFFFE50];
	[tilespmem:s14+$0xFFFFFF40] =	vst v4;
	vm0 =	vge.f32 v7, $0.0e+00;
	v4 =	vmul.f32 $3.000000120e-01, v7;
	v2 =	vadd.f32 v2, v5  }
0x171: {  	v3 =	vsel vm1, v3, v8;
	v5 =	vld [tilespmem:s16+$0xFFFFFE50]  }
0x172: {  	v8 =	vld [tilespmem:s28+$0xFFFFFED0];
	[tilespmem:s14+$0xFFFFFFC0] =	vst v3;
	vm1 =	vge.f32 v2, $0.0e+00;
	v3 =	vmul.f32 $3.000000120e-01, v2;
	v6 =	vadd.f32 v10, v6  }
0x173: {  	v4 =	vsel vm0, v7, v4;
	v10 =	vld [tilespmem:s16+$0xFFFFFED0]  }
0x174: {  	v7 =	vld [tilespmem:s28+$0xFFFFFF50];
	[tilespmem:s14+$0x40] =	vst v4;
	vm0 =	vge.f32 v6, $0.0e+00;
	v4 =	vmul.f32 $3.000000120e-01, v6;
	v9 =	vadd.f32 v11, v9  }
0x175: {  	v2 =	vsel vm1, v2, v3;
	v11 =	vld [tilespmem:s16+$0xFFFFFF50]  }
0x176: {  	v3 =	vadd.f32 v5, v12;
	v5 =	vld [tilespmem:s28+$0xFFFFFFD0];
	[tilespmem:s14+$0xC0] =	vst v2;
	v2 =	vsel vm0, v6, v4;
	v4 =	vmul.f32 $3.000000120e-01, v9  }
0x177: {  	vm0 =	vge.f32 v9, $0.0e+00;
	v6 =	vld [tilespmem:s16+$0xFFFFFFD0];
	[tilespmem:s14+$0x140] =	vst v2  }
0x178: {  	v2 =	vmul.f32 $3.000000120e-01, v3;
	v8 =	vadd.f32 v10, v8;
	v10 =	vld [tilespmem:s28+$0x50];
	v4 =	vsel vm0, v9, v4  }
0x179: {  	vm0 =	vge.f32 v3, $0.0e+00;
	v9 =	vld [tilespmem:s16+$0x50];
	[tilespmem:s14+$0x1F0] =	vst v4  }
0x17a: {  	vm1 =	vge.f32 v8, $0.0e+00;
	v4 =	vmul.f32 $3.000000120e-01, v8;
	v7 =	vadd.f32 v11, v7;
	v11 =	vld [tilespmem:s28+$0xD0]  }
0x17b: {  	v2 =	vsel vm0, v3, v2;
	v3 =	vld [tilespmem:s16+$0xD0]  }
0x17c: {  	[tilespmem:s14+$0xFFFFFE50] =	vst v2;
	vm0 =	vge.f32 v7, $0.0e+00;
	v2 =	vmul.f32 $3.000000120e-01, v7;
	v5 =	vadd.f32 v6, v5;
	v6 =	vld [tilespmem:s28+$0x150]  }
0x17d: {  	v4 =	vsel vm1, v8, v4;
	v8 =	vld [tilespmem:s16+$0x150]  }
0x17e: {  	v12 =	vld [tilespmem:s28+$0xFFFFFE60];
	[tilespmem:s14+$0xFFFFFED0] =	vst v4;
	vm1 =	vge.f32 v5, $0.0e+00;
	v4 =	vmul.f32 $3.000000120e-01, v5;
	v9 =	vadd.f32 v9, v10  }
0x17f: {  	v2 =	vsel vm0, v7, v2;
	v10 =	vld [tilespmem:s16+$0xFFFFFE60]  }
0x180: {  	v7 =	vld [tilespmem:s28+$0xFFFFFEE0];
	[tilespmem:s14+$0xFFFFFF50] =	vst v2;
	vm0 =	vge.f32 v9, $0.0e+00;
	v2 =	vmul.f32 $3.000000120e-01, v9;
	v3 =	vadd.f32 v3, v11  }
0x181: {  	v4 =	vsel vm1, v5, v4;
	v11 =	vld [tilespmem:s16+$0xFFFFFEE0]  }
0x182: {  	v5 =	vld [tilespmem:s28+$0xFFFFFF60];
	[tilespmem:s14+$0xFFFFFFD0] =	vst v4;
	vm1 =	vge.f32 v3, $0.0e+00;
	v4 =	vmul.f32 $3.000000120e-01, v3;
	v6 =	vadd.f32 v8, v6  }
0x183: {  	v2 =	vsel vm0, v9, v2;
	v8 =	vld [tilespmem:s16+$0xFFFFFF60]  }
0x184: {  	v9 =	vld [tilespmem:s28+$0xFFFFFFE0];
	[tilespmem:s14+$0x50] =	vst v2;
	v2 =	vsel vm1, v3, v4;
	vm0 =	vge.f32 v6, $0.0e+00;
	v3 =	vmul.f32 $3.000000120e-01, v6  }
0x185: {  	v4 =	vadd.f32 v10, v12;
	v10 =	vld [tilespmem:s16+$0xFFFFFFE0];
	[tilespmem:s14+$0xD0] =	vst v2  }
0x186: {  	v2 =	vadd.f32 v11, v7;
	v7 =	vld [tilespmem:s28+$0x60];
	v3 =	vsel vm0, v6, v3  }
0x187: {  	vm0 =	vge.f32 v4, $0.0e+00;
	v6 =	vmul.f32 $3.000000120e-01, v4;
	v11 =	vld [tilespmem:s16+$0x60];
	[tilespmem:s14+$0x150] =	vst v3  }
0x188: {  	vm1 =	vge.f32 v2, $0.0e+00;
	v3 =	vmul.f32 $3.000000120e-01, v2;
	v5 =	vadd.f32 v8, v5;
	v8 =	vld [tilespmem:s28+$0xE0]  }
0x189: {  	v4 =	vsel vm0, v4, v6;
	v6 =	vld [tilespmem:s16+$0xE0]  }
0x18a: {  	[tilespmem:s14+$0xFFFFFE60] =	vst v4;
	vm0 =	vge.f32 v5, $0.0e+00;
	v4 =	vmul.f32 $3.000000120e-01, v5;
	v9 =	vadd.f32 v10, v9;
	v10 =	vld [tilespmem:s28+$0x160]  }
0x18b: {  	v2 =	vsel vm1, v2, v3;
	v3 =	vld [tilespmem:s16+$0x160]  }
0x18c: {  	v12 =	vld [tilespmem:s28+$0xFFFFFE70];
	[tilespmem:s14+$0xFFFFFEE0] =	vst v2;
	vm1 =	vge.f32 v9, $0.0e+00;
	v2 =	vmul.f32 $3.000000120e-01, v9;
	v7 =	vadd.f32 v11, v7  }
0x18d: {  	v4 =	vsel vm0, v5, v4;
	v11 =	vld [tilespmem:s16+$0xFFFFFE70]  }
0x18e: {  	v5 =	vld [tilespmem:s28+$0xFFFFFEF0];
	[tilespmem:s14+$0xFFFFFF60] =	vst v4;
	vm0 =	vge.f32 v7, $0.0e+00;
	v4 =	vmul.f32 $3.000000120e-01, v7;
	v6 =	vadd.f32 v6, v8  }
0x18f: {  	v2 =	vsel vm1, v9, v2;
	v8 =	vld [tilespmem:s16+$0xFFFFFEF0]  }
0x190: {  	v9 =	vld [tilespmem:s28+$0xFFFFFF70];
	[tilespmem:s14+$0xFFFFFFE0] =	vst v2;
	vm1 =	vge.f32 v6, $0.0e+00;
	v2 =	vmul.f32 $3.000000120e-01, v6;
	v3 =	vadd.f32 v3, v10  }
0x191: {  	v4 =	vsel vm0, v7, v4;
	v10 =	vld [tilespmem:s16+$0xFFFFFF70]  }
0x192: {  	v13 =	vld [tilespmem:s28+$0xFFFFFFF0];
	[tilespmem:s14+$0x60] =	vst v4;
	v2 =	vsel vm1, v6, v2;
	vm0 =	vge.f32 v3, $0.0e+00;
	v4 =	vmul.f32 $3.000000120e-01, v3  }
0x193: {  	v6 =	vadd.f32 v11, v12;
	v11 =	vld [tilespmem:s16+$0xFFFFFFF0];
	[tilespmem:s14+$0xE0] =	vst v2  }
0x194: {  	v12 =	vadd.f32 v8, v5;
	v2 =	vld [tilespmem:s28+$0x70];
	v3 =	vsel vm0, v3, v4  }
.Ltmp6:
0x195: {  	vm0 =	vge.f32 v6, $0.0e+00;
	v7 =	vmul.f32 $3.000000120e-01, v6;
	v5 =	vld [tilespmem:s16+$0x70];
	[tilespmem:s14+$0x160] =	vst v3;
	(pc) =	sbr.rel @p0 .LBB2_7-.Ltmp6, $4  }
0x196: {  	vm1 =	vge.f32 v12, $0.0e+00;
	v14 =	vmul.f32 $3.000000120e-01, v12;
	v4 =	vadd.f32 v10, v9;
	v3 =	vld [tilespmem:s28+$0xF0]  }
0x197: {  	v6 =	vsel vm0, v6, v7;
	v7 =	vld [tilespmem:s16+$0xF0]  }
0x198: {  	[tilespmem:s14+$0xFFFFFE70] =	vst v6;
	vm0 =	vge.f32 v4, $0.0e+00;
	v10 =	vmul.f32 $3.000000120e-01, v4;
	v8 =	vadd.f32 v11, v13;
	v6 =	vld [tilespmem:s28+$0x170]  }
0x199: {  	v11 =	vsel vm1, v12, v14;
	s28 =	sadd.s32 $0x400, s28;
	v9 =	vld [tilespmem:s16+$0x170]  }
0x19a: {  	_ =	sdelay $0x1  }
0x19b: {  	v2 =	vadd.f32 v5, v2  }
0x19c: {  	vm1 =	vge.f32 v8, $0.0e+00;
	v5 =	vmul.f32 $3.000000120e-01, v8;
	v3 =	vadd.f32 v7, v3  }
0x19d: {  	[tilespmem:s14+$0xFFFFFEF0] =	vst v11;
	v4 =	vsel vm0, v4, v10;
	v7 =	vmul.f32 $3.000000120e-01, v2;
	v6 =	vadd.f32 v9, v6  }
0x19e: {  	[tilespmem:s14+$0xFFFFFF70] =	vst v4;
	vm0 =	vge.f32 v2, $0.0e+00;
	v4 =	vsel vm1, v8, v5;
	v5 =	vmul.f32 $3.000000120e-01, v3  }
0x19f: {  	[tilespmem:s14+$0xFFFFFFF0] =	vst v4;
	vm1 =	vge.f32 v3, $0.0e+00;
	v2 =	vsel vm0, v2, v7;
	v4 =	vmul.f32 $3.000000120e-01, v6  }
0x1a0: {  	[tilespmem:s14+$0x70] =	vst v2;
	vm0 =	vge.f32 v6, $0.0e+00;
	v2 =	vsel vm1, v3, v5  }
0x1a1: {  	[tilespmem:s14+$0xF0] =	vst v2;
	v2 =	vsel vm0, v6, v4  }
0x1a2: {  	s19 =	simm.s32 $0x5400;
	[tilespmem:s14+$0x170] =	vst v2;
	s14 =	sor.u32 $0x2, s1  }
0x1a3: {  	[spmem:s3] =	stream.indirect.scatter.add.f32 [tilespmem:s19], [sflag:$0x9], $0x80, s29, s31, $0xb8;
	[tilespmem:$0x1FF78] =	vst v63  }
0x1a4: {  	p0 =	sgt.u32 s14, $0xF9  }
0x1a5: {  	s14 =	smul.u32 @!p0 $0x28, s14  }
0x1a6: {  	[spmem:s4] =	stream.indirect.scatter.add.f32 [tilespmem:s22], [sflag:$0xB], $0x1, s29, s31, $0xb8;
	[tilespmem:$0x1FF78] =	vst v63  }
0x1a7: {  	s14 =	sadd.s32 @!p0 s10, s14  }
0x1a8: {  	s14 =	sshrl.u32 @!p0 s14, $0x3  }
0x1a9: {  	s19 =	simm.s32 @!p0 $0x0;
	s28 =	simm.s32 @!p0 $0x200;
	s16 =	sadd.s32 @!p0 s7, s14  }
0x1aa: {  	[tilespmem:s28], [sflag:$0x7] =	stream.linear.gather @!p0 [hbm4b:s16+s19], $0x28, $0x38;
	[tilespmem:$0x1FF78] =	vst v63  }
0x1ab: {  	s14 =	sadd.s32 @!p0 s8, s14;
	s16 =	simm.s32 @!p0 $0x280  }
0x1ac: {  	[tilespmem:s16], [sflag:$0x7] =	stream.linear.gather @!p0 [hbm4b:s14+s19], $0x28, $0x38;
	[tilespmem:$0x1FF78] =	vst v63  }
0x1ad: {  	s14 =	simm.s32 @!p0 $0x7  }
0x1ae: {  	_ =	swait.ge @!p0 [sflag:s14], $0x28  }
0x1af: {  	[sflag:s14] =	ssyncset.done @!p0 $0x0  }
0x1b0: {  	[sflag:s14] =	ssyncadd.s32 @!p0 $0xFFFFFFD8  }
0x1b1: {  	_ =	swait.ge @!p0 [sflag:s14], $0x28  }
0x1b2: {  	[sflag:s14] =	ssyncset.done @!p0 $0x0  }
0x1b3: {  	s19 =	simm.s32 @!p0 $0x400;
	[sflag:s14] =	ssyncadd.s32 @!p0 $0xFFFFFFD8;
	s14 =	simm.s32 @!p0 $0x28  }
0x1b4: {  	[tilespmem:s19], [sflag:$0x1] =	stream.indirect.gather @!p0 [hbm4b:s0+s14], $0x80, s16, s14, $0xb8;
	[tilespmem:$0x1FF78] =	vst v63  }
0x1b5: {  	s16 =	simm.s32 @!p0 $0x1800  }
0x1b6: {  	[tilespmem:s16], [sflag:$0x2] =	stream.indirect.gather @!p0 [hbm4b:s6+s14], $0x80, s28, s14, $0xb8;
	[tilespmem:$0x1FF78] =	vst v63  }
0x1b7: {  	_ =	swait.ge [sflag:s23], $0x1400  }
0x1b8: {  	[sflag:s23] =	ssyncset.done $0x0  }
0x1b9: {  	[sflag:s23] =	ssyncadd.s32 $0xFFFFEC00  }
0x1ba: {  	_ =	swait.ge [sflag:s24], $0x1400  }
0x1bb: {  	[sflag:s24] =	ssyncset.done $0x0  }
0x1bc: {  	s14 =	simm.s32 @!p1 $0xA;
	[sflag:s24] =	ssyncadd.s32 $0xFFFFEC00  }
0x1bd: {  	_ =	swait.ge @!p1 [sflag:s14], $0x1400  }
0x1be: {  	[sflag:s14] =	ssyncset.done @!p1 $0x0  }
0x1bf: {  	[sflag:s14] =	ssyncadd.s32 @!p1 $0xFFFFEC00;
	s14 =	simm.s32 @!p1 $0xC  }
0x1c0: {  	_ =	swait.ge @!p1 [sflag:s14], $0x28  }
0x1c1: {  	[sflag:s14] =	ssyncset.done @!p1 $0x0  }
0x1c2: {  	s19 =	simm.s32 $0x2E00;
	[sflag:s14] =	ssyncadd.s32 @!p1 $0xFFFFFFD8  }
0x1c3: {  	s16 =	simm.s32 $0x4200;
	v2 =	vld [tilespmem:s19+$0x180]  }
0x1c4: {  	v3 =	vld [tilespmem:s16+$0x180]  }
0x1c5: {  	v4 =	vld [tilespmem:s16+$0xFFFFFE00]  }
0x1c6: {  	v5 =	vld [tilespmem:s19+$0xFFFFFE80]  }
0x1c7: {  	v6 =	vld [tilespmem:s16+$0xFFFFFE80]  }
0x1c8: {  	v7 =	vld [tilespmem:s19+$0xFFFFFF00]  }
0x1c9: {  	v8 =	vld [tilespmem:s16+$0xFFFFFF00];
	v2 =	vadd.f32 v3, v2  }
0x1ca: {  	v9 =	vld [tilespmem:s16+$0xFFFFFF80]  }
0x1cb: {  	v11 =	vld [tilespmem:s19+$0x0];
	v10 =	vmul.f32 $3.000000120e-01, v2  }
0x1cc: {  	v12 =	vld [tilespmem:s16+$0x0];
	vm0 =	vge.f32 v2, $0.0e+00  }
0x1cd: {  	s14 =	simm.s32 $0x6A00;
	v14 =	vld [tilespmem:s19+$0x100];
	v2 =	vsel vm0, v2, v10  }
0x1ce: {  	v3 =	vld [tilespmem:s19+$0xFFFFFF80];
	[tilespmem:s14+$0x180] =	vst v2  }
0x1cf: {  	v2 =	vadd.f32 v6, v5;
	v5 =	vld [tilespmem:s19+$0x190]  }
0x1d0: {  	v6 =	vld [tilespmem:s16+$0x190]  }
0x1d1: {  	v7 =	vadd.f32 v8, v7;
	v8 =	vld [tilespmem:s16+$0x80];
	v13 =	vmul.f32 $3.000000120e-01, v2  }
0x1d2: {  	v10 =	vld [tilespmem:s19+$0x80];
	vm0 =	vge.f32 v2, $0.0e+00  }
0x1d3: {  	v15 =	vmul.f32 $3.000000120e-01, v7;
	v3 =	vadd.f32 v9, v3;
	v9 =	vld [tilespmem:s16+$0x100];
	v2 =	vsel vm0, v2, v13  }
0x1d4: {  	vm0 =	vge.f32 v7, $0.0e+00;
	[tilespmem:s14+$0xFFFFFE80] =	vst v2;
	v2 =	vld [tilespmem:s19+$0xFFFFFE00]  }
0x1d5: {  	v63 =	vmul.f32 $3.000000120e-01, v3;
	v7 =	vsel vm0, v7, v15;
	v18 =	vld [tilespmem:s19+$0xFFFFFE90];
	v5 =	vadd.f32 v6, v5  }
0x1d6: {  	vm0 =	vge.f32 v3, $0.0e+00;
	[tilespmem:s14+$0xFFFFFF00] =	vst v7;
	v6 =	vld [tilespmem:s16+$0xFFFFFE90]  }
0x1d7: {  	v7 =	vadd.f32 v12, v11;
	v3 =	vsel vm0, v3, v63;
	v11 =	vld [tilespmem:s19+$0xFFFFFF10];
	v19 =	vmul.f32 $3.000000120e-01, v5  }
0x1d8: {  	[tilespmem:s14+$0xFFFFFF80] =	vst v3;
	v3 =	vld [tilespmem:s16+$0xFFFFFF10];
	vm0 =	vge.f32 v5, $0.0e+00  }
0x1d9: {  	v20 =	vmul.f32 $3.000000120e-01, v7;
	v21 =	vld [tilespmem:s16+$0xFFFFFF90];
	v2 =	vadd.f32 v4, v2;
	v5 =	vsel vm0, v5, v19  }
0x1da: {  	v4 =	vld [tilespmem:s19+$0xFFFFFF90];
	vm0 =	vge.f32 v7, $0.0e+00;
	[tilespmem:s14+$0x190] =	vst v5  }
0x1db: {  	v5 =	vsel vm0, v7, v20;
	v7 =	vadd.f32 v8, v10;
	v8 =	vmul.f32 $3.000000120e-01, v2;
	v10 =	vld [tilespmem:s19+$0x1A0]  }
0x1dc: {  	[tilespmem:s14+$0x0] =	vst v5;
	vm0 =	vge.f32 v2, $0.0e+00;
	v5 =	vld [tilespmem:s16+$0x1A0]  }
0x1dd: {  	v9 =	vadd.f32 v9, v14;
	v22 =	vmul.f32 $3.000000120e-01, v7;
	v2 =	vsel vm0, v2, v8;
	v8 =	vld [tilespmem:s19+$0x10]  }
0x1de: {  	vm0 =	vge.f32 v7, $0.0e+00;
	[tilespmem:s14+$0xFFFFFE00] =	vst v2;
	v2 =	vld [tilespmem:s16+$0x10]  }
0x1df: {  	v23 =	vmul.f32 $3.000000120e-01, v9;
	v6 =	vadd.f32 v6, v18;
	v7 =	vsel vm0, v7, v22;
	v24 =	vld [tilespmem:s19+$0xFFFFFE10]  }
0x1e0: {  	vm0 =	vge.f32 v9, $0.0e+00;
	[tilespmem:s14+$0x80] =	vst v7;
	v7 =	vld [tilespmem:s16+$0xFFFFFE10]  }
0x1e1: {  	v25 =	vmul.f32 $3.000000120e-01, v6;
	v9 =	vsel vm0, v9, v23;
	v26 =	vld [tilespmem:s19+$0x90];
	v5 =	vadd.f32 v5, v10  }
0x1e2: {  	vm0 =	vge.f32 v6, $0.0e+00;
	[tilespmem:s14+$0x100] =	vst v9;
	v9 =	vld [tilespmem:s16+$0x90]  }
0x1e3: {  	v3 =	vadd.f32 v3, v11;
	v6 =	vsel vm0, v6, v25;
	v10 =	vld [tilespmem:s19+$0x110];
	v11 =	vmul.f32 $3.000000120e-01, v5  }
0x1e4: {  	[tilespmem:s14+$0xFFFFFE90] =	vst v6;
	v6 =	vld [tilespmem:s16+$0x110];
	vm0 =	vge.f32 v5, $0.0e+00  }
0x1e5: {  	v27 =	vmul.f32 $3.000000120e-01, v3;
	v4 =	vadd.f32 v21, v4;
	v28 =	vld [tilespmem:s19+$0xFFFFFEA0];
	v5 =	vsel vm0, v5, v11  }
0x1e6: {  	vm0 =	vge.f32 v3, $0.0e+00;
	v7 =	vadd.f32 v7, v24;
	v11 =	vld [tilespmem:s16+$0xFFFFFEA0];
	[tilespmem:s14+$0x1A0] =	vst v5  }
0x1e7: {  	v5 =	vmul.f32 $3.000000120e-01, v4;
	v3 =	vsel vm0, v3, v27;
	v29 =	vld [tilespmem:s19+$0x1B0]  }
0x1e8: {  	vm0 =	vge.f32 v4, $0.0e+00;
	[tilespmem:s14+$0xFFFFFF10] =	vst v3;
	v3 =	vmul.f32 $3.000000120e-01, v7;
	v30 =	vld [tilespmem:s16+$0x1B0]  }
0x1e9: {  	v2 =	vadd.f32 v2, v8;
	v4 =	vsel vm0, v4, v5;
	vm0 =	vge.f32 v7, $0.0e+00;
	v5 =	vld [tilespmem:s19+$0xFFFFFF20]  }
0x1ea: {  	[tilespmem:s14+$0xFFFFFF90] =	vst v4;
	v3 =	vsel vm0, v7, v3;
	v4 =	vld [tilespmem:s16+$0xFFFFFF20]  }
0x1eb: {  	v8 =	vadd.f32 v9, v26;
	v7 =	vmul.f32 $3.000000120e-01, v2;
	[tilespmem:s14+$0xFFFFFE10] =	vst v3;
	v3 =	vld [tilespmem:s19+$0xFFFFFFA0]  }
0x1ec: {  	vm0 =	vge.f32 v2, $0.0e+00;
	v9 =	vld [tilespmem:s19+$0xFFFFFE20]  }
0x1ed: {  	v2 =	vsel vm0, v2, v7;
	v7 =	vmul.f32 $3.000000120e-01, v8;
	v31 =	vld [tilespmem:s16+$0xFFFFFE20];
	v13 =	vadd.f32 v30, v29  }
0x1ee: {  	vm0 =	vge.f32 v8, $0.0e+00;
	[tilespmem:s14+$0x10] =	vst v2;
	v2 =	vld [tilespmem:s16+$0xFFFFFFA0]  }
0x1ef: {  	v6 =	vadd.f32 v6, v10;
	v7 =	vsel vm0, v8, v7;
	v8 =	vld [tilespmem:s19+$0x20];
	v10 =	vmul.f32 $3.000000120e-01, v13  }
0x1f0: {  	[tilespmem:s14+$0x90] =	vst v7;
	v7 =	vld [tilespmem:s16+$0x20];
	vm0 =	vge.f32 v13, $0.0e+00  }
0x1f1: {  	v32 =	vmul.f32 $3.000000120e-01, v6;
	v11 =	vadd.f32 v11, v28;
	v33 =	vld [tilespmem:s19+$0xA0];
	v10 =	vsel vm0, v13, v10  }
0x1f2: {  	v34 =	vld [tilespmem:s16+$0xA0];
	vm0 =	vge.f32 v6, $0.0e+00;
	v9 =	vadd.f32 v31, v9;
	[tilespmem:s14+$0x1B0] =	vst v10  }
0x1f3: {  	v6 =	vsel vm0, v6, v32;
	v10 =	vmul.f32 $3.000000120e-01, v11;
	v35 =	vld [tilespmem:s19+$0x1C0]  }
0x1f4: {  	vm0 =	vge.f32 v11, $0.0e+00;
	[tilespmem:s14+$0x110] =	vst v6;
	v6 =	vmul.f32 $3.000000120e-01, v9;
	v36 =	vld [tilespmem:s16+$0x1C0]  }
0x1f5: {  	v4 =	vadd.f32 v4, v5;
	v5 =	vsel vm0, v11, v10;
	vm0 =	vge.f32 v9, $0.0e+00;
	v10 =	vld [tilespmem:s19+$0x120]  }
0x1f6: {  	[tilespmem:s14+$0xFFFFFEA0] =	vst v5;
	v5 =	vsel vm0, v9, v6;
	v6 =	vld [tilespmem:s16+$0x120]  }
0x1f7: {  	v2 =	vadd.f32 v2, v3;
	v9 =	vmul.f32 $3.000000120e-01, v4;
	[tilespmem:s14+$0xFFFFFE20] =	vst v5;
	v3 =	vld [tilespmem:s19+$0xFFFFFEB0]  }
0x1f8: {  	vm0 =	vge.f32 v4, $0.0e+00;
	v5 =	vld [tilespmem:s19+$0xFFFFFE30]  }
0x1f9: {  	v4 =	vsel vm0, v4, v9;
	v9 =	vmul.f32 $3.000000120e-01, v2;
	v37 =	vld [tilespmem:s16+$0xFFFFFE30];
	v11 =	vadd.f32 v36, v35  }
0x1fa: {  	vm0 =	vge.f32 v2, $0.0e+00;
	[tilespmem:s14+$0xFFFFFF20] =	vst v4;
	v4 =	vld [tilespmem:s16+$0xFFFFFEB0]  }
0x1fb: {  	v7 =	vadd.f32 v7, v8;
	v2 =	vsel vm0, v2, v9;
	v8 =	vld [tilespmem:s19+$0xFFFFFF30];
	v9 =	vmul.f32 $3.000000120e-01, v11  }
0x1fc: {  	[tilespmem:s14+$0xFFFFFFA0] =	vst v2;
	v2 =	vld [tilespmem:s16+$0xFFFFFF30];
	vm0 =	vge.f32 v11, $0.0e+00  }
0x1fd: {  	v12 =	vadd.f32 v34, v33;
	v38 =	vmul.f32 $3.000000120e-01, v7;
	v9 =	vsel vm0, v11, v9;
	v11 =	vld [tilespmem:s19+$0xFFFFFFB0]  }
0x1fe: {  	v6 =	vadd.f32 v6, v10;
	vm0 =	vge.f32 v7, $0.0e+00;
	[tilespmem:s14+$0x1C0] =	vst v9;
	v9 =	vld [tilespmem:s16+$0xFFFFFFB0]  }
0x1ff: {  	v39 =	vmul.f32 $3.000000120e-01, v12;
	v7 =	vsel vm0, v7, v38;
	v10 =	vld [tilespmem:s19+$0x1D0]  }
0x200: {  	v40 =	vmul.f32 $3.000000120e-01, v6;
	v5 =	vadd.f32 v37, v5;
	vm0 =	vge.f32 v12, $0.0e+00;
	[tilespmem:s14+$0x20] =	vst v7;
	v7 =	vld [tilespmem:s16+$0x1D0]  }
0x201: {  	v12 =	vsel vm0, v12, v39;
	vm0 =	vge.f32 v6, $0.0e+00;
	v41 =	vld [tilespmem:s19+$0x30]  }
0x202: {  	v3 =	vadd.f32 v4, v3;
	[tilespmem:s14+$0xA0] =	vst v12;
	v42 =	vld [tilespmem:s16+$0x30];
	v4 =	vsel vm0, v6, v40;
	v6 =	vmul.f32 $3.000000120e-01, v5  }
0x203: {  	vm0 =	vge.f32 v5, $0.0e+00;
	v43 =	vld [tilespmem:s19+$0xB0]  }
0x204: {  	[tilespmem:s14+$0x120] =	vst v4;
	v4 =	vld [tilespmem:s16+$0xB0];
	v5 =	vsel vm0, v5, v6  }
0x205: {  	v6 =	vmul.f32 $3.000000120e-01, v3;
	[tilespmem:s14+$0xFFFFFE30] =	vst v5;
	v5 =	vld [tilespmem:s16+$0x130];
	v7 =	vadd.f32 v7, v10  }
0x206: {  	vm0 =	vge.f32 v3, $0.0e+00;
	v10 =	vld [tilespmem:s19+$0x130]  }
0x207: {  	v2 =	vadd.f32 v2, v8;
	v3 =	vsel vm0, v3, v6;
	v6 =	vld [tilespmem:s19+$0xFFFFFE40];
	v8 =	vmul.f32 $3.000000120e-01, v7  }
0x208: {  	[tilespmem:s14+$0xFFFFFEB0] =	vst v3;
	v3 =	vld [tilespmem:s16+$0xFFFFFE40];
	vm0 =	vge.f32 v7, $0.0e+00  }
0x209: {  	v9 =	vadd.f32 v9, v11;
	v11 =	vmul.f32 $3.000000120e-01, v2;
	v7 =	vsel vm0, v7, v8;
	v8 =	vld [tilespmem:s19+$0xFFFFFEC0]  }
0x20a: {  	vm0 =	vge.f32 v2, $0.0e+00;
	[tilespmem:s14+$0x1D0] =	vst v7;
	v7 =	vld [tilespmem:s16+$0xFFFFFEC0]  }
0x20b: {  	v12 =	vadd.f32 v42, v41;
	v2 =	vsel vm0, v2, v11;
	v11 =	vmul.f32 $3.000000120e-01, v9;
	v44 =	vld [tilespmem:s19+$0x1E0]  }
0x20c: {  	vm0 =	vge.f32 v9, $0.0e+00;
	[tilespmem:s14+$0xFFFFFF30] =	vst v2;
	v2 =	vld [tilespmem:s16+$0x1E0]  }
0x20d: {  	v4 =	vadd.f32 v4, v43;
	v9 =	vsel vm0, v9, v11;
	v11 =	vmul.f32 $3.000000120e-01, v12;
	v45 =	vld [tilespmem:s19+$0xFFFFFF40]  }
0x20e: {  	vm0 =	vge.f32 v12, $0.0e+00;
	[tilespmem:s14+$0xFFFFFFB0] =	vst v9;
	v9 =	vld [tilespmem:s16+$0xFFFFFF40]  }
0x20f: {  	v5 =	vadd.f32 v5, v10;
	v10 =	vmul.f32 $3.000000120e-01, v4;
	v11 =	vsel vm0, v12, v11;
	v46 =	vld [tilespmem:s19+$0xFFFFFFC0]  }
0x210: {  	vm0 =	vge.f32 v4, $0.0e+00;
	[tilespmem:s14+$0x30] =	vst v11;
	v11 =	vld [tilespmem:s16+$0xFFFFFFC0]  }
0x211: {  	v4 =	vsel vm0, v4, v10;
	v10 =	vmul.f32 $3.000000120e-01, v5;
	v2 =	vadd.f32 v2, v44;
	v47 =	vld [tilespmem:s19+$0x40]  }
0x212: {  	vm0 =	vge.f32 v5, $0.0e+00;
	[tilespmem:s14+$0xB0] =	vst v4;
	v4 =	vld [tilespmem:s16+$0x40]  }
0x213: {  	v3 =	vadd.f32 v3, v6;
	v5 =	vsel vm0, v5, v10;
	v6 =	vld [tilespmem:s19+$0xC0];
	v10 =	vmul.f32 $3.000000120e-01, v2  }
0x214: {  	[tilespmem:s14+$0x130] =	vst v5;
	v5 =	vld [tilespmem:s16+$0xC0];
	vm0 =	vge.f32 v2, $0.0e+00  }
0x215: {  	v7 =	vadd.f32 v7, v8;
	v8 =	vmul.f32 $3.000000120e-01, v3;
	v2 =	vsel vm0, v2, v10;
	v10 =	vld [tilespmem:s19+$0x140]  }
0x216: {  	vm0 =	vge.f32 v3, $0.0e+00;
	[tilespmem:s14+$0x1E0] =	vst v2;
	v2 =	vld [tilespmem:s16+$0x140]  }
0x217: {  	v9 =	vadd.f32 v9, v45;
	v3 =	vsel vm0, v3, v8;
	v8 =	vmul.f32 $3.000000120e-01, v7;
	v48 =	vld [tilespmem:s19+$0x1F0]  }
0x218: {  	vm0 =	vge.f32 v7, $0.0e+00;
	[tilespmem:s14+$0xFFFFFE40] =	vst v3;
	v3 =	vld [tilespmem:s16+$0x1F0]  }
0x219: {  	v11 =	vadd.f32 v11, v46;
	v7 =	vsel vm0, v7, v8;
	v8 =	vmul.f32 $3.000000120e-01, v9;
	v49 =	vld [tilespmem:s19+$0xFFFFFE50]  }
0x21a: {  	vm0 =	vge.f32 v9, $0.0e+00;
	[tilespmem:s14+$0xFFFFFEC0] =	vst v7;
	v7 =	vld [tilespmem:s16+$0xFFFFFE50]  }
0x21b: {  	v4 =	vadd.f32 v4, v47;
	v50 =	vmul.f32 $3.000000120e-01, v11;
	v8 =	vsel vm0, v9, v8;
	v9 =	vld [tilespmem:s19+$0xFFFFFED0]  }
0x21c: {  	vm0 =	vge.f32 v11, $0.0e+00;
	[tilespmem:s14+$0xFFFFFF40] =	vst v8;
	v8 =	vld [tilespmem:s16+$0xFFFFFED0]  }
0x21d: {  	v5 =	vadd.f32 v5, v6;
	v6 =	vmul.f32 $3.000000120e-01, v4;
	v11 =	vsel vm0, v11, v50;
	v51 =	vld [tilespmem:s19+$0xFFFFFF50]  }
0x21e: {  	vm0 =	vge.f32 v4, $0.0e+00;
	[tilespmem:s14+$0xFFFFFFC0] =	vst v11;
	v11 =	vld [tilespmem:s16+$0xFFFFFF50]  }
0x21f: {  	v2 =	vadd.f32 v2, v10;
	v10 =	vmul.f32 $3.000000120e-01, v5;
	v4 =	vsel vm0, v4, v6;
	v6 =	vld [tilespmem:s19+$0xFFFFFFD0]  }
0x220: {  	vm0 =	vge.f32 v5, $0.0e+00;
	[tilespmem:s14+$0x40] =	vst v4;
	v4 =	vld [tilespmem:s16+$0xFFFFFFD0]  }
0x221: {  	v5 =	vsel vm0, v5, v10;
	v10 =	vmul.f32 $3.000000120e-01, v2;
	v7 =	vadd.f32 v7, v49;
	v52 =	vld [tilespmem:s19+$0x50]  }
0x222: {  	vm0 =	vge.f32 v2, $0.0e+00;
	[tilespmem:s14+$0xC0] =	vst v5;
	v5 =	vld [tilespmem:s16+$0x50]  }
0x223: {  	v2 =	vsel vm0, v2, v10;
	v10 =	vmul.f32 $3.000000120e-01, v7;
	v8 =	vadd.f32 v8, v9;
	v9 =	vld [tilespmem:s19+$0xD0]  }
0x224: {  	[tilespmem:s14+$0x140] =	vst v2;
	vm0 =	vge.f32 v7, $0.0e+00;
	v2 =	vld [tilespmem:s16+$0xD0]  }
0x225: {  	v11 =	vadd.f32 v11, v51;
	v53 =	vmul.f32 $3.000000120e-01, v8;
	v7 =	vsel vm0, v7, v10;
	v10 =	vld [tilespmem:s19+$0x150]  }
0x226: {  	vm0 =	vge.f32 v8, $0.0e+00;
	[tilespmem:s14+$0xFFFFFE50] =	vst v7;
	v7 =	vld [tilespmem:s16+$0x150]  }
0x227: {  	v4 =	vadd.f32 v4, v6;
	v6 =	vmul.f32 $3.000000120e-01, v11;
	v8 =	vsel vm0, v8, v53;
	v54 =	vld [tilespmem:s19+$0xFFFFFE60]  }
0x228: {  	vm0 =	vge.f32 v11, $0.0e+00;
	[tilespmem:s14+$0xFFFFFED0] =	vst v8;
	v8 =	vld [tilespmem:s16+$0xFFFFFE60]  }
0x229: {  	v5 =	vadd.f32 v5, v52;
	v55 =	vmul.f32 $3.000000120e-01, v4;
	v6 =	vsel vm0, v11, v6;
	v11 =	vld [tilespmem:s19+$0xFFFFFEE0]  }
0x22a: {  	vm0 =	vge.f32 v4, $0.0e+00;
	[tilespmem:s14+$0xFFFFFF50] =	vst v6;
	v6 =	vld [tilespmem:s16+$0xFFFFFEE0]  }
0x22b: {  	v2 =	vadd.f32 v2, v9;
	v9 =	vmul.f32 $3.000000120e-01, v5;
	v4 =	vsel vm0, v4, v55;
	v56 =	vld [tilespmem:s19+$0xFFFFFF60]  }
0x22c: {  	vm0 =	vge.f32 v5, $0.0e+00;
	[tilespmem:s14+$0xFFFFFFD0] =	vst v4;
	v4 =	vld [tilespmem:s16+$0xFFFFFF60]  }
0x22d: {  	v5 =	vsel vm0, v5, v9;
	v7 =	vadd.f32 v7, v10;
	v10 =	vmul.f32 $3.000000120e-01, v2;
	v9 =	vld [tilespmem:s19+$0xFFFFFFE0]  }
0x22e: {  	vm0 =	vge.f32 v2, $0.0e+00;
	[tilespmem:s14+$0x50] =	vst v5;
	v5 =	vld [tilespmem:s16+$0xFFFFFFE0]  }
0x22f: {  	v57 =	vld [tilespmem:s19+$0x60];
	v2 =	vsel vm0, v2, v10;
	v10 =	vmul.f32 $3.000000120e-01, v7;
	v8 =	vadd.f32 v8, v54  }
0x230: {  	vm0 =	vge.f32 v7, $0.0e+00;
	[tilespmem:s14+$0xD0] =	vst v2;
	v2 =	vld [tilespmem:s16+$0x60]  }
0x231: {  	v6 =	vadd.f32 v6, v11;
	v7 =	vsel vm0, v7, v10;
	v10 =	vmul.f32 $3.000000120e-01, v8;
	v11 =	vld [tilespmem:s19+$0xE0]  }
0x232: {  	vm0 =	vge.f32 v8, $0.0e+00;
	[tilespmem:s14+$0x150] =	vst v7;
	v7 =	vld [tilespmem:s16+$0xE0]  }
0x233: {  	v4 =	vadd.f32 v4, v56;
	v58 =	vmul.f32 $3.000000120e-01, v6;
	v8 =	vsel vm0, v8, v10;
	v10 =	vld [tilespmem:s19+$0x160]  }
0x234: {  	vm0 =	vge.f32 v6, $0.0e+00;
	[tilespmem:s14+$0xFFFFFE60] =	vst v8;
	v8 =	vld [tilespmem:s16+$0x160]  }
0x235: {  	v5 =	vadd.f32 v5, v9;
	v9 =	vmul.f32 $3.000000120e-01, v4;
	v6 =	vsel vm0, v6, v58;
	v59 =	vld [tilespmem:s19+$0xFFFFFE70]  }
0x236: {  	vm0 =	vge.f32 v4, $0.0e+00;
	[tilespmem:s14+$0xFFFFFEE0] =	vst v6;
	v6 =	vld [tilespmem:s16+$0xFFFFFE70]  }
0x237: {  	v60 =	vmul.f32 $3.000000120e-01, v5;
	v2 =	vadd.f32 v2, v57;
	v4 =	vsel vm0, v4, v9;
	v9 =	vld [tilespmem:s19+$0xFFFFFEF0]  }
0x238: {  	vm0 =	vge.f32 v5, $0.0e+00;
	[tilespmem:s14+$0xFFFFFF60] =	vst v4;
	v4 =	vld [tilespmem:s16+$0xFFFFFEF0];
	v7 =	vadd.f32 v7, v11  }
0x239: {  	v5 =	vsel vm0, v5, v60;
	v11 =	vmul.f32 $3.000000120e-01, v2;
	v61 =	vld [tilespmem:s19+$0xFFFFFF70]  }
0x23a: {  	vm0 =	vge.f32 v2, $0.0e+00;
	[tilespmem:s14+$0xFFFFFFE0] =	vst v5;
	v5 =	vadd.f32 v8, v10;
	v8 =	vld [tilespmem:s16+$0xFFFFFF70];
	v10 =	vmul.f32 $3.000000120e-01, v7  }
0x23b: {  	v13 =	vadd.f32 v3, v48;
	v62 =	vld [tilespmem:s16+$0xFFFFFFF0];
	v2 =	vsel vm0, v2, v11;
	vm0 =	vge.f32 v7, $0.0e+00  }
0x23c: {  	v11 =	vld [tilespmem:s19+$0xFFFFFFF0];
	[tilespmem:s14+$0x60] =	vst v2;
	v6 =	vadd.f32 v6, v59;
	v3 =	vmul.f32 $3.000000120e-01, v5;
	v7 =	vsel vm0, v7, v10  }
0x23d: {  	vm0 =	vge.f32 v5, $0.0e+00;
	v2 =	vld [tilespmem:s19+$0x70];
	v9 =	vadd.f32 v4, v9;
	[tilespmem:s14+$0xE0] =	vst v7;
	v7 =	vmul.f32 $3.000000120e-01, v13  }
0x23e: {  	v12 =	vmul.f32 $3.000000120e-01, v6;
	v10 =	vsel vm0, v5, v3;
	v5 =	vld [tilespmem:s16+$0x70];
	vm0 =	vge.f32 v13, $0.0e+00  }
0x23f: {  	v3 =	vld [tilespmem:s19+$0xF0];
	v4 =	vadd.f32 v8, v61;
	v8 =	vsel vm0, v13, v7;
	vm0 =	vge.f32 v6, $0.0e+00;
	[tilespmem:s14+$0x160] =	vst v10  }
0x240: {  	v63 =	vmul.f32 $3.000000120e-01, v9;
	v7 =	vld [tilespmem:s16+$0xF0];
	[tilespmem:s14+$0x1F0] =	vst v8;
	v8 =	vsel vm0, v6, v12  }
0x241: {  	vm1 =	vge.f32 v9, $0.0e+00;
	v6 =	vld [tilespmem:s19+$0x170];
	[tilespmem:s14+$0xFFFFFE70] =	vst v8;
	v8 =	vadd.f32 v62, v11  }
0x242: {  	s28 =	simm.s32 $0x3200;
	s19 =	simm.s32 $0x0;
	vm0 =	vge.f32 v4, $0.0e+00;
	v10 =	vmul.f32 $3.000000120e-01, v4;
	v11 =	vsel vm1, v9, v63;
	v9 =	vld [tilespmem:s16+$0x170]  }
.LBB2_9:
0x243: {  	v12 =	vld [tilespmem:s28+$0x180];
	[tilespmem:s14+$0xFFFFFEF0] =	vst v11;
	vm1 =	vge.f32 v8, $0.0e+00;
	v11 =	vmul.f32 $3.000000120e-01, v8;
	v2 =	vadd.f32 v5, v2;
	s16 =	sadd.s32 $0x400, s16  }
0x244: {  	v4 =	vsel vm0, v4, v10;
	v5 =	vld [tilespmem:s16+$0x180]  }
0x245: {  	v10 =	vld [tilespmem:s16+$0xFFFFFE00];
	[tilespmem:s14+$0xFFFFFF70] =	vst v4;
	vm0 =	vge.f32 v2, $0.0e+00;
	v4 =	vmul.f32 $3.000000120e-01, v2;
	v3 =	vadd.f32 v7, v3  }
0x246: {  	v8 =	vsel vm1, v8, v11;
	v7 =	vld [tilespmem:s28+$0xFFFFFE80]  }
0x247: {  	v11 =	vld [tilespmem:s16+$0xFFFFFE80];
	[tilespmem:s14+$0xFFFFFFF0] =	vst v8;
	vm1 =	vge.f32 v3, $0.0e+00;
	v8 =	vmul.f32 $3.000000120e-01, v3;
	v6 =	vadd.f32 v9, v6  }
0x248: {  	v2 =	vsel vm0, v2, v4;
	v9 =	vld [tilespmem:s28+$0xFFFFFF00]  }
0x249: {  	v4 =	vld [tilespmem:s16+$0xFFFFFF00];
	v5 =	vadd.f32 v5, v12;
	[tilespmem:s14+$0x70] =	vst v2;
	vm0 =	vge.f32 v6, $0.0e+00;
	v2 =	vmul.f32 $3.000000120e-01, v6  }
0x24a: {  	v3 =	vsel vm1, v3, v8;
	v12 =	vld [tilespmem:s28+$0xFFFFFF80]  }
0x24b: {  	s19 =	sadd.s32 $0x8, s19;
	v8 =	vld [tilespmem:s16+$0xFFFFFF80];
	v13 =	vmul.f32 $3.000000120e-01, v5;
	[tilespmem:s14+$0xF0] =	vst v3;
	v2 =	vsel vm0, v6, v2  }
0x24c: {  	p1 =	slt.u32 s19, $0x20;
	vm0 =	vge.f32 v5, $0.0e+00;
	v3 =	vadd.f32 v11, v7;
	v6 =	vld [tilespmem:s28+$0x0];
	[tilespmem:s14+$0x170] =	vst v2  }
0x24d: {  	s14 =	sadd.s32 $0x400, s14;
	v2 =	vld [tilespmem:s16+$0x0];
	v5 =	vsel vm0, v5, v13  }
0x24e: {  	vm0 =	vge.f32 v3, $0.0e+00;
	v7 =	vmul.f32 $3.000000120e-01, v3;
	v4 =	vadd.f32 v4, v9;
	v9 =	vld [tilespmem:s28+$0x80];
	[tilespmem:s14+$0x180] =	vst v5  }
0x24f: {  	v5 =	vld [tilespmem:s28+$0x190]  }
0x250: {  	vm1 =	vge.f32 v4, $0.0e+00;
	v11 =	vmul.f32 $3.000000120e-01, v4;
	v8 =	vadd.f32 v8, v12;
	v12 =	vld [tilespmem:s16+$0x190]  }
0x251: {  	v3 =	vsel vm0, v3, v7;
	v7 =	vld [tilespmem:s16+$0x80]  }
0x252: {  	[tilespmem:s14+$0xFFFFFE80] =	vst v3;
	vm0 =	vge.f32 v8, $0.0e+00;
	v3 =	vmul.f32 $3.000000120e-01, v8;
	v2 =	vadd.f32 v2, v6;
	v6 =	vld [tilespmem:s28+$0x100]  }
0x253: {  	v4 =	vsel vm1, v4, v11;
	v11 =	vld [tilespmem:s16+$0x100]  }
0x254: {  	v13 =	vld [tilespmem:s28+$0xFFFFFE00];
	[tilespmem:s14+$0xFFFFFF00] =	vst v4;
	v3 =	vsel vm0, v8, v3;
	vm0 =	vge.f32 v2, $0.0e+00;
	v4 =	vmul.f32 $3.000000120e-01, v2  }
0x255: {  	v8 =	vld [tilespmem:s28+$0xFFFFFE90];
	[tilespmem:s14+$0xFFFFFF80] =	vst v3;
	v3 =	vadd.f32 v12, v5  }
0x256: {  	v5 =	vld [tilespmem:s16+$0xFFFFFE90];
	v2 =	vsel vm0, v2, v4;
	v4 =	vadd.f32 v7, v9  }
0x257: {  	v7 =	vld [tilespmem:s28+$0xFFFFFF10];
	[tilespmem:s14+$0x0] =	vst v2;
	v2 =	vmul.f32 $3.000000120e-01, v3  }
0x258: {  	vm0 =	vge.f32 v3, $0.0e+00;
	v9 =	vld [tilespmem:s16+$0xFFFFFF10];
	v12 =	vmul.f32 $3.000000120e-01, v4;
	v6 =	vadd.f32 v11, v6  }
0x259: {  	vm1 =	vge.f32 v4, $0.0e+00;
	v10 =	vadd.f32 v10, v13;
	v11 =	vld [tilespmem:s28+$0xFFFFFF90];
	v2 =	vsel vm0, v3, v2  }
0x25a: {  	v3 =	vld [tilespmem:s16+$0xFFFFFF90];
	v4 =	vsel vm1, v4, v12;
	vm0 =	vge.f32 v6, $0.0e+00;
	v12 =	vmul.f32 $3.000000120e-01, v6;
	[tilespmem:s14+$0x190] =	vst v2  }
0x25b: {  	vm1 =	vge.f32 v10, $0.0e+00;
	v2 =	vmul.f32 $3.000000120e-01, v10;
	v5 =	vadd.f32 v5, v8;
	[tilespmem:s14+$0x80] =	vst v4;
	v4 =	vld [tilespmem:s28+$0x1A0]  }
0x25c: {  	v6 =	vsel vm0, v6, v12;
	v8 =	vld [tilespmem:s16+$0x1A0]  }
0x25d: {  	v2 =	vsel vm1, v10, v2;
	v10 =	vmul.f32 $3.000000120e-01, v5;
	v7 =	vadd.f32 v9, v7;
	v9 =	vld [tilespmem:s28+$0x10];
	[tilespmem:s14+$0x100] =	vst v6  }
0x25e: {  	vm0 =	vge.f32 v5, $0.0e+00;
	[tilespmem:s14+$0xFFFFFE00] =	vst v2;
	v2 =	vld [tilespmem:s16+$0x10]  }
0x25f: {  	v6 =	vld [tilespmem:s28+$0xFFFFFE10];
	vm1 =	vge.f32 v7, $0.0e+00;
	v12 =	vmul.f32 $3.000000120e-01, v7;
	v3 =	vadd.f32 v3, v11  }
0x260: {  	v5 =	vsel vm0, v5, v10;
	v11 =	vld [tilespmem:s16+$0xFFFFFE10]  }
0x261: {  	[tilespmem:s14+$0xFFFFFE90] =	vst v5;
	vm0 =	vge.f32 v3, $0.0e+00;
	v5 =	vmul.f32 $3.000000120e-01, v3;
	v10 =	vld [tilespmem:s28+$0x90];
	v4 =	vadd.f32 v8, v4  }
0x262: {  	v7 =	vsel vm1, v7, v12;
	v8 =	vld [tilespmem:s16+$0x90]  }
0x263: {  	[tilespmem:s14+$0xFFFFFF10] =	vst v7;
	v3 =	vsel vm0, v3, v5;
	v2 =	vadd.f32 v2, v9;
	v5 =	vld [tilespmem:s28+$0x110];
	v7 =	vmul.f32 $3.000000120e-01, v4  }
0x264: {  	vm0 =	vge.f32 v4, $0.0e+00;
	[tilespmem:s14+$0xFFFFFF90] =	vst v3;
	v3 =	vld [tilespmem:s16+$0x110]  }
0x265: {  	v6 =	vadd.f32 v11, v6;
	v9 =	vld [tilespmem:s28+$0xFFFFFEA0];
	v11 =	vmul.f32 $3.000000120e-01, v2;
	v4 =	vsel vm0, v4, v7  }
0x266: {  	vm0 =	vge.f32 v2, $0.0e+00;
	v7 =	vld [tilespmem:s16+$0xFFFFFEA0];
	[tilespmem:s14+$0x1A0] =	vst v4  }
0x267: {  	vm1 =	vge.f32 v6, $0.0e+00;
	v4 =	vmul.f32 $3.000000120e-01, v6;
	v8 =	vadd.f32 v8, v10;
	v10 =	vld [tilespmem:s28+$0x1B0]  }
0x268: {  	v2 =	vsel vm0, v2, v11;
	v11 =	vld [tilespmem:s16+$0x1B0]  }
0x269: {  	v12 =	vld [tilespmem:s28+$0xFFFFFF20];
	[tilespmem:s14+$0x10] =	vst v2;
	vm0 =	vge.f32 v8, $0.0e+00;
	v2 =	vmul.f32 $3.000000120e-01, v8;
	v3 =	vadd.f32 v3, v5  }
0x26a: {  	v4 =	vsel vm1, v6, v4;
	v5 =	vld [tilespmem:s16+$0xFFFFFF20]  }
0x26b: {  	[tilespmem:s14+$0xFFFFFE10] =	vst v4;
	v4 =	vld [tilespmem:s28+$0xFFFFFFA0];
	v2 =	vsel vm0, v8, v2;
	vm0 =	vge.f32 v3, $0.0e+00;
	v6 =	vmul.f32 $3.000000120e-01, v3  }
0x26c: {  	v7 =	vadd.f32 v7, v9;
	v8 =	vld [tilespmem:s28+$0xFFFFFE20];
	[tilespmem:s14+$0x90] =	vst v2  }
0x26d: {  	v2 =	vld [tilespmem:s16+$0xFFFFFE20];
	v3 =	vsel vm0, v3, v6;
	v6 =	vadd.f32 v11, v10  }
0x26e: {  	vm0 =	vge.f32 v7, $0.0e+00;
	v9 =	vmul.f32 $3.000000120e-01, v7;
	v10 =	vld [tilespmem:s16+$0xFFFFFFA0];
	[tilespmem:s14+$0x110] =	vst v3  }
0x26f: {  	v3 =	vadd.f32 v5, v12;
	v5 =	vld [tilespmem:s28+$0x20];
	v11 =	vmul.f32 $3.000000120e-01, v6  }
0x270: {  	v7 =	vsel vm0, v7, v9;
	vm0 =	vge.f32 v6, $0.0e+00;
	v9 =	vld [tilespmem:s16+$0x20]  }
0x271: {  	[tilespmem:s14+$0xFFFFFEA0] =	vst v7;
	vm1 =	vge.f32 v3, $0.0e+00;
	v7 =	vmul.f32 $3.000000120e-01, v3;
	v12 =	vld [tilespmem:s28+$0xA0];
	v6 =	vsel vm0, v6, v11  }
0x272: {  	v2 =	vadd.f32 v2, v8;
	v8 =	vld [tilespmem:s16+$0xA0];
	[tilespmem:s14+$0x1B0] =	vst v6  }
0x273: {  	v3 =	vsel vm1, v3, v7;
	v4 =	vadd.f32 v10, v4;
	v6 =	vld [tilespmem:s28+$0x1C0]  }
0x274: {  	vm0 =	vge.f32 v2, $0.0e+00;
	v7 =	vmul.f32 $3.000000120e-01, v2;
	[tilespmem:s14+$0xFFFFFF20] =	vst v3;
	v3 =	vld [tilespmem:s16+$0x1C0]  }
0x275: {  	vm1 =	vge.f32 v4, $0.0e+00;
	v10 =	vmul.f32 $3.000000120e-01, v4;
	v5 =	vadd.f32 v9, v5;
	v9 =	vld [tilespmem:s28+$0x120]  }
0x276: {  	v2 =	vsel vm0, v2, v7;
	v7 =	vld [tilespmem:s16+$0x120]  }
0x277: {  	[tilespmem:s14+$0xFFFFFE20] =	vst v2;
	v2 =	vld [tilespmem:s28+$0xFFFFFEB0];
	vm0 =	vge.f32 v5, $0.0e+00;
	v11 =	vmul.f32 $3.000000120e-01, v5;
	v8 =	vadd.f32 v8, v12  }
0x278: {  	v4 =	vsel vm1, v4, v10;
	v12 =	vld [tilespmem:s28+$0xFFFFFE30]  }
0x279: {  	v10 =	vld [tilespmem:s16+$0xFFFFFE30];
	[tilespmem:s14+$0xFFFFFFA0] =	vst v4;
	vm1 =	vge.f32 v8, $0.0e+00;
	v4 =	vmul.f32 $3.000000120e-01, v8;
	v3 =	vadd.f32 v3, v6  }
0x27a: {  	v5 =	vsel vm0, v5, v11;
	v6 =	vld [tilespmem:s16+$0xFFFFFEB0]  }
0x27b: {  	v11 =	vld [tilespmem:s28+$0xFFFFFF30];
	[tilespmem:s14+$0x20] =	vst v5;
	v4 =	vsel vm1, v8, v4;
	v5 =	vadd.f32 v7, v9;
	v7 =	vmul.f32 $3.000000120e-01, v3  }
0x27c: {  	vm0 =	vge.f32 v3, $0.0e+00;
	v8 =	vld [tilespmem:s16+$0xFFFFFF30];
	[tilespmem:s14+$0xA0] =	vst v4  }
0x27d: {  	v4 =	vld [tilespmem:s28+$0xFFFFFFB0];
	vm1 =	vge.f32 v5, $0.0e+00;
	v9 =	vmul.f32 $3.000000120e-01, v5;
	v3 =	vsel vm0, v3, v7  }
0x27e: {  	v7 =	vadd.f32 v10, v12;
	v10 =	vld [tilespmem:s16+$0xFFFFFFB0];
	[tilespmem:s14+$0x1C0] =	vst v3  }
0x27f: {  	v2 =	vadd.f32 v6, v2;
	v3 =	vsel vm1, v5, v9;
	v5 =	vld [tilespmem:s28+$0x1D0]  }
0x280: {  	vm0 =	vge.f32 v7, $0.0e+00;
	v6 =	vmul.f32 $3.000000120e-01, v7;
	[tilespmem:s14+$0x120] =	vst v3;
	v3 =	vld [tilespmem:s16+$0x1D0]  }
0x281: {  	vm1 =	vge.f32 v2, $0.0e+00;
	v9 =	vmul.f32 $3.000000120e-01, v2;
	v8 =	vadd.f32 v8, v11;
	v11 =	vld [tilespmem:s28+$0x30]  }
0x282: {  	v6 =	vsel vm0, v7, v6;
	v7 =	vld [tilespmem:s16+$0x30]  }
0x283: {  	[tilespmem:s14+$0xFFFFFE30] =	vst v6;
	vm0 =	vge.f32 v8, $0.0e+00;
	v6 =	vmul.f32 $3.000000120e-01, v8;
	v4 =	vadd.f32 v10, v4;
	v10 =	vld [tilespmem:s28+$0xB0]  }
0x284: {  	v2 =	vsel vm1, v2, v9;
	v9 =	vld [tilespmem:s16+$0xB0]  }
0x285: {  	[tilespmem:s14+$0xFFFFFEB0] =	vst v2;
	vm1 =	vge.f32 v4, $0.0e+00;
	v2 =	vmul.f32 $3.000000120e-01, v4;
	v12 =	vld [tilespmem:s28+$0x130];
	v3 =	vadd.f32 v3, v5  }
0x286: {  	v5 =	vsel vm0, v8, v6;
	v6 =	vld [tilespmem:s16+$0x130]  }
0x287: {  	v8 =	vld [tilespmem:s28+$0xFFFFFE40];
	[tilespmem:s14+$0xFFFFFF30] =	vst v5;
	v2 =	vsel vm1, v4, v2;
	v4 =	vadd.f32 v7, v11;
	v5 =	vmul.f32 $3.000000120e-01, v3  }
0x288: {  	vm0 =	vge.f32 v3, $0.0e+00;
	v7 =	vld [tilespmem:s16+$0xFFFFFE40];
	[tilespmem:s14+$0xFFFFFFB0] =	vst v2  }
0x289: {  	v2 =	vld [tilespmem:s28+$0xFFFFFEC0];
	v11 =	vmul.f32 $3.000000120e-01, v4;
	v9 =	vadd.f32 v9, v10;
	v3 =	vsel vm0, v3, v5  }
0x28a: {  	vm0 =	vge.f32 v4, $0.0e+00;
	v5 =	vld [tilespmem:s16+$0xFFFFFEC0];
	[tilespmem:s14+$0x1D0] =	vst v3  }
0x28b: {  	vm1 =	vge.f32 v9, $0.0e+00;
	v3 =	vmul.f32 $3.000000120e-01, v9;
	v6 =	vadd.f32 v6, v12;
	v10 =	vld [tilespmem:s28+$0x1E0]  }
0x28c: {  	v4 =	vsel vm0, v4, v11;
	v11 =	vld [tilespmem:s16+$0x1E0]  }
0x28d: {  	v12 =	vld [tilespmem:s28+$0xFFFFFF40];
	[tilespmem:s14+$0x30] =	vst v4;
	v3 =	vsel vm1, v9, v3;
	vm0 =	vge.f32 v6, $0.0e+00;
	v4 =	vmul.f32 $3.000000120e-01, v6  }
0x28e: {  	v7 =	vadd.f32 v7, v8;
	v8 =	vld [tilespmem:s16+$0xFFFFFF40];
	[tilespmem:s14+$0xB0] =	vst v3  }
0x28f: {  	v2 =	vadd.f32 v5, v2;
	v3 =	vld [tilespmem:s28+$0xFFFFFFC0];
	v4 =	vsel vm0, v6, v4  }
0x290: {  	vm0 =	vge.f32 v7, $0.0e+00;
	v5 =	vmul.f32 $3.000000120e-01, v7;
	v6 =	vld [tilespmem:s16+$0xFFFFFFC0];
	[tilespmem:s14+$0x130] =	vst v4  }
0x291: {  	vm1 =	vge.f32 v2, $0.0e+00;
	v4 =	vmul.f32 $3.000000120e-01, v2;
	v9 =	vld [tilespmem:s28+$0x40];
	v10 =	vadd.f32 v11, v10  }
0x292: {  	v5 =	vsel vm0, v7, v5;
	v7 =	vld [tilespmem:s16+$0x40]  }
0x293: {  	[tilespmem:s14+$0xFFFFFE40] =	vst v5;
	v2 =	vsel vm1, v2, v4;
	v4 =	vadd.f32 v8, v12;
	v5 =	vld [tilespmem:s28+$0xC0];
	v8 =	vmul.f32 $3.000000120e-01, v10  }
0x294: {  	vm0 =	vge.f32 v10, $0.0e+00;
	[tilespmem:s14+$0xFFFFFEC0] =	vst v2;
	v2 =	vld [tilespmem:s16+$0xC0]  }
0x295: {  	v11 =	vmul.f32 $3.000000120e-01, v4;
	v3 =	vadd.f32 v6, v3;
	v6 =	vld [tilespmem:s28+$0x140];
	v8 =	vsel vm0, v10, v8  }
0x296: {  	vm0 =	vge.f32 v4, $0.0e+00;
	v10 =	vld [tilespmem:s16+$0x140];
	[tilespmem:s14+$0x1E0] =	vst v8  }
0x297: {  	vm1 =	vge.f32 v3, $0.0e+00;
	v8 =	vmul.f32 $3.000000120e-01, v3;
	v7 =	vadd.f32 v7, v9;
	v9 =	vld [tilespmem:s28+$0x1F0]  }
0x298: {  	v4 =	vsel vm0, v4, v11;
	v11 =	vld [tilespmem:s16+$0x1F0]  }
0x299: {  	v12 =	vld [tilespmem:s28+$0xFFFFFE50];
	[tilespmem:s14+$0xFFFFFF40] =	vst v4;
	vm0 =	vge.f32 v7, $0.0e+00;
	v4 =	vmul.f32 $3.000000120e-01, v7;
	v2 =	vadd.f32 v2, v5  }
0x29a: {  	v3 =	vsel vm1, v3, v8;
	v5 =	vld [tilespmem:s16+$0xFFFFFE50]  }
0x29b: {  	v8 =	vld [tilespmem:s28+$0xFFFFFED0];
	[tilespmem:s14+$0xFFFFFFC0] =	vst v3;
	vm1 =	vge.f32 v2, $0.0e+00;
	v3 =	vmul.f32 $3.000000120e-01, v2;
	v6 =	vadd.f32 v10, v6  }
0x29c: {  	v4 =	vsel vm0, v7, v4;
	v10 =	vld [tilespmem:s16+$0xFFFFFED0]  }
0x29d: {  	v7 =	vld [tilespmem:s28+$0xFFFFFF50];
	[tilespmem:s14+$0x40] =	vst v4;
	vm0 =	vge.f32 v6, $0.0e+00;
	v4 =	vmul.f32 $3.000000120e-01, v6;
	v9 =	vadd.f32 v11, v9  }
0x29e: {  	v2 =	vsel vm1, v2, v3;
	v11 =	vld [tilespmem:s16+$0xFFFFFF50]  }
0x29f: {  	v3 =	vadd.f32 v5, v12;
	v5 =	vld [tilespmem:s28+$0xFFFFFFD0];
	[tilespmem:s14+$0xC0] =	vst v2;
	v2 =	vsel vm0, v6, v4;
	v4 =	vmul.f32 $3.000000120e-01, v9  }
0x2a0: {  	vm0 =	vge.f32 v9, $0.0e+00;
	v6 =	vld [tilespmem:s16+$0xFFFFFFD0];
	[tilespmem:s14+$0x140] =	vst v2  }
0x2a1: {  	v2 =	vmul.f32 $3.000000120e-01, v3;
	v8 =	vadd.f32 v10, v8;
	v10 =	vld [tilespmem:s28+$0x50];
	v4 =	vsel vm0, v9, v4  }
0x2a2: {  	vm0 =	vge.f32 v3, $0.0e+00;
	v9 =	vld [tilespmem:s16+$0x50];
	[tilespmem:s14+$0x1F0] =	vst v4  }
0x2a3: {  	vm1 =	vge.f32 v8, $0.0e+00;
	v4 =	vmul.f32 $3.000000120e-01, v8;
	v7 =	vadd.f32 v11, v7;
	v11 =	vld [tilespmem:s28+$0xD0]  }
0x2a4: {  	v2 =	vsel vm0, v3, v2;
	v3 =	vld [tilespmem:s16+$0xD0]  }
0x2a5: {  	[tilespmem:s14+$0xFFFFFE50] =	vst v2;
	vm0 =	vge.f32 v7, $0.0e+00;
	v2 =	vmul.f32 $3.000000120e-01, v7;
	v5 =	vadd.f32 v6, v5;
	v6 =	vld [tilespmem:s28+$0x150]  }
0x2a6: {  	v4 =	vsel vm1, v8, v4;
	v8 =	vld [tilespmem:s16+$0x150]  }
0x2a7: {  	v12 =	vld [tilespmem:s28+$0xFFFFFE60];
	[tilespmem:s14+$0xFFFFFED0] =	vst v4;
	vm1 =	vge.f32 v5, $0.0e+00;
	v4 =	vmul.f32 $3.000000120e-01, v5;
	v9 =	vadd.f32 v9, v10  }
0x2a8: {  	v2 =	vsel vm0, v7, v2;
	v10 =	vld [tilespmem:s16+$0xFFFFFE60]  }
0x2a9: {  	v7 =	vld [tilespmem:s28+$0xFFFFFEE0];
	[tilespmem:s14+$0xFFFFFF50] =	vst v2;
	vm0 =	vge.f32 v9, $0.0e+00;
	v2 =	vmul.f32 $3.000000120e-01, v9;
	v3 =	vadd.f32 v3, v11  }
0x2aa: {  	v4 =	vsel vm1, v5, v4;
	v11 =	vld [tilespmem:s16+$0xFFFFFEE0]  }
0x2ab: {  	v5 =	vld [tilespmem:s28+$0xFFFFFF60];
	[tilespmem:s14+$0xFFFFFFD0] =	vst v4;
	vm1 =	vge.f32 v3, $0.0e+00;
	v4 =	vmul.f32 $3.000000120e-01, v3;
	v6 =	vadd.f32 v8, v6  }
0x2ac: {  	v2 =	vsel vm0, v9, v2;
	v8 =	vld [tilespmem:s16+$0xFFFFFF60]  }
0x2ad: {  	v9 =	vld [tilespmem:s28+$0xFFFFFFE0];
	[tilespmem:s14+$0x50] =	vst v2;
	v2 =	vsel vm1, v3, v4;
	vm0 =	vge.f32 v6, $0.0e+00;
	v3 =	vmul.f32 $3.000000120e-01, v6  }
0x2ae: {  	v4 =	vadd.f32 v10, v12;
	v10 =	vld [tilespmem:s16+$0xFFFFFFE0];
	[tilespmem:s14+$0xD0] =	vst v2  }
0x2af: {  	v2 =	vadd.f32 v11, v7;
	v7 =	vld [tilespmem:s28+$0x60];
	v3 =	vsel vm0, v6, v3  }
0x2b0: {  	vm0 =	vge.f32 v4, $0.0e+00;
	v6 =	vmul.f32 $3.000000120e-01, v4;
	v11 =	vld [tilespmem:s16+$0x60];
	[tilespmem:s14+$0x150] =	vst v3  }
0x2b1: {  	vm1 =	vge.f32 v2, $0.0e+00;
	v3 =	vmul.f32 $3.000000120e-01, v2;
	v5 =	vadd.f32 v8, v5;
	v8 =	vld [tilespmem:s28+$0xE0]  }
0x2b2: {  	v4 =	vsel vm0, v4, v6;
	v6 =	vld [tilespmem:s16+$0xE0]  }
0x2b3: {  	[tilespmem:s14+$0xFFFFFE60] =	vst v4;
	vm0 =	vge.f32 v5, $0.0e+00;
	v4 =	vmul.f32 $3.000000120e-01, v5;
	v9 =	vadd.f32 v10, v9;
	v10 =	vld [tilespmem:s28+$0x160]  }
0x2b4: {  	v2 =	vsel vm1, v2, v3;
	v3 =	vld [tilespmem:s16+$0x160]  }
0x2b5: {  	v12 =	vld [tilespmem:s28+$0xFFFFFE70];
	[tilespmem:s14+$0xFFFFFEE0] =	vst v2;
	vm1 =	vge.f32 v9, $0.0e+00;
	v2 =	vmul.f32 $3.000000120e-01, v9;
	v7 =	vadd.f32 v11, v7  }
0x2b6: {  	v4 =	vsel vm0, v5, v4;
	v11 =	vld [tilespmem:s16+$0xFFFFFE70]  }
0x2b7: {  	v5 =	vld [tilespmem:s28+$0xFFFFFEF0];
	[tilespmem:s14+$0xFFFFFF60] =	vst v4;
	vm0 =	vge.f32 v7, $0.0e+00;
	v4 =	vmul.f32 $3.000000120e-01, v7;
	v6 =	vadd.f32 v6, v8  }
0x2b8: {  	v2 =	vsel vm1, v9, v2;
	v8 =	vld [tilespmem:s16+$0xFFFFFEF0]  }
0x2b9: {  	v9 =	vld [tilespmem:s28+$0xFFFFFF70];
	[tilespmem:s14+$0xFFFFFFE0] =	vst v2;
	vm1 =	vge.f32 v6, $0.0e+00;
	v2 =	vmul.f32 $3.000000120e-01, v6;
	v3 =	vadd.f32 v3, v10  }
0x2ba: {  	v4 =	vsel vm0, v7, v4;
	v10 =	vld [tilespmem:s16+$0xFFFFFF70]  }
0x2bb: {  	v13 =	vld [tilespmem:s28+$0xFFFFFFF0];
	[tilespmem:s14+$0x60] =	vst v4;
	v2 =	vsel vm1, v6, v2;
	vm0 =	vge.f32 v3, $0.0e+00;
	v4 =	vmul.f32 $3.000000120e-01, v3  }
0x2bc: {  	v6 =	vadd.f32 v11, v12;
	v11 =	vld [tilespmem:s16+$0xFFFFFFF0];
	[tilespmem:s14+$0xE0] =	vst v2  }
0x2bd: {  	v12 =	vadd.f32 v8, v5;
	v2 =	vld [tilespmem:s28+$0x70];
	v3 =	vsel vm0, v3, v4  }
.Ltmp7:
0x2be: {  	vm0 =	vge.f32 v6, $0.0e+00;
	v7 =	vmul.f32 $3.000000120e-01, v6;
	v5 =	vld [tilespmem:s16+$0x70];
	[tilespmem:s14+$0x160] =	vst v3;
	(pc) =	sbr.rel @p1 .LBB2_9-.Ltmp7, $4  }
0x2bf: {  	vm1 =	vge.f32 v12, $0.0e+00;
	v14 =	vmul.f32 $3.000000120e-01, v12;
	v4 =	vadd.f32 v10, v9;
	v3 =	vld [tilespmem:s28+$0xF0]  }
0x2c0: {  	v6 =	vsel vm0, v6, v7;
	v7 =	vld [tilespmem:s16+$0xF0]  }
0x2c1: {  	[tilespmem:s14+$0xFFFFFE70] =	vst v6;
	vm0 =	vge.f32 v4, $0.0e+00;
	v10 =	vmul.f32 $3.000000120e-01, v4;
	v8 =	vadd.f32 v11, v13;
	v6 =	vld [tilespmem:s28+$0x170]  }
0x2c2: {  	v11 =	vsel vm1, v12, v14;
	s28 =	sadd.s32 $0x400, s28;
	v9 =	vld [tilespmem:s16+$0x170]  }
0x2c3: {  	_ =	sdelay $0x1  }
0x2c4: {  	v2 =	vadd.f32 v5, v2  }
0x2c5: {  	vm1 =	vge.f32 v8, $0.0e+00;
	v59 =	vmul.f32 $3.000000120e-01, v8;
	v3 =	vadd.f32 v7, v3  }
0x2c6: {  	[tilespmem:s14+$0xFFFFFEF0] =	vst v11;
	v4 =	vsel vm0, v4, v10;
	v60 =	vmul.f32 $3.000000120e-01, v2;
	v6 =	vadd.f32 v9, v6  }
0x2c7: {  	[tilespmem:s14+$0xFFFFFF70] =	vst v4;
	vm13 =	vge.f32 v2, $0.0e+00;
	v61 =	vsel vm1, v8, v59;
	v62 =	vmul.f32 $3.000000120e-01, v3  }
0x2c8: {  	[tilespmem:s14+$0xFFFFFFF0] =	vst v61;
	vm14 =	vge.f32 v3, $0.0e+00;
	v2 =	vsel vm13, v2, v60;
	v63 =	vmul.f32 $3.000000120e-01, v6  }
0x2c9: {  	s1 =	sor.u32 $0x3, s1;
	[tilespmem:s14+$0x70] =	vst v2;
	vm15 =	vge.f32 v6, $0.0e+00;
	v2 =	vsel vm14, v3, v62  }
0x2ca: {  	p1 =	sgt.u32 s1, $0xF9;
	[tilespmem:s14+$0xF0] =	vst v2;
	v2 =	vsel vm15, v6, v63  }
0x2cb: {  	s28 =	simm.s32 $0x6800;
	s1 =	smul.u32 @!p1 $0x28, s1;
	[tilespmem:s14+$0x170] =	vst v2  }
0x2cc: {  	[spmem:s3] =	stream.indirect.scatter.add.f32 [tilespmem:s28], [sflag:$0xA], $0x80, s12, s31, $0xb8;
	[tilespmem:$0x1FF78] =	vst v63  }
0x2cd: {  	s1 =	sadd.s32 @!p1 s10, s1  }
0x2ce: {  	[spmem:s4] =	stream.indirect.scatter.add.f32 [tilespmem:s22], [sflag:$0xC], $0x1, s12, s31, $0xb8;
	[tilespmem:$0x1FF78] =	vst v63  }
.Ltmp8:
0x2cf: {  	s1 =	sshrl.u32 @!p1 s1, $0x3;
	(pc) =	sbr.rel @p0 .LBB2_16-.Ltmp8, $4  }
0x2d0: {  	s16 =	simm.s32 @!p1 $0x0;
	s19 =	simm.s32 @!p1 $0x300;
	s14 =	sadd.s32 @!p1 s7, s1  }
0x2d1: {  	[tilespmem:s19], [sflag:$0x8] =	stream.linear.gather @!p1 [hbm4b:s14+s16], $0x28, $0x38;
	[tilespmem:$0x1FF78] =	vst v63  }
0x2d2: {  	s1 =	sadd.s32 @!p1 s8, s1;
	s14 =	simm.s32 @!p1 $0x380  }
0x2d3: {  	[tilespmem:s14], [sflag:$0x8] =	stream.linear.gather @!p1 [hbm4b:s1+s16], $0x28, $0x38;
	[tilespmem:$0x1FF78] =	vst v63  }
0x2d4: {  	_ =	swait.ge [sflag:s15], $0x28  }
0x2d5: {  	[sflag:s15] =	ssyncset.done $0x0  }
0x2d6: {  	[sflag:s15] =	ssyncadd.s32 $0xFFFFFFD8  }
0x2d7: {  	_ =	swait.ge [sflag:s15], $0x28  }
0x2d8: {  	[sflag:s15] =	ssyncset.done $0x0  }
0x2d9: {  	s1 =	simm.s32 $0x2C00;
	[sflag:s15] =	ssyncadd.s32 $0xFFFFFFD8  }
0x2da: {  	[tilespmem:s1], [sflag:$0x3] =	stream.indirect.gather [hbm4b:s0+s31], $0x80, s11, s31, $0xb8;
	[tilespmem:$0x1FF78] =	vst v63  }
0x2db: {  	s19 =	simm.s32 $0x4000;
	s28 =	simm.s32 $0x300  }
0x2dc: {  	[tilespmem:s19], [sflag:$0x4] =	stream.indirect.gather [hbm4b:s6+s31], $0x80, s28, s31, $0xb8;
	[tilespmem:$0x1FF78] =	vst v63  }
0x2dd: {  	_ =	swait.ge [sflag:s17], $0x1400  }
0x2de: {  	[sflag:s17] =	ssyncset.done $0x0  }
0x2df: {  	[sflag:s17] =	ssyncadd.s32 $0xFFFFEC00  }
0x2e0: {  	_ =	swait.ge [sflag:s18], $0x1400  }
0x2e1: {  	[sflag:s18] =	ssyncset.done $0x0  }
0x2e2: {  	[sflag:s18] =	ssyncadd.s32 $0xFFFFEC00  }
0x2e3: {  	_ =	swait.ge [sflag:s25], $0x1400  }
0x2e4: {  	[sflag:s25] =	ssyncset.done $0x0  }
0x2e5: {  	[sflag:s25] =	ssyncadd.s32 $0xFFFFEC00  }
0x2e6: {  	_ =	swait.ge [sflag:s2], $0x28  }
0x2e7: {  	[sflag:s2] =	ssyncset.done $0x0  }
0x2e8: {  	s16 =	simm.s32 $0x600;
	[sflag:s2] =	ssyncadd.s32 $0xFFFFFFD8  }
0x2e9: {  	s14 =	simm.s32 $0x1A00;
	v2 =	vld [tilespmem:s16+$0x180]  }
0x2ea: {  	v3 =	vld [tilespmem:s14+$0x180]  }
0x2eb: {  	v4 =	vld [tilespmem:s14+$0xFFFFFE00]  }
0x2ec: {  	v5 =	vld [tilespmem:s16+$0xFFFFFE80]  }
0x2ed: {  	v6 =	vld [tilespmem:s14+$0xFFFFFE80]  }
0x2ee: {  	v7 =	vld [tilespmem:s16+$0xFFFFFF00]  }
0x2ef: {  	v8 =	vld [tilespmem:s14+$0xFFFFFF00];
	v2 =	vadd.f32 v3, v2  }
0x2f0: {  	v9 =	vld [tilespmem:s14+$0xFFFFFF80]  }
0x2f1: {  	v11 =	vld [tilespmem:s16+$0x0];
	v10 =	vmul.f32 $3.000000120e-01, v2  }
0x2f2: {  	v12 =	vld [tilespmem:s14+$0x0];
	vm0 =	vge.f32 v2, $0.0e+00  }
0x2f3: {  	s1 =	simm.s32 $0x5600;
	v14 =	vld [tilespmem:s16+$0x100];
	v2 =	vsel vm0, v2, v10  }
0x2f4: {  	v3 =	vld [tilespmem:s16+$0xFFFFFF80];
	[tilespmem:s1+$0x180] =	vst v2  }
0x2f5: {  	v2 =	vadd.f32 v6, v5;
	v5 =	vld [tilespmem:s16+$0x190]  }
0x2f6: {  	v6 =	vld [tilespmem:s14+$0x190]  }
0x2f7: {  	v7 =	vadd.f32 v8, v7;
	v8 =	vld [tilespmem:s14+$0x80];
	v13 =	vmul.f32 $3.000000120e-01, v2  }
0x2f8: {  	v10 =	vld [tilespmem:s16+$0x80];
	vm0 =	vge.f32 v2, $0.0e+00  }
0x2f9: {  	v15 =	vmul.f32 $3.000000120e-01, v7;
	v3 =	vadd.f32 v9, v3;
	v9 =	vld [tilespmem:s14+$0x100];
	v2 =	vsel vm0, v2, v13  }
0x2fa: {  	vm0 =	vge.f32 v7, $0.0e+00;
	[tilespmem:s1+$0xFFFFFE80] =	vst v2;
	v2 =	vld [tilespmem:s16+$0xFFFFFE00]  }
0x2fb: {  	v63 =	vmul.f32 $3.000000120e-01, v3;
	v7 =	vsel vm0, v7, v15;
	v18 =	vld [tilespmem:s16+$0xFFFFFE90];
	v5 =	vadd.f32 v6, v5  }
0x2fc: {  	vm0 =	vge.f32 v3, $0.0e+00;
	[tilespmem:s1+$0xFFFFFF00] =	vst v7;
	v6 =	vld [tilespmem:s14+$0xFFFFFE90]  }
0x2fd: {  	v7 =	vadd.f32 v12, v11;
	v3 =	vsel vm0, v3, v63;
	v11 =	vld [tilespmem:s16+$0xFFFFFF10];
	v19 =	vmul.f32 $3.000000120e-01, v5  }
0x2fe: {  	[tilespmem:s1+$0xFFFFFF80] =	vst v3;
	v3 =	vld [tilespmem:s14+$0xFFFFFF10];
	vm0 =	vge.f32 v5, $0.0e+00  }
0x2ff: {  	v20 =	vmul.f32 $3.000000120e-01, v7;
	v21 =	vld [tilespmem:s14+$0xFFFFFF90];
	v2 =	vadd.f32 v4, v2;
	v5 =	vsel vm0, v5, v19  }
0x300: {  	v4 =	vld [tilespmem:s16+$0xFFFFFF90];
	vm0 =	vge.f32 v7, $0.0e+00;
	[tilespmem:s1+$0x190] =	vst v5  }
0x301: {  	v5 =	vsel vm0, v7, v20;
	v7 =	vadd.f32 v8, v10;
	v8 =	vmul.f32 $3.000000120e-01, v2;
	v10 =	vld [tilespmem:s16+$0x1A0]  }
0x302: {  	[tilespmem:s1+$0x0] =	vst v5;
	vm0 =	vge.f32 v2, $0.0e+00;
	v5 =	vld [tilespmem:s14+$0x1A0]  }
0x303: {  	v9 =	vadd.f32 v9, v14;
	v22 =	vmul.f32 $3.000000120e-01, v7;
	v2 =	vsel vm0, v2, v8;
	v8 =	vld [tilespmem:s16+$0x10]  }
0x304: {  	vm0 =	vge.f32 v7, $0.0e+00;
	[tilespmem:s1+$0xFFFFFE00] =	vst v2;
	v2 =	vld [tilespmem:s14+$0x10]  }
0x305: {  	v23 =	vmul.f32 $3.000000120e-01, v9;
	v6 =	vadd.f32 v6, v18;
	v7 =	vsel vm0, v7, v22;
	v24 =	vld [tilespmem:s16+$0xFFFFFE10]  }
0x306: {  	vm0 =	vge.f32 v9, $0.0e+00;
	[tilespmem:s1+$0x80] =	vst v7;
	v7 =	vld [tilespmem:s14+$0xFFFFFE10]  }
0x307: {  	v25 =	vmul.f32 $3.000000120e-01, v6;
	v9 =	vsel vm0, v9, v23;
	v26 =	vld [tilespmem:s16+$0x90];
	v5 =	vadd.f32 v5, v10  }
0x308: {  	vm0 =	vge.f32 v6, $0.0e+00;
	[tilespmem:s1+$0x100] =	vst v9;
	v9 =	vld [tilespmem:s14+$0x90]  }
0x309: {  	v3 =	vadd.f32 v3, v11;
	v6 =	vsel vm0, v6, v25;
	v10 =	vld [tilespmem:s16+$0x110];
	v11 =	vmul.f32 $3.000000120e-01, v5  }
0x30a: {  	[tilespmem:s1+$0xFFFFFE90] =	vst v6;
	v6 =	vld [tilespmem:s14+$0x110];
	vm0 =	vge.f32 v5, $0.0e+00  }
0x30b: {  	v27 =	vmul.f32 $3.000000120e-01, v3;
	v4 =	vadd.f32 v21, v4;
	v28 =	vld [tilespmem:s16+$0xFFFFFEA0];
	v5 =	vsel vm0, v5, v11  }
0x30c: {  	vm0 =	vge.f32 v3, $0.0e+00;
	v7 =	vadd.f32 v7, v24;
	v11 =	vld [tilespmem:s14+$0xFFFFFEA0];
	[tilespmem:s1+$0x1A0] =	vst v5  }
0x30d: {  	v5 =	vmul.f32 $3.000000120e-01, v4;
	v3 =	vsel vm0, v3, v27;
	v29 =	vld [tilespmem:s16+$0x1B0]  }
0x30e: {  	vm0 =	vge.f32 v4, $0.0e+00;
	[tilespmem:s1+$0xFFFFFF10] =	vst v3;
	v3 =	vmul.f32 $3.000000120e-01, v7;
	v30 =	vld [tilespmem:s14+$0x1B0]  }
0x30f: {  	v2 =	vadd.f32 v2, v8;
	v4 =	vsel vm0, v4, v5;
	vm0 =	vge.f32 v7, $0.0e+00;
	v5 =	vld [tilespmem:s16+$0xFFFFFF20]  }
0x310: {  	[tilespmem:s1+$0xFFFFFF90] =	vst v4;
	v3 =	vsel vm0, v7, v3;
	v4 =	vld [tilespmem:s14+$0xFFFFFF20]  }
0x311: {  	v8 =	vadd.f32 v9, v26;
	v7 =	vmul.f32 $3.000000120e-01, v2;
	[tilespmem:s1+$0xFFFFFE10] =	vst v3;
	v3 =	vld [tilespmem:s16+$0xFFFFFFA0]  }
0x312: {  	vm0 =	vge.f32 v2, $0.0e+00;
	v9 =	vld [tilespmem:s16+$0xFFFFFE20]  }
0x313: {  	v2 =	vsel vm0, v2, v7;
	v7 =	vmul.f32 $3.000000120e-01, v8;
	v31 =	vld [tilespmem:s14+$0xFFFFFE20];
	v13 =	vadd.f32 v30, v29  }
0x314: {  	vm0 =	vge.f32 v8, $0.0e+00;
	[tilespmem:s1+$0x10] =	vst v2;
	v2 =	vld [tilespmem:s14+$0xFFFFFFA0]  }
0x315: {  	v6 =	vadd.f32 v6, v10;
	v7 =	vsel vm0, v8, v7;
	v8 =	vld [tilespmem:s16+$0x20];
	v10 =	vmul.f32 $3.000000120e-01, v13  }
0x316: {  	[tilespmem:s1+$0x90] =	vst v7;
	v7 =	vld [tilespmem:s14+$0x20];
	vm0 =	vge.f32 v13, $0.0e+00  }
0x317: {  	v32 =	vmul.f32 $3.000000120e-01, v6;
	v11 =	vadd.f32 v11, v28;
	v33 =	vld [tilespmem:s16+$0xA0];
	v10 =	vsel vm0, v13, v10  }
0x318: {  	v34 =	vld [tilespmem:s14+$0xA0];
	vm0 =	vge.f32 v6, $0.0e+00;
	v9 =	vadd.f32 v31, v9;
	[tilespmem:s1+$0x1B0] =	vst v10  }
0x319: {  	v6 =	vsel vm0, v6, v32;
	v10 =	vmul.f32 $3.000000120e-01, v11;
	v35 =	vld [tilespmem:s16+$0x1C0]  }
0x31a: {  	vm0 =	vge.f32 v11, $0.0e+00;
	[tilespmem:s1+$0x110] =	vst v6;
	v6 =	vmul.f32 $3.000000120e-01, v9;
	v36 =	vld [tilespmem:s14+$0x1C0]  }
0x31b: {  	v4 =	vadd.f32 v4, v5;
	v5 =	vsel vm0, v11, v10;
	vm0 =	vge.f32 v9, $0.0e+00;
	v10 =	vld [tilespmem:s16+$0x120]  }
0x31c: {  	[tilespmem:s1+$0xFFFFFEA0] =	vst v5;
	v5 =	vsel vm0, v9, v6;
	v6 =	vld [tilespmem:s14+$0x120]  }
0x31d: {  	v2 =	vadd.f32 v2, v3;
	v9 =	vmul.f32 $3.000000120e-01, v4;
	[tilespmem:s1+$0xFFFFFE20] =	vst v5;
	v3 =	vld [tilespmem:s16+$0xFFFFFEB0]  }
0x31e: {  	vm0 =	vge.f32 v4, $0.0e+00;
	v5 =	vld [tilespmem:s16+$0xFFFFFE30]  }
0x31f: {  	v4 =	vsel vm0, v4, v9;
	v9 =	vmul.f32 $3.000000120e-01, v2;
	v37 =	vld [tilespmem:s14+$0xFFFFFE30];
	v11 =	vadd.f32 v36, v35  }
0x320: {  	vm0 =	vge.f32 v2, $0.0e+00;
	[tilespmem:s1+$0xFFFFFF20] =	vst v4;
	v4 =	vld [tilespmem:s14+$0xFFFFFEB0]  }
0x321: {  	v7 =	vadd.f32 v7, v8;
	v2 =	vsel vm0, v2, v9;
	v8 =	vld [tilespmem:s16+$0xFFFFFF30];
	v9 =	vmul.f32 $3.000000120e-01, v11  }
0x322: {  	[tilespmem:s1+$0xFFFFFFA0] =	vst v2;
	v2 =	vld [tilespmem:s14+$0xFFFFFF30];
	vm0 =	vge.f32 v11, $0.0e+00  }
0x323: {  	v12 =	vadd.f32 v34, v33;
	v38 =	vmul.f32 $3.000000120e-01, v7;
	v9 =	vsel vm0, v11, v9;
	v11 =	vld [tilespmem:s16+$0xFFFFFFB0]  }
0x324: {  	v6 =	vadd.f32 v6, v10;
	vm0 =	vge.f32 v7, $0.0e+00;
	[tilespmem:s1+$0x1C0] =	vst v9;
	v9 =	vld [tilespmem:s14+$0xFFFFFFB0]  }
0x325: {  	v39 =	vmul.f32 $3.000000120e-01, v12;
	v7 =	vsel vm0, v7, v38;
	v10 =	vld [tilespmem:s16+$0x1D0]  }
0x326: {  	v40 =	vmul.f32 $3.000000120e-01, v6;
	v5 =	vadd.f32 v37, v5;
	vm0 =	vge.f32 v12, $0.0e+00;
	[tilespmem:s1+$0x20] =	vst v7;
	v7 =	vld [tilespmem:s14+$0x1D0]  }
0x327: {  	v12 =	vsel vm0, v12, v39;
	vm0 =	vge.f32 v6, $0.0e+00;
	v41 =	vld [tilespmem:s16+$0x30]  }
0x328: {  	v3 =	vadd.f32 v4, v3;
	[tilespmem:s1+$0xA0] =	vst v12;
	v42 =	vld [tilespmem:s14+$0x30];
	v4 =	vsel vm0, v6, v40;
	v6 =	vmul.f32 $3.000000120e-01, v5  }
0x329: {  	vm0 =	vge.f32 v5, $0.0e+00;
	v43 =	vld [tilespmem:s16+$0xB0]  }
0x32a: {  	[tilespmem:s1+$0x120] =	vst v4;
	v4 =	vld [tilespmem:s14+$0xB0];
	v5 =	vsel vm0, v5, v6  }
0x32b: {  	v6 =	vmul.f32 $3.000000120e-01, v3;
	[tilespmem:s1+$0xFFFFFE30] =	vst v5;
	v5 =	vld [tilespmem:s14+$0x130];
	v7 =	vadd.f32 v7, v10  }
0x32c: {  	vm0 =	vge.f32 v3, $0.0e+00;
	v10 =	vld [tilespmem:s16+$0x130]  }
0x32d: {  	v2 =	vadd.f32 v2, v8;
	v3 =	vsel vm0, v3, v6;
	v6 =	vld [tilespmem:s16+$0xFFFFFE40];
	v8 =	vmul.f32 $3.000000120e-01, v7  }
0x32e: {  	[tilespmem:s1+$0xFFFFFEB0] =	vst v3;
	v3 =	vld [tilespmem:s14+$0xFFFFFE40];
	vm0 =	vge.f32 v7, $0.0e+00  }
0x32f: {  	v9 =	vadd.f32 v9, v11;
	v11 =	vmul.f32 $3.000000120e-01, v2;
	v7 =	vsel vm0, v7, v8;
	v8 =	vld [tilespmem:s16+$0xFFFFFEC0]  }
0x330: {  	vm0 =	vge.f32 v2, $0.0e+00;
	[tilespmem:s1+$0x1D0] =	vst v7;
	v7 =	vld [tilespmem:s14+$0xFFFFFEC0]  }
0x331: {  	v12 =	vadd.f32 v42, v41;
	v2 =	vsel vm0, v2, v11;
	v11 =	vmul.f32 $3.000000120e-01, v9;
	v44 =	vld [tilespmem:s16+$0x1E0]  }
0x332: {  	vm0 =	vge.f32 v9, $0.0e+00;
	[tilespmem:s1+$0xFFFFFF30] =	vst v2;
	v2 =	vld [tilespmem:s14+$0x1E0]  }
0x333: {  	v4 =	vadd.f32 v4, v43;
	v9 =	vsel vm0, v9, v11;
	v11 =	vmul.f32 $3.000000120e-01, v12;
	v45 =	vld [tilespmem:s16+$0xFFFFFF40]  }
0x334: {  	vm0 =	vge.f32 v12, $0.0e+00;
	[tilespmem:s1+$0xFFFFFFB0] =	vst v9;
	v9 =	vld [tilespmem:s14+$0xFFFFFF40]  }
0x335: {  	v5 =	vadd.f32 v5, v10;
	v10 =	vmul.f32 $3.000000120e-01, v4;
	v11 =	vsel vm0, v12, v11;
	v46 =	vld [tilespmem:s16+$0xFFFFFFC0]  }
0x336: {  	vm0 =	vge.f32 v4, $0.0e+00;
	[tilespmem:s1+$0x30] =	vst v11;
	v11 =	vld [tilespmem:s14+$0xFFFFFFC0]  }
0x337: {  	v4 =	vsel vm0, v4, v10;
	v10 =	vmul.f32 $3.000000120e-01, v5;
	v2 =	vadd.f32 v2, v44;
	v47 =	vld [tilespmem:s16+$0x40]  }
0x338: {  	vm0 =	vge.f32 v5, $0.0e+00;
	[tilespmem:s1+$0xB0] =	vst v4;
	v4 =	vld [tilespmem:s14+$0x40]  }
0x339: {  	v3 =	vadd.f32 v3, v6;
	v5 =	vsel vm0, v5, v10;
	v6 =	vld [tilespmem:s16+$0xC0];
	v10 =	vmul.f32 $3.000000120e-01, v2  }
0x33a: {  	[tilespmem:s1+$0x130] =	vst v5;
	v5 =	vld [tilespmem:s14+$0xC0];
	vm0 =	vge.f32 v2, $0.0e+00  }
0x33b: {  	v7 =	vadd.f32 v7, v8;
	v8 =	vmul.f32 $3.000000120e-01, v3;
	v2 =	vsel vm0, v2, v10;
	v10 =	vld [tilespmem:s16+$0x140]  }
0x33c: {  	vm0 =	vge.f32 v3, $0.0e+00;
	[tilespmem:s1+$0x1E0] =	vst v2;
	v2 =	vld [tilespmem:s14+$0x140]  }
0x33d: {  	v9 =	vadd.f32 v9, v45;
	v3 =	vsel vm0, v3, v8;
	v8 =	vmul.f32 $3.000000120e-01, v7;
	v48 =	vld [tilespmem:s16+$0x1F0]  }
0x33e: {  	vm0 =	vge.f32 v7, $0.0e+00;
	[tilespmem:s1+$0xFFFFFE40] =	vst v3;
	v3 =	vld [tilespmem:s14+$0x1F0]  }
0x33f: {  	v11 =	vadd.f32 v11, v46;
	v7 =	vsel vm0, v7, v8;
	v8 =	vmul.f32 $3.000000120e-01, v9;
	v49 =	vld [tilespmem:s16+$0xFFFFFE50]  }
0x340: {  	vm0 =	vge.f32 v9, $0.0e+00;
	[tilespmem:s1+$0xFFFFFEC0] =	vst v7;
	v7 =	vld [tilespmem:s14+$0xFFFFFE50]  }
0x341: {  	v4 =	vadd.f32 v4, v47;
	v50 =	vmul.f32 $3.000000120e-01, v11;
	v8 =	vsel vm0, v9, v8;
	v9 =	vld [tilespmem:s16+$0xFFFFFED0]  }
0x342: {  	vm0 =	vge.f32 v11, $0.0e+00;
	[tilespmem:s1+$0xFFFFFF40] =	vst v8;
	v8 =	vld [tilespmem:s14+$0xFFFFFED0]  }
0x343: {  	v5 =	vadd.f32 v5, v6;
	v6 =	vmul.f32 $3.000000120e-01, v4;
	v11 =	vsel vm0, v11, v50;
	v51 =	vld [tilespmem:s16+$0xFFFFFF50]  }
0x344: {  	vm0 =	vge.f32 v4, $0.0e+00;
	[tilespmem:s1+$0xFFFFFFC0] =	vst v11;
	v11 =	vld [tilespmem:s14+$0xFFFFFF50]  }
0x345: {  	v2 =	vadd.f32 v2, v10;
	v10 =	vmul.f32 $3.000000120e-01, v5;
	v4 =	vsel vm0, v4, v6;
	v6 =	vld [tilespmem:s16+$0xFFFFFFD0]  }
0x346: {  	vm0 =	vge.f32 v5, $0.0e+00;
	[tilespmem:s1+$0x40] =	vst v4;
	v4 =	vld [tilespmem:s14+$0xFFFFFFD0]  }
0x347: {  	v5 =	vsel vm0, v5, v10;
	v10 =	vmul.f32 $3.000000120e-01, v2;
	v7 =	vadd.f32 v7, v49;
	v52 =	vld [tilespmem:s16+$0x50]  }
0x348: {  	vm0 =	vge.f32 v2, $0.0e+00;
	[tilespmem:s1+$0xC0] =	vst v5;
	v5 =	vld [tilespmem:s14+$0x50]  }
0x349: {  	v2 =	vsel vm0, v2, v10;
	v10 =	vmul.f32 $3.000000120e-01, v7;
	v8 =	vadd.f32 v8, v9;
	v9 =	vld [tilespmem:s16+$0xD0]  }
0x34a: {  	[tilespmem:s1+$0x140] =	vst v2;
	vm0 =	vge.f32 v7, $0.0e+00;
	v2 =	vld [tilespmem:s14+$0xD0]  }
0x34b: {  	v11 =	vadd.f32 v11, v51;
	v53 =	vmul.f32 $3.000000120e-01, v8;
	v7 =	vsel vm0, v7, v10;
	v10 =	vld [tilespmem:s16+$0x150]  }
0x34c: {  	vm0 =	vge.f32 v8, $0.0e+00;
	[tilespmem:s1+$0xFFFFFE50] =	vst v7;
	v7 =	vld [tilespmem:s14+$0x150]  }
0x34d: {  	v4 =	vadd.f32 v4, v6;
	v6 =	vmul.f32 $3.000000120e-01, v11;
	v8 =	vsel vm0, v8, v53;
	v54 =	vld [tilespmem:s16+$0xFFFFFE60]  }
0x34e: {  	vm0 =	vge.f32 v11, $0.0e+00;
	[tilespmem:s1+$0xFFFFFED0] =	vst v8;
	v8 =	vld [tilespmem:s14+$0xFFFFFE60]  }
0x34f: {  	v5 =	vadd.f32 v5, v52;
	v55 =	vmul.f32 $3.000000120e-01, v4;
	v6 =	vsel vm0, v11, v6;
	v11 =	vld [tilespmem:s16+$0xFFFFFEE0]  }
0x350: {  	vm0 =	vge.f32 v4, $0.0e+00;
	[tilespmem:s1+$0xFFFFFF50] =	vst v6;
	v6 =	vld [tilespmem:s14+$0xFFFFFEE0]  }
0x351: {  	v2 =	vadd.f32 v2, v9;
	v9 =	vmul.f32 $3.000000120e-01, v5;
	v4 =	vsel vm0, v4, v55;
	v56 =	vld [tilespmem:s16+$0xFFFFFF60]  }
0x352: {  	vm0 =	vge.f32 v5, $0.0e+00;
	[tilespmem:s1+$0xFFFFFFD0] =	vst v4;
	v4 =	vld [tilespmem:s14+$0xFFFFFF60]  }
0x353: {  	v5 =	vsel vm0, v5, v9;
	v7 =	vadd.f32 v7, v10;
	v10 =	vmul.f32 $3.000000120e-01, v2;
	v9 =	vld [tilespmem:s16+$0xFFFFFFE0]  }
0x354: {  	vm0 =	vge.f32 v2, $0.0e+00;
	[tilespmem:s1+$0x50] =	vst v5;
	v5 =	vld [tilespmem:s14+$0xFFFFFFE0]  }
0x355: {  	v57 =	vld [tilespmem:s16+$0x60];
	v2 =	vsel vm0, v2, v10;
	v10 =	vmul.f32 $3.000000120e-01, v7;
	v8 =	vadd.f32 v8, v54  }
0x356: {  	vm0 =	vge.f32 v7, $0.0e+00;
	[tilespmem:s1+$0xD0] =	vst v2;
	v2 =	vld [tilespmem:s14+$0x60]  }
0x357: {  	v6 =	vadd.f32 v6, v11;
	v7 =	vsel vm0, v7, v10;
	v10 =	vmul.f32 $3.000000120e-01, v8;
	v11 =	vld [tilespmem:s16+$0xE0]  }
0x358: {  	vm0 =	vge.f32 v8, $0.0e+00;
	[tilespmem:s1+$0x150] =	vst v7;
	v7 =	vld [tilespmem:s14+$0xE0]  }
0x359: {  	v4 =	vadd.f32 v4, v56;
	v58 =	vmul.f32 $3.000000120e-01, v6;
	v8 =	vsel vm0, v8, v10;
	v10 =	vld [tilespmem:s16+$0x160]  }
0x35a: {  	vm0 =	vge.f32 v6, $0.0e+00;
	[tilespmem:s1+$0xFFFFFE60] =	vst v8;
	v8 =	vld [tilespmem:s14+$0x160]  }
0x35b: {  	v5 =	vadd.f32 v5, v9;
	v9 =	vmul.f32 $3.000000120e-01, v4;
	v6 =	vsel vm0, v6, v58;
	v59 =	vld [tilespmem:s16+$0xFFFFFE70]  }
0x35c: {  	vm0 =	vge.f32 v4, $0.0e+00;
	[tilespmem:s1+$0xFFFFFEE0] =	vst v6;
	v6 =	vld [tilespmem:s14+$0xFFFFFE70]  }
0x35d: {  	v60 =	vmul.f32 $3.000000120e-01, v5;
	v2 =	vadd.f32 v2, v57;
	v4 =	vsel vm0, v4, v9;
	v9 =	vld [tilespmem:s16+$0xFFFFFEF0]  }
0x35e: {  	vm0 =	vge.f32 v5, $0.0e+00;
	[tilespmem:s1+$0xFFFFFF60] =	vst v4;
	v4 =	vld [tilespmem:s14+$0xFFFFFEF0];
	v7 =	vadd.f32 v7, v11  }
0x35f: {  	v5 =	vsel vm0, v5, v60;
	v11 =	vmul.f32 $3.000000120e-01, v2;
	v61 =	vld [tilespmem:s16+$0xFFFFFF70]  }
0x360: {  	vm0 =	vge.f32 v2, $0.0e+00;
	[tilespmem:s1+$0xFFFFFFE0] =	vst v5;
	v5 =	vadd.f32 v8, v10;
	v8 =	vld [tilespmem:s14+$0xFFFFFF70];
	v10 =	vmul.f32 $3.000000120e-01, v7  }
0x361: {  	v13 =	vadd.f32 v3, v48;
	v62 =	vld [tilespmem:s14+$0xFFFFFFF0];
	v2 =	vsel vm0, v2, v11;
	vm0 =	vge.f32 v7, $0.0e+00  }
0x362: {  	v11 =	vld [tilespmem:s16+$0xFFFFFFF0];
	[tilespmem:s1+$0x60] =	vst v2;
	v6 =	vadd.f32 v6, v59;
	v3 =	vmul.f32 $3.000000120e-01, v5;
	v7 =	vsel vm0, v7, v10  }
0x363: {  	vm0 =	vge.f32 v5, $0.0e+00;
	v2 =	vld [tilespmem:s16+$0x70];
	v9 =	vadd.f32 v4, v9;
	[tilespmem:s1+$0xE0] =	vst v7;
	v7 =	vmul.f32 $3.000000120e-01, v13  }
0x364: {  	v12 =	vmul.f32 $3.000000120e-01, v6;
	v10 =	vsel vm0, v5, v3;
	v5 =	vld [tilespmem:s14+$0x70];
	vm0 =	vge.f32 v13, $0.0e+00  }
0x365: {  	v3 =	vld [tilespmem:s16+$0xF0];
	v4 =	vadd.f32 v8, v61;
	v8 =	vsel vm0, v13, v7;
	vm0 =	vge.f32 v6, $0.0e+00;
	[tilespmem:s1+$0x160] =	vst v10  }
0x366: {  	v63 =	vmul.f32 $3.000000120e-01, v9;
	v7 =	vld [tilespmem:s14+$0xF0];
	[tilespmem:s1+$0x1F0] =	vst v8;
	v8 =	vsel vm0, v6, v12  }
0x367: {  	vm1 =	vge.f32 v9, $0.0e+00;
	v6 =	vld [tilespmem:s16+$0x170];
	[tilespmem:s1+$0xFFFFFE70] =	vst v8;
	v8 =	vadd.f32 v62, v11  }
0x368: {  	s19 =	simm.s32 $0xA00;
	s16 =	simm.s32 $0x0;
	vm0 =	vge.f32 v4, $0.0e+00;
	v10 =	vmul.f32 $3.000000120e-01, v4;
	v11 =	vsel vm1, v9, v63;
	v9 =	vld [tilespmem:s14+$0x170]  }
.LBB2_12:
0x369: {  	v12 =	vld [tilespmem:s19+$0x180];
	[tilespmem:s1+$0xFFFFFEF0] =	vst v11;
	vm1 =	vge.f32 v8, $0.0e+00;
	v11 =	vmul.f32 $3.000000120e-01, v8;
	v2 =	vadd.f32 v5, v2;
	s14 =	sadd.s32 $0x400, s14  }
0x36a: {  	v4 =	vsel vm0, v4, v10;
	v5 =	vld [tilespmem:s14+$0x180]  }
0x36b: {  	v10 =	vld [tilespmem:s14+$0xFFFFFE00];
	[tilespmem:s1+$0xFFFFFF70] =	vst v4;
	vm0 =	vge.f32 v2, $0.0e+00;
	v4 =	vmul.f32 $3.000000120e-01, v2;
	v3 =	vadd.f32 v7, v3  }
0x36c: {  	v8 =	vsel vm1, v8, v11;
	v7 =	vld [tilespmem:s19+$0xFFFFFE80]  }
0x36d: {  	v11 =	vld [tilespmem:s14+$0xFFFFFE80];
	[tilespmem:s1+$0xFFFFFFF0] =	vst v8;
	vm1 =	vge.f32 v3, $0.0e+00;
	v8 =	vmul.f32 $3.000000120e-01, v3;
	v6 =	vadd.f32 v9, v6  }
0x36e: {  	v2 =	vsel vm0, v2, v4;
	v9 =	vld [tilespmem:s19+$0xFFFFFF00]  }
0x36f: {  	v4 =	vld [tilespmem:s14+$0xFFFFFF00];
	v5 =	vadd.f32 v5, v12;
	[tilespmem:s1+$0x70] =	vst v2;
	vm0 =	vge.f32 v6, $0.0e+00;
	v2 =	vmul.f32 $3.000000120e-01, v6  }
0x370: {  	v3 =	vsel vm1, v3, v8;
	v12 =	vld [tilespmem:s19+$0xFFFFFF80]  }
0x371: {  	s16 =	sadd.s32 $0x8, s16;
	v8 =	vld [tilespmem:s14+$0xFFFFFF80];
	v13 =	vmul.f32 $3.000000120e-01, v5;
	[tilespmem:s1+$0xF0] =	vst v3;
	v2 =	vsel vm0, v6, v2  }
0x372: {  	p0 =	slt.u32 s16, $0x20;
	vm0 =	vge.f32 v5, $0.0e+00;
	v3 =	vadd.f32 v11, v7;
	v6 =	vld [tilespmem:s19+$0x0];
	[tilespmem:s1+$0x170] =	vst v2  }
0x373: {  	s1 =	sadd.s32 $0x400, s1;
	v2 =	vld [tilespmem:s14+$0x0];
	v5 =	vsel vm0, v5, v13  }
0x374: {  	vm0 =	vge.f32 v3, $0.0e+00;
	v7 =	vmul.f32 $3.000000120e-01, v3;
	v4 =	vadd.f32 v4, v9;
	v9 =	vld [tilespmem:s19+$0x80];
	[tilespmem:s1+$0x180] =	vst v5  }
0x375: {  	v5 =	vld [tilespmem:s19+$0x190]  }
0x376: {  	vm1 =	vge.f32 v4, $0.0e+00;
	v11 =	vmul.f32 $3.000000120e-01, v4;
	v8 =	vadd.f32 v8, v12;
	v12 =	vld [tilespmem:s14+$0x190]  }
0x377: {  	v3 =	vsel vm0, v3, v7;
	v7 =	vld [tilespmem:s14+$0x80]  }
0x378: {  	[tilespmem:s1+$0xFFFFFE80] =	vst v3;
	vm0 =	vge.f32 v8, $0.0e+00;
	v3 =	vmul.f32 $3.000000120e-01, v8;
	v2 =	vadd.f32 v2, v6;
	v6 =	vld [tilespmem:s19+$0x100]  }
0x379: {  	v4 =	vsel vm1, v4, v11;
	v11 =	vld [tilespmem:s14+$0x100]  }
0x37a: {  	v13 =	vld [tilespmem:s19+$0xFFFFFE00];
	[tilespmem:s1+$0xFFFFFF00] =	vst v4;
	v3 =	vsel vm0, v8, v3;
	vm0 =	vge.f32 v2, $0.0e+00;
	v4 =	vmul.f32 $3.000000120e-01, v2  }
0x37b: {  	v8 =	vld [tilespmem:s19+$0xFFFFFE90];
	[tilespmem:s1+$0xFFFFFF80] =	vst v3;
	v3 =	vadd.f32 v12, v5  }
0x37c: {  	v5 =	vld [tilespmem:s14+$0xFFFFFE90];
	v2 =	vsel vm0, v2, v4;
	v4 =	vadd.f32 v7, v9  }
0x37d: {  	v7 =	vld [tilespmem:s19+$0xFFFFFF10];
	[tilespmem:s1+$0x0] =	vst v2;
	v2 =	vmul.f32 $3.000000120e-01, v3  }
0x37e: {  	vm0 =	vge.f32 v3, $0.0e+00;
	v9 =	vld [tilespmem:s14+$0xFFFFFF10];
	v12 =	vmul.f32 $3.000000120e-01, v4;
	v6 =	vadd.f32 v11, v6  }
0x37f: {  	vm1 =	vge.f32 v4, $0.0e+00;
	v10 =	vadd.f32 v10, v13;
	v11 =	vld [tilespmem:s19+$0xFFFFFF90];
	v2 =	vsel vm0, v3, v2  }
0x380: {  	v3 =	vld [tilespmem:s14+$0xFFFFFF90];
	v4 =	vsel vm1, v4, v12;
	vm0 =	vge.f32 v6, $0.0e+00;
	v12 =	vmul.f32 $3.000000120e-01, v6;
	[tilespmem:s1+$0x190] =	vst v2  }
0x381: {  	vm1 =	vge.f32 v10, $0.0e+00;
	v2 =	vmul.f32 $3.000000120e-01, v10;
	v5 =	vadd.f32 v5, v8;
	[tilespmem:s1+$0x80] =	vst v4;
	v4 =	vld [tilespmem:s19+$0x1A0]  }
0x382: {  	v6 =	vsel vm0, v6, v12;
	v8 =	vld [tilespmem:s14+$0x1A0]  }
0x383: {  	v2 =	vsel vm1, v10, v2;
	v10 =	vmul.f32 $3.000000120e-01, v5;
	v7 =	vadd.f32 v9, v7;
	v9 =	vld [tilespmem:s19+$0x10];
	[tilespmem:s1+$0x100] =	vst v6  }
0x384: {  	vm0 =	vge.f32 v5, $0.0e+00;
	[tilespmem:s1+$0xFFFFFE00] =	vst v2;
	v2 =	vld [tilespmem:s14+$0x10]  }
0x385: {  	v6 =	vld [tilespmem:s19+$0xFFFFFE10];
	vm1 =	vge.f32 v7, $0.0e+00;
	v12 =	vmul.f32 $3.000000120e-01, v7;
	v3 =	vadd.f32 v3, v11  }
0x386: {  	v5 =	vsel vm0, v5, v10;
	v11 =	vld [tilespmem:s14+$0xFFFFFE10]  }
0x387: {  	[tilespmem:s1+$0xFFFFFE90] =	vst v5;
	vm0 =	vge.f32 v3, $0.0e+00;
	v5 =	vmul.f32 $3.000000120e-01, v3;
	v10 =	vld [tilespmem:s19+$0x90];
	v4 =	vadd.f32 v8, v4  }
0x388: {  	v7 =	vsel vm1, v7, v12;
	v8 =	vld [tilespmem:s14+$0x90]  }
0x389: {  	[tilespmem:s1+$0xFFFFFF10] =	vst v7;
	v3 =	vsel vm0, v3, v5;
	v2 =	vadd.f32 v2, v9;
	v5 =	vld [tilespmem:s19+$0x110];
	v7 =	vmul.f32 $3.000000120e-01, v4  }
0x38a: {  	vm0 =	vge.f32 v4, $0.0e+00;
	[tilespmem:s1+$0xFFFFFF90] =	vst v3;
	v3 =	vld [tilespmem:s14+$0x110]  }
0x38b: {  	v6 =	vadd.f32 v11, v6;
	v9 =	vld [tilespmem:s19+$0xFFFFFEA0];
	v11 =	vmul.f32 $3.000000120e-01, v2;
	v4 =	vsel vm0, v4, v7  }
0x38c: {  	vm0 =	vge.f32 v2, $0.0e+00;
	v7 =	vld [tilespmem:s14+$0xFFFFFEA0];
	[tilespmem:s1+$0x1A0] =	vst v4  }
0x38d: {  	vm1 =	vge.f32 v6, $0.0e+00;
	v4 =	vmul.f32 $3.000000120e-01, v6;
	v8 =	vadd.f32 v8, v10;
	v10 =	vld [tilespmem:s19+$0x1B0]  }
0x38e: {  	v2 =	vsel vm0, v2, v11;
	v11 =	vld [tilespmem:s14+$0x1B0]  }
0x38f: {  	v12 =	vld [tilespmem:s19+$0xFFFFFF20];
	[tilespmem:s1+$0x10] =	vst v2;
	vm0 =	vge.f32 v8, $0.0e+00;
	v2 =	vmul.f32 $3.000000120e-01, v8;
	v3 =	vadd.f32 v3, v5  }
0x390: {  	v4 =	vsel vm1, v6, v4;
	v5 =	vld [tilespmem:s14+$0xFFFFFF20]  }
0x391: {  	[tilespmem:s1+$0xFFFFFE10] =	vst v4;
	v4 =	vld [tilespmem:s19+$0xFFFFFFA0];
	v2 =	vsel vm0, v8, v2;
	vm0 =	vge.f32 v3, $0.0e+00;
	v6 =	vmul.f32 $3.000000120e-01, v3  }
0x392: {  	v7 =	vadd.f32 v7, v9;
	v8 =	vld [tilespmem:s19+$0xFFFFFE20];
	[tilespmem:s1+$0x90] =	vst v2  }
0x393: {  	v2 =	vld [tilespmem:s14+$0xFFFFFE20];
	v3 =	vsel vm0, v3, v6;
	v6 =	vadd.f32 v11, v10  }
0x394: {  	vm0 =	vge.f32 v7, $0.0e+00;
	v9 =	vmul.f32 $3.000000120e-01, v7;
	v10 =	vld [tilespmem:s14+$0xFFFFFFA0];
	[tilespmem:s1+$0x110] =	vst v3  }
0x395: {  	v3 =	vadd.f32 v5, v12;
	v5 =	vld [tilespmem:s19+$0x20];
	v11 =	vmul.f32 $3.000000120e-01, v6  }
0x396: {  	v7 =	vsel vm0, v7, v9;
	vm0 =	vge.f32 v6, $0.0e+00;
	v9 =	vld [tilespmem:s14+$0x20]  }
0x397: {  	[tilespmem:s1+$0xFFFFFEA0] =	vst v7;
	vm1 =	vge.f32 v3, $0.0e+00;
	v7 =	vmul.f32 $3.000000120e-01, v3;
	v12 =	vld [tilespmem:s19+$0xA0];
	v6 =	vsel vm0, v6, v11  }
0x398: {  	v2 =	vadd.f32 v2, v8;
	v8 =	vld [tilespmem:s14+$0xA0];
	[tilespmem:s1+$0x1B0] =	vst v6  }
0x399: {  	v3 =	vsel vm1, v3, v7;
	v4 =	vadd.f32 v10, v4;
	v6 =	vld [tilespmem:s19+$0x1C0]  }
0x39a: {  	vm0 =	vge.f32 v2, $0.0e+00;
	v7 =	vmul.f32 $3.000000120e-01, v2;
	[tilespmem:s1+$0xFFFFFF20] =	vst v3;
	v3 =	vld [tilespmem:s14+$0x1C0]  }
0x39b: {  	vm1 =	vge.f32 v4, $0.0e+00;
	v10 =	vmul.f32 $3.000000120e-01, v4;
	v5 =	vadd.f32 v9, v5;
	v9 =	vld [tilespmem:s19+$0x120]  }
0x39c: {  	v2 =	vsel vm0, v2, v7;
	v7 =	vld [tilespmem:s14+$0x120]  }
0x39d: {  	[tilespmem:s1+$0xFFFFFE20] =	vst v2;
	v2 =	vld [tilespmem:s19+$0xFFFFFEB0];
	vm0 =	vge.f32 v5, $0.0e+00;
	v11 =	vmul.f32 $3.000000120e-01, v5;
	v8 =	vadd.f32 v8, v12  }
0x39e: {  	v4 =	vsel vm1, v4, v10;
	v12 =	vld [tilespmem:s19+$0xFFFFFE30]  }
0x39f: {  	v10 =	vld [tilespmem:s14+$0xFFFFFE30];
	[tilespmem:s1+$0xFFFFFFA0] =	vst v4;
	vm1 =	vge.f32 v8, $0.0e+00;
	v4 =	vmul.f32 $3.000000120e-01, v8;
	v3 =	vadd.f32 v3, v6  }
0x3a0: {  	v5 =	vsel vm0, v5, v11;
	v6 =	vld [tilespmem:s14+$0xFFFFFEB0]  }
0x3a1: {  	v11 =	vld [tilespmem:s19+$0xFFFFFF30];
	[tilespmem:s1+$0x20] =	vst v5;
	v4 =	vsel vm1, v8, v4;
	v5 =	vadd.f32 v7, v9;
	v7 =	vmul.f32 $3.000000120e-01, v3  }
0x3a2: {  	vm0 =	vge.f32 v3, $0.0e+00;
	v8 =	vld [tilespmem:s14+$0xFFFFFF30];
	[tilespmem:s1+$0xA0] =	vst v4  }
0x3a3: {  	v4 =	vld [tilespmem:s19+$0xFFFFFFB0];
	vm1 =	vge.f32 v5, $0.0e+00;
	v9 =	vmul.f32 $3.000000120e-01, v5;
	v3 =	vsel vm0, v3, v7  }
0x3a4: {  	v7 =	vadd.f32 v10, v12;
	v10 =	vld [tilespmem:s14+$0xFFFFFFB0];
	[tilespmem:s1+$0x1C0] =	vst v3  }
0x3a5: {  	v2 =	vadd.f32 v6, v2;
	v3 =	vsel vm1, v5, v9;
	v5 =	vld [tilespmem:s19+$0x1D0]  }
0x3a6: {  	vm0 =	vge.f32 v7, $0.0e+00;
	v6 =	vmul.f32 $3.000000120e-01, v7;
	[tilespmem:s1+$0x120] =	vst v3;
	v3 =	vld [tilespmem:s14+$0x1D0]  }
0x3a7: {  	vm1 =	vge.f32 v2, $0.0e+00;
	v9 =	vmul.f32 $3.000000120e-01, v2;
	v8 =	vadd.f32 v8, v11;
	v11 =	vld [tilespmem:s19+$0x30]  }
0x3a8: {  	v6 =	vsel vm0, v7, v6;
	v7 =	vld [tilespmem:s14+$0x30]  }
0x3a9: {  	[tilespmem:s1+$0xFFFFFE30] =	vst v6;
	vm0 =	vge.f32 v8, $0.0e+00;
	v6 =	vmul.f32 $3.000000120e-01, v8;
	v4 =	vadd.f32 v10, v4;
	v10 =	vld [tilespmem:s19+$0xB0]  }
0x3aa: {  	v2 =	vsel vm1, v2, v9;
	v9 =	vld [tilespmem:s14+$0xB0]  }
0x3ab: {  	[tilespmem:s1+$0xFFFFFEB0] =	vst v2;
	vm1 =	vge.f32 v4, $0.0e+00;
	v2 =	vmul.f32 $3.000000120e-01, v4;
	v12 =	vld [tilespmem:s19+$0x130];
	v3 =	vadd.f32 v3, v5  }
0x3ac: {  	v5 =	vsel vm0, v8, v6;
	v6 =	vld [tilespmem:s14+$0x130]  }
0x3ad: {  	v8 =	vld [tilespmem:s19+$0xFFFFFE40];
	[tilespmem:s1+$0xFFFFFF30] =	vst v5;
	v2 =	vsel vm1, v4, v2;
	v4 =	vadd.f32 v7, v11;
	v5 =	vmul.f32 $3.000000120e-01, v3  }
0x3ae: {  	vm0 =	vge.f32 v3, $0.0e+00;
	v7 =	vld [tilespmem:s14+$0xFFFFFE40];
	[tilespmem:s1+$0xFFFFFFB0] =	vst v2  }
0x3af: {  	v2 =	vld [tilespmem:s19+$0xFFFFFEC0];
	v11 =	vmul.f32 $3.000000120e-01, v4;
	v9 =	vadd.f32 v9, v10;
	v3 =	vsel vm0, v3, v5  }
0x3b0: {  	vm0 =	vge.f32 v4, $0.0e+00;
	v5 =	vld [tilespmem:s14+$0xFFFFFEC0];
	[tilespmem:s1+$0x1D0] =	vst v3  }
0x3b1: {  	vm1 =	vge.f32 v9, $0.0e+00;
	v3 =	vmul.f32 $3.000000120e-01, v9;
	v6 =	vadd.f32 v6, v12;
	v10 =	vld [tilespmem:s19+$0x1E0]  }
0x3b2: {  	v4 =	vsel vm0, v4, v11;
	v11 =	vld [tilespmem:s14+$0x1E0]  }
0x3b3: {  	v12 =	vld [tilespmem:s19+$0xFFFFFF40];
	[tilespmem:s1+$0x30] =	vst v4;
	v3 =	vsel vm1, v9, v3;
	vm0 =	vge.f32 v6, $0.0e+00;
	v4 =	vmul.f32 $3.000000120e-01, v6  }
0x3b4: {  	v7 =	vadd.f32 v7, v8;
	v8 =	vld [tilespmem:s14+$0xFFFFFF40];
	[tilespmem:s1+$0xB0] =	vst v3  }
0x3b5: {  	v2 =	vadd.f32 v5, v2;
	v3 =	vld [tilespmem:s19+$0xFFFFFFC0];
	v4 =	vsel vm0, v6, v4  }
0x3b6: {  	vm0 =	vge.f32 v7, $0.0e+00;
	v5 =	vmul.f32 $3.000000120e-01, v7;
	v6 =	vld [tilespmem:s14+$0xFFFFFFC0];
	[tilespmem:s1+$0x130] =	vst v4  }
0x3b7: {  	vm1 =	vge.f32 v2, $0.0e+00;
	v4 =	vmul.f32 $3.000000120e-01, v2;
	v9 =	vld [tilespmem:s19+$0x40];
	v10 =	vadd.f32 v11, v10  }
0x3b8: {  	v5 =	vsel vm0, v7, v5;
	v7 =	vld [tilespmem:s14+$0x40]  }
0x3b9: {  	[tilespmem:s1+$0xFFFFFE40] =	vst v5;
	v2 =	vsel vm1, v2, v4;
	v4 =	vadd.f32 v8, v12;
	v5 =	vld [tilespmem:s19+$0xC0];
	v8 =	vmul.f32 $3.000000120e-01, v10  }
0x3ba: {  	vm0 =	vge.f32 v10, $0.0e+00;
	[tilespmem:s1+$0xFFFFFEC0] =	vst v2;
	v2 =	vld [tilespmem:s14+$0xC0]  }
0x3bb: {  	v11 =	vmul.f32 $3.000000120e-01, v4;
	v3 =	vadd.f32 v6, v3;
	v6 =	vld [tilespmem:s19+$0x140];
	v8 =	vsel vm0, v10, v8  }
0x3bc: {  	vm0 =	vge.f32 v4, $0.0e+00;
	v10 =	vld [tilespmem:s14+$0x140];
	[tilespmem:s1+$0x1E0] =	vst v8  }
0x3bd: {  	vm1 =	vge.f32 v3, $0.0e+00;
	v8 =	vmul.f32 $3.000000120e-01, v3;
	v7 =	vadd.f32 v7, v9;
	v9 =	vld [tilespmem:s19+$0x1F0]  }
0x3be: {  	v4 =	vsel vm0, v4, v11;
	v11 =	vld [tilespmem:s14+$0x1F0]  }
0x3bf: {  	v12 =	vld [tilespmem:s19+$0xFFFFFE50];
	[tilespmem:s1+$0xFFFFFF40] =	vst v4;
	vm0 =	vge.f32 v7, $0.0e+00;
	v4 =	vmul.f32 $3.000000120e-01, v7;
	v2 =	vadd.f32 v2, v5  }
0x3c0: {  	v3 =	vsel vm1, v3, v8;
	v5 =	vld [tilespmem:s14+$0xFFFFFE50]  }
0x3c1: {  	v8 =	vld [tilespmem:s19+$0xFFFFFED0];
	[tilespmem:s1+$0xFFFFFFC0] =	vst v3;
	vm1 =	vge.f32 v2, $0.0e+00;
	v3 =	vmul.f32 $3.000000120e-01, v2;
	v6 =	vadd.f32 v10, v6  }
0x3c2: {  	v4 =	vsel vm0, v7, v4;
	v10 =	vld [tilespmem:s14+$0xFFFFFED0]  }
0x3c3: {  	v7 =	vld [tilespmem:s19+$0xFFFFFF50];
	[tilespmem:s1+$0x40] =	vst v4;
	vm0 =	vge.f32 v6, $0.0e+00;
	v4 =	vmul.f32 $3.000000120e-01, v6;
	v9 =	vadd.f32 v11, v9  }
0x3c4: {  	v2 =	vsel vm1, v2, v3;
	v11 =	vld [tilespmem:s14+$0xFFFFFF50]  }
0x3c5: {  	v3 =	vadd.f32 v5, v12;
	v5 =	vld [tilespmem:s19+$0xFFFFFFD0];
	[tilespmem:s1+$0xC0] =	vst v2;
	v2 =	vsel vm0, v6, v4;
	v4 =	vmul.f32 $3.000000120e-01, v9  }
0x3c6: {  	vm0 =	vge.f32 v9, $0.0e+00;
	v6 =	vld [tilespmem:s14+$0xFFFFFFD0];
	[tilespmem:s1+$0x140] =	vst v2  }
0x3c7: {  	v2 =	vmul.f32 $3.000000120e-01, v3;
	v8 =	vadd.f32 v10, v8;
	v10 =	vld [tilespmem:s19+$0x50];
	v4 =	vsel vm0, v9, v4  }
0x3c8: {  	vm0 =	vge.f32 v3, $0.0e+00;
	v9 =	vld [tilespmem:s14+$0x50];
	[tilespmem:s1+$0x1F0] =	vst v4  }
0x3c9: {  	vm1 =	vge.f32 v8, $0.0e+00;
	v4 =	vmul.f32 $3.000000120e-01, v8;
	v7 =	vadd.f32 v11, v7;
	v11 =	vld [tilespmem:s19+$0xD0]  }
0x3ca: {  	v2 =	vsel vm0, v3, v2;
	v3 =	vld [tilespmem:s14+$0xD0]  }
0x3cb: {  	[tilespmem:s1+$0xFFFFFE50] =	vst v2;
	vm0 =	vge.f32 v7, $0.0e+00;
	v2 =	vmul.f32 $3.000000120e-01, v7;
	v5 =	vadd.f32 v6, v5;
	v6 =	vld [tilespmem:s19+$0x150]  }
0x3cc: {  	v4 =	vsel vm1, v8, v4;
	v8 =	vld [tilespmem:s14+$0x150]  }
0x3cd: {  	v12 =	vld [tilespmem:s19+$0xFFFFFE60];
	[tilespmem:s1+$0xFFFFFED0] =	vst v4;
	vm1 =	vge.f32 v5, $0.0e+00;
	v4 =	vmul.f32 $3.000000120e-01, v5;
	v9 =	vadd.f32 v9, v10  }
0x3ce: {  	v2 =	vsel vm0, v7, v2;
	v10 =	vld [tilespmem:s14+$0xFFFFFE60]  }
0x3cf: {  	v7 =	vld [tilespmem:s19+$0xFFFFFEE0];
	[tilespmem:s1+$0xFFFFFF50] =	vst v2;
	vm0 =	vge.f32 v9, $0.0e+00;
	v2 =	vmul.f32 $3.000000120e-01, v9;
	v3 =	vadd.f32 v3, v11  }
0x3d0: {  	v4 =	vsel vm1, v5, v4;
	v11 =	vld [tilespmem:s14+$0xFFFFFEE0]  }
0x3d1: {  	v5 =	vld [tilespmem:s19+$0xFFFFFF60];
	[tilespmem:s1+$0xFFFFFFD0] =	vst v4;
	vm1 =	vge.f32 v3, $0.0e+00;
	v4 =	vmul.f32 $3.000000120e-01, v3;
	v6 =	vadd.f32 v8, v6  }
0x3d2: {  	v2 =	vsel vm0, v9, v2;
	v8 =	vld [tilespmem:s14+$0xFFFFFF60]  }
0x3d3: {  	v9 =	vld [tilespmem:s19+$0xFFFFFFE0];
	[tilespmem:s1+$0x50] =	vst v2;
	v2 =	vsel vm1, v3, v4;
	vm0 =	vge.f32 v6, $0.0e+00;
	v3 =	vmul.f32 $3.000000120e-01, v6  }
0x3d4: {  	v4 =	vadd.f32 v10, v12;
	v10 =	vld [tilespmem:s14+$0xFFFFFFE0];
	[tilespmem:s1+$0xD0] =	vst v2  }
0x3d5: {  	v2 =	vadd.f32 v11, v7;
	v7 =	vld [tilespmem:s19+$0x60];
	v3 =	vsel vm0, v6, v3  }
0x3d6: {  	vm0 =	vge.f32 v4, $0.0e+00;
	v6 =	vmul.f32 $3.000000120e-01, v4;
	v11 =	vld [tilespmem:s14+$0x60];
	[tilespmem:s1+$0x150] =	vst v3  }
0x3d7: {  	vm1 =	vge.f32 v2, $0.0e+00;
	v3 =	vmul.f32 $3.000000120e-01, v2;
	v5 =	vadd.f32 v8, v5;
	v8 =	vld [tilespmem:s19+$0xE0]  }
0x3d8: {  	v4 =	vsel vm0, v4, v6;
	v6 =	vld [tilespmem:s14+$0xE0]  }
0x3d9: {  	[tilespmem:s1+$0xFFFFFE60] =	vst v4;
	vm0 =	vge.f32 v5, $0.0e+00;
	v4 =	vmul.f32 $3.000000120e-01, v5;
	v9 =	vadd.f32 v10, v9;
	v10 =	vld [tilespmem:s19+$0x160]  }
0x3da: {  	v2 =	vsel vm1, v2, v3;
	v3 =	vld [tilespmem:s14+$0x160]  }
0x3db: {  	v12 =	vld [tilespmem:s19+$0xFFFFFE70];
	[tilespmem:s1+$0xFFFFFEE0] =	vst v2;
	vm1 =	vge.f32 v9, $0.0e+00;
	v2 =	vmul.f32 $3.000000120e-01, v9;
	v7 =	vadd.f32 v11, v7  }
0x3dc: {  	v4 =	vsel vm0, v5, v4;
	v11 =	vld [tilespmem:s14+$0xFFFFFE70]  }
0x3dd: {  	v5 =	vld [tilespmem:s19+$0xFFFFFEF0];
	[tilespmem:s1+$0xFFFFFF60] =	vst v4;
	vm0 =	vge.f32 v7, $0.0e+00;
	v4 =	vmul.f32 $3.000000120e-01, v7;
	v6 =	vadd.f32 v6, v8  }
0x3de: {  	v2 =	vsel vm1, v9, v2;
	v8 =	vld [tilespmem:s14+$0xFFFFFEF0]  }
0x3df: {  	v9 =	vld [tilespmem:s19+$0xFFFFFF70];
	[tilespmem:s1+$0xFFFFFFE0] =	vst v2;
	vm1 =	vge.f32 v6, $0.0e+00;
	v2 =	vmul.f32 $3.000000120e-01, v6;
	v3 =	vadd.f32 v3, v10  }
0x3e0: {  	v4 =	vsel vm0, v7, v4;
	v10 =	vld [tilespmem:s14+$0xFFFFFF70]  }
0x3e1: {  	v13 =	vld [tilespmem:s19+$0xFFFFFFF0];
	[tilespmem:s1+$0x60] =	vst v4;
	v2 =	vsel vm1, v6, v2;
	vm0 =	vge.f32 v3, $0.0e+00;
	v4 =	vmul.f32 $3.000000120e-01, v3  }
0x3e2: {  	v6 =	vadd.f32 v11, v12;
	v11 =	vld [tilespmem:s14+$0xFFFFFFF0];
	[tilespmem:s1+$0xE0] =	vst v2  }
0x3e3: {  	v12 =	vadd.f32 v8, v5;
	v2 =	vld [tilespmem:s19+$0x70];
	v3 =	vsel vm0, v3, v4  }
.Ltmp9:
0x3e4: {  	vm0 =	vge.f32 v6, $0.0e+00;
	v7 =	vmul.f32 $3.000000120e-01, v6;
	v5 =	vld [tilespmem:s14+$0x70];
	[tilespmem:s1+$0x160] =	vst v3;
	(pc) =	sbr.rel @p0 .LBB2_12-.Ltmp9, $4  }
0x3e5: {  	vm1 =	vge.f32 v12, $0.0e+00;
	v14 =	vmul.f32 $3.000000120e-01, v12;
	v4 =	vadd.f32 v10, v9;
	v3 =	vld [tilespmem:s19+$0xF0]  }
0x3e6: {  	v6 =	vsel vm0, v6, v7;
	v7 =	vld [tilespmem:s14+$0xF0]  }
0x3e7: {  	[tilespmem:s1+$0xFFFFFE70] =	vst v6;
	vm0 =	vge.f32 v4, $0.0e+00;
	v10 =	vmul.f32 $3.000000120e-01, v4;
	v8 =	vadd.f32 v11, v13;
	v6 =	vld [tilespmem:s19+$0x170]  }
0x3e8: {  	v11 =	vsel vm1, v12, v14;
	s19 =	sadd.s32 $0x400, s19;
	v9 =	vld [tilespmem:s14+$0x170]  }
0x3e9: {  	_ =	sdelay $0x1  }
0x3ea: {  	v2 =	vadd.f32 v5, v2  }
0x3eb: {  	vm1 =	vge.f32 v8, $0.0e+00;
	v5 =	vmul.f32 $3.000000120e-01, v8;
	v3 =	vadd.f32 v7, v3  }
0x3ec: {  	[tilespmem:s1+$0xFFFFFEF0] =	vst v11;
	v4 =	vsel vm0, v4, v10;
	v7 =	vmul.f32 $3.000000120e-01, v2;
	v6 =	vadd.f32 v9, v6  }
0x3ed: {  	[tilespmem:s1+$0xFFFFFF70] =	vst v4;
	vm0 =	vge.f32 v2, $0.0e+00;
	v4 =	vsel vm1, v8, v5;
	v5 =	vmul.f32 $3.000000120e-01, v3  }
0x3ee: {  	[tilespmem:s1+$0xFFFFFFF0] =	vst v4;
	vm1 =	vge.f32 v3, $0.0e+00;
	v2 =	vsel vm0, v2, v7;
	v4 =	vmul.f32 $3.000000120e-01, v6  }
0x3ef: {  	[tilespmem:s1+$0x70] =	vst v2;
	vm0 =	vge.f32 v6, $0.0e+00;
	v2 =	vsel vm1, v3, v5  }
0x3f0: {  	[tilespmem:s1+$0xF0] =	vst v2;
	v2 =	vsel vm0, v6, v4  }
0x3f1: {  	s16 =	simm.s32 $0x5400;
	s11 =	simm.s32 $0x280;
	[tilespmem:s1+$0x170] =	vst v2;
	s1 =	smul.u32 $0xA0, s21  }
0x3f2: {  	[spmem:s3] =	stream.indirect.scatter.add.f32 [tilespmem:s16], [sflag:$0x9], $0x80, s11, s31, $0xb8;
	[tilespmem:$0x1FF78] =	vst v63  }
0x3f3: {  	s14 =	rddreg [dreg:$0xf]  }
0x3f4: {  	s14 =	sadd.s32 s1, s14  }
0x3f5: {  	[spmem:s4] =	stream.indirect.scatter.add.f32 [tilespmem:s22], [sflag:$0xB], $0x1, s11, s31, $0xb8;
	[tilespmem:$0x1FF78] =	vst v63  }
0x3f6: {  	s14 =	sshrl.u32 s14, $0x3  }
0x3f7: {  	s16 =	sadd.s32 s7, s14  }
0x3f8: {  	[tilespmem:s5], [sflag:$0x5] =	stream.linear.gather [hbm4b:s16+s5], $0x28, $0x38;
	[tilespmem:$0x1FF78] =	vst v63  }
0x3f9: {  	s14 =	sadd.s32 s8, s14  }
0x3fa: {  	[tilespmem:s29], [sflag:$0x5] =	stream.linear.gather [hbm4b:s14+s5], $0x28, $0x38;
	[tilespmem:$0x1FF78] =	vst v63  }
0x3fb: {  	_ =	swait.ge [sflag:s30], $0x28  }
0x3fc: {  	[sflag:s30] =	ssyncset.done $0x0  }
0x3fd: {  	[sflag:s30] =	ssyncadd.s32 $0xFFFFFFD8  }
0x3fe: {  	_ =	swait.ge [sflag:s30], $0x28  }
0x3ff: {  	[sflag:s30] =	ssyncset.done $0x0  }
0x400: {  	[sflag:s30] =	ssyncadd.s32 $0xFFFFFFD8  }
0x401: {  	[tilespmem:s9], [sflag:$0x1] =	stream.indirect.gather [hbm4b:s0+s31], $0x80, s29, s31, $0xb8;
	[tilespmem:$0x1FF78] =	vst v63  }
0x402: {  	s19 =	simm.s32 $0x1800  }
0x403: {  	[tilespmem:s19], [sflag:$0x2] =	stream.indirect.gather [hbm4b:s6+s31], $0x80, s5, s31, $0xb8;
	[tilespmem:$0x1FF78] =	vst v63  }
0x404: {  	_ =	swait.ge [sflag:s23], $0x1400  }
0x405: {  	[sflag:s23] =	ssyncset.done $0x0  }
0x406: {  	[sflag:s23] =	ssyncadd.s32 $0xFFFFEC00  }
0x407: {  	_ =	swait.ge [sflag:s24], $0x1400  }
0x408: {  	[sflag:s24] =	ssyncset.done $0x0  }
0x409: {  	[sflag:s24] =	ssyncadd.s32 $0xFFFFEC00  }
0x40a: {  	_ =	swait.ge [sflag:s26], $0x1400  }
0x40b: {  	[sflag:s26] =	ssyncset.done $0x0  }
0x40c: {  	[sflag:s26] =	ssyncadd.s32 $0xFFFFEC00  }
0x40d: {  	_ =	swait.ge [sflag:s20], $0x28  }
0x40e: {  	[sflag:s20] =	ssyncset.done $0x0  }
0x40f: {  	s19 =	simm.s32 $0x2E00;
	[sflag:s20] =	ssyncadd.s32 $0xFFFFFFD8  }
0x410: {  	s16 =	simm.s32 $0x4200;
	v2 =	vld [tilespmem:s19+$0x180]  }
0x411: {  	v3 =	vld [tilespmem:s16+$0x180]  }
0x412: {  	v4 =	vld [tilespmem:s16+$0xFFFFFE00]  }
0x413: {  	v5 =	vld [tilespmem:s19+$0xFFFFFE80]  }
0x414: {  	v6 =	vld [tilespmem:s16+$0xFFFFFE80]  }
0x415: {  	v7 =	vld [tilespmem:s19+$0xFFFFFF00]  }
0x416: {  	v8 =	vld [tilespmem:s16+$0xFFFFFF00];
	v2 =	vadd.f32 v3, v2  }
0x417: {  	v9 =	vld [tilespmem:s16+$0xFFFFFF80]  }
0x418: {  	v11 =	vld [tilespmem:s19+$0x0];
	v10 =	vmul.f32 $3.000000120e-01, v2  }
0x419: {  	v12 =	vld [tilespmem:s16+$0x0];
	vm0 =	vge.f32 v2, $0.0e+00  }
0x41a: {  	s14 =	simm.s32 $0x6A00;
	v14 =	vld [tilespmem:s19+$0x100];
	v2 =	vsel vm0, v2, v10  }
0x41b: {  	v3 =	vld [tilespmem:s19+$0xFFFFFF80];
	[tilespmem:s14+$0x180] =	vst v2  }
0x41c: {  	v2 =	vadd.f32 v6, v5;
	v5 =	vld [tilespmem:s19+$0x190]  }
0x41d: {  	v6 =	vld [tilespmem:s16+$0x190]  }
0x41e: {  	v7 =	vadd.f32 v8, v7;
	v8 =	vld [tilespmem:s16+$0x80];
	v13 =	vmul.f32 $3.000000120e-01, v2  }
0x41f: {  	v10 =	vld [tilespmem:s19+$0x80];
	vm0 =	vge.f32 v2, $0.0e+00  }
0x420: {  	v15 =	vmul.f32 $3.000000120e-01, v7;
	v3 =	vadd.f32 v9, v3;
	v9 =	vld [tilespmem:s16+$0x100];
	v2 =	vsel vm0, v2, v13  }
0x421: {  	vm0 =	vge.f32 v7, $0.0e+00;
	[tilespmem:s14+$0xFFFFFE80] =	vst v2;
	v2 =	vld [tilespmem:s19+$0xFFFFFE00]  }
0x422: {  	v63 =	vmul.f32 $3.000000120e-01, v3;
	v7 =	vsel vm0, v7, v15;
	v18 =	vld [tilespmem:s19+$0xFFFFFE90];
	v5 =	vadd.f32 v6, v5  }
0x423: {  	vm0 =	vge.f32 v3, $0.0e+00;
	[tilespmem:s14+$0xFFFFFF00] =	vst v7;
	v6 =	vld [tilespmem:s16+$0xFFFFFE90]  }
0x424: {  	v7 =	vadd.f32 v12, v11;
	v3 =	vsel vm0, v3, v63;
	v11 =	vld [tilespmem:s19+$0xFFFFFF10];
	v19 =	vmul.f32 $3.000000120e-01, v5  }
0x425: {  	[tilespmem:s14+$0xFFFFFF80] =	vst v3;
	v3 =	vld [tilespmem:s16+$0xFFFFFF10];
	vm0 =	vge.f32 v5, $0.0e+00  }
0x426: {  	v20 =	vmul.f32 $3.000000120e-01, v7;
	v21 =	vld [tilespmem:s16+$0xFFFFFF90];
	v2 =	vadd.f32 v4, v2;
	v5 =	vsel vm0, v5, v19  }
0x427: {  	v4 =	vld [tilespmem:s19+$0xFFFFFF90];
	vm0 =	vge.f32 v7, $0.0e+00;
	[tilespmem:s14+$0x190] =	vst v5  }
0x428: {  	v5 =	vsel vm0, v7, v20;
	v7 =	vadd.f32 v8, v10;
	v8 =	vmul.f32 $3.000000120e-01, v2;
	v10 =	vld [tilespmem:s19+$0x1A0]  }
0x429: {  	[tilespmem:s14+$0x0] =	vst v5;
	vm0 =	vge.f32 v2, $0.0e+00;
	v5 =	vld [tilespmem:s16+$0x1A0]  }
0x42a: {  	v9 =	vadd.f32 v9, v14;
	v22 =	vmul.f32 $3.000000120e-01, v7;
	v2 =	vsel vm0, v2, v8;
	v8 =	vld [tilespmem:s19+$0x10]  }
0x42b: {  	vm0 =	vge.f32 v7, $0.0e+00;
	[tilespmem:s14+$0xFFFFFE00] =	vst v2;
	v2 =	vld [tilespmem:s16+$0x10]  }
0x42c: {  	v23 =	vmul.f32 $3.000000120e-01, v9;
	v6 =	vadd.f32 v6, v18;
	v7 =	vsel vm0, v7, v22;
	v24 =	vld [tilespmem:s19+$0xFFFFFE10]  }
0x42d: {  	vm0 =	vge.f32 v9, $0.0e+00;
	[tilespmem:s14+$0x80] =	vst v7;
	v7 =	vld [tilespmem:s16+$0xFFFFFE10]  }
0x42e: {  	v25 =	vmul.f32 $3.000000120e-01, v6;
	v9 =	vsel vm0, v9, v23;
	v26 =	vld [tilespmem:s19+$0x90];
	v5 =	vadd.f32 v5, v10  }
0x42f: {  	vm0 =	vge.f32 v6, $0.0e+00;
	[tilespmem:s14+$0x100] =	vst v9;
	v9 =	vld [tilespmem:s16+$0x90]  }
0x430: {  	v3 =	vadd.f32 v3, v11;
	v6 =	vsel vm0, v6, v25;
	v10 =	vld [tilespmem:s19+$0x110];
	v11 =	vmul.f32 $3.000000120e-01, v5  }
0x431: {  	[tilespmem:s14+$0xFFFFFE90] =	vst v6;
	v6 =	vld [tilespmem:s16+$0x110];
	vm0 =	vge.f32 v5, $0.0e+00  }
0x432: {  	v27 =	vmul.f32 $3.000000120e-01, v3;
	v4 =	vadd.f32 v21, v4;
	v28 =	vld [tilespmem:s19+$0xFFFFFEA0];
	v5 =	vsel vm0, v5, v11  }
0x433: {  	vm0 =	vge.f32 v3, $0.0e+00;
	v7 =	vadd.f32 v7, v24;
	v11 =	vld [tilespmem:s16+$0xFFFFFEA0];
	[tilespmem:s14+$0x1A0] =	vst v5  }
0x434: {  	v5 =	vmul.f32 $3.000000120e-01, v4;
	v3 =	vsel vm0, v3, v27;
	v29 =	vld [tilespmem:s19+$0x1B0]  }
0x435: {  	vm0 =	vge.f32 v4, $0.0e+00;
	[tilespmem:s14+$0xFFFFFF10] =	vst v3;
	v3 =	vmul.f32 $3.000000120e-01, v7;
	v30 =	vld [tilespmem:s16+$0x1B0]  }
0x436: {  	v2 =	vadd.f32 v2, v8;
	v4 =	vsel vm0, v4, v5;
	vm0 =	vge.f32 v7, $0.0e+00;
	v5 =	vld [tilespmem:s19+$0xFFFFFF20]  }
0x437: {  	[tilespmem:s14+$0xFFFFFF90] =	vst v4;
	v3 =	vsel vm0, v7, v3;
	v4 =	vld [tilespmem:s16+$0xFFFFFF20]  }
0x438: {  	v8 =	vadd.f32 v9, v26;
	v7 =	vmul.f32 $3.000000120e-01, v2;
	[tilespmem:s14+$0xFFFFFE10] =	vst v3;
	v3 =	vld [tilespmem:s19+$0xFFFFFFA0]  }
0x439: {  	vm0 =	vge.f32 v2, $0.0e+00;
	v9 =	vld [tilespmem:s19+$0xFFFFFE20]  }
0x43a: {  	v2 =	vsel vm0, v2, v7;
	v7 =	vmul.f32 $3.000000120e-01, v8;
	v31 =	vld [tilespmem:s16+$0xFFFFFE20];
	v13 =	vadd.f32 v30, v29  }
0x43b: {  	vm0 =	vge.f32 v8, $0.0e+00;
	[tilespmem:s14+$0x10] =	vst v2;
	v2 =	vld [tilespmem:s16+$0xFFFFFFA0]  }
0x43c: {  	v6 =	vadd.f32 v6, v10;
	v7 =	vsel vm0, v8, v7;
	v8 =	vld [tilespmem:s19+$0x20];
	v10 =	vmul.f32 $3.000000120e-01, v13  }
0x43d: {  	[tilespmem:s14+$0x90] =	vst v7;
	v7 =	vld [tilespmem:s16+$0x20];
	vm0 =	vge.f32 v13, $0.0e+00  }
0x43e: {  	v32 =	vmul.f32 $3.000000120e-01, v6;
	v11 =	vadd.f32 v11, v28;
	v33 =	vld [tilespmem:s19+$0xA0];
	v10 =	vsel vm0, v13, v10  }
0x43f: {  	v34 =	vld [tilespmem:s16+$0xA0];
	vm0 =	vge.f32 v6, $0.0e+00;
	v9 =	vadd.f32 v31, v9;
	[tilespmem:s14+$0x1B0] =	vst v10  }
0x440: {  	v6 =	vsel vm0, v6, v32;
	v10 =	vmul.f32 $3.000000120e-01, v11;
	v35 =	vld [tilespmem:s19+$0x1C0]  }
0x441: {  	vm0 =	vge.f32 v11, $0.0e+00;
	[tilespmem:s14+$0x110] =	vst v6;
	v6 =	vmul.f32 $3.000000120e-01, v9;
	v36 =	vld [tilespmem:s16+$0x1C0]  }
0x442: {  	v4 =	vadd.f32 v4, v5;
	v5 =	vsel vm0, v11, v10;
	vm0 =	vge.f32 v9, $0.0e+00;
	v10 =	vld [tilespmem:s19+$0x120]  }
0x443: {  	[tilespmem:s14+$0xFFFFFEA0] =	vst v5;
	v5 =	vsel vm0, v9, v6;
	v6 =	vld [tilespmem:s16+$0x120]  }
0x444: {  	v2 =	vadd.f32 v2, v3;
	v9 =	vmul.f32 $3.000000120e-01, v4;
	[tilespmem:s14+$0xFFFFFE20] =	vst v5;
	v3 =	vld [tilespmem:s19+$0xFFFFFEB0]  }
0x445: {  	vm0 =	vge.f32 v4, $0.0e+00;
	v5 =	vld [tilespmem:s19+$0xFFFFFE30]  }
0x446: {  	v4 =	vsel vm0, v4, v9;
	v9 =	vmul.f32 $3.000000120e-01, v2;
	v37 =	vld [tilespmem:s16+$0xFFFFFE30];
	v11 =	vadd.f32 v36, v35  }
0x447: {  	vm0 =	vge.f32 v2, $0.0e+00;
	[tilespmem:s14+$0xFFFFFF20] =	vst v4;
	v4 =	vld [tilespmem:s16+$0xFFFFFEB0]  }
0x448: {  	v7 =	vadd.f32 v7, v8;
	v2 =	vsel vm0, v2, v9;
	v8 =	vld [tilespmem:s19+$0xFFFFFF30];
	v9 =	vmul.f32 $3.000000120e-01, v11  }
0x449: {  	[tilespmem:s14+$0xFFFFFFA0] =	vst v2;
	v2 =	vld [tilespmem:s16+$0xFFFFFF30];
	vm0 =	vge.f32 v11, $0.0e+00  }
0x44a: {  	v12 =	vadd.f32 v34, v33;
	v38 =	vmul.f32 $3.000000120e-01, v7;
	v9 =	vsel vm0, v11, v9;
	v11 =	vld [tilespmem:s19+$0xFFFFFFB0]  }
0x44b: {  	v6 =	vadd.f32 v6, v10;
	vm0 =	vge.f32 v7, $0.0e+00;
	[tilespmem:s14+$0x1C0] =	vst v9;
	v9 =	vld [tilespmem:s16+$0xFFFFFFB0]  }
0x44c: {  	v39 =	vmul.f32 $3.000000120e-01, v12;
	v7 =	vsel vm0, v7, v38;
	v10 =	vld [tilespmem:s19+$0x1D0]  }
0x44d: {  	v40 =	vmul.f32 $3.000000120e-01, v6;
	v5 =	vadd.f32 v37, v5;
	vm0 =	vge.f32 v12, $0.0e+00;
	[tilespmem:s14+$0x20] =	vst v7;
	v7 =	vld [tilespmem:s16+$0x1D0]  }
0x44e: {  	v12 =	vsel vm0, v12, v39;
	vm0 =	vge.f32 v6, $0.0e+00;
	v41 =	vld [tilespmem:s19+$0x30]  }
0x44f: {  	v3 =	vadd.f32 v4, v3;
	[tilespmem:s14+$0xA0] =	vst v12;
	v42 =	vld [tilespmem:s16+$0x30];
	v4 =	vsel vm0, v6, v40;
	v6 =	vmul.f32 $3.000000120e-01, v5  }
0x450: {  	vm0 =	vge.f32 v5, $0.0e+00;
	v43 =	vld [tilespmem:s19+$0xB0]  }
0x451: {  	[tilespmem:s14+$0x120] =	vst v4;
	v4 =	vld [tilespmem:s16+$0xB0];
	v5 =	vsel vm0, v5, v6  }
0x452: {  	v6 =	vmul.f32 $3.000000120e-01, v3;
	[tilespmem:s14+$0xFFFFFE30] =	vst v5;
	v5 =	vld [tilespmem:s16+$0x130];
	v7 =	vadd.f32 v7, v10  }
0x453: {  	vm0 =	vge.f32 v3, $0.0e+00;
	v10 =	vld [tilespmem:s19+$0x130]  }
0x454: {  	v2 =	vadd.f32 v2, v8;
	v3 =	vsel vm0, v3, v6;
	v6 =	vld [tilespmem:s19+$0xFFFFFE40];
	v8 =	vmul.f32 $3.000000120e-01, v7  }
0x455: {  	[tilespmem:s14+$0xFFFFFEB0] =	vst v3;
	v3 =	vld [tilespmem:s16+$0xFFFFFE40];
	vm0 =	vge.f32 v7, $0.0e+00  }
0x456: {  	v9 =	vadd.f32 v9, v11;
	v11 =	vmul.f32 $3.000000120e-01, v2;
	v7 =	vsel vm0, v7, v8;
	v8 =	vld [tilespmem:s19+$0xFFFFFEC0]  }
0x457: {  	vm0 =	vge.f32 v2, $0.0e+00;
	[tilespmem:s14+$0x1D0] =	vst v7;
	v7 =	vld [tilespmem:s16+$0xFFFFFEC0]  }
0x458: {  	v12 =	vadd.f32 v42, v41;
	v2 =	vsel vm0, v2, v11;
	v11 =	vmul.f32 $3.000000120e-01, v9;
	v44 =	vld [tilespmem:s19+$0x1E0]  }
0x459: {  	vm0 =	vge.f32 v9, $0.0e+00;
	[tilespmem:s14+$0xFFFFFF30] =	vst v2;
	v2 =	vld [tilespmem:s16+$0x1E0]  }
0x45a: {  	v4 =	vadd.f32 v4, v43;
	v9 =	vsel vm0, v9, v11;
	v11 =	vmul.f32 $3.000000120e-01, v12;
	v45 =	vld [tilespmem:s19+$0xFFFFFF40]  }
0x45b: {  	vm0 =	vge.f32 v12, $0.0e+00;
	[tilespmem:s14+$0xFFFFFFB0] =	vst v9;
	v9 =	vld [tilespmem:s16+$0xFFFFFF40]  }
0x45c: {  	v5 =	vadd.f32 v5, v10;
	v10 =	vmul.f32 $3.000000120e-01, v4;
	v11 =	vsel vm0, v12, v11;
	v46 =	vld [tilespmem:s19+$0xFFFFFFC0]  }
0x45d: {  	vm0 =	vge.f32 v4, $0.0e+00;
	[tilespmem:s14+$0x30] =	vst v11;
	v11 =	vld [tilespmem:s16+$0xFFFFFFC0]  }
0x45e: {  	v4 =	vsel vm0, v4, v10;
	v10 =	vmul.f32 $3.000000120e-01, v5;
	v2 =	vadd.f32 v2, v44;
	v47 =	vld [tilespmem:s19+$0x40]  }
0x45f: {  	vm0 =	vge.f32 v5, $0.0e+00;
	[tilespmem:s14+$0xB0] =	vst v4;
	v4 =	vld [tilespmem:s16+$0x40]  }
0x460: {  	v3 =	vadd.f32 v3, v6;
	v5 =	vsel vm0, v5, v10;
	v6 =	vld [tilespmem:s19+$0xC0];
	v10 =	vmul.f32 $3.000000120e-01, v2  }
0x461: {  	[tilespmem:s14+$0x130] =	vst v5;
	v5 =	vld [tilespmem:s16+$0xC0];
	vm0 =	vge.f32 v2, $0.0e+00  }
0x462: {  	v7 =	vadd.f32 v7, v8;
	v8 =	vmul.f32 $3.000000120e-01, v3;
	v2 =	vsel vm0, v2, v10;
	v10 =	vld [tilespmem:s19+$0x140]  }
0x463: {  	vm0 =	vge.f32 v3, $0.0e+00;
	[tilespmem:s14+$0x1E0] =	vst v2;
	v2 =	vld [tilespmem:s16+$0x140]  }
0x464: {  	v9 =	vadd.f32 v9, v45;
	v3 =	vsel vm0, v3, v8;
	v8 =	vmul.f32 $3.000000120e-01, v7;
	v48 =	vld [tilespmem:s19+$0x1F0]  }
0x465: {  	vm0 =	vge.f32 v7, $0.0e+00;
	[tilespmem:s14+$0xFFFFFE40] =	vst v3;
	v3 =	vld [tilespmem:s16+$0x1F0]  }
0x466: {  	v11 =	vadd.f32 v11, v46;
	v7 =	vsel vm0, v7, v8;
	v8 =	vmul.f32 $3.000000120e-01, v9;
	v49 =	vld [tilespmem:s19+$0xFFFFFE50]  }
0x467: {  	vm0 =	vge.f32 v9, $0.0e+00;
	[tilespmem:s14+$0xFFFFFEC0] =	vst v7;
	v7 =	vld [tilespmem:s16+$0xFFFFFE50]  }
0x468: {  	v4 =	vadd.f32 v4, v47;
	v50 =	vmul.f32 $3.000000120e-01, v11;
	v8 =	vsel vm0, v9, v8;
	v9 =	vld [tilespmem:s19+$0xFFFFFED0]  }
0x469: {  	vm0 =	vge.f32 v11, $0.0e+00;
	[tilespmem:s14+$0xFFFFFF40] =	vst v8;
	v8 =	vld [tilespmem:s16+$0xFFFFFED0]  }
0x46a: {  	v5 =	vadd.f32 v5, v6;
	v6 =	vmul.f32 $3.000000120e-01, v4;
	v11 =	vsel vm0, v11, v50;
	v51 =	vld [tilespmem:s19+$0xFFFFFF50]  }
0x46b: {  	vm0 =	vge.f32 v4, $0.0e+00;
	[tilespmem:s14+$0xFFFFFFC0] =	vst v11;
	v11 =	vld [tilespmem:s16+$0xFFFFFF50]  }
0x46c: {  	v2 =	vadd.f32 v2, v10;
	v10 =	vmul.f32 $3.000000120e-01, v5;
	v4 =	vsel vm0, v4, v6;
	v6 =	vld [tilespmem:s19+$0xFFFFFFD0]  }
0x46d: {  	vm0 =	vge.f32 v5, $0.0e+00;
	[tilespmem:s14+$0x40] =	vst v4;
	v4 =	vld [tilespmem:s16+$0xFFFFFFD0]  }
0x46e: {  	v5 =	vsel vm0, v5, v10;
	v10 =	vmul.f32 $3.000000120e-01, v2;
	v7 =	vadd.f32 v7, v49;
	v52 =	vld [tilespmem:s19+$0x50]  }
0x46f: {  	vm0 =	vge.f32 v2, $0.0e+00;
	[tilespmem:s14+$0xC0] =	vst v5;
	v5 =	vld [tilespmem:s16+$0x50]  }
0x470: {  	v2 =	vsel vm0, v2, v10;
	v10 =	vmul.f32 $3.000000120e-01, v7;
	v8 =	vadd.f32 v8, v9;
	v9 =	vld [tilespmem:s19+$0xD0]  }
0x471: {  	[tilespmem:s14+$0x140] =	vst v2;
	vm0 =	vge.f32 v7, $0.0e+00;
	v2 =	vld [tilespmem:s16+$0xD0]  }
0x472: {  	v11 =	vadd.f32 v11, v51;
	v53 =	vmul.f32 $3.000000120e-01, v8;
	v7 =	vsel vm0, v7, v10;
	v10 =	vld [tilespmem:s19+$0x150]  }
0x473: {  	vm0 =	vge.f32 v8, $0.0e+00;
	[tilespmem:s14+$0xFFFFFE50] =	vst v7;
	v7 =	vld [tilespmem:s16+$0x150]  }
0x474: {  	v4 =	vadd.f32 v4, v6;
	v6 =	vmul.f32 $3.000000120e-01, v11;
	v8 =	vsel vm0, v8, v53;
	v54 =	vld [tilespmem:s19+$0xFFFFFE60]  }
0x475: {  	vm0 =	vge.f32 v11, $0.0e+00;
	[tilespmem:s14+$0xFFFFFED0] =	vst v8;
	v8 =	vld [tilespmem:s16+$0xFFFFFE60]  }
0x476: {  	v5 =	vadd.f32 v5, v52;
	v55 =	vmul.f32 $3.000000120e-01, v4;
	v6 =	vsel vm0, v11, v6;
	v11 =	vld [tilespmem:s19+$0xFFFFFEE0]  }
0x477: {  	vm0 =	vge.f32 v4, $0.0e+00;
	[tilespmem:s14+$0xFFFFFF50] =	vst v6;
	v6 =	vld [tilespmem:s16+$0xFFFFFEE0]  }
0x478: {  	v2 =	vadd.f32 v2, v9;
	v9 =	vmul.f32 $3.000000120e-01, v5;
	v4 =	vsel vm0, v4, v55;
	v56 =	vld [tilespmem:s19+$0xFFFFFF60]  }
0x479: {  	vm0 =	vge.f32 v5, $0.0e+00;
	[tilespmem:s14+$0xFFFFFFD0] =	vst v4;
	v4 =	vld [tilespmem:s16+$0xFFFFFF60]  }
0x47a: {  	v5 =	vsel vm0, v5, v9;
	v7 =	vadd.f32 v7, v10;
	v10 =	vmul.f32 $3.000000120e-01, v2;
	v9 =	vld [tilespmem:s19+$0xFFFFFFE0]  }
0x47b: {  	vm0 =	vge.f32 v2, $0.0e+00;
	[tilespmem:s14+$0x50] =	vst v5;
	v5 =	vld [tilespmem:s16+$0xFFFFFFE0]  }
0x47c: {  	v57 =	vld [tilespmem:s19+$0x60];
	v2 =	vsel vm0, v2, v10;
	v10 =	vmul.f32 $3.000000120e-01, v7;
	v8 =	vadd.f32 v8, v54  }
0x47d: {  	vm0 =	vge.f32 v7, $0.0e+00;
	[tilespmem:s14+$0xD0] =	vst v2;
	v2 =	vld [tilespmem:s16+$0x60]  }
0x47e: {  	v6 =	vadd.f32 v6, v11;
	v7 =	vsel vm0, v7, v10;
	v10 =	vmul.f32 $3.000000120e-01, v8;
	v11 =	vld [tilespmem:s19+$0xE0]  }
0x47f: {  	vm0 =	vge.f32 v8, $0.0e+00;
	[tilespmem:s14+$0x150] =	vst v7;
	v7 =	vld [tilespmem:s16+$0xE0]  }
0x480: {  	v4 =	vadd.f32 v4, v56;
	v58 =	vmul.f32 $3.000000120e-01, v6;
	v8 =	vsel vm0, v8, v10;
	v10 =	vld [tilespmem:s19+$0x160]  }
0x481: {  	vm0 =	vge.f32 v6, $0.0e+00;
	[tilespmem:s14+$0xFFFFFE60] =	vst v8;
	v8 =	vld [tilespmem:s16+$0x160]  }
0x482: {  	v5 =	vadd.f32 v5, v9;
	v9 =	vmul.f32 $3.000000120e-01, v4;
	v6 =	vsel vm0, v6, v58;
	v59 =	vld [tilespmem:s19+$0xFFFFFE70]  }
0x483: {  	vm0 =	vge.f32 v4, $0.0e+00;
	[tilespmem:s14+$0xFFFFFEE0] =	vst v6;
	v6 =	vld [tilespmem:s16+$0xFFFFFE70]  }
0x484: {  	v60 =	vmul.f32 $3.000000120e-01, v5;
	v2 =	vadd.f32 v2, v57;
	v4 =	vsel vm0, v4, v9;
	v9 =	vld [tilespmem:s19+$0xFFFFFEF0]  }
0x485: {  	vm0 =	vge.f32 v5, $0.0e+00;
	[tilespmem:s14+$0xFFFFFF60] =	vst v4;
	v4 =	vld [tilespmem:s16+$0xFFFFFEF0];
	v7 =	vadd.f32 v7, v11  }
0x486: {  	v5 =	vsel vm0, v5, v60;
	v11 =	vmul.f32 $3.000000120e-01, v2;
	v61 =	vld [tilespmem:s19+$0xFFFFFF70]  }
0x487: {  	vm0 =	vge.f32 v2, $0.0e+00;
	[tilespmem:s14+$0xFFFFFFE0] =	vst v5;
	v5 =	vadd.f32 v8, v10;
	v8 =	vld [tilespmem:s16+$0xFFFFFF70];
	v10 =	vmul.f32 $3.000000120e-01, v7  }
0x488: {  	v13 =	vadd.f32 v3, v48;
	v62 =	vld [tilespmem:s16+$0xFFFFFFF0];
	v2 =	vsel vm0, v2, v11;
	vm0 =	vge.f32 v7, $0.0e+00  }
0x489: {  	v11 =	vld [tilespmem:s19+$0xFFFFFFF0];
	[tilespmem:s14+$0x60] =	vst v2;
	v6 =	vadd.f32 v6, v59;
	v3 =	vmul.f32 $3.000000120e-01, v5;
	v7 =	vsel vm0, v7, v10  }
0x48a: {  	vm0 =	vge.f32 v5, $0.0e+00;
	v2 =	vld [tilespmem:s19+$0x70];
	v9 =	vadd.f32 v4, v9;
	[tilespmem:s14+$0xE0] =	vst v7;
	v7 =	vmul.f32 $3.000000120e-01, v13  }
0x48b: {  	v12 =	vmul.f32 $3.000000120e-01, v6;
	v10 =	vsel vm0, v5, v3;
	v5 =	vld [tilespmem:s16+$0x70];
	vm0 =	vge.f32 v13, $0.0e+00  }
0x48c: {  	v3 =	vld [tilespmem:s19+$0xF0];
	v4 =	vadd.f32 v8, v61;
	v8 =	vsel vm0, v13, v7;
	vm0 =	vge.f32 v6, $0.0e+00;
	[tilespmem:s14+$0x160] =	vst v10  }
0x48d: {  	v63 =	vmul.f32 $3.000000120e-01, v9;
	v7 =	vld [tilespmem:s16+$0xF0];
	[tilespmem:s14+$0x1F0] =	vst v8;
	v8 =	vsel vm0, v6, v12  }
0x48e: {  	vm1 =	vge.f32 v9, $0.0e+00;
	v6 =	vld [tilespmem:s19+$0x170];
	[tilespmem:s14+$0xFFFFFE70] =	vst v8;
	v8 =	vadd.f32 v62, v11  }
0x48f: {  	s28 =	simm.s32 $0x3200;
	s19 =	simm.s32 $0x0;
	vm0 =	vge.f32 v4, $0.0e+00;
	v10 =	vmul.f32 $3.000000120e-01, v4;
	v11 =	vsel vm1, v9, v63;
	v9 =	vld [tilespmem:s16+$0x170]  }
.LBB2_14:
0x490: {  	v12 =	vld [tilespmem:s28+$0x180];
	[tilespmem:s14+$0xFFFFFEF0] =	vst v11;
	vm1 =	vge.f32 v8, $0.0e+00;
	v11 =	vmul.f32 $3.000000120e-01, v8;
	v2 =	vadd.f32 v5, v2;
	s16 =	sadd.s32 $0x400, s16  }
0x491: {  	v4 =	vsel vm0, v4, v10;
	v5 =	vld [tilespmem:s16+$0x180]  }
0x492: {  	v10 =	vld [tilespmem:s16+$0xFFFFFE00];
	[tilespmem:s14+$0xFFFFFF70] =	vst v4;
	vm0 =	vge.f32 v2, $0.0e+00;
	v4 =	vmul.f32 $3.000000120e-01, v2;
	v3 =	vadd.f32 v7, v3  }
0x493: {  	v8 =	vsel vm1, v8, v11;
	v7 =	vld [tilespmem:s28+$0xFFFFFE80]  }
0x494: {  	v11 =	vld [tilespmem:s16+$0xFFFFFE80];
	[tilespmem:s14+$0xFFFFFFF0] =	vst v8;
	vm1 =	vge.f32 v3, $0.0e+00;
	v8 =	vmul.f32 $3.000000120e-01, v3;
	v6 =	vadd.f32 v9, v6  }
0x495: {  	v2 =	vsel vm0, v2, v4;
	v9 =	vld [tilespmem:s28+$0xFFFFFF00]  }
0x496: {  	v4 =	vld [tilespmem:s16+$0xFFFFFF00];
	v5 =	vadd.f32 v5, v12;
	[tilespmem:s14+$0x70] =	vst v2;
	vm0 =	vge.f32 v6, $0.0e+00;
	v2 =	vmul.f32 $3.000000120e-01, v6  }
0x497: {  	v3 =	vsel vm1, v3, v8;
	v12 =	vld [tilespmem:s28+$0xFFFFFF80]  }
0x498: {  	s19 =	sadd.s32 $0x8, s19;
	v8 =	vld [tilespmem:s16+$0xFFFFFF80];
	v13 =	vmul.f32 $3.000000120e-01, v5;
	[tilespmem:s14+$0xF0] =	vst v3;
	v2 =	vsel vm0, v6, v2  }
0x499: {  	p0 =	slt.u32 s19, $0x20;
	vm0 =	vge.f32 v5, $0.0e+00;
	v3 =	vadd.f32 v11, v7;
	v6 =	vld [tilespmem:s28+$0x0];
	[tilespmem:s14+$0x170] =	vst v2  }
0x49a: {  	s14 =	sadd.s32 $0x400, s14;
	v2 =	vld [tilespmem:s16+$0x0];
	v5 =	vsel vm0, v5, v13  }
0x49b: {  	vm0 =	vge.f32 v3, $0.0e+00;
	v7 =	vmul.f32 $3.000000120e-01, v3;
	v4 =	vadd.f32 v4, v9;
	v9 =	vld [tilespmem:s28+$0x80];
	[tilespmem:s14+$0x180] =	vst v5  }
0x49c: {  	v5 =	vld [tilespmem:s28+$0x190]  }
0x49d: {  	vm1 =	vge.f32 v4, $0.0e+00;
	v11 =	vmul.f32 $3.000000120e-01, v4;
	v8 =	vadd.f32 v8, v12;
	v12 =	vld [tilespmem:s16+$0x190]  }
0x49e: {  	v3 =	vsel vm0, v3, v7;
	v7 =	vld [tilespmem:s16+$0x80]  }
0x49f: {  	[tilespmem:s14+$0xFFFFFE80] =	vst v3;
	vm0 =	vge.f32 v8, $0.0e+00;
	v3 =	vmul.f32 $3.000000120e-01, v8;
	v2 =	vadd.f32 v2, v6;
	v6 =	vld [tilespmem:s28+$0x100]  }
0x4a0: {  	v4 =	vsel vm1, v4, v11;
	v11 =	vld [tilespmem:s16+$0x100]  }
0x4a1: {  	v13 =	vld [tilespmem:s28+$0xFFFFFE00];
	[tilespmem:s14+$0xFFFFFF00] =	vst v4;
	v3 =	vsel vm0, v8, v3;
	vm0 =	vge.f32 v2, $0.0e+00;
	v4 =	vmul.f32 $3.000000120e-01, v2  }
0x4a2: {  	v8 =	vld [tilespmem:s28+$0xFFFFFE90];
	[tilespmem:s14+$0xFFFFFF80] =	vst v3;
	v3 =	vadd.f32 v12, v5  }
0x4a3: {  	v5 =	vld [tilespmem:s16+$0xFFFFFE90];
	v2 =	vsel vm0, v2, v4;
	v4 =	vadd.f32 v7, v9  }
0x4a4: {  	v7 =	vld [tilespmem:s28+$0xFFFFFF10];
	[tilespmem:s14+$0x0] =	vst v2;
	v2 =	vmul.f32 $3.000000120e-01, v3  }
0x4a5: {  	vm0 =	vge.f32 v3, $0.0e+00;
	v9 =	vld [tilespmem:s16+$0xFFFFFF10];
	v12 =	vmul.f32 $3.000000120e-01, v4;
	v6 =	vadd.f32 v11, v6  }
0x4a6: {  	vm1 =	vge.f32 v4, $0.0e+00;
	v10 =	vadd.f32 v10, v13;
	v11 =	vld [tilespmem:s28+$0xFFFFFF90];
	v2 =	vsel vm0, v3, v2  }
0x4a7: {  	v3 =	vld [tilespmem:s16+$0xFFFFFF90];
	v4 =	vsel vm1, v4, v12;
	vm0 =	vge.f32 v6, $0.0e+00;
	v12 =	vmul.f32 $3.000000120e-01, v6;
	[tilespmem:s14+$0x190] =	vst v2  }
0x4a8: {  	vm1 =	vge.f32 v10, $0.0e+00;
	v2 =	vmul.f32 $3.000000120e-01, v10;
	v5 =	vadd.f32 v5, v8;
	[tilespmem:s14+$0x80] =	vst v4;
	v4 =	vld [tilespmem:s28+$0x1A0]  }
0x4a9: {  	v6 =	vsel vm0, v6, v12;
	v8 =	vld [tilespmem:s16+$0x1A0]  }
0x4aa: {  	v2 =	vsel vm1, v10, v2;
	v10 =	vmul.f32 $3.000000120e-01, v5;
	v7 =	vadd.f32 v9, v7;
	v9 =	vld [tilespmem:s28+$0x10];
	[tilespmem:s14+$0x100] =	vst v6  }
0x4ab: {  	vm0 =	vge.f32 v5, $0.0e+00;
	[tilespmem:s14+$0xFFFFFE00] =	vst v2;
	v2 =	vld [tilespmem:s16+$0x10]  }
0x4ac: {  	v6 =	vld [tilespmem:s28+$0xFFFFFE10];
	vm1 =	vge.f32 v7, $0.0e+00;
	v12 =	vmul.f32 $3.000000120e-01, v7;
	v3 =	vadd.f32 v3, v11  }
0x4ad: {  	v5 =	vsel vm0, v5, v10;
	v11 =	vld [tilespmem:s16+$0xFFFFFE10]  }
0x4ae: {  	[tilespmem:s14+$0xFFFFFE90] =	vst v5;
	vm0 =	vge.f32 v3, $0.0e+00;
	v5 =	vmul.f32 $3.000000120e-01, v3;
	v10 =	vld [tilespmem:s28+$0x90];
	v4 =	vadd.f32 v8, v4  }
0x4af: {  	v7 =	vsel vm1, v7, v12;
	v8 =	vld [tilespmem:s16+$0x90]  }
0x4b0: {  	[tilespmem:s14+$0xFFFFFF10] =	vst v7;
	v3 =	vsel vm0, v3, v5;
	v2 =	vadd.f32 v2, v9;
	v5 =	vld [tilespmem:s28+$0x110];
	v7 =	vmul.f32 $3.000000120e-01, v4  }
0x4b1: {  	vm0 =	vge.f32 v4, $0.0e+00;
	[tilespmem:s14+$0xFFFFFF90] =	vst v3;
	v3 =	vld [tilespmem:s16+$0x110]  }
0x4b2: {  	v6 =	vadd.f32 v11, v6;
	v9 =	vld [tilespmem:s28+$0xFFFFFEA0];
	v11 =	vmul.f32 $3.000000120e-01, v2;
	v4 =	vsel vm0, v4, v7  }
0x4b3: {  	vm0 =	vge.f32 v2, $0.0e+00;
	v7 =	vld [tilespmem:s16+$0xFFFFFEA0];
	[tilespmem:s14+$0x1A0] =	vst v4  }
0x4b4: {  	vm1 =	vge.f32 v6, $0.0e+00;
	v4 =	vmul.f32 $3.000000120e-01, v6;
	v8 =	vadd.f32 v8, v10;
	v10 =	vld [tilespmem:s28+$0x1B0]  }
0x4b5: {  	v2 =	vsel vm0, v2, v11;
	v11 =	vld [tilespmem:s16+$0x1B0]  }
0x4b6: {  	v12 =	vld [tilespmem:s28+$0xFFFFFF20];
	[tilespmem:s14+$0x10] =	vst v2;
	vm0 =	vge.f32 v8, $0.0e+00;
	v2 =	vmul.f32 $3.000000120e-01, v8;
	v3 =	vadd.f32 v3, v5  }
0x4b7: {  	v4 =	vsel vm1, v6, v4;
	v5 =	vld [tilespmem:s16+$0xFFFFFF20]  }
0x4b8: {  	[tilespmem:s14+$0xFFFFFE10] =	vst v4;
	v4 =	vld [tilespmem:s28+$0xFFFFFFA0];
	v2 =	vsel vm0, v8, v2;
	vm0 =	vge.f32 v3, $0.0e+00;
	v6 =	vmul.f32 $3.000000120e-01, v3  }
0x4b9: {  	v7 =	vadd.f32 v7, v9;
	v8 =	vld [tilespmem:s28+$0xFFFFFE20];
	[tilespmem:s14+$0x90] =	vst v2  }
0x4ba: {  	v2 =	vld [tilespmem:s16+$0xFFFFFE20];
	v3 =	vsel vm0, v3, v6;
	v6 =	vadd.f32 v11, v10  }
0x4bb: {  	vm0 =	vge.f32 v7, $0.0e+00;
	v9 =	vmul.f32 $3.000000120e-01, v7;
	v10 =	vld [tilespmem:s16+$0xFFFFFFA0];
	[tilespmem:s14+$0x110] =	vst v3  }
0x4bc: {  	v3 =	vadd.f32 v5, v12;
	v5 =	vld [tilespmem:s28+$0x20];
	v11 =	vmul.f32 $3.000000120e-01, v6  }
0x4bd: {  	v7 =	vsel vm0, v7, v9;
	vm0 =	vge.f32 v6, $0.0e+00;
	v9 =	vld [tilespmem:s16+$0x20]  }
0x4be: {  	[tilespmem:s14+$0xFFFFFEA0] =	vst v7;
	vm1 =	vge.f32 v3, $0.0e+00;
	v7 =	vmul.f32 $3.000000120e-01, v3;
	v12 =	vld [tilespmem:s28+$0xA0];
	v6 =	vsel vm0, v6, v11  }
0x4bf: {  	v2 =	vadd.f32 v2, v8;
	v8 =	vld [tilespmem:s16+$0xA0];
	[tilespmem:s14+$0x1B0] =	vst v6  }
0x4c0: {  	v3 =	vsel vm1, v3, v7;
	v4 =	vadd.f32 v10, v4;
	v6 =	vld [tilespmem:s28+$0x1C0]  }
0x4c1: {  	vm0 =	vge.f32 v2, $0.0e+00;
	v7 =	vmul.f32 $3.000000120e-01, v2;
	[tilespmem:s14+$0xFFFFFF20] =	vst v3;
	v3 =	vld [tilespmem:s16+$0x1C0]  }
0x4c2: {  	vm1 =	vge.f32 v4, $0.0e+00;
	v10 =	vmul.f32 $3.000000120e-01, v4;
	v5 =	vadd.f32 v9, v5;
	v9 =	vld [tilespmem:s28+$0x120]  }
0x4c3: {  	v2 =	vsel vm0, v2, v7;
	v7 =	vld [tilespmem:s16+$0x120]  }
0x4c4: {  	[tilespmem:s14+$0xFFFFFE20] =	vst v2;
	v2 =	vld [tilespmem:s28+$0xFFFFFEB0];
	vm0 =	vge.f32 v5, $0.0e+00;
	v11 =	vmul.f32 $3.000000120e-01, v5;
	v8 =	vadd.f32 v8, v12  }
0x4c5: {  	v4 =	vsel vm1, v4, v10;
	v12 =	vld [tilespmem:s28+$0xFFFFFE30]  }
0x4c6: {  	v10 =	vld [tilespmem:s16+$0xFFFFFE30];
	[tilespmem:s14+$0xFFFFFFA0] =	vst v4;
	vm1 =	vge.f32 v8, $0.0e+00;
	v4 =	vmul.f32 $3.000000120e-01, v8;
	v3 =	vadd.f32 v3, v6  }
0x4c7: {  	v5 =	vsel vm0, v5, v11;
	v6 =	vld [tilespmem:s16+$0xFFFFFEB0]  }
0x4c8: {  	v11 =	vld [tilespmem:s28+$0xFFFFFF30];
	[tilespmem:s14+$0x20] =	vst v5;
	v4 =	vsel vm1, v8, v4;
	v5 =	vadd.f32 v7, v9;
	v7 =	vmul.f32 $3.000000120e-01, v3  }
0x4c9: {  	vm0 =	vge.f32 v3, $0.0e+00;
	v8 =	vld [tilespmem:s16+$0xFFFFFF30];
	[tilespmem:s14+$0xA0] =	vst v4  }
0x4ca: {  	v4 =	vld [tilespmem:s28+$0xFFFFFFB0];
	vm1 =	vge.f32 v5, $0.0e+00;
	v9 =	vmul.f32 $3.000000120e-01, v5;
	v3 =	vsel vm0, v3, v7  }
0x4cb: {  	v7 =	vadd.f32 v10, v12;
	v10 =	vld [tilespmem:s16+$0xFFFFFFB0];
	[tilespmem:s14+$0x1C0] =	vst v3  }
0x4cc: {  	v2 =	vadd.f32 v6, v2;
	v3 =	vsel vm1, v5, v9;
	v5 =	vld [tilespmem:s28+$0x1D0]  }
0x4cd: {  	vm0 =	vge.f32 v7, $0.0e+00;
	v6 =	vmul.f32 $3.000000120e-01, v7;
	[tilespmem:s14+$0x120] =	vst v3;
	v3 =	vld [tilespmem:s16+$0x1D0]  }
0x4ce: {  	vm1 =	vge.f32 v2, $0.0e+00;
	v9 =	vmul.f32 $3.000000120e-01, v2;
	v8 =	vadd.f32 v8, v11;
	v11 =	vld [tilespmem:s28+$0x30]  }
0x4cf: {  	v6 =	vsel vm0, v7, v6;
	v7 =	vld [tilespmem:s16+$0x30]  }
0x4d0: {  	[tilespmem:s14+$0xFFFFFE30] =	vst v6;
	vm0 =	vge.f32 v8, $0.0e+00;
	v6 =	vmul.f32 $3.000000120e-01, v8;
	v4 =	vadd.f32 v10, v4;
	v10 =	vld [tilespmem:s28+$0xB0]  }
0x4d1: {  	v2 =	vsel vm1, v2, v9;
	v9 =	vld [tilespmem:s16+$0xB0]  }
0x4d2: {  	[tilespmem:s14+$0xFFFFFEB0] =	vst v2;
	vm1 =	vge.f32 v4, $0.0e+00;
	v2 =	vmul.f32 $3.000000120e-01, v4;
	v12 =	vld [tilespmem:s28+$0x130];
	v3 =	vadd.f32 v3, v5  }
0x4d3: {  	v5 =	vsel vm0, v8, v6;
	v6 =	vld [tilespmem:s16+$0x130]  }
0x4d4: {  	v8 =	vld [tilespmem:s28+$0xFFFFFE40];
	[tilespmem:s14+$0xFFFFFF30] =	vst v5;
	v2 =	vsel vm1, v4, v2;
	v4 =	vadd.f32 v7, v11;
	v5 =	vmul.f32 $3.000000120e-01, v3  }
0x4d5: {  	vm0 =	vge.f32 v3, $0.0e+00;
	v7 =	vld [tilespmem:s16+$0xFFFFFE40];
	[tilespmem:s14+$0xFFFFFFB0] =	vst v2  }
0x4d6: {  	v2 =	vld [tilespmem:s28+$0xFFFFFEC0];
	v11 =	vmul.f32 $3.000000120e-01, v4;
	v9 =	vadd.f32 v9, v10;
	v3 =	vsel vm0, v3, v5  }
0x4d7: {  	vm0 =	vge.f32 v4, $0.0e+00;
	v5 =	vld [tilespmem:s16+$0xFFFFFEC0];
	[tilespmem:s14+$0x1D0] =	vst v3  }
0x4d8: {  	vm1 =	vge.f32 v9, $0.0e+00;
	v3 =	vmul.f32 $3.000000120e-01, v9;
	v6 =	vadd.f32 v6, v12;
	v10 =	vld [tilespmem:s28+$0x1E0]  }
0x4d9: {  	v4 =	vsel vm0, v4, v11;
	v11 =	vld [tilespmem:s16+$0x1E0]  }
0x4da: {  	v12 =	vld [tilespmem:s28+$0xFFFFFF40];
	[tilespmem:s14+$0x30] =	vst v4;
	v3 =	vsel vm1, v9, v3;
	vm0 =	vge.f32 v6, $0.0e+00;
	v4 =	vmul.f32 $3.000000120e-01, v6  }
0x4db: {  	v7 =	vadd.f32 v7, v8;
	v8 =	vld [tilespmem:s16+$0xFFFFFF40];
	[tilespmem:s14+$0xB0] =	vst v3  }
0x4dc: {  	v2 =	vadd.f32 v5, v2;
	v3 =	vld [tilespmem:s28+$0xFFFFFFC0];
	v4 =	vsel vm0, v6, v4  }
0x4dd: {  	vm0 =	vge.f32 v7, $0.0e+00;
	v5 =	vmul.f32 $3.000000120e-01, v7;
	v6 =	vld [tilespmem:s16+$0xFFFFFFC0];
	[tilespmem:s14+$0x130] =	vst v4  }
0x4de: {  	vm1 =	vge.f32 v2, $0.0e+00;
	v4 =	vmul.f32 $3.000000120e-01, v2;
	v9 =	vld [tilespmem:s28+$0x40];
	v10 =	vadd.f32 v11, v10  }
0x4df: {  	v5 =	vsel vm0, v7, v5;
	v7 =	vld [tilespmem:s16+$0x40]  }
0x4e0: {  	[tilespmem:s14+$0xFFFFFE40] =	vst v5;
	v2 =	vsel vm1, v2, v4;
	v4 =	vadd.f32 v8, v12;
	v5 =	vld [tilespmem:s28+$0xC0];
	v8 =	vmul.f32 $3.000000120e-01, v10  }
0x4e1: {  	vm0 =	vge.f32 v10, $0.0e+00;
	[tilespmem:s14+$0xFFFFFEC0] =	vst v2;
	v2 =	vld [tilespmem:s16+$0xC0]  }
0x4e2: {  	v11 =	vmul.f32 $3.000000120e-01, v4;
	v3 =	vadd.f32 v6, v3;
	v6 =	vld [tilespmem:s28+$0x140];
	v8 =	vsel vm0, v10, v8  }
0x4e3: {  	vm0 =	vge.f32 v4, $0.0e+00;
	v10 =	vld [tilespmem:s16+$0x140];
	[tilespmem:s14+$0x1E0] =	vst v8  }
0x4e4: {  	vm1 =	vge.f32 v3, $0.0e+00;
	v8 =	vmul.f32 $3.000000120e-01, v3;
	v7 =	vadd.f32 v7, v9;
	v9 =	vld [tilespmem:s28+$0x1F0]  }
0x4e5: {  	v4 =	vsel vm0, v4, v11;
	v11 =	vld [tilespmem:s16+$0x1F0]  }
0x4e6: {  	v12 =	vld [tilespmem:s28+$0xFFFFFE50];
	[tilespmem:s14+$0xFFFFFF40] =	vst v4;
	vm0 =	vge.f32 v7, $0.0e+00;
	v4 =	vmul.f32 $3.000000120e-01, v7;
	v2 =	vadd.f32 v2, v5  }
0x4e7: {  	v3 =	vsel vm1, v3, v8;
	v5 =	vld [tilespmem:s16+$0xFFFFFE50]  }
0x4e8: {  	v8 =	vld [tilespmem:s28+$0xFFFFFED0];
	[tilespmem:s14+$0xFFFFFFC0] =	vst v3;
	vm1 =	vge.f32 v2, $0.0e+00;
	v3 =	vmul.f32 $3.000000120e-01, v2;
	v6 =	vadd.f32 v10, v6  }
0x4e9: {  	v4 =	vsel vm0, v7, v4;
	v10 =	vld [tilespmem:s16+$0xFFFFFED0]  }
0x4ea: {  	v7 =	vld [tilespmem:s28+$0xFFFFFF50];
	[tilespmem:s14+$0x40] =	vst v4;
	vm0 =	vge.f32 v6, $0.0e+00;
	v4 =	vmul.f32 $3.000000120e-01, v6;
	v9 =	vadd.f32 v11, v9  }
0x4eb: {  	v2 =	vsel vm1, v2, v3;
	v11 =	vld [tilespmem:s16+$0xFFFFFF50]  }
0x4ec: {  	v3 =	vadd.f32 v5, v12;
	v5 =	vld [tilespmem:s28+$0xFFFFFFD0];
	[tilespmem:s14+$0xC0] =	vst v2;
	v2 =	vsel vm0, v6, v4;
	v4 =	vmul.f32 $3.000000120e-01, v9  }
0x4ed: {  	vm0 =	vge.f32 v9, $0.0e+00;
	v6 =	vld [tilespmem:s16+$0xFFFFFFD0];
	[tilespmem:s14+$0x140] =	vst v2  }
0x4ee: {  	v2 =	vmul.f32 $3.000000120e-01, v3;
	v8 =	vadd.f32 v10, v8;
	v10 =	vld [tilespmem:s28+$0x50];
	v4 =	vsel vm0, v9, v4  }
0x4ef: {  	vm0 =	vge.f32 v3, $0.0e+00;
	v9 =	vld [tilespmem:s16+$0x50];
	[tilespmem:s14+$0x1F0] =	vst v4  }
0x4f0: {  	vm1 =	vge.f32 v8, $0.0e+00;
	v4 =	vmul.f32 $3.000000120e-01, v8;
	v7 =	vadd.f32 v11, v7;
	v11 =	vld [tilespmem:s28+$0xD0]  }
0x4f1: {  	v2 =	vsel vm0, v3, v2;
	v3 =	vld [tilespmem:s16+$0xD0]  }
0x4f2: {  	[tilespmem:s14+$0xFFFFFE50] =	vst v2;
	vm0 =	vge.f32 v7, $0.0e+00;
	v2 =	vmul.f32 $3.000000120e-01, v7;
	v5 =	vadd.f32 v6, v5;
	v6 =	vld [tilespmem:s28+$0x150]  }
0x4f3: {  	v4 =	vsel vm1, v8, v4;
	v8 =	vld [tilespmem:s16+$0x150]  }
0x4f4: {  	v12 =	vld [tilespmem:s28+$0xFFFFFE60];
	[tilespmem:s14+$0xFFFFFED0] =	vst v4;
	vm1 =	vge.f32 v5, $0.0e+00;
	v4 =	vmul.f32 $3.000000120e-01, v5;
	v9 =	vadd.f32 v9, v10  }
0x4f5: {  	v2 =	vsel vm0, v7, v2;
	v10 =	vld [tilespmem:s16+$0xFFFFFE60]  }
0x4f6: {  	v7 =	vld [tilespmem:s28+$0xFFFFFEE0];
	[tilespmem:s14+$0xFFFFFF50] =	vst v2;
	vm0 =	vge.f32 v9, $0.0e+00;
	v2 =	vmul.f32 $3.000000120e-01, v9;
	v3 =	vadd.f32 v3, v11  }
0x4f7: {  	v4 =	vsel vm1, v5, v4;
	v11 =	vld [tilespmem:s16+$0xFFFFFEE0]  }
0x4f8: {  	v5 =	vld [tilespmem:s28+$0xFFFFFF60];
	[tilespmem:s14+$0xFFFFFFD0] =	vst v4;
	vm1 =	vge.f32 v3, $0.0e+00;
	v4 =	vmul.f32 $3.000000120e-01, v3;
	v6 =	vadd.f32 v8, v6  }
0x4f9: {  	v2 =	vsel vm0, v9, v2;
	v8 =	vld [tilespmem:s16+$0xFFFFFF60]  }
0x4fa: {  	v9 =	vld [tilespmem:s28+$0xFFFFFFE0];
	[tilespmem:s14+$0x50] =	vst v2;
	v2 =	vsel vm1, v3, v4;
	vm0 =	vge.f32 v6, $0.0e+00;
	v3 =	vmul.f32 $3.000000120e-01, v6  }
0x4fb: {  	v4 =	vadd.f32 v10, v12;
	v10 =	vld [tilespmem:s16+$0xFFFFFFE0];
	[tilespmem:s14+$0xD0] =	vst v2  }
0x4fc: {  	v2 =	vadd.f32 v11, v7;
	v7 =	vld [tilespmem:s28+$0x60];
	v3 =	vsel vm0, v6, v3  }
0x4fd: {  	vm0 =	vge.f32 v4, $0.0e+00;
	v6 =	vmul.f32 $3.000000120e-01, v4;
	v11 =	vld [tilespmem:s16+$0x60];
	[tilespmem:s14+$0x150] =	vst v3  }
0x4fe: {  	vm1 =	vge.f32 v2, $0.0e+00;
	v3 =	vmul.f32 $3.000000120e-01, v2;
	v5 =	vadd.f32 v8, v5;
	v8 =	vld [tilespmem:s28+$0xE0]  }
0x4ff: {  	v4 =	vsel vm0, v4, v6;
	v6 =	vld [tilespmem:s16+$0xE0]  }
0x500: {  	[tilespmem:s14+$0xFFFFFE60] =	vst v4;
	vm0 =	vge.f32 v5, $0.0e+00;
	v4 =	vmul.f32 $3.000000120e-01, v5;
	v9 =	vadd.f32 v10, v9;
	v10 =	vld [tilespmem:s28+$0x160]  }
0x501: {  	v2 =	vsel vm1, v2, v3;
	v3 =	vld [tilespmem:s16+$0x160]  }
0x502: {  	v12 =	vld [tilespmem:s28+$0xFFFFFE70];
	[tilespmem:s14+$0xFFFFFEE0] =	vst v2;
	vm1 =	vge.f32 v9, $0.0e+00;
	v2 =	vmul.f32 $3.000000120e-01, v9;
	v7 =	vadd.f32 v11, v7  }
0x503: {  	v4 =	vsel vm0, v5, v4;
	v11 =	vld [tilespmem:s16+$0xFFFFFE70]  }
0x504: {  	v5 =	vld [tilespmem:s28+$0xFFFFFEF0];
	[tilespmem:s14+$0xFFFFFF60] =	vst v4;
	vm0 =	vge.f32 v7, $0.0e+00;
	v4 =	vmul.f32 $3.000000120e-01, v7;
	v6 =	vadd.f32 v6, v8  }
0x505: {  	v2 =	vsel vm1, v9, v2;
	v8 =	vld [tilespmem:s16+$0xFFFFFEF0]  }
0x506: {  	v9 =	vld [tilespmem:s28+$0xFFFFFF70];
	[tilespmem:s14+$0xFFFFFFE0] =	vst v2;
	vm1 =	vge.f32 v6, $0.0e+00;
	v2 =	vmul.f32 $3.000000120e-01, v6;
	v3 =	vadd.f32 v3, v10  }
0x507: {  	v4 =	vsel vm0, v7, v4;
	v10 =	vld [tilespmem:s16+$0xFFFFFF70]  }
0x508: {  	v13 =	vld [tilespmem:s28+$0xFFFFFFF0];
	[tilespmem:s14+$0x60] =	vst v4;
	v2 =	vsel vm1, v6, v2;
	vm0 =	vge.f32 v3, $0.0e+00;
	v4 =	vmul.f32 $3.000000120e-01, v3  }
0x509: {  	v6 =	vadd.f32 v11, v12;
	v11 =	vld [tilespmem:s16+$0xFFFFFFF0];
	[tilespmem:s14+$0xE0] =	vst v2  }
0x50a: {  	v12 =	vadd.f32 v8, v5;
	v2 =	vld [tilespmem:s28+$0x70];
	v3 =	vsel vm0, v3, v4  }
.Ltmp10:
0x50b: {  	vm0 =	vge.f32 v6, $0.0e+00;
	v7 =	vmul.f32 $3.000000120e-01, v6;
	v5 =	vld [tilespmem:s16+$0x70];
	[tilespmem:s14+$0x160] =	vst v3;
	(pc) =	sbr.rel @p0 .LBB2_14-.Ltmp10, $4  }
0x50c: {  	vm1 =	vge.f32 v12, $0.0e+00;
	v14 =	vmul.f32 $3.000000120e-01, v12;
	v4 =	vadd.f32 v10, v9;
	v3 =	vld [tilespmem:s28+$0xF0]  }
0x50d: {  	v6 =	vsel vm0, v6, v7;
	v7 =	vld [tilespmem:s16+$0xF0]  }
0x50e: {  	[tilespmem:s14+$0xFFFFFE70] =	vst v6;
	vm0 =	vge.f32 v4, $0.0e+00;
	v10 =	vmul.f32 $3.000000120e-01, v4;
	v8 =	vadd.f32 v11, v13;
	v6 =	vld [tilespmem:s28+$0x170]  }
0x50f: {  	v11 =	vsel vm1, v12, v14;
	s28 =	sadd.s32 $0x400, s28;
	v9 =	vld [tilespmem:s16+$0x170]  }
0x510: {  	_ =	sdelay $0x1  }
0x511: {  	v2 =	vadd.f32 v5, v2  }
0x512: {  	vm1 =	vge.f32 v8, $0.0e+00;
	v59 =	vmul.f32 $3.000000120e-01, v8;
	v3 =	vadd.f32 v7, v3  }
0x513: {  	[tilespmem:s14+$0xFFFFFEF0] =	vst v11;
	v4 =	vsel vm0, v4, v10;
	v60 =	vmul.f32 $3.000000120e-01, v2;
	v6 =	vadd.f32 v9, v6  }
0x514: {  	[tilespmem:s14+$0xFFFFFF70] =	vst v4;
	vm13 =	vge.f32 v2, $0.0e+00;
	v61 =	vsel vm1, v8, v59;
	v62 =	vmul.f32 $3.000000120e-01, v3  }
0x515: {  	[tilespmem:s14+$0xFFFFFFF0] =	vst v61;
	vm14 =	vge.f32 v3, $0.0e+00;
	v2 =	vsel vm13, v2, v60;
	v63 =	vmul.f32 $3.000000120e-01, v6  }
0x516: {  	[tilespmem:s14+$0x70] =	vst v2;
	vm15 =	vge.f32 v6, $0.0e+00;
	v2 =	vsel vm14, v3, v62  }
0x517: {  	[tilespmem:s14+$0xF0] =	vst v2;
	v2 =	vsel vm15, v6, v63  }
0x518: {  	s11 =	simm.s32 $0x6800;
	s16 =	simm.s32 $0x380;
	[tilespmem:s14+$0x170] =	vst v2  }
0x519: {  	[spmem:s3] =	stream.indirect.scatter.add.f32 [tilespmem:s11], [sflag:$0xA], $0x80, s16, s31, $0xb8;
	[tilespmem:$0x1FF78] =	vst v63  }
0x51a: {  	_ = 	snop  }
0x51b: {  	[spmem:s4] =	stream.indirect.scatter.add.f32 [tilespmem:s22], [sflag:$0xC], $0x1, s16, s31, $0xb8;
	[tilespmem:$0x1FF78] =	vst v63  }
0x51c: {  	s16 =	rddreg [dreg:$0x10]  }
0x51d: {  	s1 =	sadd.s32 s1, s16  }
.Ltmp11:
0x51e: {  	s1 =	sshrl.u32 s1, $0x3;
	(pc) =	sbr.rel .LBB2_16-.Ltmp11, $4  }
0x51f: {  	s28 =	simm.s32 $0x100;
	s19 =	sadd.s32 s7, s1  }
0x520: {  	[tilespmem:s28], [sflag:$0x6] =	stream.linear.gather [hbm4b:s19+s5], $0x28, $0x38;
	[tilespmem:$0x1FF78] =	vst v63  }
0x521: {  	s11 =	simm.s32 $0x380;
	s1 =	sadd.s32 s8, s1  }
0x522: {  	[tilespmem:s12], [sflag:$0x6] =	stream.linear.gather [hbm4b:s1+s5], $0x28, $0x38;
	[tilespmem:$0x1FF78] =	vst v63  }
.LBB2_18:
0x523: {  	_ =	sfence.sel $0x180000  }
0x524: {  	[bflag:$0x0] =	sbarrier.arrive $0xFFFF  }
0x525: {  	_ =	strace $0x90000047  }
0x526: {  	s0 =	stileid.u32;
	[bflag:$0x2] =	sbarrier.arrive $0xFFFF  }
0x527: {  	p0 =	sne.s32 s0, $0x0;
	s0 =	rddreg [dreg:$0x4]  }
0x528: {  	s0 =	sadd.s32 @!p0 $0x100000, s0  }
0x529: {  	[sflag:s0] =	ssyncadd.tile.s32 @!p0 $0x1;
	_ =	shalt  }
.Lfunc_end2:
_tile_overlayer_lowered:
.L_overlay_start_2:
0x52a: {  	(tag) =	ssettag $0x2  }
0x52b: {  	s0 =	rddreg [dreg:$0x0];
	s2 =	stileid.u32  }
0x52c: {  	s1 =	rddreg [dreg:$0x1];
	p0 =	sne.s32 s2, $0x0  }
0x52d: {  	s3 =	rddreg [dreg:$0x2];
	[bflag:$0x3] =	sbarrier.arrive $0xFFFF;
	s2 =	simm.s32 @!p0 $0x1C0D  }
0x52e: {  	[timem:s3], [sflag:s2] =	dma.local @!p0 [hbm:s0], s1  }
0x52f: {  	s0 =	simm.s32 @!p0 $0xD  }
0x530: {  	_ =	swait.ge @!p0 [sflag:s0], s1  }
0x531: {  	s1 =	ssub.s32 @!p0 $0x0, s1;
	[sflag:s0] =	ssyncset.done @!p0 $0x0  }
0x532: {  	[sflag:s0] =	ssyncadd.s32 @!p0 s1  }
0x533: {  	[bflag:$0x3] =	sbarrier.arrive $0xFFFF  }
0x534: {  	_ =	shalt  }

</sc_bundles>
